<compile_context>
chip_gen: v7x
topology: tpu7x:2x2x1
jax: 0.10.2.dev20260603
libtpu: 0.0.44.dev20260713+nightly
codegen_flags: <defaults>
</compile_context>

<pallas_src>
import functools

import jax
import jax.numpy as jnp
from jax import lax
from jax.experimental import pallas as pl
from jax.experimental.pallas import tpu as pltpu
from jax.experimental.pallas import tpu_sc as plsc

_B = 64
_A = 900
_T = 600
_N = 300
_E = 256
_AD = 11
_C = 10
_K = 304
_GW = 100
_CW = 120


_G = 8


def _topk_body(conf_ref, idx_ref):
    g = pl.program_id(0)
    ii = lax.broadcasted_iota(jnp.int32, (_A, _A), 0)
    jj = lax.broadcasted_iota(jnp.int32, (_A, _A), 1)
    lt = jj < ii
    want = lax.broadcasted_iota(jnp.int32, (_K, _A), 0)
    iota_c = lax.broadcasted_iota(jnp.int32, (_A, 2), 0)
    shift = jnp.concatenate([jnp.full((_A, 1), 7, jnp.int32),
                             jnp.zeros((_A, 1), jnp.int32)], axis=1)
    hilo = ((iota_c >> shift) & 127).astype(jnp.bfloat16)
    for j in range(_G):
        b = g * _G + j
        conf_j = conf_ref[:, j, :]
        cm_row = jnp.max(conf_j, axis=0, keepdims=True)
        cm_col = cm_row.reshape(_A, 1)
        ci = jnp.broadcast_to(cm_col, (_A, _A))
        cj = jnp.broadcast_to(cm_row, (_A, _A))
        beats = (cj > ci) | ((cj == ci) & lt)
        rank_row = (_A - 1) - jnp.sum(beats.astype(jnp.float32), axis=0,
                                      keepdims=True).astype(jnp.int32)
        onehot = (jnp.broadcast_to(rank_row, (_K, _A)) == want)
        onehot = onehot.astype(jnp.bfloat16)
        sel = jnp.dot(onehot, hilo,
                      preferred_element_type=jnp.float32)
        top = sel[:_N, :1] * 128 + sel[:_N, 1:]
        idx_ref[0, :, j:j + 1] = top.astype(jnp.int32) * _B + b


def _topk_call(confidence_t):
    return pl.pallas_call(
        _topk_body,
        grid=(_B // _G,),
        in_specs=[
            pl.BlockSpec((_C, _G, _A), lambda g: (0, g, 0)),
        ],
        out_specs=pl.BlockSpec((1, _N, _G), lambda g: (g, 0, 0)),
        out_shape=jax.ShapeDtypeStruct((_B // _G, _N, _G), jnp.int32),
        compiler_params=pltpu.CompilerParams(
            dimension_semantics=("arbitrary",),
        ),
    )(confidence_t)


def _anchor_body(idx_ref, anchor_ref, cached_anchor_ref, oa_ref):
    iota_col = lax.broadcasted_iota(jnp.int32, (_A, _N), 0)
    for j in range(_G):
        a_row = (idx_ref[j:j + 1, :] >> 6)
        onehot = (iota_col == jnp.broadcast_to(a_row, (_A, _N)))
        onehot = onehot.astype(jnp.float32).astype(jnp.bfloat16)
        sel = jnp.dot(anchor_ref[:, j, :].astype(jnp.bfloat16), onehot,
                      preferred_element_type=jnp.float32)
        oa_ref[:, j, :] = jnp.concatenate(
            [cached_anchor_ref[:, j, :], sel], axis=1)


def _anchor_call(idx, anchor_t, cached_anchor_t):
    return pl.pallas_call(
        _anchor_body,
        grid=(_B // _G,),
        in_specs=[
            pl.BlockSpec((_G, _N), lambda g: (g, 0)),
            pl.BlockSpec((_AD, _G, _A), lambda g: (0, g, 0)),
            pl.BlockSpec((_AD, _G, _T), lambda g: (0, g, 0)),
        ],
        out_specs=pl.BlockSpec((_AD, _G, _A), lambda g: (0, g, 0)),
        out_shape=jax.ShapeDtypeStruct((_AD, _B, _A), jnp.float32),
        compiler_params=pltpu.CompilerParams(
            dimension_semantics=("arbitrary",),
        ),
    )(idx, anchor_t, cached_anchor_t)


_BPW = _B // 32


def _gather_body(table, gs_hbm, ct_hbm, cached_hbm, out_hbm,
                 gs_v, ct_v, rows_v, cbuf, sem_g, sem_s, sem_c, sem_cs):
    nc = 2
    wid = lax.axis_index("s") * nc + lax.axis_index("c")
    nch = _T // _CW
    for t in range(_BPW):
        b = wid * _BPW + t
        pltpu.sync_copy(gs_hbm.at[b], gs_v)
        pltpu.sync_copy(ct_hbm.at[b], ct_v)
        g = [pltpu.async_copy(table.at[gs_v.at[k]], rows_v.at[k], sem_g)
             for k in range(2)]
        st_next = pltpu.async_copy(cached_hbm.at[b].at[pl.ds(0, _CW)],
                                   cbuf.at[0], sem_c)
        sc = [None] * nch
        for c in range(nch):
            st_next.wait()
            if c + 1 < nch:
                if c >= 1:
                    sc[c - 1].wait()
                st_next = pltpu.async_copy(
                    cached_hbm.at[b].at[pl.ds((c + 1) * _CW, _CW)],
                    cbuf.at[(c + 1) & 1], sem_c)
            sc[c] = pltpu.async_copy(cbuf.at[c & 1], out_hbm.at[ct_v.at[c]],
                                     sem_cs)
        g[0].wait()
        s0 = pltpu.async_copy(rows_v.at[0], out_hbm.at[gs_v.at[3]], sem_s)
        g[1].wait()
        s1 = pltpu.async_copy(rows_v.at[1], out_hbm.at[gs_v.at[4]], sem_s)
        s0.wait()
        pltpu.async_copy(table.at[gs_v.at[2]], rows_v.at[0], sem_g).wait()
        s2 = pltpu.async_copy(rows_v.at[0], out_hbm.at[gs_v.at[5]], sem_s)
        s1.wait()
        s2.wait()
        sc[nch - 2].wait()
        sc[nch - 1].wait()


def _gather_call(table, gs, ct, cached):
    mesh = plsc.VectorSubcoreMesh(core_axis_name="c", subcore_axis_name="s")
    f = functools.partial(
        pl.kernel,
        out_type=jax.ShapeDtypeStruct((_A * _B, _E), jnp.float32),
        mesh=mesh,
        scratch_types=[
            pltpu.VMEM((6, _GW), jnp.int32),
            pltpu.VMEM((_T // _CW, _CW), jnp.int32),
            pltpu.VMEM((2, _GW, _E), jnp.float32),
            pltpu.VMEM((2, _CW, _E), jnp.float32),
            pltpu.SemaphoreType.DMA,
            pltpu.SemaphoreType.DMA,
            pltpu.SemaphoreType.DMA,
            pltpu.SemaphoreType.DMA,
        ],
    )(_gather_body)
    return f(table, gs, ct, cached)


def kernel(instance_feature, anchor, confidence, cached_feature, cached_anchor, mask):
    idx3 = _topk_call(confidence.transpose(2, 0, 1))
    idx = idx3.transpose(0, 2, 1).reshape(_B, _N)
    oa_t = _anchor_call(idx, anchor.transpose(2, 0, 1),
                        cached_anchor.transpose(2, 0, 1))
    out_anchor = oa_t.transpose(1, 2, 0)
    table = instance_feature.transpose(1, 0, 2).reshape(_A * _B, _E)
    gidx = idx.reshape(_B, 3, _GW)
    tgt = (jnp.arange(_A, dtype=jnp.int32)[None, :] * _B
           + jnp.arange(_B, dtype=jnp.int32)[:, None])
    stgt = tgt[:, _T:].reshape(_B, 3, _GW)
    gs = jnp.concatenate([gidx, stgt], axis=1)
    ct = tgt[:, :_T].reshape(_B, _T // _CW, _CW)
    out_sm = _gather_call(table, gs, ct, cached_feature)
    out_feature = out_sm.reshape(_A, _B, _E).transpose(1, 0, 2)
    return (out_feature, out_anchor)

# --- scband reference (transcript-rebuilt; emitter-appended) ---
"""Pipeline reference for scband-instance-bank-335007449262 (READ-ONLY COPY).

The authoritative reference and input builder live on the scoring server;
editing this copy changes nothing except your own understanding.
"""

import jax, jax.numpy as jnp
import numpy as np

B = 64
NUM_ANCHOR = 900
NUM_TEMP = 600
EMBED_DIMS = 256
ANCHOR_DIM = 11
NUM_CLASSES = 10


def setup_inputs(seed: int = 0) -> dict:
    key = jax.random.key(seed)
    k1, k2, k3, k4, k5 = jax.random.split(key, 5)
    instance_feature = jax.random.normal(k1, (B, NUM_ANCHOR, EMBED_DIMS), dtype=jnp.float32)
    anchor = jax.random.normal(k2, (B, NUM_ANCHOR, ANCHOR_DIM), dtype=jnp.float32)
    confidence = jax.random.normal(k3, (B, NUM_ANCHOR, NUM_CLASSES), dtype=jnp.float32)
    cached_feature = jax.random.normal(k4, (B, NUM_TEMP, EMBED_DIMS), dtype=jnp.float32)
    cached_anchor = jax.random.normal(k5, (B, NUM_TEMP, ANCHOR_DIM), dtype=jnp.float32)
    mask = jnp.ones((B,), dtype=bool)
    return {
        "instance_feature": instance_feature,
        "anchor": anchor,
        "confidence": confidence,
        "cached_feature": cached_feature,
        "cached_anchor": cached_anchor,
        "mask": mask,
    }


def reference(instance_feature, anchor, confidence, cached_feature, cached_anchor, mask):
    # InstanceBank.update: confidence-driven topk selection of current-frame
    # instances, fused with cached temporal instances, masked per-sample.
    N = NUM_ANCHOR - NUM_TEMP  # number of fresh instances to keep
    conf = jnp.max(confidence, axis=-1)  # [B, NUM_ANCHOR]
    _, top_idx = jax.lax.top_k(conf, N)  # [B, N]
    # gather selected instances (equiv. to flatten + index_select in torch topk helper)
    selected_feature = jnp.take_along_axis(instance_feature, top_idx[:, :, None], axis=1)
    selected_anchor = jnp.take_along_axis(anchor, top_idx[:, :, None], axis=1)
    # prepend cached temporal instances
    selected_feature = jnp.concatenate([cached_feature, selected_feature], axis=1)
    selected_anchor = jnp.concatenate([cached_anchor, selected_anchor], axis=1)
    # per-sample temporal validity mask
    out_feature = jnp.where(mask[:, None, None], selected_feature, instance_feature)
    out_anchor = jnp.where(mask[:, None, None], selected_anchor, anchor)
    return (out_feature, out_anchor)

if __name__ == "__main__":
    import jax
    _d = setup_inputs()
    print(jax.jit(kernel)(*tuple(_d.values())))

</pallas_src>

<mosaic_0001>
#map = affine_map<(d0, d1) -> (0, 0)>
#map1 = affine_map<(d0, d1) -> (0, 0, 0)>
module attributes {stable_mosaic.version = 14 : i64} {
  func.func @_gather_body(%arg0: i32, %arg1: i32, %arg2: memref<57600x256xf32, #tpu.memory_space<hbm>>, %arg3: memref<64x6x100xi32, #tpu.memory_space<hbm>>, %arg4: memref<64x5x120xi32, #tpu.memory_space<hbm>>, %arg5: memref<64x600x256xf32, #tpu.memory_space<hbm>>, %arg6: memref<57600x256xf32, #tpu.memory_space<hbm>>, %arg7: memref<6x100xi32, #tpu.memory_space<vmem>>, %arg8: memref<5x120xi32, #tpu.memory_space<vmem>>, %arg9: memref<2x100x256xf32, #tpu.memory_space<vmem>>, %arg10: memref<2x120x256xf32, #tpu.memory_space<vmem>>, %arg11: memref<!tpu.dma_semaphore, #tpu.memory_space<semaphore_mem>>, %arg12: memref<!tpu.dma_semaphore, #tpu.memory_space<semaphore_mem>>, %arg13: memref<!tpu.dma_semaphore, #tpu.memory_space<semaphore_mem>>, %arg14: memref<!tpu.dma_semaphore, #tpu.memory_space<semaphore_mem>>) attributes {dimension_semantics = [#tpu.dimension_semantics<core_parallel>, #tpu.dimension_semantics<subcore_parallel>], iteration_bounds = array<i64: 2, 16>, scalar_prefetch = 0 : i64, scratch_operands = 8 : i64, tpu.core_type = #tpu.core_type<sc_vector_subcore>, window_params = [{transform_indices = #map}, {transform_indices = #map1}, {transform_indices = #map1}, {transform_indices = #map1}, {transform_indices = #map}]} {
    %mul3A = arith.constant 2 : i32
    %mul3A_0 = arith.muli %arg1, %mul3A : i32
    %add3A = arith.addi %mul3A_0, %arg0 : i32
    %mul3A_1 = arith.constant 2 : i32
    %mul3A_2 = arith.muli %add3A, %mul3A_1 : i32
    %add3A_3 = arith.constant 0 : i32
    %add3A_4 = arith.addi %mul3A_2, %add3A_3 : i32
    "tpu.region"() ({
      %run_scoped3A = tpu.sem_alloc : memref<!tpu.dma_semaphore, #tpu.memory_space<semaphore_mem>>
      %dma_start3A_995 = arith.constant 0 : i32
      %dma_start3A_996 = arith.constant 0 : i32
      %dma_start3A_997 = tpu.memref_slice %arg3[%add3A_4, %dma_start3A_995, %dma_start3A_996] : memref<64x6x100xi32, #tpu.memory_space<hbm>> -> memref<1x6x100xi32, #tpu.memory_space<hbm>>
      %dma_start3A_998 = tpu.memref_squeeze %dma_start3A_997 : memref<1x6x100xi32, #tpu.memory_space<hbm>> -> memref<6x100xi32, #tpu.memory_space<hbm>>
      %dma_start3A_999 = arith.constant 0 : i32
      %dma_start3A_1000 = arith.constant 0 : i32
      %dma_start3A_1001 = tpu.memref_slice %arg3[%add3A_4, %dma_start3A_999, %dma_start3A_1000] : memref<64x6x100xi32, #tpu.memory_space<hbm>> -> memref<1x6x100xi32, #tpu.memory_space<hbm>>
      %dma_start3A_1002 = tpu.memref_squeeze %dma_start3A_1001 : memref<1x6x100xi32, #tpu.memory_space<hbm>> -> memref<6x100xi32, #tpu.memory_space<hbm>>
      tpu.enqueue_dma source(%dma_start3A_1002 : memref<6x100xi32, #tpu.memory_space<hbm>>) target(%arg7 : memref<6x100xi32, #tpu.memory_space<vmem>>) target_semaphore(%run_scoped3A : memref<!tpu.dma_semaphore, #tpu.memory_space<semaphore_mem>>)
      %dma_wait3A_1003 = arith.constant 0 : i32
      %dma_wait3A_1004 = arith.constant 0 : i32
      %dma_wait3A_1005 = tpu.memref_slice %arg3[%add3A_4, %dma_wait3A_1003, %dma_wait3A_1004] : memref<64x6x100xi32, #tpu.memory_space<hbm>> -> memref<1x6x100xi32, #tpu.memory_space<hbm>>
      %dma_wait3A_1006 = tpu.memref_squeeze %dma_wait3A_1005 : memref<1x6x100xi32, #tpu.memory_space<hbm>> -> memref<6x100xi32, #tpu.memory_space<hbm>>
      %dma_wait3A_1007 = arith.constant 0 : i32
      %dma_wait3A_1008 = arith.constant 0 : i32
      %dma_wait3A_1009 = tpu.memref_slice %arg3[%add3A_4, %dma_wait3A_1007, %dma_wait3A_1008] : memref<64x6x100xi32, #tpu.memory_space<hbm>> -> memref<1x6x100xi32, #tpu.memory_space<hbm>>
      %dma_wait3A_1010 = tpu.memref_squeeze %dma_wait3A_1009 : memref<1x6x100xi32, #tpu.memory_space<hbm>> -> memref<6x100xi32, #tpu.memory_space<hbm>>
      tpu.wait_dma2 semaphore(%run_scoped3A : memref<!tpu.dma_semaphore, #tpu.memory_space<semaphore_mem>>) src(%dma_wait3A_1010 : memref<6x100xi32, #tpu.memory_space<hbm>>) dst(%arg7 : memref<6x100xi32, #tpu.memory_space<vmem>>)
      tpu.yield
    }) : () -> ()
    "tpu.region"() ({
      %run_scoped3A = tpu.sem_alloc : memref<!tpu.dma_semaphore, #tpu.memory_space<semaphore_mem>>
      %dma_start3A_995 = arith.constant 0 : i32
      %dma_start3A_996 = arith.constant 0 : i32
      %dma_start3A_997 = tpu.memref_slice %arg4[%add3A_4, %dma_start3A_995, %dma_start3A_996] : memref<64x5x120xi32, #tpu.memory_space<hbm>> -> memref<1x5x120xi32, #tpu.memory_space<hbm>>
      %dma_start3A_998 = tpu.memref_squeeze %dma_start3A_997 : memref<1x5x120xi32, #tpu.memory_space<hbm>> -> memref<5x120xi32, #tpu.memory_space<hbm>>
      %dma_start3A_999 = arith.constant 0 : i32
      %dma_start3A_1000 = arith.constant 0 : i32
      %dma_start3A_1001 = tpu.memref_slice %arg4[%add3A_4, %dma_start3A_999, %dma_start3A_1000] : memref<64x5x120xi32, #tpu.memory_space<hbm>> -> memref<1x5x120xi32, #tpu.memory_space<hbm>>
      %dma_start3A_1002 = tpu.memref_squeeze %dma_start3A_1001 : memref<1x5x120xi32, #tpu.memory_space<hbm>> -> memref<5x120xi32, #tpu.memory_space<hbm>>
      tpu.enqueue_dma source(%dma_start3A_1002 : memref<5x120xi32, #tpu.memory_space<hbm>>) target(%arg8 : memref<5x120xi32, #tpu.memory_space<vmem>>) target_semaphore(%run_scoped3A : memref<!tpu.dma_semaphore, #tpu.memory_space<semaphore_mem>>)
      %dma_wait3A_1003 = arith.constant 0 : i32
      %dma_wait3A_1004 = arith.constant 0 : i32
      %dma_wait3A_1005 = tpu.memref_slice %arg4[%add3A_4, %dma_wait3A_1003, %dma_wait3A_1004] : memref<64x5x120xi32, #tpu.memory_space<hbm>> -> memref<1x5x120xi32, #tpu.memory_space<hbm>>
      %dma_wait3A_1006 = tpu.memref_squeeze %dma_wait3A_1005 : memref<1x5x120xi32, #tpu.memory_space<hbm>> -> memref<5x120xi32, #tpu.memory_space<hbm>>
      %dma_wait3A_1007 = arith.constant 0 : i32
      %dma_wait3A_1008 = arith.constant 0 : i32
      %dma_wait3A_1009 = tpu.memref_slice %arg4[%add3A_4, %dma_wait3A_1007, %dma_wait3A_1008] : memref<64x5x120xi32, #tpu.memory_space<hbm>> -> memref<1x5x120xi32, #tpu.memory_space<hbm>>
      %dma_wait3A_1010 = tpu.memref_squeeze %dma_wait3A_1009 : memref<1x5x120xi32, #tpu.memory_space<hbm>> -> memref<5x120xi32, #tpu.memory_space<hbm>>
      tpu.wait_dma2 semaphore(%run_scoped3A : memref<!tpu.dma_semaphore, #tpu.memory_space<semaphore_mem>>) src(%dma_wait3A_1010 : memref<5x120xi32, #tpu.memory_space<hbm>>) dst(%arg8 : memref<5x120xi32, #tpu.memory_space<vmem>>)
      tpu.yield
    }) : () -> ()
    %dma_start3A = arith.constant 0 : i32
    %dma_start3A_5 = arith.constant 0 : i32
    %dma_start3A_6 = arith.constant 0 : i32
    %dma_start3A_7 = arith.constant 0 : i32
    %dma_start3A_8 = tpu.memref_slice %arg9[%dma_start3A_5, %dma_start3A_6, %dma_start3A_7] : memref<2x100x256xf32, #tpu.memory_space<vmem>> -> memref<1x100x256xf32, #tpu.memory_space<vmem>>
    %dma_start3A_9 = tpu.memref_squeeze %dma_start3A_8 : memref<1x100x256xf32, #tpu.memory_space<vmem>> -> memref<100x256xf32, #tpu.memory_space<vmem>>
    %dma_start3A_10 = arith.constant 0 : i32
    %dma_start3A_11 = tpu.memref_slice %arg7[%dma_start3A, %dma_start3A_10] : memref<6x100xi32, #tpu.memory_space<vmem>> -> memref<1x100xi32, #tpu.memory_space<vmem>>
    %dma_start3A_12 = tpu.memref_squeeze %dma_start3A_11 : memref<1x100xi32, #tpu.memory_space<vmem>> -> memref<100xi32, #tpu.memory_space<vmem>>
    %dma_start3A_13 = arith.constant 0 : i32
    %dma_start3A_14 = arith.constant 0 : i32
    %dma_start3A_15 = tpu.memref_slice %arg2[%dma_start3A_13, %dma_start3A_14] : memref<57600x256xf32, #tpu.memory_space<hbm>> -> memref<57600x256xf32, #tpu.memory_space<hbm>>
    tpu.enqueue_indirect_dma source(%dma_start3A_15 : memref<57600x256xf32, #tpu.memory_space<hbm>>) target(%dma_start3A_9 : memref<100x256xf32, #tpu.memory_space<vmem>>) offsets(%dma_start3A_12 : memref<100xi32, #tpu.memory_space<vmem>>) semaphore(%arg11 : memref<!tpu.dma_semaphore, #tpu.memory_space<semaphore_mem>>)
    %dma_start3A_16 = arith.constant 1 : i32
    %dma_start3A_17 = arith.constant 1 : i32
    %dma_start3A_18 = arith.constant 0 : i32
    %dma_start3A_19 = arith.constant 0 : i32
    %dma_start3A_20 = tpu.memref_slice %arg9[%dma_start3A_17, %dma_start3A_18, %dma_start3A_19] : memref<2x100x256xf32, #tpu.memory_space<vmem>> -> memref<1x100x256xf32, #tpu.memory_space<vmem>>
    %dma_start3A_21 = tpu.memref_squeeze %dma_start3A_20 : memref<1x100x256xf32, #tpu.memory_space<vmem>> -> memref<100x256xf32, #tpu.memory_space<vmem>>
    %dma_start3A_22 = arith.constant 0 : i32
    %dma_start3A_23 = tpu.memref_slice %arg7[%dma_start3A_16, %dma_start3A_22] : memref<6x100xi32, #tpu.memory_space<vmem>> -> memref<1x100xi32, #tpu.memory_space<vmem>>
    %dma_start3A_24 = tpu.memref_squeeze %dma_start3A_23 : memref<1x100xi32, #tpu.memory_space<vmem>> -> memref<100xi32, #tpu.memory_space<vmem>>
    %dma_start3A_25 = arith.constant 0 : i32
    %dma_start3A_26 = arith.constant 0 : i32
    %dma_start3A_27 = tpu.memref_slice %arg2[%dma_start3A_25, %dma_start3A_26] : memref<57600x256xf32, #tpu.memory_space<hbm>> -> memref<57600x256xf32, #tpu.memory_space<hbm>>
    tpu.enqueue_indirect_dma source(%dma_start3A_27 : memref<57600x256xf32, #tpu.memory_space<hbm>>) target(%dma_start3A_21 : memref<100x256xf32, #tpu.memory_space<vmem>>) offsets(%dma_start3A_24 : memref<100xi32, #tpu.memory_space<vmem>>) semaphore(%arg11 : memref<!tpu.dma_semaphore, #tpu.memory_space<semaphore_mem>>)
    %dma_start3A_28 = arith.constant 0 : i32
    %dma_start3A_29 = arith.constant 0 : i32
    %dma_start3A_30 = arith.constant 0 : i32
    %dma_start3A_31 = tpu.memref_slice %arg10[%dma_start3A_28, %dma_start3A_29, %dma_start3A_30] : memref<2x120x256xf32, #tpu.memory_space<vmem>> -> memref<1x120x256xf32, #tpu.memory_space<vmem>>
    %dma_start3A_32 = tpu.memref_squeeze %dma_start3A_31 : memref<1x120x256xf32, #tpu.memory_space<vmem>> -> memref<120x256xf32, #tpu.memory_space<vmem>>
    %dma_start3A_33 = arith.constant 0 : i32
    %dma_start3A_34 = arith.constant 0 : i32
    %dma_start3A_35 = tpu.memref_slice %arg5[%add3A_4, %dma_start3A_33, %dma_start3A_34] : memref<64x600x256xf32, #tpu.memory_space<hbm>> -> memref<1x600x256xf32, #tpu.memory_space<hbm>>
    %dma_start3A_36 = tpu.memref_squeeze %dma_start3A_35 : memref<1x600x256xf32, #tpu.memory_space<hbm>> -> memref<600x256xf32, #tpu.memory_space<hbm>>
    %dma_start3A_37 = arith.constant 0 : i32
    %dma_start3A_38 = arith.constant 0 : i32
    %dma_start3A_39 = tpu.memref_slice %dma_start3A_36[%dma_start3A_37, %dma_start3A_38] : memref<600x256xf32, #tpu.memory_space<hbm>> -> memref<120x256xf32, #tpu.memory_space<hbm>>
    %dma_start3A_40 = arith.constant 0 : i32
    %dma_start3A_41 = arith.constant 0 : i32
    %dma_start3A_42 = tpu.memref_slice %arg10[%dma_start3A_28, %dma_start3A_40, %dma_start3A_41] : memref<2x120x256xf32, #tpu.memory_space<vmem>> -> memref<1x120x256xf32, #tpu.memory_space<vmem>>
    %dma_start3A_43 = tpu.memref_squeeze %dma_start3A_42 : memref<1x120x256xf32, #tpu.memory_space<vmem>> -> memref<120x256xf32, #tpu.memory_space<vmem>>
    %dma_start3A_44 = arith.constant 0 : i32
    %dma_start3A_45 = arith.constant 0 : i32
    %dma_start3A_46 = tpu.memref_slice %arg5[%add3A_4, %dma_start3A_44, %dma_start3A_45] : memref<64x600x256xf32, #tpu.memory_space<hbm>> -> memref<1x600x256xf32, #tpu.memory_space<hbm>>
    %dma_start3A_47 = tpu.memref_squeeze %dma_start3A_46 : memref<1x600x256xf32, #tpu.memory_space<hbm>> -> memref<600x256xf32, #tpu.memory_space<hbm>>
    %dma_start3A_48 = arith.constant 0 : i32
    %dma_start3A_49 = arith.constant 0 : i32
    %dma_start3A_50 = tpu.memref_slice %dma_start3A_47[%dma_start3A_48, %dma_start3A_49] : memref<600x256xf32, #tpu.memory_space<hbm>> -> memref<120x256xf32, #tpu.memory_space<hbm>>
    tpu.enqueue_dma source(%dma_start3A_50 : memref<120x256xf32, #tpu.memory_space<hbm>>) target(%dma_start3A_43 : memref<120x256xf32, #tpu.memory_space<vmem>>) target_semaphore(%arg13 : memref<!tpu.dma_semaphore, #tpu.memory_space<semaphore_mem>>)
    %dma_wait3A = arith.constant 0 : i32
    %dma_wait3A_51 = arith.constant 0 : i32
    %dma_wait3A_52 = arith.constant 0 : i32
    %dma_wait3A_53 = tpu.memref_slice %arg10[%dma_wait3A, %dma_wait3A_51, %dma_wait3A_52] : memref<2x120x256xf32, #tpu.memory_space<vmem>> -> memref<1x120x256xf32, #tpu.memory_space<vmem>>
    %dma_wait3A_54 = tpu.memref_squeeze %dma_wait3A_53 : memref<1x120x256xf32, #tpu.memory_space<vmem>> -> memref<120x256xf32, #tpu.memory_space<vmem>>
    %dma_wait3A_55 = arith.constant 0 : i32
    %dma_wait3A_56 = arith.constant 0 : i32
    %dma_wait3A_57 = tpu.memref_slice %arg5[%add3A_4, %dma_wait3A_55, %dma_wait3A_56] : memref<64x600x256xf32, #tpu.memory_space<hbm>> -> memref<1x600x256xf32, #tpu.memory_space<hbm>>
    %dma_wait3A_58 = tpu.memref_squeeze %dma_wait3A_57 : memref<1x600x256xf32, #tpu.memory_space<hbm>> -> memref<600x256xf32, #tpu.memory_space<hbm>>
    %dma_wait3A_59 = arith.constant 0 : i32
    %dma_wait3A_60 = arith.constant 0 : i32
    %dma_wait3A_61 = tpu.memref_slice %dma_wait3A_58[%dma_wait3A_59, %dma_wait3A_60] : memref<600x256xf32, #tpu.memory_space<hbm>> -> memref<120x256xf32, #tpu.memory_space<hbm>>
    %dma_wait3A_62 = arith.constant 0 : i32
    %dma_wait3A_63 = arith.constant 0 : i32
    %dma_wait3A_64 = tpu.memref_slice %arg10[%dma_wait3A, %dma_wait3A_62, %dma_wait3A_63] : memref<2x120x256xf32, #tpu.memory_space<vmem>> -> memref<1x120x256xf32, #tpu.memory_space<vmem>>
    %dma_wait3A_65 = tpu.memref_squeeze %dma_wait3A_64 : memref<1x120x256xf32, #tpu.memory_space<vmem>> -> memref<120x256xf32, #tpu.memory_space<vmem>>
    %dma_wait3A_66 = arith.constant 0 : i32
    %dma_wait3A_67 = arith.constant 0 : i32
    %dma_wait3A_68 = tpu.memref_slice %arg5[%add3A_4, %dma_wait3A_66, %dma_wait3A_67] : memref<64x600x256xf32, #tpu.memory_space<hbm>> -> memref<1x600x256xf32, #tpu.memory_space<hbm>>
    %dma_wait3A_69 = tpu.memref_squeeze %dma_wait3A_68 : memref<1x600x256xf32, #tpu.memory_space<hbm>> -> memref<600x256xf32, #tpu.memory_space<hbm>>
    %dma_wait3A_70 = arith.constant 0 : i32
    %dma_wait3A_71 = arith.constant 0 : i32
    %dma_wait3A_72 = tpu.memref_slice %dma_wait3A_69[%dma_wait3A_70, %dma_wait3A_71] : memref<600x256xf32, #tpu.memory_space<hbm>> -> memref<120x256xf32, #tpu.memory_space<hbm>>
    tpu.wait_dma2 semaphore(%arg13 : memref<!tpu.dma_semaphore, #tpu.memory_space<semaphore_mem>>) src(%dma_wait3A_72 : memref<120x256xf32, #tpu.memory_space<hbm>>) dst(%dma_wait3A_65 : memref<120x256xf32, #tpu.memory_space<vmem>>)
    %dma_start3A_73 = arith.constant 1 : i32
    %dma_start3A_74 = arith.constant 0 : i32
    %dma_start3A_75 = arith.constant 0 : i32
    %dma_start3A_76 = tpu.memref_slice %arg10[%dma_start3A_73, %dma_start3A_74, %dma_start3A_75] : memref<2x120x256xf32, #tpu.memory_space<vmem>> -> memref<1x120x256xf32, #tpu.memory_space<vmem>>
    %dma_start3A_77 = tpu.memref_squeeze %dma_start3A_76 : memref<1x120x256xf32, #tpu.memory_space<vmem>> -> memref<120x256xf32, #tpu.memory_space<vmem>>
    %dma_start3A_78 = arith.constant 0 : i32
    %dma_start3A_79 = arith.constant 0 : i32
    %dma_start3A_80 = tpu.memref_slice %arg5[%add3A_4, %dma_start3A_78, %dma_start3A_79] : memref<64x600x256xf32, #tpu.memory_space<hbm>> -> memref<1x600x256xf32, #tpu.memory_space<hbm>>
    %dma_start3A_81 = tpu.memref_squeeze %dma_start3A_80 : memref<1x600x256xf32, #tpu.memory_space<hbm>> -> memref<600x256xf32, #tpu.memory_space<hbm>>
    %dma_start3A_82 = arith.constant 120 : i32
    %dma_start3A_83 = arith.constant 0 : i32
    %dma_start3A_84 = tpu.memref_slice %dma_start3A_81[%dma_start3A_82, %dma_start3A_83] : memref<600x256xf32, #tpu.memory_space<hbm>> -> memref<120x256xf32, #tpu.memory_space<hbm>>
    %dma_start3A_85 = arith.constant 0 : i32
    %dma_start3A_86 = arith.constant 0 : i32
    %dma_start3A_87 = tpu.memref_slice %arg10[%dma_start3A_73, %dma_start3A_85, %dma_start3A_86] : memref<2x120x256xf32, #tpu.memory_space<vmem>> -> memref<1x120x256xf32, #tpu.memory_space<vmem>>
    %dma_start3A_88 = tpu.memref_squeeze %dma_start3A_87 : memref<1x120x256xf32, #tpu.memory_space<vmem>> -> memref<120x256xf32, #tpu.memory_space<vmem>>
    %dma_start3A_89 = arith.constant 0 : i32
    %dma_start3A_90 = arith.constant 0 : i32
    %dma_start3A_91 = tpu.memref_slice %arg5[%add3A_4, %dma_start3A_89, %dma_start3A_90] : memref<64x600x256xf32, #tpu.memory_space<hbm>> -> memref<1x600x256xf32, #tpu.memory_space<hbm>>
    %dma_start3A_92 = tpu.memref_squeeze %dma_start3A_91 : memref<1x600x256xf32, #tpu.memory_space<hbm>> -> memref<600x256xf32, #tpu.memory_space<hbm>>
    %dma_start3A_93 = arith.constant 120 : i32
    %dma_start3A_94 = arith.constant 0 : i32
    %dma_start3A_95 = tpu.memref_slice %dma_start3A_92[%dma_start3A_93, %dma_start3A_94] : memref<600x256xf32, #tpu.memory_space<hbm>> -> memref<120x256xf32, #tpu.memory_space<hbm>>
    tpu.enqueue_dma source(%dma_start3A_95 : memref<120x256xf32, #tpu.memory_space<hbm>>) target(%dma_start3A_88 : memref<120x256xf32, #tpu.memory_space<vmem>>) target_semaphore(%arg13 : memref<!tpu.dma_semaphore, #tpu.memory_space<semaphore_mem>>)
    %dma_start3A_96 = arith.constant 0 : i32
    %dma_start3A_97 = arith.constant 0 : i32
    %dma_start3A_98 = arith.constant 0 : i32
    %dma_start3A_99 = arith.constant 0 : i32
    %dma_start3A_100 = tpu.memref_slice %arg10[%dma_start3A_96, %dma_start3A_98, %dma_start3A_99] : memref<2x120x256xf32, #tpu.memory_space<vmem>> -> memref<1x120x256xf32, #tpu.memory_space<vmem>>
    %dma_start3A_101 = tpu.memref_squeeze %dma_start3A_100 : memref<1x120x256xf32, #tpu.memory_space<vmem>> -> memref<120x256xf32, #tpu.memory_space<vmem>>
    %dma_start3A_102 = arith.constant 0 : i32
    %dma_start3A_103 = tpu.memref_slice %arg8[%dma_start3A_97, %dma_start3A_102] : memref<5x120xi32, #tpu.memory_space<vmem>> -> memref<1x120xi32, #tpu.memory_space<vmem>>
    %dma_start3A_104 = tpu.memref_squeeze %dma_start3A_103 : memref<1x120xi32, #tpu.memory_space<vmem>> -> memref<120xi32, #tpu.memory_space<vmem>>
    %dma_start3A_105 = arith.constant 0 : i32
    %dma_start3A_106 = arith.constant 0 : i32
    %dma_start3A_107 = tpu.memref_slice %arg6[%dma_start3A_105, %dma_start3A_106] : memref<57600x256xf32, #tpu.memory_space<hbm>> -> memref<57600x256xf32, #tpu.memory_space<hbm>>
    tpu.enqueue_indirect_dma source(%dma_start3A_101 : memref<120x256xf32, #tpu.memory_space<vmem>>) target(%dma_start3A_107 : memref<57600x256xf32, #tpu.memory_space<hbm>>) offsets(%dma_start3A_104 : memref<120xi32, #tpu.memory_space<vmem>>) semaphore(%arg14 : memref<!tpu.dma_semaphore, #tpu.memory_space<semaphore_mem>>)
    %dma_wait3A_108 = arith.constant 1 : i32
    %dma_wait3A_109 = arith.constant 0 : i32
    %dma_wait3A_110 = arith.constant 0 : i32
    %dma_wait3A_111 = tpu.memref_slice %arg10[%dma_wait3A_108, %dma_wait3A_109, %dma_wait3A_110] : memref<2x120x256xf32, #tpu.memory_space<vmem>> -> memref<1x120x256xf32, #tpu.memory_space<vmem>>
    %dma_wait3A_112 = tpu.memref_squeeze %dma_wait3A_111 : memref<1x120x256xf32, #tpu.memory_space<vmem>> -> memref<120x256xf32, #tpu.memory_space<vmem>>
    %dma_wait3A_113 = arith.constant 0 : i32
    %dma_wait3A_114 = arith.constant 0 : i32
    %dma_wait3A_115 = tpu.memref_slice %arg5[%add3A_4, %dma_wait3A_113, %dma_wait3A_114] : memref<64x600x256xf32, #tpu.memory_space<hbm>> -> memref<1x600x256xf32, #tpu.memory_space<hbm>>
    %dma_wait3A_116 = tpu.memref_squeeze %dma_wait3A_115 : memref<1x600x256xf32, #tpu.memory_space<hbm>> -> memref<600x256xf32, #tpu.memory_space<hbm>>
    %dma_wait3A_117 = arith.constant 120 : i32
    %dma_wait3A_118 = arith.constant 0 : i32
    %dma_wait3A_119 = tpu.memref_slice %dma_wait3A_116[%dma_wait3A_117, %dma_wait3A_118] : memref<600x256xf32, #tpu.memory_space<hbm>> -> memref<120x256xf32, #tpu.memory_space<hbm>>
    %dma_wait3A_120 = arith.constant 0 : i32
    %dma_wait3A_121 = arith.constant 0 : i32
    %dma_wait3A_122 = tpu.memref_slice %arg10[%dma_wait3A_108, %dma_wait3A_120, %dma_wait3A_121] : memref<2x120x256xf32, #tpu.memory_space<vmem>> -> memref<1x120x256xf32, #tpu.memory_space<vmem>>
    %dma_wait3A_123 = tpu.memref_squeeze %dma_wait3A_122 : memref<1x120x256xf32, #tpu.memory_space<vmem>> -> memref<120x256xf32, #tpu.memory_space<vmem>>
    %dma_wait3A_124 = arith.constant 0 : i32
    %dma_wait3A_125 = arith.constant 0 : i32
    %dma_wait3A_126 = tpu.memref_slice %arg5[%add3A_4, %dma_wait3A_124, %dma_wait3A_125] : memref<64x600x256xf32, #tpu.memory_space<hbm>> -> memref<1x600x256xf32, #tpu.memory_space<hbm>>
    %dma_wait3A_127 = tpu.memref_squeeze %dma_wait3A_126 : memref<1x600x256xf32, #tpu.memory_space<hbm>> -> memref<600x256xf32, #tpu.memory_space<hbm>>
    %dma_wait3A_128 = arith.constant 120 : i32
    %dma_wait3A_129 = arith.constant 0 : i32
    %dma_wait3A_130 = tpu.memref_slice %dma_wait3A_127[%dma_wait3A_128, %dma_wait3A_129] : memref<600x256xf32, #tpu.memory_space<hbm>> -> memref<120x256xf32, #tpu.memory_space<hbm>>
    tpu.wait_dma2 semaphore(%arg13 : memref<!tpu.dma_semaphore, #tpu.memory_space<semaphore_mem>>) src(%dma_wait3A_130 : memref<120x256xf32, #tpu.memory_space<hbm>>) dst(%dma_wait3A_123 : memref<120x256xf32, #tpu.memory_space<vmem>>)
    %dma_wait3A_131 = arith.constant 0 : i32
    %dma_wait3A_132 = arith.constant 0 : i32
    %dma_wait3A_133 = arith.constant 0 : i32
    %dma_wait3A_134 = arith.constant 0 : i32
    %dma_wait3A_135 = tpu.memref_slice %arg10[%dma_wait3A_131, %dma_wait3A_133, %dma_wait3A_134] : memref<2x120x256xf32, #tpu.memory_space<vmem>> -> memref<1x120x256xf32, #tpu.memory_space<vmem>>
    %dma_wait3A_136 = tpu.memref_squeeze %dma_wait3A_135 : memref<1x120x256xf32, #tpu.memory_space<vmem>> -> memref<120x256xf32, #tpu.memory_space<vmem>>
    %dma_wait3A_137 = arith.constant 0 : i32
    %dma_wait3A_138 = tpu.memref_slice %arg8[%dma_wait3A_132, %dma_wait3A_137] : memref<5x120xi32, #tpu.memory_space<vmem>> -> memref<1x120xi32, #tpu.memory_space<vmem>>
    %dma_wait3A_139 = tpu.memref_squeeze %dma_wait3A_138 : memref<1x120xi32, #tpu.memory_space<vmem>> -> memref<120xi32, #tpu.memory_space<vmem>>
    %dma_wait3A_140 = arith.constant 0 : i32
    %dma_wait3A_141 = arith.constant 0 : i32
    %dma_wait3A_142 = tpu.memref_slice %arg6[%dma_wait3A_140, %dma_wait3A_141] : memref<57600x256xf32, #tpu.memory_space<hbm>> -> memref<57600x256xf32, #tpu.memory_space<hbm>>
    tpu.wait_indirect_dma semaphore(%arg14 : memref<!tpu.dma_semaphore, #tpu.memory_space<semaphore_mem>>) src(%dma_wait3A_136 : memref<120x256xf32, #tpu.memory_space<vmem>>) dst(%dma_wait3A_142 : memref<57600x256xf32, #tpu.memory_space<hbm>>)
    %dma_start3A_143 = arith.constant 0 : i32
    %dma_start3A_144 = arith.constant 0 : i32
    %dma_start3A_145 = arith.constant 0 : i32
    %dma_start3A_146 = tpu.memref_slice %arg10[%dma_start3A_143, %dma_start3A_144, %dma_start3A_145] : memref<2x120x256xf32, #tpu.memory_space<vmem>> -> memref<1x120x256xf32, #tpu.memory_space<vmem>>
    %dma_start3A_147 = tpu.memref_squeeze %dma_start3A_146 : memref<1x120x256xf32, #tpu.memory_space<vmem>> -> memref<120x256xf32, #tpu.memory_space<vmem>>
    %dma_start3A_148 = arith.constant 0 : i32
    %dma_start3A_149 = arith.constant 0 : i32
    %dma_start3A_150 = tpu.memref_slice %arg5[%add3A_4, %dma_start3A_148, %dma_start3A_149] : memref<64x600x256xf32, #tpu.memory_space<hbm>> -> memref<1x600x256xf32, #tpu.memory_space<hbm>>
    %dma_start3A_151 = tpu.memref_squeeze %dma_start3A_150 : memref<1x600x256xf32, #tpu.memory_space<hbm>> -> memref<600x256xf32, #tpu.memory_space<hbm>>
    %dma_start3A_152 = arith.constant 240 : i32
    %dma_start3A_153 = arith.constant 0 : i32
    %dma_start3A_154 = tpu.memref_slice %dma_start3A_151[%dma_start3A_152, %dma_start3A_153] : memref<600x256xf32, #tpu.memory_space<hbm>> -> memref<120x256xf32, #tpu.memory_space<hbm>>
    %dma_start3A_155 = arith.constant 0 : i32
    %dma_start3A_156 = arith.constant 0 : i32
    %dma_start3A_157 = tpu.memref_slice %arg10[%dma_start3A_143, %dma_start3A_155, %dma_start3A_156] : memref<2x120x256xf32, #tpu.memory_space<vmem>> -> memref<1x120x256xf32, #tpu.memory_space<vmem>>
    %dma_start3A_158 = tpu.memref_squeeze %dma_start3A_157 : memref<1x120x256xf32, #tpu.memory_space<vmem>> -> memref<120x256xf32, #tpu.memory_space<vmem>>
    %dma_start3A_159 = arith.constant 0 : i32
    %dma_start3A_160 = arith.constant 0 : i32
    %dma_start3A_161 = tpu.memref_slice %arg5[%add3A_4, %dma_start3A_159, %dma_start3A_160] : memref<64x600x256xf32, #tpu.memory_space<hbm>> -> memref<1x600x256xf32, #tpu.memory_space<hbm>>
    %dma_start3A_162 = tpu.memref_squeeze %dma_start3A_161 : memref<1x600x256xf32, #tpu.memory_space<hbm>> -> memref<600x256xf32, #tpu.memory_space<hbm>>
    %dma_start3A_163 = arith.constant 240 : i32
    %dma_start3A_164 = arith.constant 0 : i32
    %dma_start3A_165 = tpu.memref_slice %dma_start3A_162[%dma_start3A_163, %dma_start3A_164] : memref<600x256xf32, #tpu.memory_space<hbm>> -> memref<120x256xf32, #tpu.memory_space<hbm>>
    tpu.enqueue_dma source(%dma_start3A_165 : memref<120x256xf32, #tpu.memory_space<hbm>>) target(%dma_start3A_158 : memref<120x256xf32, #tpu.memory_space<vmem>>) target_semaphore(%arg13 : memref<!tpu.dma_semaphore, #tpu.memory_space<semaphore_mem>>)
    %dma_start3A_166 = arith.constant 1 : i32
    %dma_start3A_167 = arith.constant 1 : i32
    %dma_start3A_168 = arith.constant 0 : i32
    %dma_start3A_169 = arith.constant 0 : i32
    %dma_start3A_170 = tpu.memref_slice %arg10[%dma_start3A_166, %dma_start3A_168, %dma_start3A_169] : memref<2x120x256xf32, #tpu.memory_space<vmem>> -> memref<1x120x256xf32, #tpu.memory_space<vmem>>
    %dma_start3A_171 = tpu.memref_squeeze %dma_start3A_170 : memref<1x120x256xf32, #tpu.memory_space<vmem>> -> memref<120x256xf32, #tpu.memory_space<vmem>>
    %dma_start3A_172 = arith.constant 0 : i32
    %dma_start3A_173 = tpu.memref_slice %arg8[%dma_start3A_167, %dma_start3A_172] : memref<5x120xi32, #tpu.memory_space<vmem>> -> memref<1x120xi32, #tpu.memory_space<vmem>>
    %dma_start3A_174 = tpu.memref_squeeze %dma_start3A_173 : memref<1x120xi32, #tpu.memory_space<vmem>> -> memref<120xi32, #tpu.memory_space<vmem>>
    %dma_start3A_175 = arith.constant 0 : i32
    %dma_start3A_176 = arith.constant 0 : i32
    %dma_start3A_177 = tpu.memref_slice %arg6[%dma_start3A_175, %dma_start3A_176] : memref<57600x256xf32, #tpu.memory_space<hbm>> -> memref<57600x256xf32, #tpu.memory_space<hbm>>
    tpu.enqueue_indirect_dma source(%dma_start3A_171 : memref<120x256xf32, #tpu.memory_space<vmem>>) target(%dma_start3A_177 : memref<57600x256xf32, #tpu.memory_space<hbm>>) offsets(%dma_start3A_174 : memref<120xi32, #tpu.memory_space<vmem>>) semaphore(%arg14 : memref<!tpu.dma_semaphore, #tpu.memory_space<semaphore_mem>>)
    %dma_wait3A_178 = arith.constant 0 : i32
    %dma_wait3A_179 = arith.constant 0 : i32
    %dma_wait3A_180 = arith.constant 0 : i32
    %dma_wait3A_181 = tpu.memref_slice %arg10[%dma_wait3A_178, %dma_wait3A_179, %dma_wait3A_180] : memref<2x120x256xf32, #tpu.memory_space<vmem>> -> memref<1x120x256xf32, #tpu.memory_space<vmem>>
    %dma_wait3A_182 = tpu.memref_squeeze %dma_wait3A_181 : memref<1x120x256xf32, #tpu.memory_space<vmem>> -> memref<120x256xf32, #tpu.memory_space<vmem>>
    %dma_wait3A_183 = arith.constant 0 : i32
    %dma_wait3A_184 = arith.constant 0 : i32
    %dma_wait3A_185 = tpu.memref_slice %arg5[%add3A_4, %dma_wait3A_183, %dma_wait3A_184] : memref<64x600x256xf32, #tpu.memory_space<hbm>> -> memref<1x600x256xf32, #tpu.memory_space<hbm>>
    %dma_wait3A_186 = tpu.memref_squeeze %dma_wait3A_185 : memref<1x600x256xf32, #tpu.memory_space<hbm>> -> memref<600x256xf32, #tpu.memory_space<hbm>>
    %dma_wait3A_187 = arith.constant 240 : i32
    %dma_wait3A_188 = arith.constant 0 : i32
    %dma_wait3A_189 = tpu.memref_slice %dma_wait3A_186[%dma_wait3A_187, %dma_wait3A_188] : memref<600x256xf32, #tpu.memory_space<hbm>> -> memref<120x256xf32, #tpu.memory_space<hbm>>
    %dma_wait3A_190 = arith.constant 0 : i32
    %dma_wait3A_191 = arith.constant 0 : i32
    %dma_wait3A_192 = tpu.memref_slice %arg10[%dma_wait3A_178, %dma_wait3A_190, %dma_wait3A_191] : memref<2x120x256xf32, #tpu.memory_space<vmem>> -> memref<1x120x256xf32, #tpu.memory_space<vmem>>
    %dma_wait3A_193 = tpu.memref_squeeze %dma_wait3A_192 : memref<1x120x256xf32, #tpu.memory_space<vmem>> -> memref<120x256xf32, #tpu.memory_space<vmem>>
    %dma_wait3A_194 = arith.constant 0 : i32
    %dma_wait3A_195 = arith.constant 0 : i32
    %dma_wait3A_196 = tpu.memref_slice %arg5[%add3A_4, %dma_wait3A_194, %dma_wait3A_195] : memref<64x600x256xf32, #tpu.memory_space<hbm>> -> memref<1x600x256xf32, #tpu.memory_space<hbm>>
    %dma_wait3A_197 = tpu.memref_squeeze %dma_wait3A_196 : memref<1x600x256xf32, #tpu.memory_space<hbm>> -> memref<600x256xf32, #tpu.memory_space<hbm>>
    %dma_wait3A_198 = arith.constant 240 : i32
    %dma_wait3A_199 = arith.constant 0 : i32
    %dma_wait3A_200 = tpu.memref_slice %dma_wait3A_197[%dma_wait3A_198, %dma_wait3A_199] : memref<600x256xf32, #tpu.memory_space<hbm>> -> memref<120x256xf32, #tpu.memory_space<hbm>>
    tpu.wait_dma2 semaphore(%arg13 : memref<!tpu.dma_semaphore, #tpu.memory_space<semaphore_mem>>) src(%dma_wait3A_200 : memref<120x256xf32, #tpu.memory_space<hbm>>) dst(%dma_wait3A_193 : memref<120x256xf32, #tpu.memory_space<vmem>>)
    %dma_wait3A_201 = arith.constant 1 : i32
    %dma_wait3A_202 = arith.constant 1 : i32
    %dma_wait3A_203 = arith.constant 0 : i32
    %dma_wait3A_204 = arith.constant 0 : i32
    %dma_wait3A_205 = tpu.memref_slice %arg10[%dma_wait3A_201, %dma_wait3A_203, %dma_wait3A_204] : memref<2x120x256xf32, #tpu.memory_space<vmem>> -> memref<1x120x256xf32, #tpu.memory_space<vmem>>
    %dma_wait3A_206 = tpu.memref_squeeze %dma_wait3A_205 : memref<1x120x256xf32, #tpu.memory_space<vmem>> -> memref<120x256xf32, #tpu.memory_space<vmem>>
    %dma_wait3A_207 = arith.constant 0 : i32
    %dma_wait3A_208 = tpu.memref_slice %arg8[%dma_wait3A_202, %dma_wait3A_207] : memref<5x120xi32, #tpu.memory_space<vmem>> -> memref<1x120xi32, #tpu.memory_space<vmem>>
    %dma_wait3A_209 = tpu.memref_squeeze %dma_wait3A_208 : memref<1x120xi32, #tpu.memory_space<vmem>> -> memref<120xi32, #tpu.memory_space<vmem>>
    %dma_wait3A_210 = arith.constant 0 : i32
    %dma_wait3A_211 = arith.constant 0 : i32
    %dma_wait3A_212 = tpu.memref_slice %arg6[%dma_wait3A_210, %dma_wait3A_211] : memref<57600x256xf32, #tpu.memory_space<hbm>> -> memref<57600x256xf32, #tpu.memory_space<hbm>>
    tpu.wait_indirect_dma semaphore(%arg14 : memref<!tpu.dma_semaphore, #tpu.memory_space<semaphore_mem>>) src(%dma_wait3A_206 : memref<120x256xf32, #tpu.memory_space<vmem>>) dst(%dma_wait3A_212 : memref<57600x256xf32, #tpu.memory_space<hbm>>)
    %dma_start3A_213 = arith.constant 1 : i32
    %dma_start3A_214 = arith.constant 0 : i32
    %dma_start3A_215 = arith.constant 0 : i32
    %dma_start3A_216 = tpu.memref_slice %arg10[%dma_start3A_213, %dma_start3A_214, %dma_start3A_215] : memref<2x120x256xf32, #tpu.memory_space<vmem>> -> memref<1x120x256xf32, #tpu.memory_space<vmem>>
    %dma_start3A_217 = tpu.memref_squeeze %dma_start3A_216 : memref<1x120x256xf32, #tpu.memory_space<vmem>> -> memref<120x256xf32, #tpu.memory_space<vmem>>
    %dma_start3A_218 = arith.constant 0 : i32
    %dma_start3A_219 = arith.constant 0 : i32
    %dma_start3A_220 = tpu.memref_slice %arg5[%add3A_4, %dma_start3A_218, %dma_start3A_219] : memref<64x600x256xf32, #tpu.memory_space<hbm>> -> memref<1x600x256xf32, #tpu.memory_space<hbm>>
    %dma_start3A_221 = tpu.memref_squeeze %dma_start3A_220 : memref<1x600x256xf32, #tpu.memory_space<hbm>> -> memref<600x256xf32, #tpu.memory_space<hbm>>
    %dma_start3A_222 = arith.constant 360 : i32
    %dma_start3A_223 = arith.constant 0 : i32
    %dma_start3A_224 = tpu.memref_slice %dma_start3A_221[%dma_start3A_222, %dma_start3A_223] : memref<600x256xf32, #tpu.memory_space<hbm>> -> memref<120x256xf32, #tpu.memory_space<hbm>>
    %dma_start3A_225 = arith.constant 0 : i32
    %dma_start3A_226 = arith.constant 0 : i32
    %dma_start3A_227 = tpu.memref_slice %arg10[%dma_start3A_213, %dma_start3A_225, %dma_start3A_226] : memref<2x120x256xf32, #tpu.memory_space<vmem>> -> memref<1x120x256xf32, #tpu.memory_space<vmem>>
    %dma_start3A_228 = tpu.memref_squeeze %dma_start3A_227 : memref<1x120x256xf32, #tpu.memory_space<vmem>> -> memref<120x256xf32, #tpu.memory_space<vmem>>
    %dma_start3A_229 = arith.constant 0 : i32
    %dma_start3A_230 = arith.constant 0 : i32
    %dma_start3A_231 = tpu.memref_slice %arg5[%add3A_4, %dma_start3A_229, %dma_start3A_230] : memref<64x600x256xf32, #tpu.memory_space<hbm>> -> memref<1x600x256xf32, #tpu.memory_space<hbm>>
    %dma_start3A_232 = tpu.memref_squeeze %dma_start3A_231 : memref<1x600x256xf32, #tpu.memory_space<hbm>> -> memref<600x256xf32, #tpu.memory_space<hbm>>
    %dma_start3A_233 = arith.constant 360 : i32
    %dma_start3A_234 = arith.constant 0 : i32
    %dma_start3A_235 = tpu.memref_slice %dma_start3A_232[%dma_start3A_233, %dma_start3A_234] : memref<600x256xf32, #tpu.memory_space<hbm>> -> memref<120x256xf32, #tpu.memory_space<hbm>>
    tpu.enqueue_dma source(%dma_start3A_235 : memref<120x256xf32, #tpu.memory_space<hbm>>) target(%dma_start3A_228 : memref<120x256xf32, #tpu.memory_space<vmem>>) target_semaphore(%arg13 : memref<!tpu.dma_semaphore, #tpu.memory_space<semaphore_mem>>)
    %dma_start3A_236 = arith.constant 0 : i32
    %dma_start3A_237 = arith.constant 2 : i32
    %dma_start3A_238 = arith.constant 0 : i32
    %dma_start3A_239 = arith.constant 0 : i32
    %dma_start3A_240 = tpu.memref_slice %arg10[%dma_start3A_236, %dma_start3A_238, %dma_start3A_239] : memref<2x120x256xf32, #tpu.memory_space<vmem>> -> memref<1x120x256xf32, #tpu.memory_space<vmem>>
    %dma_start3A_241 = tpu.memref_squeeze %dma_start3A_240 : memref<1x120x256xf32, #tpu.memory_space<vmem>> -> memref<120x256xf32, #tpu.memory_space<vmem>>
    %dma_start3A_242 = arith.constant 0 : i32
    %dma_start3A_243 = tpu.memref_slice %arg8[%dma_start3A_237, %dma_start3A_242] : memref<5x120xi32, #tpu.memory_space<vmem>> -> memref<1x120xi32, #tpu.memory_space<vmem>>
    %dma_start3A_244 = tpu.memref_squeeze %dma_start3A_243 : memref<1x120xi32, #tpu.memory_space<vmem>> -> memref<120xi32, #tpu.memory_space<vmem>>
    %dma_start3A_245 = arith.constant 0 : i32
    %dma_start3A_246 = arith.constant 0 : i32
    %dma_start3A_247 = tpu.memref_slice %arg6[%dma_start3A_245, %dma_start3A_246] : memref<57600x256xf32, #tpu.memory_space<hbm>> -> memref<57600x256xf32, #tpu.memory_space<hbm>>
    tpu.enqueue_indirect_dma source(%dma_start3A_241 : memref<120x256xf32, #tpu.memory_space<vmem>>) target(%dma_start3A_247 : memref<57600x256xf32, #tpu.memory_space<hbm>>) offsets(%dma_start3A_244 : memref<120xi32, #tpu.memory_space<vmem>>) semaphore(%arg14 : memref<!tpu.dma_semaphore, #tpu.memory_space<semaphore_mem>>)
    %dma_wait3A_248 = arith.constant 1 : i32
    %dma_wait3A_249 = arith.constant 0 : i32
    %dma_wait3A_250 = arith.constant 0 : i32
    %dma_wait3A_251 = tpu.memref_slice %arg10[%dma_wait3A_248, %dma_wait3A_249, %dma_wait3A_250] : memref<2x120x256xf32, #tpu.memory_space<vmem>> -> memref<1x120x256xf32, #tpu.memory_space<vmem>>
    %dma_wait3A_252 = tpu.memref_squeeze %dma_wait3A_251 : memref<1x120x256xf32, #tpu.memory_space<vmem>> -> memref<120x256xf32, #tpu.memory_space<vmem>>
    %dma_wait3A_253 = arith.constant 0 : i32
    %dma_wait3A_254 = arith.constant 0 : i32
    %dma_wait3A_255 = tpu.memref_slice %arg5[%add3A_4, %dma_wait3A_253, %dma_wait3A_254] : memref<64x600x256xf32, #tpu.memory_space<hbm>> -> memref<1x600x256xf32, #tpu.memory_space<hbm>>
    %dma_wait3A_256 = tpu.memref_squeeze %dma_wait3A_255 : memref<1x600x256xf32, #tpu.memory_space<hbm>> -> memref<600x256xf32, #tpu.memory_space<hbm>>
    %dma_wait3A_257 = arith.constant 360 : i32
    %dma_wait3A_258 = arith.constant 0 : i32
    %dma_wait3A_259 = tpu.memref_slice %dma_wait3A_256[%dma_wait3A_257, %dma_wait3A_258] : memref<600x256xf32, #tpu.memory_space<hbm>> -> memref<120x256xf32, #tpu.memory_space<hbm>>
    %dma_wait3A_260 = arith.constant 0 : i32
    %dma_wait3A_261 = arith.constant 0 : i32
    %dma_wait3A_262 = tpu.memref_slice %arg10[%dma_wait3A_248, %dma_wait3A_260, %dma_wait3A_261] : memref<2x120x256xf32, #tpu.memory_space<vmem>> -> memref<1x120x256xf32, #tpu.memory_space<vmem>>
    %dma_wait3A_263 = tpu.memref_squeeze %dma_wait3A_262 : memref<1x120x256xf32, #tpu.memory_space<vmem>> -> memref<120x256xf32, #tpu.memory_space<vmem>>
    %dma_wait3A_264 = arith.constant 0 : i32
    %dma_wait3A_265 = arith.constant 0 : i32
    %dma_wait3A_266 = tpu.memref_slice %arg5[%add3A_4, %dma_wait3A_264, %dma_wait3A_265] : memref<64x600x256xf32, #tpu.memory_space<hbm>> -> memref<1x600x256xf32, #tpu.memory_space<hbm>>
    %dma_wait3A_267 = tpu.memref_squeeze %dma_wait3A_266 : memref<1x600x256xf32, #tpu.memory_space<hbm>> -> memref<600x256xf32, #tpu.memory_space<hbm>>
    %dma_wait3A_268 = arith.constant 360 : i32
    %dma_wait3A_269 = arith.constant 0 : i32
    %dma_wait3A_270 = tpu.memref_slice %dma_wait3A_267[%dma_wait3A_268, %dma_wait3A_269] : memref<600x256xf32, #tpu.memory_space<hbm>> -> memref<120x256xf32, #tpu.memory_space<hbm>>
    tpu.wait_dma2 semaphore(%arg13 : memref<!tpu.dma_semaphore, #tpu.memory_space<semaphore_mem>>) src(%dma_wait3A_270 : memref<120x256xf32, #tpu.memory_space<hbm>>) dst(%dma_wait3A_263 : memref<120x256xf32, #tpu.memory_space<vmem>>)
    %dma_wait3A_271 = arith.constant 0 : i32
    %dma_wait3A_272 = arith.constant 2 : i32
    %dma_wait3A_273 = arith.constant 0 : i32
    %dma_wait3A_274 = arith.constant 0 : i32
    %dma_wait3A_275 = tpu.memref_slice %arg10[%dma_wait3A_271, %dma_wait3A_273, %dma_wait3A_274] : memref<2x120x256xf32, #tpu.memory_space<vmem>> -> memref<1x120x256xf32, #tpu.memory_space<vmem>>
    %dma_wait3A_276 = tpu.memref_squeeze %dma_wait3A_275 : memref<1x120x256xf32, #tpu.memory_space<vmem>> -> memref<120x256xf32, #tpu.memory_space<vmem>>
    %dma_wait3A_277 = arith.constant 0 : i32
    %dma_wait3A_278 = tpu.memref_slice %arg8[%dma_wait3A_272, %dma_wait3A_277] : memref<5x120xi32, #tpu.memory_space<vmem>> -> memref<1x120xi32, #tpu.memory_space<vmem>>
    %dma_wait3A_279 = tpu.memref_squeeze %dma_wait3A_278 : memref<1x120xi32, #tpu.memory_space<vmem>> -> memref<120xi32, #tpu.memory_space<vmem>>
    %dma_wait3A_280 = arith.constant 0 : i32
    %dma_wait3A_281 = arith.constant 0 : i32
    %dma_wait3A_282 = tpu.memref_slice %arg6[%dma_wait3A_280, %dma_wait3A_281] : memref<57600x256xf32, #tpu.memory_space<hbm>> -> memref<57600x256xf32, #tpu.memory_space<hbm>>
    tpu.wait_indirect_dma semaphore(%arg14 : memref<!tpu.dma_semaphore, #tpu.memory_space<semaphore_mem>>) src(%dma_wait3A_276 : memref<120x256xf32, #tpu.memory_space<vmem>>) dst(%dma_wait3A_282 : memref<57600x256xf32, #tpu.memory_space<hbm>>)
    %dma_start3A_283 = arith.constant 0 : i32
    %dma_start3A_284 = arith.constant 0 : i32
    %dma_start3A_285 = arith.constant 0 : i32
    %dma_start3A_286 = tpu.memref_slice %arg10[%dma_start3A_283, %dma_start3A_284, %dma_start3A_285] : memref<2x120x256xf32, #tpu.memory_space<vmem>> -> memref<1x120x256xf32, #tpu.memory_space<vmem>>
    %dma_start3A_287 = tpu.memref_squeeze %dma_start3A_286 : memref<1x120x256xf32, #tpu.memory_space<vmem>> -> memref<120x256xf32, #tpu.memory_space<vmem>>
    %dma_start3A_288 = arith.constant 0 : i32
    %dma_start3A_289 = arith.constant 0 : i32
    %dma_start3A_290 = tpu.memref_slice %arg5[%add3A_4, %dma_start3A_288, %dma_start3A_289] : memref<64x600x256xf32, #tpu.memory_space<hbm>> -> memref<1x600x256xf32, #tpu.memory_space<hbm>>
    %dma_start3A_291 = tpu.memref_squeeze %dma_start3A_290 : memref<1x600x256xf32, #tpu.memory_space<hbm>> -> memref<600x256xf32, #tpu.memory_space<hbm>>
    %dma_start3A_292 = arith.constant 480 : i32
    %dma_start3A_293 = arith.constant 0 : i32
    %dma_start3A_294 = tpu.memref_slice %dma_start3A_291[%dma_start3A_292, %dma_start3A_293] : memref<600x256xf32, #tpu.memory_space<hbm>> -> memref<120x256xf32, #tpu.memory_space<hbm>>
    %dma_start3A_295 = arith.constant 0 : i32
    %dma_start3A_296 = arith.constant 0 : i32
    %dma_start3A_297 = tpu.memref_slice %arg10[%dma_start3A_283, %dma_start3A_295, %dma_start3A_296] : memref<2x120x256xf32, #tpu.memory_space<vmem>> -> memref<1x120x256xf32, #tpu.memory_space<vmem>>
    %dma_start3A_298 = tpu.memref_squeeze %dma_start3A_297 : memref<1x120x256xf32, #tpu.memory_space<vmem>> -> memref<120x256xf32, #tpu.memory_space<vmem>>
    %dma_start3A_299 = arith.constant 0 : i32
    %dma_start3A_300 = arith.constant 0 : i32
    %dma_start3A_301 = tpu.memref_slice %arg5[%add3A_4, %dma_start3A_299, %dma_start3A_300] : memref<64x600x256xf32, #tpu.memory_space<hbm>> -> memref<1x600x256xf32, #tpu.memory_space<hbm>>
    %dma_start3A_302 = tpu.memref_squeeze %dma_start3A_301 : memref<1x600x256xf32, #tpu.memory_space<hbm>> -> memref<600x256xf32, #tpu.memory_space<hbm>>
    %dma_start3A_303 = arith.constant 480 : i32
    %dma_start3A_304 = arith.constant 0 : i32
    %dma_start3A_305 = tpu.memref_slice %dma_start3A_302[%dma_start3A_303, %dma_start3A_304] : memref<600x256xf32, #tpu.memory_space<hbm>> -> memref<120x256xf32, #tpu.memory_space<hbm>>
    tpu.enqueue_dma source(%dma_start3A_305 : memref<120x256xf32, #tpu.memory_space<hbm>>) target(%dma_start3A_298 : memref<120x256xf32, #tpu.memory_space<vmem>>) target_semaphore(%arg13 : memref<!tpu.dma_semaphore, #tpu.memory_space<semaphore_mem>>)
    %dma_start3A_306 = arith.constant 1 : i32
    %dma_start3A_307 = arith.constant 3 : i32
    %dma_start3A_308 = arith.constant 0 : i32
    %dma_start3A_309 = arith.constant 0 : i32
    %dma_start3A_310 = tpu.memref_slice %arg10[%dma_start3A_306, %dma_start3A_308, %dma_start3A_309] : memref<2x120x256xf32, #tpu.memory_space<vmem>> -> memref<1x120x256xf32, #tpu.memory_space<vmem>>
    %dma_start3A_311 = tpu.memref_squeeze %dma_start3A_310 : memref<1x120x256xf32, #tpu.memory_space<vmem>> -> memref<120x256xf32, #tpu.memory_space<vmem>>
    %dma_start3A_312 = arith.constant 0 : i32
    %dma_start3A_313 = tpu.memref_slice %arg8[%dma_start3A_307, %dma_start3A_312] : memref<5x120xi32, #tpu.memory_space<vmem>> -> memref<1x120xi32, #tpu.memory_space<vmem>>
    %dma_start3A_314 = tpu.memref_squeeze %dma_start3A_313 : memref<1x120xi32, #tpu.memory_space<vmem>> -> memref<120xi32, #tpu.memory_space<vmem>>
    %dma_start3A_315 = arith.constant 0 : i32
    %dma_start3A_316 = arith.constant 0 : i32
    %dma_start3A_317 = tpu.memref_slice %arg6[%dma_start3A_315, %dma_start3A_316] : memref<57600x256xf32, #tpu.memory_space<hbm>> -> memref<57600x256xf32, #tpu.memory_space<hbm>>
    tpu.enqueue_indirect_dma source(%dma_start3A_311 : memref<120x256xf32, #tpu.memory_space<vmem>>) target(%dma_start3A_317 : memref<57600x256xf32, #tpu.memory_space<hbm>>) offsets(%dma_start3A_314 : memref<120xi32, #tpu.memory_space<vmem>>) semaphore(%arg14 : memref<!tpu.dma_semaphore, #tpu.memory_space<semaphore_mem>>)
    %dma_wait3A_318 = arith.constant 0 : i32
    %dma_wait3A_319 = arith.constant 0 : i32
    %dma_wait3A_320 = arith.constant 0 : i32
    %dma_wait3A_321 = tpu.memref_slice %arg10[%dma_wait3A_318, %dma_wait3A_319, %dma_wait3A_320] : memref<2x120x256xf32, #tpu.memory_space<vmem>> -> memref<1x120x256xf32, #tpu.memory_space<vmem>>
    %dma_wait3A_322 = tpu.memref_squeeze %dma_wait3A_321 : memref<1x120x256xf32, #tpu.memory_space<vmem>> -> memref<120x256xf32, #tpu.memory_space<vmem>>
    %dma_wait3A_323 = arith.constant 0 : i32
    %dma_wait3A_324 = arith.constant 0 : i32
    %dma_wait3A_325 = tpu.memref_slice %arg5[%add3A_4, %dma_wait3A_323, %dma_wait3A_324] : memref<64x600x256xf32, #tpu.memory_space<hbm>> -> memref<1x600x256xf32, #tpu.memory_space<hbm>>
    %dma_wait3A_326 = tpu.memref_squeeze %dma_wait3A_325 : memref<1x600x256xf32, #tpu.memory_space<hbm>> -> memref<600x256xf32, #tpu.memory_space<hbm>>
    %dma_wait3A_327 = arith.constant 480 : i32
    %dma_wait3A_328 = arith.constant 0 : i32
    %dma_wait3A_329 = tpu.memref_slice %dma_wait3A_326[%dma_wait3A_327, %dma_wait3A_328] : memref<600x256xf32, #tpu.memory_space<hbm>> -> memref<120x256xf32, #tpu.memory_space<hbm>>
    %dma_wait3A_330 = arith.constant 0 : i32
    %dma_wait3A_331 = arith.constant 0 : i32
    %dma_wait3A_332 = tpu.memref_slice %arg10[%dma_wait3A_318, %dma_wait3A_330, %dma_wait3A_331] : memref<2x120x256xf32, #tpu.memory_space<vmem>> -> memref<1x120x256xf32, #tpu.memory_space<vmem>>
    %dma_wait3A_333 = tpu.memref_squeeze %dma_wait3A_332 : memref<1x120x256xf32, #tpu.memory_space<vmem>> -> memref<120x256xf32, #tpu.memory_space<vmem>>
    %dma_wait3A_334 = arith.constant 0 : i32
    %dma_wait3A_335 = arith.constant 0 : i32
    %dma_wait3A_336 = tpu.memref_slice %arg5[%add3A_4, %dma_wait3A_334, %dma_wait3A_335] : memref<64x600x256xf32, #tpu.memory_space<hbm>> -> memref<1x600x256xf32, #tpu.memory_space<hbm>>
    %dma_wait3A_337 = tpu.memref_squeeze %dma_wait3A_336 : memref<1x600x256xf32, #tpu.memory_space<hbm>> -> memref<600x256xf32, #tpu.memory_space<hbm>>
    %dma_wait3A_338 = arith.constant 480 : i32
    %dma_wait3A_339 = arith.constant 0 : i32
    %dma_wait3A_340 = tpu.memref_slice %dma_wait3A_337[%dma_wait3A_338, %dma_wait3A_339] : memref<600x256xf32, #tpu.memory_space<hbm>> -> memref<120x256xf32, #tpu.memory_space<hbm>>
    tpu.wait_dma2 semaphore(%arg13 : memref<!tpu.dma_semaphore, #tpu.memory_space<semaphore_mem>>) src(%dma_wait3A_340 : memref<120x256xf32, #tpu.memory_space<hbm>>) dst(%dma_wait3A_333 : memref<120x256xf32, #tpu.memory_space<vmem>>)
    %dma_start3A_341 = arith.constant 0 : i32
    %dma_start3A_342 = arith.constant 4 : i32
    %dma_start3A_343 = arith.constant 0 : i32
    %dma_start3A_344 = arith.constant 0 : i32
    %dma_start3A_345 = tpu.memref_slice %arg10[%dma_start3A_341, %dma_start3A_343, %dma_start3A_344] : memref<2x120x256xf32, #tpu.memory_space<vmem>> -> memref<1x120x256xf32, #tpu.memory_space<vmem>>
    %dma_start3A_346 = tpu.memref_squeeze %dma_start3A_345 : memref<1x120x256xf32, #tpu.memory_space<vmem>> -> memref<120x256xf32, #tpu.memory_space<vmem>>
    %dma_start3A_347 = arith.constant 0 : i32
    %dma_start3A_348 = tpu.memref_slice %arg8[%dma_start3A_342, %dma_start3A_347] : memref<5x120xi32, #tpu.memory_space<vmem>> -> memref<1x120xi32, #tpu.memory_space<vmem>>
    %dma_start3A_349 = tpu.memref_squeeze %dma_start3A_348 : memref<1x120xi32, #tpu.memory_space<vmem>> -> memref<120xi32, #tpu.memory_space<vmem>>
    %dma_start3A_350 = arith.constant 0 : i32
    %dma_start3A_351 = arith.constant 0 : i32
    %dma_start3A_352 = tpu.memref_slice %arg6[%dma_start3A_350, %dma_start3A_351] : memref<57600x256xf32, #tpu.memory_space<hbm>> -> memref<57600x256xf32, #tpu.memory_space<hbm>>
    tpu.enqueue_indirect_dma source(%dma_start3A_346 : memref<120x256xf32, #tpu.memory_space<vmem>>) target(%dma_start3A_352 : memref<57600x256xf32, #tpu.memory_space<hbm>>) offsets(%dma_start3A_349 : memref<120xi32, #tpu.memory_space<vmem>>) semaphore(%arg14 : memref<!tpu.dma_semaphore, #tpu.memory_space<semaphore_mem>>)
    %dma_wait3A_353 = arith.constant 0 : i32
    %dma_wait3A_354 = arith.constant 0 : i32
    %dma_wait3A_355 = arith.constant 0 : i32
    %dma_wait3A_356 = arith.constant 0 : i32
    %dma_wait3A_357 = tpu.memref_slice %arg9[%dma_wait3A_354, %dma_wait3A_355, %dma_wait3A_356] : memref<2x100x256xf32, #tpu.memory_space<vmem>> -> memref<1x100x256xf32, #tpu.memory_space<vmem>>
    %dma_wait3A_358 = tpu.memref_squeeze %dma_wait3A_357 : memref<1x100x256xf32, #tpu.memory_space<vmem>> -> memref<100x256xf32, #tpu.memory_space<vmem>>
    %dma_wait3A_359 = arith.constant 0 : i32
    %dma_wait3A_360 = tpu.memref_slice %arg7[%dma_wait3A_353, %dma_wait3A_359] : memref<6x100xi32, #tpu.memory_space<vmem>> -> memref<1x100xi32, #tpu.memory_space<vmem>>
    %dma_wait3A_361 = tpu.memref_squeeze %dma_wait3A_360 : memref<1x100xi32, #tpu.memory_space<vmem>> -> memref<100xi32, #tpu.memory_space<vmem>>
    %dma_wait3A_362 = arith.constant 0 : i32
    %dma_wait3A_363 = arith.constant 0 : i32
    %dma_wait3A_364 = tpu.memref_slice %arg2[%dma_wait3A_362, %dma_wait3A_363] : memref<57600x256xf32, #tpu.memory_space<hbm>> -> memref<57600x256xf32, #tpu.memory_space<hbm>>
    tpu.wait_indirect_dma semaphore(%arg11 : memref<!tpu.dma_semaphore, #tpu.memory_space<semaphore_mem>>) src(%dma_wait3A_364 : memref<57600x256xf32, #tpu.memory_space<hbm>>) dst(%dma_wait3A_358 : memref<100x256xf32, #tpu.memory_space<vmem>>)
    %dma_start3A_365 = arith.constant 0 : i32
    %dma_start3A_366 = arith.constant 3 : i32
    %dma_start3A_367 = arith.constant 0 : i32
    %dma_start3A_368 = arith.constant 0 : i32
    %dma_start3A_369 = tpu.memref_slice %arg9[%dma_start3A_365, %dma_start3A_367, %dma_start3A_368] : memref<2x100x256xf32, #tpu.memory_space<vmem>> -> memref<1x100x256xf32, #tpu.memory_space<vmem>>
    %dma_start3A_370 = tpu.memref_squeeze %dma_start3A_369 : memref<1x100x256xf32, #tpu.memory_space<vmem>> -> memref<100x256xf32, #tpu.memory_space<vmem>>
    %dma_start3A_371 = arith.constant 0 : i32
    %dma_start3A_372 = tpu.memref_slice %arg7[%dma_start3A_366, %dma_start3A_371] : memref<6x100xi32, #tpu.memory_space<vmem>> -> memref<1x100xi32, #tpu.memory_space<vmem>>
    %dma_start3A_373 = tpu.memref_squeeze %dma_start3A_372 : memref<1x100xi32, #tpu.memory_space<vmem>> -> memref<100xi32, #tpu.memory_space<vmem>>
    %dma_start3A_374 = arith.constant 0 : i32
    %dma_start3A_375 = arith.constant 0 : i32
    %dma_start3A_376 = tpu.memref_slice %arg6[%dma_start3A_374, %dma_start3A_375] : memref<57600x256xf32, #tpu.memory_space<hbm>> -> memref<57600x256xf32, #tpu.memory_space<hbm>>
    tpu.enqueue_indirect_dma source(%dma_start3A_370 : memref<100x256xf32, #tpu.memory_space<vmem>>) target(%dma_start3A_376 : memref<57600x256xf32, #tpu.memory_space<hbm>>) offsets(%dma_start3A_373 : memref<100xi32, #tpu.memory_space<vmem>>) semaphore(%arg12 : memref<!tpu.dma_semaphore, #tpu.memory_space<semaphore_mem>>)
    %dma_wait3A_377 = arith.constant 1 : i32
    %dma_wait3A_378 = arith.constant 1 : i32
    %dma_wait3A_379 = arith.constant 0 : i32
    %dma_wait3A_380 = arith.constant 0 : i32
    %dma_wait3A_381 = tpu.memref_slice %arg9[%dma_wait3A_378, %dma_wait3A_379, %dma_wait3A_380] : memref<2x100x256xf32, #tpu.memory_space<vmem>> -> memref<1x100x256xf32, #tpu.memory_space<vmem>>
    %dma_wait3A_382 = tpu.memref_squeeze %dma_wait3A_381 : memref<1x100x256xf32, #tpu.memory_space<vmem>> -> memref<100x256xf32, #tpu.memory_space<vmem>>
    %dma_wait3A_383 = arith.constant 0 : i32
    %dma_wait3A_384 = tpu.memref_slice %arg7[%dma_wait3A_377, %dma_wait3A_383] : memref<6x100xi32, #tpu.memory_space<vmem>> -> memref<1x100xi32, #tpu.memory_space<vmem>>
    %dma_wait3A_385 = tpu.memref_squeeze %dma_wait3A_384 : memref<1x100xi32, #tpu.memory_space<vmem>> -> memref<100xi32, #tpu.memory_space<vmem>>
    %dma_wait3A_386 = arith.constant 0 : i32
    %dma_wait3A_387 = arith.constant 0 : i32
    %dma_wait3A_388 = tpu.memref_slice %arg2[%dma_wait3A_386, %dma_wait3A_387] : memref<57600x256xf32, #tpu.memory_space<hbm>> -> memref<57600x256xf32, #tpu.memory_space<hbm>>
    tpu.wait_indirect_dma semaphore(%arg11 : memref<!tpu.dma_semaphore, #tpu.memory_space<semaphore_mem>>) src(%dma_wait3A_388 : memref<57600x256xf32, #tpu.memory_space<hbm>>) dst(%dma_wait3A_382 : memref<100x256xf32, #tpu.memory_space<vmem>>)
    %dma_start3A_389 = arith.constant 1 : i32
    %dma_start3A_390 = arith.constant 4 : i32
    %dma_start3A_391 = arith.constant 0 : i32
    %dma_start3A_392 = arith.constant 0 : i32
    %dma_start3A_393 = tpu.memref_slice %arg9[%dma_start3A_389, %dma_start3A_391, %dma_start3A_392] : memref<2x100x256xf32, #tpu.memory_space<vmem>> -> memref<1x100x256xf32, #tpu.memory_space<vmem>>
    %dma_start3A_394 = tpu.memref_squeeze %dma_start3A_393 : memref<1x100x256xf32, #tpu.memory_space<vmem>> -> memref<100x256xf32, #tpu.memory_space<vmem>>
    %dma_start3A_395 = arith.constant 0 : i32
    %dma_start3A_396 = tpu.memref_slice %arg7[%dma_start3A_390, %dma_start3A_395] : memref<6x100xi32, #tpu.memory_space<vmem>> -> memref<1x100xi32, #tpu.memory_space<vmem>>
    %dma_start3A_397 = tpu.memref_squeeze %dma_start3A_396 : memref<1x100xi32, #tpu.memory_space<vmem>> -> memref<100xi32, #tpu.memory_space<vmem>>
    %dma_start3A_398 = arith.constant 0 : i32
    %dma_start3A_399 = arith.constant 0 : i32
    %dma_start3A_400 = tpu.memref_slice %arg6[%dma_start3A_398, %dma_start3A_399] : memref<57600x256xf32, #tpu.memory_space<hbm>> -> memref<57600x256xf32, #tpu.memory_space<hbm>>
    tpu.enqueue_indirect_dma source(%dma_start3A_394 : memref<100x256xf32, #tpu.memory_space<vmem>>) target(%dma_start3A_400 : memref<57600x256xf32, #tpu.memory_space<hbm>>) offsets(%dma_start3A_397 : memref<100xi32, #tpu.memory_space<vmem>>) semaphore(%arg12 : memref<!tpu.dma_semaphore, #tpu.memory_space<semaphore_mem>>)
    %dma_wait3A_401 = arith.constant 0 : i32
    %dma_wait3A_402 = arith.constant 3 : i32
    %dma_wait3A_403 = arith.constant 0 : i32
    %dma_wait3A_404 = arith.constant 0 : i32
    %dma_wait3A_405 = tpu.memref_slice %arg9[%dma_wait3A_401, %dma_wait3A_403, %dma_wait3A_404] : memref<2x100x256xf32, #tpu.memory_space<vmem>> -> memref<1x100x256xf32, #tpu.memory_space<vmem>>
    %dma_wait3A_406 = tpu.memref_squeeze %dma_wait3A_405 : memref<1x100x256xf32, #tpu.memory_space<vmem>> -> memref<100x256xf32, #tpu.memory_space<vmem>>
    %dma_wait3A_407 = arith.constant 0 : i32
    %dma_wait3A_408 = tpu.memref_slice %arg7[%dma_wait3A_402, %dma_wait3A_407] : memref<6x100xi32, #tpu.memory_space<vmem>> -> memref<1x100xi32, #tpu.memory_space<vmem>>
    %dma_wait3A_409 = tpu.memref_squeeze %dma_wait3A_408 : memref<1x100xi32, #tpu.memory_space<vmem>> -> memref<100xi32, #tpu.memory_space<vmem>>
    %dma_wait3A_410 = arith.constant 0 : i32
    %dma_wait3A_411 = arith.constant 0 : i32
    %dma_wait3A_412 = tpu.memref_slice %arg6[%dma_wait3A_410, %dma_wait3A_411] : memref<57600x256xf32, #tpu.memory_space<hbm>> -> memref<57600x256xf32, #tpu.memory_space<hbm>>
    tpu.wait_indirect_dma semaphore(%arg12 : memref<!tpu.dma_semaphore, #tpu.memory_space<semaphore_mem>>) src(%dma_wait3A_406 : memref<100x256xf32, #tpu.memory_space<vmem>>) dst(%dma_wait3A_412 : memref<57600x256xf32, #tpu.memory_space<hbm>>)
    %dma_start3A_413 = arith.constant 2 : i32
    %dma_start3A_414 = arith.constant 0 : i32
    %dma_start3A_415 = arith.constant 0 : i32
    %dma_start3A_416 = arith.constant 0 : i32
    %dma_start3A_417 = tpu.memref_slice %arg9[%dma_start3A_414, %dma_start3A_415, %dma_start3A_416] : memref<2x100x256xf32, #tpu.memory_space<vmem>> -> memref<1x100x256xf32, #tpu.memory_space<vmem>>
    %dma_start3A_418 = tpu.memref_squeeze %dma_start3A_417 : memref<1x100x256xf32, #tpu.memory_space<vmem>> -> memref<100x256xf32, #tpu.memory_space<vmem>>
    %dma_start3A_419 = arith.constant 0 : i32
    %dma_start3A_420 = tpu.memref_slice %arg7[%dma_start3A_413, %dma_start3A_419] : memref<6x100xi32, #tpu.memory_space<vmem>> -> memref<1x100xi32, #tpu.memory_space<vmem>>
    %dma_start3A_421 = tpu.memref_squeeze %dma_start3A_420 : memref<1x100xi32, #tpu.memory_space<vmem>> -> memref<100xi32, #tpu.memory_space<vmem>>
    %dma_start3A_422 = arith.constant 0 : i32
    %dma_start3A_423 = arith.constant 0 : i32
    %dma_start3A_424 = tpu.memref_slice %arg2[%dma_start3A_422, %dma_start3A_423] : memref<57600x256xf32, #tpu.memory_space<hbm>> -> memref<57600x256xf32, #tpu.memory_space<hbm>>
    tpu.enqueue_indirect_dma source(%dma_start3A_424 : memref<57600x256xf32, #tpu.memory_space<hbm>>) target(%dma_start3A_418 : memref<100x256xf32, #tpu.memory_space<vmem>>) offsets(%dma_start3A_421 : memref<100xi32, #tpu.memory_space<vmem>>) semaphore(%arg11 : memref<!tpu.dma_semaphore, #tpu.memory_space<semaphore_mem>>)
    %dma_wait3A_425 = arith.constant 2 : i32
    %dma_wait3A_426 = arith.constant 0 : i32
    %dma_wait3A_427 = arith.constant 0 : i32
    %dma_wait3A_428 = arith.constant 0 : i32
    %dma_wait3A_429 = tpu.memref_slice %arg9[%dma_wait3A_426, %dma_wait3A_427, %dma_wait3A_428] : memref<2x100x256xf32, #tpu.memory_space<vmem>> -> memref<1x100x256xf32, #tpu.memory_space<vmem>>
    %dma_wait3A_430 = tpu.memref_squeeze %dma_wait3A_429 : memref<1x100x256xf32, #tpu.memory_space<vmem>> -> memref<100x256xf32, #tpu.memory_space<vmem>>
    %dma_wait3A_431 = arith.constant 0 : i32
    %dma_wait3A_432 = tpu.memref_slice %arg7[%dma_wait3A_425, %dma_wait3A_431] : memref<6x100xi32, #tpu.memory_space<vmem>> -> memref<1x100xi32, #tpu.memory_space<vmem>>
    %dma_wait3A_433 = tpu.memref_squeeze %dma_wait3A_432 : memref<1x100xi32, #tpu.memory_space<vmem>> -> memref<100xi32, #tpu.memory_space<vmem>>
    %dma_wait3A_434 = arith.constant 0 : i32
    %dma_wait3A_435 = arith.constant 0 : i32
    %dma_wait3A_436 = tpu.memref_slice %arg2[%dma_wait3A_434, %dma_wait3A_435] : memref<57600x256xf32, #tpu.memory_space<hbm>> -> memref<57600x256xf32, #tpu.memory_space<hbm>>
    tpu.wait_indirect_dma semaphore(%arg11 : memref<!tpu.dma_semaphore, #tpu.memory_space<semaphore_mem>>) src(%dma_wait3A_436 : memref<57600x256xf32, #tpu.memory_space<hbm>>) dst(%dma_wait3A_430 : memref<100x256xf32, #tpu.memory_space<vmem>>)
    %dma_start3A_437 = arith.constant 0 : i32
    %dma_start3A_438 = arith.constant 5 : i32
    %dma_start3A_439 = arith.constant 0 : i32
    %dma_start3A_440 = arith.constant 0 : i32
    %dma_start3A_441 = tpu.memref_slice %arg9[%dma_start3A_437, %dma_start3A_439, %dma_start3A_440] : memref<2x100x256xf32, #tpu.memory_space<vmem>> -> memref<1x100x256xf32, #tpu.memory_space<vmem>>
    %dma_start3A_442 = tpu.memref_squeeze %dma_start3A_441 : memref<1x100x256xf32, #tpu.memory_space<vmem>> -> memref<100x256xf32, #tpu.memory_space<vmem>>
    %dma_start3A_443 = arith.constant 0 : i32
    %dma_start3A_444 = tpu.memref_slice %arg7[%dma_start3A_438, %dma_start3A_443] : memref<6x100xi32, #tpu.memory_space<vmem>> -> memref<1x100xi32, #tpu.memory_space<vmem>>
    %dma_start3A_445 = tpu.memref_squeeze %dma_start3A_444 : memref<1x100xi32, #tpu.memory_space<vmem>> -> memref<100xi32, #tpu.memory_space<vmem>>
    %dma_start3A_446 = arith.constant 0 : i32
    %dma_start3A_447 = arith.constant 0 : i32
    %dma_start3A_448 = tpu.memref_slice %arg6[%dma_start3A_446, %dma_start3A_447] : memref<57600x256xf32, #tpu.memory_space<hbm>> -> memref<57600x256xf32, #tpu.memory_space<hbm>>
    tpu.enqueue_indirect_dma source(%dma_start3A_442 : memref<100x256xf32, #tpu.memory_space<vmem>>) target(%dma_start3A_448 : memref<57600x256xf32, #tpu.memory_space<hbm>>) offsets(%dma_start3A_445 : memref<100xi32, #tpu.memory_space<vmem>>) semaphore(%arg12 : memref<!tpu.dma_semaphore, #tpu.memory_space<semaphore_mem>>)
    %dma_wait3A_449 = arith.constant 1 : i32
    %dma_wait3A_450 = arith.constant 4 : i32
    %dma_wait3A_451 = arith.constant 0 : i32
    %dma_wait3A_452 = arith.constant 0 : i32
    %dma_wait3A_453 = tpu.memref_slice %arg9[%dma_wait3A_449, %dma_wait3A_451, %dma_wait3A_452] : memref<2x100x256xf32, #tpu.memory_space<vmem>> -> memref<1x100x256xf32, #tpu.memory_space<vmem>>
    %dma_wait3A_454 = tpu.memref_squeeze %dma_wait3A_453 : memref<1x100x256xf32, #tpu.memory_space<vmem>> -> memref<100x256xf32, #tpu.memory_space<vmem>>
    %dma_wait3A_455 = arith.constant 0 : i32
    %dma_wait3A_456 = tpu.memref_slice %arg7[%dma_wait3A_450, %dma_wait3A_455] : memref<6x100xi32, #tpu.memory_space<vmem>> -> memref<1x100xi32, #tpu.memory_space<vmem>>
    %dma_wait3A_457 = tpu.memref_squeeze %dma_wait3A_456 : memref<1x100xi32, #tpu.memory_space<vmem>> -> memref<100xi32, #tpu.memory_space<vmem>>
    %dma_wait3A_458 = arith.constant 0 : i32
    %dma_wait3A_459 = arith.constant 0 : i32
    %dma_wait3A_460 = tpu.memref_slice %arg6[%dma_wait3A_458, %dma_wait3A_459] : memref<57600x256xf32, #tpu.memory_space<hbm>> -> memref<57600x256xf32, #tpu.memory_space<hbm>>
    tpu.wait_indirect_dma semaphore(%arg12 : memref<!tpu.dma_semaphore, #tpu.memory_space<semaphore_mem>>) src(%dma_wait3A_454 : memref<100x256xf32, #tpu.memory_space<vmem>>) dst(%dma_wait3A_460 : memref<57600x256xf32, #tpu.memory_space<hbm>>)
    %dma_wait3A_461 = arith.constant 0 : i32
    %dma_wait3A_462 = arith.constant 5 : i32
    %dma_wait3A_463 = arith.constant 0 : i32
    %dma_wait3A_464 = arith.constant 0 : i32
    %dma_wait3A_465 = tpu.memref_slice %arg9[%dma_wait3A_461, %dma_wait3A_463, %dma_wait3A_464] : memref<2x100x256xf32, #tpu.memory_space<vmem>> -> memref<1x100x256xf32, #tpu.memory_space<vmem>>
    %dma_wait3A_466 = tpu.memref_squeeze %dma_wait3A_465 : memref<1x100x256xf32, #tpu.memory_space<vmem>> -> memref<100x256xf32, #tpu.memory_space<vmem>>
    %dma_wait3A_467 = arith.constant 0 : i32
    %dma_wait3A_468 = tpu.memref_slice %arg7[%dma_wait3A_462, %dma_wait3A_467] : memref<6x100xi32, #tpu.memory_space<vmem>> -> memref<1x100xi32, #tpu.memory_space<vmem>>
    %dma_wait3A_469 = tpu.memref_squeeze %dma_wait3A_468 : memref<1x100xi32, #tpu.memory_space<vmem>> -> memref<100xi32, #tpu.memory_space<vmem>>
    %dma_wait3A_470 = arith.constant 0 : i32
    %dma_wait3A_471 = arith.constant 0 : i32
    %dma_wait3A_472 = tpu.memref_slice %arg6[%dma_wait3A_470, %dma_wait3A_471] : memref<57600x256xf32, #tpu.memory_space<hbm>> -> memref<57600x256xf32, #tpu.memory_space<hbm>>
    tpu.wait_indirect_dma semaphore(%arg12 : memref<!tpu.dma_semaphore, #tpu.memory_space<semaphore_mem>>) src(%dma_wait3A_466 : memref<100x256xf32, #tpu.memory_space<vmem>>) dst(%dma_wait3A_472 : memref<57600x256xf32, #tpu.memory_space<hbm>>)
    %dma_wait3A_473 = arith.constant 1 : i32
    %dma_wait3A_474 = arith.constant 3 : i32
    %dma_wait3A_475 = arith.constant 0 : i32
    %dma_wait3A_476 = arith.constant 0 : i32
    %dma_wait3A_477 = tpu.memref_slice %arg10[%dma_wait3A_473, %dma_wait3A_475, %dma_wait3A_476] : memref<2x120x256xf32, #tpu.memory_space<vmem>> -> memref<1x120x256xf32, #tpu.memory_space<vmem>>
    %dma_wait3A_478 = tpu.memref_squeeze %dma_wait3A_477 : memref<1x120x256xf32, #tpu.memory_space<vmem>> -> memref<120x256xf32, #tpu.memory_space<vmem>>
    %dma_wait3A_479 = arith.constant 0 : i32
    %dma_wait3A_480 = tpu.memref_slice %arg8[%dma_wait3A_474, %dma_wait3A_479] : memref<5x120xi32, #tpu.memory_space<vmem>> -> memref<1x120xi32, #tpu.memory_space<vmem>>
    %dma_wait3A_481 = tpu.memref_squeeze %dma_wait3A_480 : memref<1x120xi32, #tpu.memory_space<vmem>> -> memref<120xi32, #tpu.memory_space<vmem>>
    %dma_wait3A_482 = arith.constant 0 : i32
    %dma_wait3A_483 = arith.constant 0 : i32
    %dma_wait3A_484 = tpu.memref_slice %arg6[%dma_wait3A_482, %dma_wait3A_483] : memref<57600x256xf32, #tpu.memory_space<hbm>> -> memref<57600x256xf32, #tpu.memory_space<hbm>>
    tpu.wait_indirect_dma semaphore(%arg14 : memref<!tpu.dma_semaphore, #tpu.memory_space<semaphore_mem>>) src(%dma_wait3A_478 : memref<120x256xf32, #tpu.memory_space<vmem>>) dst(%dma_wait3A_484 : memref<57600x256xf32, #tpu.memory_space<hbm>>)
    %dma_wait3A_485 = arith.constant 0 : i32
    %dma_wait3A_486 = arith.constant 4 : i32
    %dma_wait3A_487 = arith.constant 0 : i32
    %dma_wait3A_488 = arith.constant 0 : i32
    %dma_wait3A_489 = tpu.memref_slice %arg10[%dma_wait3A_485, %dma_wait3A_487, %dma_wait3A_488] : memref<2x120x256xf32, #tpu.memory_space<vmem>> -> memref<1x120x256xf32, #tpu.memory_space<vmem>>
    %dma_wait3A_490 = tpu.memref_squeeze %dma_wait3A_489 : memref<1x120x256xf32, #tpu.memory_space<vmem>> -> memref<120x256xf32, #tpu.memory_space<vmem>>
    %dma_wait3A_491 = arith.constant 0 : i32
    %dma_wait3A_492 = tpu.memref_slice %arg8[%dma_wait3A_486, %dma_wait3A_491] : memref<5x120xi32, #tpu.memory_space<vmem>> -> memref<1x120xi32, #tpu.memory_space<vmem>>
    %dma_wait3A_493 = tpu.memref_squeeze %dma_wait3A_492 : memref<1x120xi32, #tpu.memory_space<vmem>> -> memref<120xi32, #tpu.memory_space<vmem>>
    %dma_wait3A_494 = arith.constant 0 : i32
    %dma_wait3A_495 = arith.constant 0 : i32
    %dma_wait3A_496 = tpu.memref_slice %arg6[%dma_wait3A_494, %dma_wait3A_495] : memref<57600x256xf32, #tpu.memory_space<hbm>> -> memref<57600x256xf32, #tpu.memory_space<hbm>>
    tpu.wait_indirect_dma semaphore(%arg14 : memref<!tpu.dma_semaphore, #tpu.memory_space<semaphore_mem>>) src(%dma_wait3A_490 : memref<120x256xf32, #tpu.memory_space<vmem>>) dst(%dma_wait3A_496 : memref<57600x256xf32, #tpu.memory_space<hbm>>)
    %mul3A_497 = arith.constant 2 : i32
    %mul3A_498 = arith.muli %add3A, %mul3A_497 : i32
    %add3A_499 = arith.constant 1 : i32
    %add3A_500 = arith.addi %mul3A_498, %add3A_499 : i32
    "tpu.region"() ({
      %run_scoped3A = tpu.sem_alloc : memref<!tpu.dma_semaphore, #tpu.memory_space<semaphore_mem>>
      %dma_start3A_995 = arith.constant 0 : i32
      %dma_start3A_996 = arith.constant 0 : i32
      %dma_start3A_997 = tpu.memref_slice %arg3[%add3A_500, %dma_start3A_995, %dma_start3A_996] : memref<64x6x100xi32, #tpu.memory_space<hbm>> -> memref<1x6x100xi32, #tpu.memory_space<hbm>>
      %dma_start3A_998 = tpu.memref_squeeze %dma_start3A_997 : memref<1x6x100xi32, #tpu.memory_space<hbm>> -> memref<6x100xi32, #tpu.memory_space<hbm>>
      %dma_start3A_999 = arith.constant 0 : i32
      %dma_start3A_1000 = arith.constant 0 : i32
      %dma_start3A_1001 = tpu.memref_slice %arg3[%add3A_500, %dma_start3A_999, %dma_start3A_1000] : memref<64x6x100xi32, #tpu.memory_space<hbm>> -> memref<1x6x100xi32, #tpu.memory_space<hbm>>
      %dma_start3A_1002 = tpu.memref_squeeze %dma_start3A_1001 : memref<1x6x100xi32, #tpu.memory_space<hbm>> -> memref<6x100xi32, #tpu.memory_space<hbm>>
      tpu.enqueue_dma source(%dma_start3A_1002 : memref<6x100xi32, #tpu.memory_space<hbm>>) target(%arg7 : memref<6x100xi32, #tpu.memory_space<vmem>>) target_semaphore(%run_scoped3A : memref<!tpu.dma_semaphore, #tpu.memory_space<semaphore_mem>>)
      %dma_wait3A_1003 = arith.constant 0 : i32
      %dma_wait3A_1004 = arith.constant 0 : i32
      %dma_wait3A_1005 = tpu.memref_slice %arg3[%add3A_500, %dma_wait3A_1003, %dma_wait3A_1004] : memref<64x6x100xi32, #tpu.memory_space<hbm>> -> memref<1x6x100xi32, #tpu.memory_space<hbm>>
      %dma_wait3A_1006 = tpu.memref_squeeze %dma_wait3A_1005 : memref<1x6x100xi32, #tpu.memory_space<hbm>> -> memref<6x100xi32, #tpu.memory_space<hbm>>
      %dma_wait3A_1007 = arith.constant 0 : i32
      %dma_wait3A_1008 = arith.constant 0 : i32
      %dma_wait3A_1009 = tpu.memref_slice %arg3[%add3A_500, %dma_wait3A_1007, %dma_wait3A_1008] : memref<64x6x100xi32, #tpu.memory_space<hbm>> -> memref<1x6x100xi32, #tpu.memory_space<hbm>>
      %dma_wait3A_1010 = tpu.memref_squeeze %dma_wait3A_1009 : memref<1x6x100xi32, #tpu.memory_space<hbm>> -> memref<6x100xi32, #tpu.memory_space<hbm>>
      tpu.wait_dma2 semaphore(%run_scoped3A : memref<!tpu.dma_semaphore, #tpu.memory_space<semaphore_mem>>) src(%dma_wait3A_1010 : memref<6x100xi32, #tpu.memory_space<hbm>>) dst(%arg7 : memref<6x100xi32, #tpu.memory_space<vmem>>)
      tpu.yield
    }) : () -> ()
    "tpu.region"() ({
      %run_scoped3A = tpu.sem_alloc : memref<!tpu.dma_semaphore, #tpu.memory_space<semaphore_mem>>
      %dma_start3A_995 = arith.constant 0 : i32
      %dma_start3A_996 = arith.constant 0 : i32
      %dma_start3A_997 = tpu.memref_slice %arg4[%add3A_500, %dma_start3A_995, %dma_start3A_996] : memref<64x5x120xi32, #tpu.memory_space<hbm>> -> memref<1x5x120xi32, #tpu.memory_space<hbm>>
      %dma_start3A_998 = tpu.memref_squeeze %dma_start3A_997 : memref<1x5x120xi32, #tpu.memory_space<hbm>> -> memref<5x120xi32, #tpu.memory_space<hbm>>
      %dma_start3A_999 = arith.constant 0 : i32
      %dma_start3A_1000 = arith.constant 0 : i32
      %dma_start3A_1001 = tpu.memref_slice %arg4[%add3A_500, %dma_start3A_999, %dma_start3A_1000] : memref<64x5x120xi32, #tpu.memory_space<hbm>> -> memref<1x5x120xi32, #tpu.memory_space<hbm>>
      %dma_start3A_1002 = tpu.memref_squeeze %dma_start3A_1001 : memref<1x5x120xi32, #tpu.memory_space<hbm>> -> memref<5x120xi32, #tpu.memory_space<hbm>>
      tpu.enqueue_dma source(%dma_start3A_1002 : memref<5x120xi32, #tpu.memory_space<hbm>>) target(%arg8 : memref<5x120xi32, #tpu.memory_space<vmem>>) target_semaphore(%run_scoped3A : memref<!tpu.dma_semaphore, #tpu.memory_space<semaphore_mem>>)
      %dma_wait3A_1003 = arith.constant 0 : i32
      %dma_wait3A_1004 = arith.constant 0 : i32
      %dma_wait3A_1005 = tpu.memref_slice %arg4[%add3A_500, %dma_wait3A_1003, %dma_wait3A_1004] : memref<64x5x120xi32, #tpu.memory_space<hbm>> -> memref<1x5x120xi32, #tpu.memory_space<hbm>>
      %dma_wait3A_1006 = tpu.memref_squeeze %dma_wait3A_1005 : memref<1x5x120xi32, #tpu.memory_space<hbm>> -> memref<5x120xi32, #tpu.memory_space<hbm>>
      %dma_wait3A_1007 = arith.constant 0 : i32
      %dma_wait3A_1008 = arith.constant 0 : i32
      %dma_wait3A_1009 = tpu.memref_slice %arg4[%add3A_500, %dma_wait3A_1007, %dma_wait3A_1008] : memref<64x5x120xi32, #tpu.memory_space<hbm>> -> memref<1x5x120xi32, #tpu.memory_space<hbm>>
      %dma_wait3A_1010 = tpu.memref_squeeze %dma_wait3A_1009 : memref<1x5x120xi32, #tpu.memory_space<hbm>> -> memref<5x120xi32, #tpu.memory_space<hbm>>
      tpu.wait_dma2 semaphore(%run_scoped3A : memref<!tpu.dma_semaphore, #tpu.memory_space<semaphore_mem>>) src(%dma_wait3A_1010 : memref<5x120xi32, #tpu.memory_space<hbm>>) dst(%arg8 : memref<5x120xi32, #tpu.memory_space<vmem>>)
      tpu.yield
    }) : () -> ()
    %dma_start3A_501 = arith.constant 0 : i32
    %dma_start3A_502 = arith.constant 0 : i32
    %dma_start3A_503 = arith.constant 0 : i32
    %dma_start3A_504 = arith.constant 0 : i32
    %dma_start3A_505 = tpu.memref_slice %arg9[%dma_start3A_502, %dma_start3A_503, %dma_start3A_504] : memref<2x100x256xf32, #tpu.memory_space<vmem>> -> memref<1x100x256xf32, #tpu.memory_space<vmem>>
    %dma_start3A_506 = tpu.memref_squeeze %dma_start3A_505 : memref<1x100x256xf32, #tpu.memory_space<vmem>> -> memref<100x256xf32, #tpu.memory_space<vmem>>
    %dma_start3A_507 = arith.constant 0 : i32
    %dma_start3A_508 = tpu.memref_slice %arg7[%dma_start3A_501, %dma_start3A_507] : memref<6x100xi32, #tpu.memory_space<vmem>> -> memref<1x100xi32, #tpu.memory_space<vmem>>
    %dma_start3A_509 = tpu.memref_squeeze %dma_start3A_508 : memref<1x100xi32, #tpu.memory_space<vmem>> -> memref<100xi32, #tpu.memory_space<vmem>>
    %dma_start3A_510 = arith.constant 0 : i32
    %dma_start3A_511 = arith.constant 0 : i32
    %dma_start3A_512 = tpu.memref_slice %arg2[%dma_start3A_510, %dma_start3A_511] : memref<57600x256xf32, #tpu.memory_space<hbm>> -> memref<57600x256xf32, #tpu.memory_space<hbm>>
    tpu.enqueue_indirect_dma source(%dma_start3A_512 : memref<57600x256xf32, #tpu.memory_space<hbm>>) target(%dma_start3A_506 : memref<100x256xf32, #tpu.memory_space<vmem>>) offsets(%dma_start3A_509 : memref<100xi32, #tpu.memory_space<vmem>>) semaphore(%arg11 : memref<!tpu.dma_semaphore, #tpu.memory_space<semaphore_mem>>)
    %dma_start3A_513 = arith.constant 1 : i32
    %dma_start3A_514 = arith.constant 1 : i32
    %dma_start3A_515 = arith.constant 0 : i32
    %dma_start3A_516 = arith.constant 0 : i32
    %dma_start3A_517 = tpu.memref_slice %arg9[%dma_start3A_514, %dma_start3A_515, %dma_start3A_516] : memref<2x100x256xf32, #tpu.memory_space<vmem>> -> memref<1x100x256xf32, #tpu.memory_space<vmem>>
    %dma_start3A_518 = tpu.memref_squeeze %dma_start3A_517 : memref<1x100x256xf32, #tpu.memory_space<vmem>> -> memref<100x256xf32, #tpu.memory_space<vmem>>
    %dma_start3A_519 = arith.constant 0 : i32
    %dma_start3A_520 = tpu.memref_slice %arg7[%dma_start3A_513, %dma_start3A_519] : memref<6x100xi32, #tpu.memory_space<vmem>> -> memref<1x100xi32, #tpu.memory_space<vmem>>
    %dma_start3A_521 = tpu.memref_squeeze %dma_start3A_520 : memref<1x100xi32, #tpu.memory_space<vmem>> -> memref<100xi32, #tpu.memory_space<vmem>>
    %dma_start3A_522 = arith.constant 0 : i32
    %dma_start3A_523 = arith.constant 0 : i32
    %dma_start3A_524 = tpu.memref_slice %arg2[%dma_start3A_522, %dma_start3A_523] : memref<57600x256xf32, #tpu.memory_space<hbm>> -> memref<57600x256xf32, #tpu.memory_space<hbm>>
    tpu.enqueue_indirect_dma source(%dma_start3A_524 : memref<57600x256xf32, #tpu.memory_space<hbm>>) target(%dma_start3A_518 : memref<100x256xf32, #tpu.memory_space<vmem>>) offsets(%dma_start3A_521 : memref<100xi32, #tpu.memory_space<vmem>>) semaphore(%arg11 : memref<!tpu.dma_semaphore, #tpu.memory_space<semaphore_mem>>)
    %dma_start3A_525 = arith.constant 0 : i32
    %dma_start3A_526 = arith.constant 0 : i32
    %dma_start3A_527 = arith.constant 0 : i32
    %dma_start3A_528 = tpu.memref_slice %arg10[%dma_start3A_525, %dma_start3A_526, %dma_start3A_527] : memref<2x120x256xf32, #tpu.memory_space<vmem>> -> memref<1x120x256xf32, #tpu.memory_space<vmem>>
    %dma_start3A_529 = tpu.memref_squeeze %dma_start3A_528 : memref<1x120x256xf32, #tpu.memory_space<vmem>> -> memref<120x256xf32, #tpu.memory_space<vmem>>
    %dma_start3A_530 = arith.constant 0 : i32
    %dma_start3A_531 = arith.constant 0 : i32
    %dma_start3A_532 = tpu.memref_slice %arg5[%add3A_500, %dma_start3A_530, %dma_start3A_531] : memref<64x600x256xf32, #tpu.memory_space<hbm>> -> memref<1x600x256xf32, #tpu.memory_space<hbm>>
    %dma_start3A_533 = tpu.memref_squeeze %dma_start3A_532 : memref<1x600x256xf32, #tpu.memory_space<hbm>> -> memref<600x256xf32, #tpu.memory_space<hbm>>
    %dma_start3A_534 = arith.constant 0 : i32
    %dma_start3A_535 = arith.constant 0 : i32
    %dma_start3A_536 = tpu.memref_slice %dma_start3A_533[%dma_start3A_534, %dma_start3A_535] : memref<600x256xf32, #tpu.memory_space<hbm>> -> memref<120x256xf32, #tpu.memory_space<hbm>>
    %dma_start3A_537 = arith.constant 0 : i32
    %dma_start3A_538 = arith.constant 0 : i32
    %dma_start3A_539 = tpu.memref_slice %arg10[%dma_start3A_525, %dma_start3A_537, %dma_start3A_538] : memref<2x120x256xf32, #tpu.memory_space<vmem>> -> memref<1x120x256xf32, #tpu.memory_space<vmem>>
    %dma_start3A_540 = tpu.memref_squeeze %dma_start3A_539 : memref<1x120x256xf32, #tpu.memory_space<vmem>> -> memref<120x256xf32, #tpu.memory_space<vmem>>
    %dma_start3A_541 = arith.constant 0 : i32
    %dma_start3A_542 = arith.constant 0 : i32
    %dma_start3A_543 = tpu.memref_slice %arg5[%add3A_500, %dma_start3A_541, %dma_start3A_542] : memref<64x600x256xf32, #tpu.memory_space<hbm>> -> memref<1x600x256xf32, #tpu.memory_space<hbm>>
    %dma_start3A_544 = tpu.memref_squeeze %dma_start3A_543 : memref<1x600x256xf32, #tpu.memory_space<hbm>> -> memref<600x256xf32, #tpu.memory_space<hbm>>
    %dma_start3A_545 = arith.constant 0 : i32
    %dma_start3A_546 = arith.constant 0 : i32
    %dma_start3A_547 = tpu.memref_slice %dma_start3A_544[%dma_start3A_545, %dma_start3A_546] : memref<600x256xf32, #tpu.memory_space<hbm>> -> memref<120x256xf32, #tpu.memory_space<hbm>>
    tpu.enqueue_dma source(%dma_start3A_547 : memref<120x256xf32, #tpu.memory_space<hbm>>) target(%dma_start3A_540 : memref<120x256xf32, #tpu.memory_space<vmem>>) target_semaphore(%arg13 : memref<!tpu.dma_semaphore, #tpu.memory_space<semaphore_mem>>)
    %dma_wait3A_548 = arith.constant 0 : i32
    %dma_wait3A_549 = arith.constant 0 : i32
    %dma_wait3A_550 = arith.constant 0 : i32
    %dma_wait3A_551 = tpu.memref_slice %arg10[%dma_wait3A_548, %dma_wait3A_549, %dma_wait3A_550] : memref<2x120x256xf32, #tpu.memory_space<vmem>> -> memref<1x120x256xf32, #tpu.memory_space<vmem>>
    %dma_wait3A_552 = tpu.memref_squeeze %dma_wait3A_551 : memref<1x120x256xf32, #tpu.memory_space<vmem>> -> memref<120x256xf32, #tpu.memory_space<vmem>>
    %dma_wait3A_553 = arith.constant 0 : i32
    %dma_wait3A_554 = arith.constant 0 : i32
    %dma_wait3A_555 = tpu.memref_slice %arg5[%add3A_500, %dma_wait3A_553, %dma_wait3A_554] : memref<64x600x256xf32, #tpu.memory_space<hbm>> -> memref<1x600x256xf32, #tpu.memory_space<hbm>>
    %dma_wait3A_556 = tpu.memref_squeeze %dma_wait3A_555 : memref<1x600x256xf32, #tpu.memory_space<hbm>> -> memref<600x256xf32, #tpu.memory_space<hbm>>
    %dma_wait3A_557 = arith.constant 0 : i32
    %dma_wait3A_558 = arith.constant 0 : i32
    %dma_wait3A_559 = tpu.memref_slice %dma_wait3A_556[%dma_wait3A_557, %dma_wait3A_558] : memref<600x256xf32, #tpu.memory_space<hbm>> -> memref<120x256xf32, #tpu.memory_space<hbm>>
    %dma_wait3A_560 = arith.constant 0 : i32
    %dma_wait3A_561 = arith.constant 0 : i32
    %dma_wait3A_562 = tpu.memref_slice %arg10[%dma_wait3A_548, %dma_wait3A_560, %dma_wait3A_561] : memref<2x120x256xf32, #tpu.memory_space<vmem>> -> memref<1x120x256xf32, #tpu.memory_space<vmem>>
    %dma_wait3A_563 = tpu.memref_squeeze %dma_wait3A_562 : memref<1x120x256xf32, #tpu.memory_space<vmem>> -> memref<120x256xf32, #tpu.memory_space<vmem>>
    %dma_wait3A_564 = arith.constant 0 : i32
    %dma_wait3A_565 = arith.constant 0 : i32
    %dma_wait3A_566 = tpu.memref_slice %arg5[%add3A_500, %dma_wait3A_564, %dma_wait3A_565] : memref<64x600x256xf32, #tpu.memory_space<hbm>> -> memref<1x600x256xf32, #tpu.memory_space<hbm>>
    %dma_wait3A_567 = tpu.memref_squeeze %dma_wait3A_566 : memref<1x600x256xf32, #tpu.memory_space<hbm>> -> memref<600x256xf32, #tpu.memory_space<hbm>>
    %dma_wait3A_568 = arith.constant 0 : i32
    %dma_wait3A_569 = arith.constant 0 : i32
    %dma_wait3A_570 = tpu.memref_slice %dma_wait3A_567[%dma_wait3A_568, %dma_wait3A_569] : memref<600x256xf32, #tpu.memory_space<hbm>> -> memref<120x256xf32, #tpu.memory_space<hbm>>
    tpu.wait_dma2 semaphore(%arg13 : memref<!tpu.dma_semaphore, #tpu.memory_space<semaphore_mem>>) src(%dma_wait3A_570 : memref<120x256xf32, #tpu.memory_space<hbm>>) dst(%dma_wait3A_563 : memref<120x256xf32, #tpu.memory_space<vmem>>)
    %dma_start3A_571 = arith.constant 1 : i32
    %dma_start3A_572 = arith.constant 0 : i32
    %dma_start3A_573 = arith.constant 0 : i32
    %dma_start3A_574 = tpu.memref_slice %arg10[%dma_start3A_571, %dma_start3A_572, %dma_start3A_573] : memref<2x120x256xf32, #tpu.memory_space<vmem>> -> memref<1x120x256xf32, #tpu.memory_space<vmem>>
    %dma_start3A_575 = tpu.memref_squeeze %dma_start3A_574 : memref<1x120x256xf32, #tpu.memory_space<vmem>> -> memref<120x256xf32, #tpu.memory_space<vmem>>
    %dma_start3A_576 = arith.constant 0 : i32
    %dma_start3A_577 = arith.constant 0 : i32
    %dma_start3A_578 = tpu.memref_slice %arg5[%add3A_500, %dma_start3A_576, %dma_start3A_577] : memref<64x600x256xf32, #tpu.memory_space<hbm>> -> memref<1x600x256xf32, #tpu.memory_space<hbm>>
    %dma_start3A_579 = tpu.memref_squeeze %dma_start3A_578 : memref<1x600x256xf32, #tpu.memory_space<hbm>> -> memref<600x256xf32, #tpu.memory_space<hbm>>
    %dma_start3A_580 = arith.constant 120 : i32
    %dma_start3A_581 = arith.constant 0 : i32
    %dma_start3A_582 = tpu.memref_slice %dma_start3A_579[%dma_start3A_580, %dma_start3A_581] : memref<600x256xf32, #tpu.memory_space<hbm>> -> memref<120x256xf32, #tpu.memory_space<hbm>>
    %dma_start3A_583 = arith.constant 0 : i32
    %dma_start3A_584 = arith.constant 0 : i32
    %dma_start3A_585 = tpu.memref_slice %arg10[%dma_start3A_571, %dma_start3A_583, %dma_start3A_584] : memref<2x120x256xf32, #tpu.memory_space<vmem>> -> memref<1x120x256xf32, #tpu.memory_space<vmem>>
    %dma_start3A_586 = tpu.memref_squeeze %dma_start3A_585 : memref<1x120x256xf32, #tpu.memory_space<vmem>> -> memref<120x256xf32, #tpu.memory_space<vmem>>
    %dma_start3A_587 = arith.constant 0 : i32
    %dma_start3A_588 = arith.constant 0 : i32
    %dma_start3A_589 = tpu.memref_slice %arg5[%add3A_500, %dma_start3A_587, %dma_start3A_588] : memref<64x600x256xf32, #tpu.memory_space<hbm>> -> memref<1x600x256xf32, #tpu.memory_space<hbm>>
    %dma_start3A_590 = tpu.memref_squeeze %dma_start3A_589 : memref<1x600x256xf32, #tpu.memory_space<hbm>> -> memref<600x256xf32, #tpu.memory_space<hbm>>
    %dma_start3A_591 = arith.constant 120 : i32
    %dma_start3A_592 = arith.constant 0 : i32
    %dma_start3A_593 = tpu.memref_slice %dma_start3A_590[%dma_start3A_591, %dma_start3A_592] : memref<600x256xf32, #tpu.memory_space<hbm>> -> memref<120x256xf32, #tpu.memory_space<hbm>>
    tpu.enqueue_dma source(%dma_start3A_593 : memref<120x256xf32, #tpu.memory_space<hbm>>) target(%dma_start3A_586 : memref<120x256xf32, #tpu.memory_space<vmem>>) target_semaphore(%arg13 : memref<!tpu.dma_semaphore, #tpu.memory_space<semaphore_mem>>)
    %dma_start3A_594 = arith.constant 0 : i32
    %dma_start3A_595 = arith.constant 0 : i32
    %dma_start3A_596 = arith.constant 0 : i32
    %dma_start3A_597 = arith.constant 0 : i32
    %dma_start3A_598 = tpu.memref_slice %arg10[%dma_start3A_594, %dma_start3A_596, %dma_start3A_597] : memref<2x120x256xf32, #tpu.memory_space<vmem>> -> memref<1x120x256xf32, #tpu.memory_space<vmem>>
    %dma_start3A_599 = tpu.memref_squeeze %dma_start3A_598 : memref<1x120x256xf32, #tpu.memory_space<vmem>> -> memref<120x256xf32, #tpu.memory_space<vmem>>
    %dma_start3A_600 = arith.constant 0 : i32
    %dma_start3A_601 = tpu.memref_slice %arg8[%dma_start3A_595, %dma_start3A_600] : memref<5x120xi32, #tpu.memory_space<vmem>> -> memref<1x120xi32, #tpu.memory_space<vmem>>
    %dma_start3A_602 = tpu.memref_squeeze %dma_start3A_601 : memref<1x120xi32, #tpu.memory_space<vmem>> -> memref<120xi32, #tpu.memory_space<vmem>>
    %dma_start3A_603 = arith.constant 0 : i32
    %dma_start3A_604 = arith.constant 0 : i32
    %dma_start3A_605 = tpu.memref_slice %arg6[%dma_start3A_603, %dma_start3A_604] : memref<57600x256xf32, #tpu.memory_space<hbm>> -> memref<57600x256xf32, #tpu.memory_space<hbm>>
    tpu.enqueue_indirect_dma source(%dma_start3A_599 : memref<120x256xf32, #tpu.memory_space<vmem>>) target(%dma_start3A_605 : memref<57600x256xf32, #tpu.memory_space<hbm>>) offsets(%dma_start3A_602 : memref<120xi32, #tpu.memory_space<vmem>>) semaphore(%arg14 : memref<!tpu.dma_semaphore, #tpu.memory_space<semaphore_mem>>)
    %dma_wait3A_606 = arith.constant 1 : i32
    %dma_wait3A_607 = arith.constant 0 : i32
    %dma_wait3A_608 = arith.constant 0 : i32
    %dma_wait3A_609 = tpu.memref_slice %arg10[%dma_wait3A_606, %dma_wait3A_607, %dma_wait3A_608] : memref<2x120x256xf32, #tpu.memory_space<vmem>> -> memref<1x120x256xf32, #tpu.memory_space<vmem>>
    %dma_wait3A_610 = tpu.memref_squeeze %dma_wait3A_609 : memref<1x120x256xf32, #tpu.memory_space<vmem>> -> memref<120x256xf32, #tpu.memory_space<vmem>>
    %dma_wait3A_611 = arith.constant 0 : i32
    %dma_wait3A_612 = arith.constant 0 : i32
    %dma_wait3A_613 = tpu.memref_slice %arg5[%add3A_500, %dma_wait3A_611, %dma_wait3A_612] : memref<64x600x256xf32, #tpu.memory_space<hbm>> -> memref<1x600x256xf32, #tpu.memory_space<hbm>>
    %dma_wait3A_614 = tpu.memref_squeeze %dma_wait3A_613 : memref<1x600x256xf32, #tpu.memory_space<hbm>> -> memref<600x256xf32, #tpu.memory_space<hbm>>
    %dma_wait3A_615 = arith.constant 120 : i32
    %dma_wait3A_616 = arith.constant 0 : i32
    %dma_wait3A_617 = tpu.memref_slice %dma_wait3A_614[%dma_wait3A_615, %dma_wait3A_616] : memref<600x256xf32, #tpu.memory_space<hbm>> -> memref<120x256xf32, #tpu.memory_space<hbm>>
    %dma_wait3A_618 = arith.constant 0 : i32
    %dma_wait3A_619 = arith.constant 0 : i32
    %dma_wait3A_620 = tpu.memref_slice %arg10[%dma_wait3A_606, %dma_wait3A_618, %dma_wait3A_619] : memref<2x120x256xf32, #tpu.memory_space<vmem>> -> memref<1x120x256xf32, #tpu.memory_space<vmem>>
    %dma_wait3A_621 = tpu.memref_squeeze %dma_wait3A_620 : memref<1x120x256xf32, #tpu.memory_space<vmem>> -> memref<120x256xf32, #tpu.memory_space<vmem>>
    %dma_wait3A_622 = arith.constant 0 : i32
    %dma_wait3A_623 = arith.constant 0 : i32
    %dma_wait3A_624 = tpu.memref_slice %arg5[%add3A_500, %dma_wait3A_622, %dma_wait3A_623] : memref<64x600x256xf32, #tpu.memory_space<hbm>> -> memref<1x600x256xf32, #tpu.memory_space<hbm>>
    %dma_wait3A_625 = tpu.memref_squeeze %dma_wait3A_624 : memref<1x600x256xf32, #tpu.memory_space<hbm>> -> memref<600x256xf32, #tpu.memory_space<hbm>>
    %dma_wait3A_626 = arith.constant 120 : i32
    %dma_wait3A_627 = arith.constant 0 : i32
    %dma_wait3A_628 = tpu.memref_slice %dma_wait3A_625[%dma_wait3A_626, %dma_wait3A_627] : memref<600x256xf32, #tpu.memory_space<hbm>> -> memref<120x256xf32, #tpu.memory_space<hbm>>
    tpu.wait_dma2 semaphore(%arg13 : memref<!tpu.dma_semaphore, #tpu.memory_space<semaphore_mem>>) src(%dma_wait3A_628 : memref<120x256xf32, #tpu.memory_space<hbm>>) dst(%dma_wait3A_621 : memref<120x256xf32, #tpu.memory_space<vmem>>)
    %dma_wait3A_629 = arith.constant 0 : i32
    %dma_wait3A_630 = arith.constant 0 : i32
    %dma_wait3A_631 = arith.constant 0 : i32
    %dma_wait3A_632 = arith.constant 0 : i32
    %dma_wait3A_633 = tpu.memref_slice %arg10[%dma_wait3A_629, %dma_wait3A_631, %dma_wait3A_632] : memref<2x120x256xf32, #tpu.memory_space<vmem>> -> memref<1x120x256xf32, #tpu.memory_space<vmem>>
    %dma_wait3A_634 = tpu.memref_squeeze %dma_wait3A_633 : memref<1x120x256xf32, #tpu.memory_space<vmem>> -> memref<120x256xf32, #tpu.memory_space<vmem>>
    %dma_wait3A_635 = arith.constant 0 : i32
    %dma_wait3A_636 = tpu.memref_slice %arg8[%dma_wait3A_630, %dma_wait3A_635] : memref<5x120xi32, #tpu.memory_space<vmem>> -> memref<1x120xi32, #tpu.memory_space<vmem>>
    %dma_wait3A_637 = tpu.memref_squeeze %dma_wait3A_636 : memref<1x120xi32, #tpu.memory_space<vmem>> -> memref<120xi32, #tpu.memory_space<vmem>>
    %dma_wait3A_638 = arith.constant 0 : i32
    %dma_wait3A_639 = arith.constant 0 : i32
    %dma_wait3A_640 = tpu.memref_slice %arg6[%dma_wait3A_638, %dma_wait3A_639] : memref<57600x256xf32, #tpu.memory_space<hbm>> -> memref<57600x256xf32, #tpu.memory_space<hbm>>
    tpu.wait_indirect_dma semaphore(%arg14 : memref<!tpu.dma_semaphore, #tpu.memory_space<semaphore_mem>>) src(%dma_wait3A_634 : memref<120x256xf32, #tpu.memory_space<vmem>>) dst(%dma_wait3A_640 : memref<57600x256xf32, #tpu.memory_space<hbm>>)
    %dma_start3A_641 = arith.constant 0 : i32
    %dma_start3A_642 = arith.constant 0 : i32
    %dma_start3A_643 = arith.constant 0 : i32
    %dma_start3A_644 = tpu.memref_slice %arg10[%dma_start3A_641, %dma_start3A_642, %dma_start3A_643] : memref<2x120x256xf32, #tpu.memory_space<vmem>> -> memref<1x120x256xf32, #tpu.memory_space<vmem>>
    %dma_start3A_645 = tpu.memref_squeeze %dma_start3A_644 : memref<1x120x256xf32, #tpu.memory_space<vmem>> -> memref<120x256xf32, #tpu.memory_space<vmem>>
    %dma_start3A_646 = arith.constant 0 : i32
    %dma_start3A_647 = arith.constant 0 : i32
    %dma_start3A_648 = tpu.memref_slice %arg5[%add3A_500, %dma_start3A_646, %dma_start3A_647] : memref<64x600x256xf32, #tpu.memory_space<hbm>> -> memref<1x600x256xf32, #tpu.memory_space<hbm>>
    %dma_start3A_649 = tpu.memref_squeeze %dma_start3A_648 : memref<1x600x256xf32, #tpu.memory_space<hbm>> -> memref<600x256xf32, #tpu.memory_space<hbm>>
    %dma_start3A_650 = arith.constant 240 : i32
    %dma_start3A_651 = arith.constant 0 : i32
    %dma_start3A_652 = tpu.memref_slice %dma_start3A_649[%dma_start3A_650, %dma_start3A_651] : memref<600x256xf32, #tpu.memory_space<hbm>> -> memref<120x256xf32, #tpu.memory_space<hbm>>
    %dma_start3A_653 = arith.constant 0 : i32
    %dma_start3A_654 = arith.constant 0 : i32
    %dma_start3A_655 = tpu.memref_slice %arg10[%dma_start3A_641, %dma_start3A_653, %dma_start3A_654] : memref<2x120x256xf32, #tpu.memory_space<vmem>> -> memref<1x120x256xf32, #tpu.memory_space<vmem>>
    %dma_start3A_656 = tpu.memref_squeeze %dma_start3A_655 : memref<1x120x256xf32, #tpu.memory_space<vmem>> -> memref<120x256xf32, #tpu.memory_space<vmem>>
    %dma_start3A_657 = arith.constant 0 : i32
    %dma_start3A_658 = arith.constant 0 : i32
    %dma_start3A_659 = tpu.memref_slice %arg5[%add3A_500, %dma_start3A_657, %dma_start3A_658] : memref<64x600x256xf32, #tpu.memory_space<hbm>> -> memref<1x600x256xf32, #tpu.memory_space<hbm>>
    %dma_start3A_660 = tpu.memref_squeeze %dma_start3A_659 : memref<1x600x256xf32, #tpu.memory_space<hbm>> -> memref<600x256xf32, #tpu.memory_space<hbm>>
    %dma_start3A_661 = arith.constant 240 : i32
    %dma_start3A_662 = arith.constant 0 : i32
    %dma_start3A_663 = tpu.memref_slice %dma_start3A_660[%dma_start3A_661, %dma_start3A_662] : memref<600x256xf32, #tpu.memory_space<hbm>> -> memref<120x256xf32, #tpu.memory_space<hbm>>
    tpu.enqueue_dma source(%dma_start3A_663 : memref<120x256xf32, #tpu.memory_space<hbm>>) target(%dma_start3A_656 : memref<120x256xf32, #tpu.memory_space<vmem>>) target_semaphore(%arg13 : memref<!tpu.dma_semaphore, #tpu.memory_space<semaphore_mem>>)
    %dma_start3A_664 = arith.constant 1 : i32
    %dma_start3A_665 = arith.constant 1 : i32
    %dma_start3A_666 = arith.constant 0 : i32
    %dma_start3A_667 = arith.constant 0 : i32
    %dma_start3A_668 = tpu.memref_slice %arg10[%dma_start3A_664, %dma_start3A_666, %dma_start3A_667] : memref<2x120x256xf32, #tpu.memory_space<vmem>> -> memref<1x120x256xf32, #tpu.memory_space<vmem>>
    %dma_start3A_669 = tpu.memref_squeeze %dma_start3A_668 : memref<1x120x256xf32, #tpu.memory_space<vmem>> -> memref<120x256xf32, #tpu.memory_space<vmem>>
    %dma_start3A_670 = arith.constant 0 : i32
    %dma_start3A_671 = tpu.memref_slice %arg8[%dma_start3A_665, %dma_start3A_670] : memref<5x120xi32, #tpu.memory_space<vmem>> -> memref<1x120xi32, #tpu.memory_space<vmem>>
    %dma_start3A_672 = tpu.memref_squeeze %dma_start3A_671 : memref<1x120xi32, #tpu.memory_space<vmem>> -> memref<120xi32, #tpu.memory_space<vmem>>
    %dma_start3A_673 = arith.constant 0 : i32
    %dma_start3A_674 = arith.constant 0 : i32
    %dma_start3A_675 = tpu.memref_slice %arg6[%dma_start3A_673, %dma_start3A_674] : memref<57600x256xf32, #tpu.memory_space<hbm>> -> memref<57600x256xf32, #tpu.memory_space<hbm>>
    tpu.enqueue_indirect_dma source(%dma_start3A_669 : memref<120x256xf32, #tpu.memory_space<vmem>>) target(%dma_start3A_675 : memref<57600x256xf32, #tpu.memory_space<hbm>>) offsets(%dma_start3A_672 : memref<120xi32, #tpu.memory_space<vmem>>) semaphore(%arg14 : memref<!tpu.dma_semaphore, #tpu.memory_space<semaphore_mem>>)
    %dma_wait3A_676 = arith.constant 0 : i32
    %dma_wait3A_677 = arith.constant 0 : i32
    %dma_wait3A_678 = arith.constant 0 : i32
    %dma_wait3A_679 = tpu.memref_slice %arg10[%dma_wait3A_676, %dma_wait3A_677, %dma_wait3A_678] : memref<2x120x256xf32, #tpu.memory_space<vmem>> -> memref<1x120x256xf32, #tpu.memory_space<vmem>>
    %dma_wait3A_680 = tpu.memref_squeeze %dma_wait3A_679 : memref<1x120x256xf32, #tpu.memory_space<vmem>> -> memref<120x256xf32, #tpu.memory_space<vmem>>
    %dma_wait3A_681 = arith.constant 0 : i32
    %dma_wait3A_682 = arith.constant 0 : i32
    %dma_wait3A_683 = tpu.memref_slice %arg5[%add3A_500, %dma_wait3A_681, %dma_wait3A_682] : memref<64x600x256xf32, #tpu.memory_space<hbm>> -> memref<1x600x256xf32, #tpu.memory_space<hbm>>
    %dma_wait3A_684 = tpu.memref_squeeze %dma_wait3A_683 : memref<1x600x256xf32, #tpu.memory_space<hbm>> -> memref<600x256xf32, #tpu.memory_space<hbm>>
    %dma_wait3A_685 = arith.constant 240 : i32
    %dma_wait3A_686 = arith.constant 0 : i32
    %dma_wait3A_687 = tpu.memref_slice %dma_wait3A_684[%dma_wait3A_685, %dma_wait3A_686] : memref<600x256xf32, #tpu.memory_space<hbm>> -> memref<120x256xf32, #tpu.memory_space<hbm>>
    %dma_wait3A_688 = arith.constant 0 : i32
    %dma_wait3A_689 = arith.constant 0 : i32
    %dma_wait3A_690 = tpu.memref_slice %arg10[%dma_wait3A_676, %dma_wait3A_688, %dma_wait3A_689] : memref<2x120x256xf32, #tpu.memory_space<vmem>> -> memref<1x120x256xf32, #tpu.memory_space<vmem>>
    %dma_wait3A_691 = tpu.memref_squeeze %dma_wait3A_690 : memref<1x120x256xf32, #tpu.memory_space<vmem>> -> memref<120x256xf32, #tpu.memory_space<vmem>>
    %dma_wait3A_692 = arith.constant 0 : i32
    %dma_wait3A_693 = arith.constant 0 : i32
    %dma_wait3A_694 = tpu.memref_slice %arg5[%add3A_500, %dma_wait3A_692, %dma_wait3A_693] : memref<64x600x256xf32, #tpu.memory_space<hbm>> -> memref<1x600x256xf32, #tpu.memory_space<hbm>>
    %dma_wait3A_695 = tpu.memref_squeeze %dma_wait3A_694 : memref<1x600x256xf32, #tpu.memory_space<hbm>> -> memref<600x256xf32, #tpu.memory_space<hbm>>
    %dma_wait3A_696 = arith.constant 240 : i32
    %dma_wait3A_697 = arith.constant 0 : i32
    %dma_wait3A_698 = tpu.memref_slice %dma_wait3A_695[%dma_wait3A_696, %dma_wait3A_697] : memref<600x256xf32, #tpu.memory_space<hbm>> -> memref<120x256xf32, #tpu.memory_space<hbm>>
    tpu.wait_dma2 semaphore(%arg13 : memref<!tpu.dma_semaphore, #tpu.memory_space<semaphore_mem>>) src(%dma_wait3A_698 : memref<120x256xf32, #tpu.memory_space<hbm>>) dst(%dma_wait3A_691 : memref<120x256xf32, #tpu.memory_space<vmem>>)
    %dma_wait3A_699 = arith.constant 1 : i32
    %dma_wait3A_700 = arith.constant 1 : i32
    %dma_wait3A_701 = arith.constant 0 : i32
    %dma_wait3A_702 = arith.constant 0 : i32
    %dma_wait3A_703 = tpu.memref_slice %arg10[%dma_wait3A_699, %dma_wait3A_701, %dma_wait3A_702] : memref<2x120x256xf32, #tpu.memory_space<vmem>> -> memref<1x120x256xf32, #tpu.memory_space<vmem>>
    %dma_wait3A_704 = tpu.memref_squeeze %dma_wait3A_703 : memref<1x120x256xf32, #tpu.memory_space<vmem>> -> memref<120x256xf32, #tpu.memory_space<vmem>>
    %dma_wait3A_705 = arith.constant 0 : i32
    %dma_wait3A_706 = tpu.memref_slice %arg8[%dma_wait3A_700, %dma_wait3A_705] : memref<5x120xi32, #tpu.memory_space<vmem>> -> memref<1x120xi32, #tpu.memory_space<vmem>>
    %dma_wait3A_707 = tpu.memref_squeeze %dma_wait3A_706 : memref<1x120xi32, #tpu.memory_space<vmem>> -> memref<120xi32, #tpu.memory_space<vmem>>
    %dma_wait3A_708 = arith.constant 0 : i32
    %dma_wait3A_709 = arith.constant 0 : i32
    %dma_wait3A_710 = tpu.memref_slice %arg6[%dma_wait3A_708, %dma_wait3A_709] : memref<57600x256xf32, #tpu.memory_space<hbm>> -> memref<57600x256xf32, #tpu.memory_space<hbm>>
    tpu.wait_indirect_dma semaphore(%arg14 : memref<!tpu.dma_semaphore, #tpu.memory_space<semaphore_mem>>) src(%dma_wait3A_704 : memref<120x256xf32, #tpu.memory_space<vmem>>) dst(%dma_wait3A_710 : memref<57600x256xf32, #tpu.memory_space<hbm>>)
    %dma_start3A_711 = arith.constant 1 : i32
    %dma_start3A_712 = arith.constant 0 : i32
    %dma_start3A_713 = arith.constant 0 : i32
    %dma_start3A_714 = tpu.memref_slice %arg10[%dma_start3A_711, %dma_start3A_712, %dma_start3A_713] : memref<2x120x256xf32, #tpu.memory_space<vmem>> -> memref<1x120x256xf32, #tpu.memory_space<vmem>>
    %dma_start3A_715 = tpu.memref_squeeze %dma_start3A_714 : memref<1x120x256xf32, #tpu.memory_space<vmem>> -> memref<120x256xf32, #tpu.memory_space<vmem>>
    %dma_start3A_716 = arith.constant 0 : i32
    %dma_start3A_717 = arith.constant 0 : i32
    %dma_start3A_718 = tpu.memref_slice %arg5[%add3A_500, %dma_start3A_716, %dma_start3A_717] : memref<64x600x256xf32, #tpu.memory_space<hbm>> -> memref<1x600x256xf32, #tpu.memory_space<hbm>>
    %dma_start3A_719 = tpu.memref_squeeze %dma_start3A_718 : memref<1x600x256xf32, #tpu.memory_space<hbm>> -> memref<600x256xf32, #tpu.memory_space<hbm>>
    %dma_start3A_720 = arith.constant 360 : i32
    %dma_start3A_721 = arith.constant 0 : i32
    %dma_start3A_722 = tpu.memref_slice %dma_start3A_719[%dma_start3A_720, %dma_start3A_721] : memref<600x256xf32, #tpu.memory_space<hbm>> -> memref<120x256xf32, #tpu.memory_space<hbm>>
    %dma_start3A_723 = arith.constant 0 : i32
    %dma_start3A_724 = arith.constant 0 : i32
    %dma_start3A_725 = tpu.memref_slice %arg10[%dma_start3A_711, %dma_start3A_723, %dma_start3A_724] : memref<2x120x256xf32, #tpu.memory_space<vmem>> -> memref<1x120x256xf32, #tpu.memory_space<vmem>>
    %dma_start3A_726 = tpu.memref_squeeze %dma_start3A_725 : memref<1x120x256xf32, #tpu.memory_space<vmem>> -> memref<120x256xf32, #tpu.memory_space<vmem>>
    %dma_start3A_727 = arith.constant 0 : i32
    %dma_start3A_728 = arith.constant 0 : i32
    %dma_start3A_729 = tpu.memref_slice %arg5[%add3A_500, %dma_start3A_727, %dma_start3A_728] : memref<64x600x256xf32, #tpu.memory_space<hbm>> -> memref<1x600x256xf32, #tpu.memory_space<hbm>>
    %dma_start3A_730 = tpu.memref_squeeze %dma_start3A_729 : memref<1x600x256xf32, #tpu.memory_space<hbm>> -> memref<600x256xf32, #tpu.memory_space<hbm>>
    %dma_start3A_731 = arith.constant 360 : i32
    %dma_start3A_732 = arith.constant 0 : i32
    %dma_start3A_733 = tpu.memref_slice %dma_start3A_730[%dma_start3A_731, %dma_start3A_732] : memref<600x256xf32, #tpu.memory_space<hbm>> -> memref<120x256xf32, #tpu.memory_space<hbm>>
    tpu.enqueue_dma source(%dma_start3A_733 : memref<120x256xf32, #tpu.memory_space<hbm>>) target(%dma_start3A_726 : memref<120x256xf32, #tpu.memory_space<vmem>>) target_semaphore(%arg13 : memref<!tpu.dma_semaphore, #tpu.memory_space<semaphore_mem>>)
    %dma_start3A_734 = arith.constant 0 : i32
    %dma_start3A_735 = arith.constant 2 : i32
    %dma_start3A_736 = arith.constant 0 : i32
    %dma_start3A_737 = arith.constant 0 : i32
    %dma_start3A_738 = tpu.memref_slice %arg10[%dma_start3A_734, %dma_start3A_736, %dma_start3A_737] : memref<2x120x256xf32, #tpu.memory_space<vmem>> -> memref<1x120x256xf32, #tpu.memory_space<vmem>>
    %dma_start3A_739 = tpu.memref_squeeze %dma_start3A_738 : memref<1x120x256xf32, #tpu.memory_space<vmem>> -> memref<120x256xf32, #tpu.memory_space<vmem>>
    %dma_start3A_740 = arith.constant 0 : i32
    %dma_start3A_741 = tpu.memref_slice %arg8[%dma_start3A_735, %dma_start3A_740] : memref<5x120xi32, #tpu.memory_space<vmem>> -> memref<1x120xi32, #tpu.memory_space<vmem>>
    %dma_start3A_742 = tpu.memref_squeeze %dma_start3A_741 : memref<1x120xi32, #tpu.memory_space<vmem>> -> memref<120xi32, #tpu.memory_space<vmem>>
    %dma_start3A_743 = arith.constant 0 : i32
    %dma_start3A_744 = arith.constant 0 : i32
    %dma_start3A_745 = tpu.memref_slice %arg6[%dma_start3A_743, %dma_start3A_744] : memref<57600x256xf32, #tpu.memory_space<hbm>> -> memref<57600x256xf32, #tpu.memory_space<hbm>>
    tpu.enqueue_indirect_dma source(%dma_start3A_739 : memref<120x256xf32, #tpu.memory_space<vmem>>) target(%dma_start3A_745 : memref<57600x256xf32, #tpu.memory_space<hbm>>) offsets(%dma_start3A_742 : memref<120xi32, #tpu.memory_space<vmem>>) semaphore(%arg14 : memref<!tpu.dma_semaphore, #tpu.memory_space<semaphore_mem>>)
    %dma_wait3A_746 = arith.constant 1 : i32
    %dma_wait3A_747 = arith.constant 0 : i32
    %dma_wait3A_748 = arith.constant 0 : i32
    %dma_wait3A_749 = tpu.memref_slice %arg10[%dma_wait3A_746, %dma_wait3A_747, %dma_wait3A_748] : memref<2x120x256xf32, #tpu.memory_space<vmem>> -> memref<1x120x256xf32, #tpu.memory_space<vmem>>
    %dma_wait3A_750 = tpu.memref_squeeze %dma_wait3A_749 : memref<1x120x256xf32, #tpu.memory_space<vmem>> -> memref<120x256xf32, #tpu.memory_space<vmem>>
    %dma_wait3A_751 = arith.constant 0 : i32
    %dma_wait3A_752 = arith.constant 0 : i32
    %dma_wait3A_753 = tpu.memref_slice %arg5[%add3A_500, %dma_wait3A_751, %dma_wait3A_752] : memref<64x600x256xf32, #tpu.memory_space<hbm>> -> memref<1x600x256xf32, #tpu.memory_space<hbm>>
    %dma_wait3A_754 = tpu.memref_squeeze %dma_wait3A_753 : memref<1x600x256xf32, #tpu.memory_space<hbm>> -> memref<600x256xf32, #tpu.memory_space<hbm>>
    %dma_wait3A_755 = arith.constant 360 : i32
    %dma_wait3A_756 = arith.constant 0 : i32
    %dma_wait3A_757 = tpu.memref_slice %dma_wait3A_754[%dma_wait3A_755, %dma_wait3A_756] : memref<600x256xf32, #tpu.memory_space<hbm>> -> memref<120x256xf32, #tpu.memory_space<hbm>>
    %dma_wait3A_758 = arith.constant 0 : i32
    %dma_wait3A_759 = arith.constant 0 : i32
    %dma_wait3A_760 = tpu.memref_slice %arg10[%dma_wait3A_746, %dma_wait3A_758, %dma_wait3A_759] : memref<2x120x256xf32, #tpu.memory_space<vmem>> -> memref<1x120x256xf32, #tpu.memory_space<vmem>>
    %dma_wait3A_761 = tpu.memref_squeeze %dma_wait3A_760 : memref<1x120x256xf32, #tpu.memory_space<vmem>> -> memref<120x256xf32, #tpu.memory_space<vmem>>
    %dma_wait3A_762 = arith.constant 0 : i32
    %dma_wait3A_763 = arith.constant 0 : i32
    %dma_wait3A_764 = tpu.memref_slice %arg5[%add3A_500, %dma_wait3A_762, %dma_wait3A_763] : memref<64x600x256xf32, #tpu.memory_space<hbm>> -> memref<1x600x256xf32, #tpu.memory_space<hbm>>
    %dma_wait3A_765 = tpu.memref_squeeze %dma_wait3A_764 : memref<1x600x256xf32, #tpu.memory_space<hbm>> -> memref<600x256xf32, #tpu.memory_space<hbm>>
    %dma_wait3A_766 = arith.constant 360 : i32
    %dma_wait3A_767 = arith.constant 0 : i32
    %dma_wait3A_768 = tpu.memref_slice %dma_wait3A_765[%dma_wait3A_766, %dma_wait3A_767] : memref<600x256xf32, #tpu.memory_space<hbm>> -> memref<120x256xf32, #tpu.memory_space<hbm>>
    tpu.wait_dma2 semaphore(%arg13 : memref<!tpu.dma_semaphore, #tpu.memory_space<semaphore_mem>>) src(%dma_wait3A_768 : memref<120x256xf32, #tpu.memory_space<hbm>>) dst(%dma_wait3A_761 : memref<120x256xf32, #tpu.memory_space<vmem>>)
    %dma_wait3A_769 = arith.constant 0 : i32
    %dma_wait3A_770 = arith.constant 2 : i32
    %dma_wait3A_771 = arith.constant 0 : i32
    %dma_wait3A_772 = arith.constant 0 : i32
    %dma_wait3A_773 = tpu.memref_slice %arg10[%dma_wait3A_769, %dma_wait3A_771, %dma_wait3A_772] : memref<2x120x256xf32, #tpu.memory_space<vmem>> -> memref<1x120x256xf32, #tpu.memory_space<vmem>>
    %dma_wait3A_774 = tpu.memref_squeeze %dma_wait3A_773 : memref<1x120x256xf32, #tpu.memory_space<vmem>> -> memref<120x256xf32, #tpu.memory_space<vmem>>
    %dma_wait3A_775 = arith.constant 0 : i32
    %dma_wait3A_776 = tpu.memref_slice %arg8[%dma_wait3A_770, %dma_wait3A_775] : memref<5x120xi32, #tpu.memory_space<vmem>> -> memref<1x120xi32, #tpu.memory_space<vmem>>
    %dma_wait3A_777 = tpu.memref_squeeze %dma_wait3A_776 : memref<1x120xi32, #tpu.memory_space<vmem>> -> memref<120xi32, #tpu.memory_space<vmem>>
    %dma_wait3A_778 = arith.constant 0 : i32
    %dma_wait3A_779 = arith.constant 0 : i32
    %dma_wait3A_780 = tpu.memref_slice %arg6[%dma_wait3A_778, %dma_wait3A_779] : memref<57600x256xf32, #tpu.memory_space<hbm>> -> memref<57600x256xf32, #tpu.memory_space<hbm>>
    tpu.wait_indirect_dma semaphore(%arg14 : memref<!tpu.dma_semaphore, #tpu.memory_space<semaphore_mem>>) src(%dma_wait3A_774 : memref<120x256xf32, #tpu.memory_space<vmem>>) dst(%dma_wait3A_780 : memref<57600x256xf32, #tpu.memory_space<hbm>>)
    %dma_start3A_781 = arith.constant 0 : i32
    %dma_start3A_782 = arith.constant 0 : i32
    %dma_start3A_783 = arith.constant 0 : i32
    %dma_start3A_784 = tpu.memref_slice %arg10[%dma_start3A_781, %dma_start3A_782, %dma_start3A_783] : memref<2x120x256xf32, #tpu.memory_space<vmem>> -> memref<1x120x256xf32, #tpu.memory_space<vmem>>
    %dma_start3A_785 = tpu.memref_squeeze %dma_start3A_784 : memref<1x120x256xf32, #tpu.memory_space<vmem>> -> memref<120x256xf32, #tpu.memory_space<vmem>>
    %dma_start3A_786 = arith.constant 0 : i32
    %dma_start3A_787 = arith.constant 0 : i32
    %dma_start3A_788 = tpu.memref_slice %arg5[%add3A_500, %dma_start3A_786, %dma_start3A_787] : memref<64x600x256xf32, #tpu.memory_space<hbm>> -> memref<1x600x256xf32, #tpu.memory_space<hbm>>
    %dma_start3A_789 = tpu.memref_squeeze %dma_start3A_788 : memref<1x600x256xf32, #tpu.memory_space<hbm>> -> memref<600x256xf32, #tpu.memory_space<hbm>>
    %dma_start3A_790 = arith.constant 480 : i32
    %dma_start3A_791 = arith.constant 0 : i32
    %dma_start3A_792 = tpu.memref_slice %dma_start3A_789[%dma_start3A_790, %dma_start3A_791] : memref<600x256xf32, #tpu.memory_space<hbm>> -> memref<120x256xf32, #tpu.memory_space<hbm>>
    %dma_start3A_793 = arith.constant 0 : i32
    %dma_start3A_794 = arith.constant 0 : i32
    %dma_start3A_795 = tpu.memref_slice %arg10[%dma_start3A_781, %dma_start3A_793, %dma_start3A_794] : memref<2x120x256xf32, #tpu.memory_space<vmem>> -> memref<1x120x256xf32, #tpu.memory_space<vmem>>
    %dma_start3A_796 = tpu.memref_squeeze %dma_start3A_795 : memref<1x120x256xf32, #tpu.memory_space<vmem>> -> memref<120x256xf32, #tpu.memory_space<vmem>>
    %dma_start3A_797 = arith.constant 0 : i32
    %dma_start3A_798 = arith.constant 0 : i32
    %dma_start3A_799 = tpu.memref_slice %arg5[%add3A_500, %dma_start3A_797, %dma_start3A_798] : memref<64x600x256xf32, #tpu.memory_space<hbm>> -> memref<1x600x256xf32, #tpu.memory_space<hbm>>
    %dma_start3A_800 = tpu.memref_squeeze %dma_start3A_799 : memref<1x600x256xf32, #tpu.memory_space<hbm>> -> memref<600x256xf32, #tpu.memory_space<hbm>>
    %dma_start3A_801 = arith.constant 480 : i32
    %dma_start3A_802 = arith.constant 0 : i32
    %dma_start3A_803 = tpu.memref_slice %dma_start3A_800[%dma_start3A_801, %dma_start3A_802] : memref<600x256xf32, #tpu.memory_space<hbm>> -> memref<120x256xf32, #tpu.memory_space<hbm>>
    tpu.enqueue_dma source(%dma_start3A_803 : memref<120x256xf32, #tpu.memory_space<hbm>>) target(%dma_start3A_796 : memref<120x256xf32, #tpu.memory_space<vmem>>) target_semaphore(%arg13 : memref<!tpu.dma_semaphore, #tpu.memory_space<semaphore_mem>>)
    %dma_start3A_804 = arith.constant 1 : i32
    %dma_start3A_805 = arith.constant 3 : i32
    %dma_start3A_806 = arith.constant 0 : i32
    %dma_start3A_807 = arith.constant 0 : i32
    %dma_start3A_808 = tpu.memref_slice %arg10[%dma_start3A_804, %dma_start3A_806, %dma_start3A_807] : memref<2x120x256xf32, #tpu.memory_space<vmem>> -> memref<1x120x256xf32, #tpu.memory_space<vmem>>
    %dma_start3A_809 = tpu.memref_squeeze %dma_start3A_808 : memref<1x120x256xf32, #tpu.memory_space<vmem>> -> memref<120x256xf32, #tpu.memory_space<vmem>>
    %dma_start3A_810 = arith.constant 0 : i32
    %dma_start3A_811 = tpu.memref_slice %arg8[%dma_start3A_805, %dma_start3A_810] : memref<5x120xi32, #tpu.memory_space<vmem>> -> memref<1x120xi32, #tpu.memory_space<vmem>>
    %dma_start3A_812 = tpu.memref_squeeze %dma_start3A_811 : memref<1x120xi32, #tpu.memory_space<vmem>> -> memref<120xi32, #tpu.memory_space<vmem>>
    %dma_start3A_813 = arith.constant 0 : i32
    %dma_start3A_814 = arith.constant 0 : i32
    %dma_start3A_815 = tpu.memref_slice %arg6[%dma_start3A_813, %dma_start3A_814] : memref<57600x256xf32, #tpu.memory_space<hbm>> -> memref<57600x256xf32, #tpu.memory_space<hbm>>
    tpu.enqueue_indirect_dma source(%dma_start3A_809 : memref<120x256xf32, #tpu.memory_space<vmem>>) target(%dma_start3A_815 : memref<57600x256xf32, #tpu.memory_space<hbm>>) offsets(%dma_start3A_812 : memref<120xi32, #tpu.memory_space<vmem>>) semaphore(%arg14 : memref<!tpu.dma_semaphore, #tpu.memory_space<semaphore_mem>>)
    %dma_wait3A_816 = arith.constant 0 : i32
    %dma_wait3A_817 = arith.constant 0 : i32
    %dma_wait3A_818 = arith.constant 0 : i32
    %dma_wait3A_819 = tpu.memref_slice %arg10[%dma_wait3A_816, %dma_wait3A_817, %dma_wait3A_818] : memref<2x120x256xf32, #tpu.memory_space<vmem>> -> memref<1x120x256xf32, #tpu.memory_space<vmem>>
    %dma_wait3A_820 = tpu.memref_squeeze %dma_wait3A_819 : memref<1x120x256xf32, #tpu.memory_space<vmem>> -> memref<120x256xf32, #tpu.memory_space<vmem>>
    %dma_wait3A_821 = arith.constant 0 : i32
    %dma_wait3A_822 = arith.constant 0 : i32
    %dma_wait3A_823 = tpu.memref_slice %arg5[%add3A_500, %dma_wait3A_821, %dma_wait3A_822] : memref<64x600x256xf32, #tpu.memory_space<hbm>> -> memref<1x600x256xf32, #tpu.memory_space<hbm>>
    %dma_wait3A_824 = tpu.memref_squeeze %dma_wait3A_823 : memref<1x600x256xf32, #tpu.memory_space<hbm>> -> memref<600x256xf32, #tpu.memory_space<hbm>>
    %dma_wait3A_825 = arith.constant 480 : i32
    %dma_wait3A_826 = arith.constant 0 : i32
    %dma_wait3A_827 = tpu.memref_slice %dma_wait3A_824[%dma_wait3A_825, %dma_wait3A_826] : memref<600x256xf32, #tpu.memory_space<hbm>> -> memref<120x256xf32, #tpu.memory_space<hbm>>
    %dma_wait3A_828 = arith.constant 0 : i32
    %dma_wait3A_829 = arith.constant 0 : i32
    %dma_wait3A_830 = tpu.memref_slice %arg10[%dma_wait3A_816, %dma_wait3A_828, %dma_wait3A_829] : memref<2x120x256xf32, #tpu.memory_space<vmem>> -> memref<1x120x256xf32, #tpu.memory_space<vmem>>
    %dma_wait3A_831 = tpu.memref_squeeze %dma_wait3A_830 : memref<1x120x256xf32, #tpu.memory_space<vmem>> -> memref<120x256xf32, #tpu.memory_space<vmem>>
    %dma_wait3A_832 = arith.constant 0 : i32
    %dma_wait3A_833 = arith.constant 0 : i32
    %dma_wait3A_834 = tpu.memref_slice %arg5[%add3A_500, %dma_wait3A_832, %dma_wait3A_833] : memref<64x600x256xf32, #tpu.memory_space<hbm>> -> memref<1x600x256xf32, #tpu.memory_space<hbm>>
    %dma_wait3A_835 = tpu.memref_squeeze %dma_wait3A_834 : memref<1x600x256xf32, #tpu.memory_space<hbm>> -> memref<600x256xf32, #tpu.memory_space<hbm>>
    %dma_wait3A_836 = arith.constant 480 : i32
    %dma_wait3A_837 = arith.constant 0 : i32
    %dma_wait3A_838 = tpu.memref_slice %dma_wait3A_835[%dma_wait3A_836, %dma_wait3A_837] : memref<600x256xf32, #tpu.memory_space<hbm>> -> memref<120x256xf32, #tpu.memory_space<hbm>>
    tpu.wait_dma2 semaphore(%arg13 : memref<!tpu.dma_semaphore, #tpu.memory_space<semaphore_mem>>) src(%dma_wait3A_838 : memref<120x256xf32, #tpu.memory_space<hbm>>) dst(%dma_wait3A_831 : memref<120x256xf32, #tpu.memory_space<vmem>>)
    %dma_start3A_839 = arith.constant 0 : i32
    %dma_start3A_840 = arith.constant 4 : i32
    %dma_start3A_841 = arith.constant 0 : i32
    %dma_start3A_842 = arith.constant 0 : i32
    %dma_start3A_843 = tpu.memref_slice %arg10[%dma_start3A_839, %dma_start3A_841, %dma_start3A_842] : memref<2x120x256xf32, #tpu.memory_space<vmem>> -> memref<1x120x256xf32, #tpu.memory_space<vmem>>
    %dma_start3A_844 = tpu.memref_squeeze %dma_start3A_843 : memref<1x120x256xf32, #tpu.memory_space<vmem>> -> memref<120x256xf32, #tpu.memory_space<vmem>>
    %dma_start3A_845 = arith.constant 0 : i32
    %dma_start3A_846 = tpu.memref_slice %arg8[%dma_start3A_840, %dma_start3A_845] : memref<5x120xi32, #tpu.memory_space<vmem>> -> memref<1x120xi32, #tpu.memory_space<vmem>>
    %dma_start3A_847 = tpu.memref_squeeze %dma_start3A_846 : memref<1x120xi32, #tpu.memory_space<vmem>> -> memref<120xi32, #tpu.memory_space<vmem>>
    %dma_start3A_848 = arith.constant 0 : i32
    %dma_start3A_849 = arith.constant 0 : i32
    %dma_start3A_850 = tpu.memref_slice %arg6[%dma_start3A_848, %dma_start3A_849] : memref<57600x256xf32, #tpu.memory_space<hbm>> -> memref<57600x256xf32, #tpu.memory_space<hbm>>
    tpu.enqueue_indirect_dma source(%dma_start3A_844 : memref<120x256xf32, #tpu.memory_space<vmem>>) target(%dma_start3A_850 : memref<57600x256xf32, #tpu.memory_space<hbm>>) offsets(%dma_start3A_847 : memref<120xi32, #tpu.memory_space<vmem>>) semaphore(%arg14 : memref<!tpu.dma_semaphore, #tpu.memory_space<semaphore_mem>>)
    %dma_wait3A_851 = arith.constant 0 : i32
    %dma_wait3A_852 = arith.constant 0 : i32
    %dma_wait3A_853 = arith.constant 0 : i32
    %dma_wait3A_854 = arith.constant 0 : i32
    %dma_wait3A_855 = tpu.memref_slice %arg9[%dma_wait3A_852, %dma_wait3A_853, %dma_wait3A_854] : memref<2x100x256xf32, #tpu.memory_space<vmem>> -> memref<1x100x256xf32, #tpu.memory_space<vmem>>
    %dma_wait3A_856 = tpu.memref_squeeze %dma_wait3A_855 : memref<1x100x256xf32, #tpu.memory_space<vmem>> -> memref<100x256xf32, #tpu.memory_space<vmem>>
    %dma_wait3A_857 = arith.constant 0 : i32
    %dma_wait3A_858 = tpu.memref_slice %arg7[%dma_wait3A_851, %dma_wait3A_857] : memref<6x100xi32, #tpu.memory_space<vmem>> -> memref<1x100xi32, #tpu.memory_space<vmem>>
    %dma_wait3A_859 = tpu.memref_squeeze %dma_wait3A_858 : memref<1x100xi32, #tpu.memory_space<vmem>> -> memref<100xi32, #tpu.memory_space<vmem>>
    %dma_wait3A_860 = arith.constant 0 : i32
    %dma_wait3A_861 = arith.constant 0 : i32
    %dma_wait3A_862 = tpu.memref_slice %arg2[%dma_wait3A_860, %dma_wait3A_861] : memref<57600x256xf32, #tpu.memory_space<hbm>> -> memref<57600x256xf32, #tpu.memory_space<hbm>>
    tpu.wait_indirect_dma semaphore(%arg11 : memref<!tpu.dma_semaphore, #tpu.memory_space<semaphore_mem>>) src(%dma_wait3A_862 : memref<57600x256xf32, #tpu.memory_space<hbm>>) dst(%dma_wait3A_856 : memref<100x256xf32, #tpu.memory_space<vmem>>)
    %dma_start3A_863 = arith.constant 0 : i32
    %dma_start3A_864 = arith.constant 3 : i32
    %dma_start3A_865 = arith.constant 0 : i32
    %dma_start3A_866 = arith.constant 0 : i32
    %dma_start3A_867 = tpu.memref_slice %arg9[%dma_start3A_863, %dma_start3A_865, %dma_start3A_866] : memref<2x100x256xf32, #tpu.memory_space<vmem>> -> memref<1x100x256xf32, #tpu.memory_space<vmem>>
    %dma_start3A_868 = tpu.memref_squeeze %dma_start3A_867 : memref<1x100x256xf32, #tpu.memory_space<vmem>> -> memref<100x256xf32, #tpu.memory_space<vmem>>
    %dma_start3A_869 = arith.constant 0 : i32
    %dma_start3A_870 = tpu.memref_slice %arg7[%dma_start3A_864, %dma_start3A_869] : memref<6x100xi32, #tpu.memory_space<vmem>> -> memref<1x100xi32, #tpu.memory_space<vmem>>
    %dma_start3A_871 = tpu.memref_squeeze %dma_start3A_870 : memref<1x100xi32, #tpu.memory_space<vmem>> -> memref<100xi32, #tpu.memory_space<vmem>>
    %dma_start3A_872 = arith.constant 0 : i32
    %dma_start3A_873 = arith.constant 0 : i32
    %dma_start3A_874 = tpu.memref_slice %arg6[%dma_start3A_872, %dma_start3A_873] : memref<57600x256xf32, #tpu.memory_space<hbm>> -> memref<57600x256xf32, #tpu.memory_space<hbm>>
    tpu.enqueue_indirect_dma source(%dma_start3A_868 : memref<100x256xf32, #tpu.memory_space<vmem>>) target(%dma_start3A_874 : memref<57600x256xf32, #tpu.memory_space<hbm>>) offsets(%dma_start3A_871 : memref<100xi32, #tpu.memory_space<vmem>>) semaphore(%arg12 : memref<!tpu.dma_semaphore, #tpu.memory_space<semaphore_mem>>)
    %dma_wait3A_875 = arith.constant 1 : i32
    %dma_wait3A_876 = arith.constant 1 : i32
    %dma_wait3A_877 = arith.constant 0 : i32
    %dma_wait3A_878 = arith.constant 0 : i32
    %dma_wait3A_879 = tpu.memref_slice %arg9[%dma_wait3A_876, %dma_wait3A_877, %dma_wait3A_878] : memref<2x100x256xf32, #tpu.memory_space<vmem>> -> memref<1x100x256xf32, #tpu.memory_space<vmem>>
    %dma_wait3A_880 = tpu.memref_squeeze %dma_wait3A_879 : memref<1x100x256xf32, #tpu.memory_space<vmem>> -> memref<100x256xf32, #tpu.memory_space<vmem>>
    %dma_wait3A_881 = arith.constant 0 : i32
    %dma_wait3A_882 = tpu.memref_slice %arg7[%dma_wait3A_875, %dma_wait3A_881] : memref<6x100xi32, #tpu.memory_space<vmem>> -> memref<1x100xi32, #tpu.memory_space<vmem>>
    %dma_wait3A_883 = tpu.memref_squeeze %dma_wait3A_882 : memref<1x100xi32, #tpu.memory_space<vmem>> -> memref<100xi32, #tpu.memory_space<vmem>>
    %dma_wait3A_884 = arith.constant 0 : i32
    %dma_wait3A_885 = arith.constant 0 : i32
    %dma_wait3A_886 = tpu.memref_slice %arg2[%dma_wait3A_884, %dma_wait3A_885] : memref<57600x256xf32, #tpu.memory_space<hbm>> -> memref<57600x256xf32, #tpu.memory_space<hbm>>
    tpu.wait_indirect_dma semaphore(%arg11 : memref<!tpu.dma_semaphore, #tpu.memory_space<semaphore_mem>>) src(%dma_wait3A_886 : memref<57600x256xf32, #tpu.memory_space<hbm>>) dst(%dma_wait3A_880 : memref<100x256xf32, #tpu.memory_space<vmem>>)
    %dma_start3A_887 = arith.constant 1 : i32
    %dma_start3A_888 = arith.constant 4 : i32
    %dma_start3A_889 = arith.constant 0 : i32
    %dma_start3A_890 = arith.constant 0 : i32
    %dma_start3A_891 = tpu.memref_slice %arg9[%dma_start3A_887, %dma_start3A_889, %dma_start3A_890] : memref<2x100x256xf32, #tpu.memory_space<vmem>> -> memref<1x100x256xf32, #tpu.memory_space<vmem>>
    %dma_start3A_892 = tpu.memref_squeeze %dma_start3A_891 : memref<1x100x256xf32, #tpu.memory_space<vmem>> -> memref<100x256xf32, #tpu.memory_space<vmem>>
    %dma_start3A_893 = arith.constant 0 : i32
    %dma_start3A_894 = tpu.memref_slice %arg7[%dma_start3A_888, %dma_start3A_893] : memref<6x100xi32, #tpu.memory_space<vmem>> -> memref<1x100xi32, #tpu.memory_space<vmem>>
    %dma_start3A_895 = tpu.memref_squeeze %dma_start3A_894 : memref<1x100xi32, #tpu.memory_space<vmem>> -> memref<100xi32, #tpu.memory_space<vmem>>
    %dma_start3A_896 = arith.constant 0 : i32
    %dma_start3A_897 = arith.constant 0 : i32
    %dma_start3A_898 = tpu.memref_slice %arg6[%dma_start3A_896, %dma_start3A_897] : memref<57600x256xf32, #tpu.memory_space<hbm>> -> memref<57600x256xf32, #tpu.memory_space<hbm>>
    tpu.enqueue_indirect_dma source(%dma_start3A_892 : memref<100x256xf32, #tpu.memory_space<vmem>>) target(%dma_start3A_898 : memref<57600x256xf32, #tpu.memory_space<hbm>>) offsets(%dma_start3A_895 : memref<100xi32, #tpu.memory_space<vmem>>) semaphore(%arg12 : memref<!tpu.dma_semaphore, #tpu.memory_space<semaphore_mem>>)
    %dma_wait3A_899 = arith.constant 0 : i32
    %dma_wait3A_900 = arith.constant 3 : i32
    %dma_wait3A_901 = arith.constant 0 : i32
    %dma_wait3A_902 = arith.constant 0 : i32
    %dma_wait3A_903 = tpu.memref_slice %arg9[%dma_wait3A_899, %dma_wait3A_901, %dma_wait3A_902] : memref<2x100x256xf32, #tpu.memory_space<vmem>> -> memref<1x100x256xf32, #tpu.memory_space<vmem>>
    %dma_wait3A_904 = tpu.memref_squeeze %dma_wait3A_903 : memref<1x100x256xf32, #tpu.memory_space<vmem>> -> memref<100x256xf32, #tpu.memory_space<vmem>>
    %dma_wait3A_905 = arith.constant 0 : i32
    %dma_wait3A_906 = tpu.memref_slice %arg7[%dma_wait3A_900, %dma_wait3A_905] : memref<6x100xi32, #tpu.memory_space<vmem>> -> memref<1x100xi32, #tpu.memory_space<vmem>>
    %dma_wait3A_907 = tpu.memref_squeeze %dma_wait3A_906 : memref<1x100xi32, #tpu.memory_space<vmem>> -> memref<100xi32, #tpu.memory_space<vmem>>
    %dma_wait3A_908 = arith.constant 0 : i32
    %dma_wait3A_909 = arith.constant 0 : i32
    %dma_wait3A_910 = tpu.memref_slice %arg6[%dma_wait3A_908, %dma_wait3A_909] : memref<57600x256xf32, #tpu.memory_space<hbm>> -> memref<57600x256xf32, #tpu.memory_space<hbm>>
    tpu.wait_indirect_dma semaphore(%arg12 : memref<!tpu.dma_semaphore, #tpu.memory_space<semaphore_mem>>) src(%dma_wait3A_904 : memref<100x256xf32, #tpu.memory_space<vmem>>) dst(%dma_wait3A_910 : memref<57600x256xf32, #tpu.memory_space<hbm>>)
    %dma_start3A_911 = arith.constant 2 : i32
    %dma_start3A_912 = arith.constant 0 : i32
    %dma_start3A_913 = arith.constant 0 : i32
    %dma_start3A_914 = arith.constant 0 : i32
    %dma_start3A_915 = tpu.memref_slice %arg9[%dma_start3A_912, %dma_start3A_913, %dma_start3A_914] : memref<2x100x256xf32, #tpu.memory_space<vmem>> -> memref<1x100x256xf32, #tpu.memory_space<vmem>>
    %dma_start3A_916 = tpu.memref_squeeze %dma_start3A_915 : memref<1x100x256xf32, #tpu.memory_space<vmem>> -> memref<100x256xf32, #tpu.memory_space<vmem>>
    %dma_start3A_917 = arith.constant 0 : i32
    %dma_start3A_918 = tpu.memref_slice %arg7[%dma_start3A_911, %dma_start3A_917] : memref<6x100xi32, #tpu.memory_space<vmem>> -> memref<1x100xi32, #tpu.memory_space<vmem>>
    %dma_start3A_919 = tpu.memref_squeeze %dma_start3A_918 : memref<1x100xi32, #tpu.memory_space<vmem>> -> memref<100xi32, #tpu.memory_space<vmem>>
    %dma_start3A_920 = arith.constant 0 : i32
    %dma_start3A_921 = arith.constant 0 : i32
    %dma_start3A_922 = tpu.memref_slice %arg2[%dma_start3A_920, %dma_start3A_921] : memref<57600x256xf32, #tpu.memory_space<hbm>> -> memref<57600x256xf32, #tpu.memory_space<hbm>>
    tpu.enqueue_indirect_dma source(%dma_start3A_922 : memref<57600x256xf32, #tpu.memory_space<hbm>>) target(%dma_start3A_916 : memref<100x256xf32, #tpu.memory_space<vmem>>) offsets(%dma_start3A_919 : memref<100xi32, #tpu.memory_space<vmem>>) semaphore(%arg11 : memref<!tpu.dma_semaphore, #tpu.memory_space<semaphore_mem>>)
    %dma_wait3A_923 = arith.constant 2 : i32
    %dma_wait3A_924 = arith.constant 0 : i32
    %dma_wait3A_925 = arith.constant 0 : i32
    %dma_wait3A_926 = arith.constant 0 : i32
    %dma_wait3A_927 = tpu.memref_slice %arg9[%dma_wait3A_924, %dma_wait3A_925, %dma_wait3A_926] : memref<2x100x256xf32, #tpu.memory_space<vmem>> -> memref<1x100x256xf32, #tpu.memory_space<vmem>>
    %dma_wait3A_928 = tpu.memref_squeeze %dma_wait3A_927 : memref<1x100x256xf32, #tpu.memory_space<vmem>> -> memref<100x256xf32, #tpu.memory_space<vmem>>
    %dma_wait3A_929 = arith.constant 0 : i32
    %dma_wait3A_930 = tpu.memref_slice %arg7[%dma_wait3A_923, %dma_wait3A_929] : memref<6x100xi32, #tpu.memory_space<vmem>> -> memref<1x100xi32, #tpu.memory_space<vmem>>
    %dma_wait3A_931 = tpu.memref_squeeze %dma_wait3A_930 : memref<1x100xi32, #tpu.memory_space<vmem>> -> memref<100xi32, #tpu.memory_space<vmem>>
    %dma_wait3A_932 = arith.constant 0 : i32
    %dma_wait3A_933 = arith.constant 0 : i32
    %dma_wait3A_934 = tpu.memref_slice %arg2[%dma_wait3A_932, %dma_wait3A_933] : memref<57600x256xf32, #tpu.memory_space<hbm>> -> memref<57600x256xf32, #tpu.memory_space<hbm>>
    tpu.wait_indirect_dma semaphore(%arg11 : memref<!tpu.dma_semaphore, #tpu.memory_space<semaphore_mem>>) src(%dma_wait3A_934 : memref<57600x256xf32, #tpu.memory_space<hbm>>) dst(%dma_wait3A_928 : memref<100x256xf32, #tpu.memory_space<vmem>>)
    %dma_start3A_935 = arith.constant 0 : i32
    %dma_start3A_936 = arith.constant 5 : i32
    %dma_start3A_937 = arith.constant 0 : i32
    %dma_start3A_938 = arith.constant 0 : i32
    %dma_start3A_939 = tpu.memref_slice %arg9[%dma_start3A_935, %dma_start3A_937, %dma_start3A_938] : memref<2x100x256xf32, #tpu.memory_space<vmem>> -> memref<1x100x256xf32, #tpu.memory_space<vmem>>
    %dma_start3A_940 = tpu.memref_squeeze %dma_start3A_939 : memref<1x100x256xf32, #tpu.memory_space<vmem>> -> memref<100x256xf32, #tpu.memory_space<vmem>>
    %dma_start3A_941 = arith.constant 0 : i32
    %dma_start3A_942 = tpu.memref_slice %arg7[%dma_start3A_936, %dma_start3A_941] : memref<6x100xi32, #tpu.memory_space<vmem>> -> memref<1x100xi32, #tpu.memory_space<vmem>>
    %dma_start3A_943 = tpu.memref_squeeze %dma_start3A_942 : memref<1x100xi32, #tpu.memory_space<vmem>> -> memref<100xi32, #tpu.memory_space<vmem>>
    %dma_start3A_944 = arith.constant 0 : i32
    %dma_start3A_945 = arith.constant 0 : i32
    %dma_start3A_946 = tpu.memref_slice %arg6[%dma_start3A_944, %dma_start3A_945] : memref<57600x256xf32, #tpu.memory_space<hbm>> -> memref<57600x256xf32, #tpu.memory_space<hbm>>
    tpu.enqueue_indirect_dma source(%dma_start3A_940 : memref<100x256xf32, #tpu.memory_space<vmem>>) target(%dma_start3A_946 : memref<57600x256xf32, #tpu.memory_space<hbm>>) offsets(%dma_start3A_943 : memref<100xi32, #tpu.memory_space<vmem>>) semaphore(%arg12 : memref<!tpu.dma_semaphore, #tpu.memory_space<semaphore_mem>>)
    %dma_wait3A_947 = arith.constant 1 : i32
    %dma_wait3A_948 = arith.constant 4 : i32
    %dma_wait3A_949 = arith.constant 0 : i32
    %dma_wait3A_950 = arith.constant 0 : i32
    %dma_wait3A_951 = tpu.memref_slice %arg9[%dma_wait3A_947, %dma_wait3A_949, %dma_wait3A_950] : memref<2x100x256xf32, #tpu.memory_space<vmem>> -> memref<1x100x256xf32, #tpu.memory_space<vmem>>
    %dma_wait3A_952 = tpu.memref_squeeze %dma_wait3A_951 : memref<1x100x256xf32, #tpu.memory_space<vmem>> -> memref<100x256xf32, #tpu.memory_space<vmem>>
    %dma_wait3A_953 = arith.constant 0 : i32
    %dma_wait3A_954 = tpu.memref_slice %arg7[%dma_wait3A_948, %dma_wait3A_953] : memref<6x100xi32, #tpu.memory_space<vmem>> -> memref<1x100xi32, #tpu.memory_space<vmem>>
    %dma_wait3A_955 = tpu.memref_squeeze %dma_wait3A_954 : memref<1x100xi32, #tpu.memory_space<vmem>> -> memref<100xi32, #tpu.memory_space<vmem>>
    %dma_wait3A_956 = arith.constant 0 : i32
    %dma_wait3A_957 = arith.constant 0 : i32
    %dma_wait3A_958 = tpu.memref_slice %arg6[%dma_wait3A_956, %dma_wait3A_957] : memref<57600x256xf32, #tpu.memory_space<hbm>> -> memref<57600x256xf32, #tpu.memory_space<hbm>>
    tpu.wait_indirect_dma semaphore(%arg12 : memref<!tpu.dma_semaphore, #tpu.memory_space<semaphore_mem>>) src(%dma_wait3A_952 : memref<100x256xf32, #tpu.memory_space<vmem>>) dst(%dma_wait3A_958 : memref<57600x256xf32, #tpu.memory_space<hbm>>)
    %dma_wait3A_959 = arith.constant 0 : i32
    %dma_wait3A_960 = arith.constant 5 : i32
    %dma_wait3A_961 = arith.constant 0 : i32
    %dma_wait3A_962 = arith.constant 0 : i32
    %dma_wait3A_963 = tpu.memref_slice %arg9[%dma_wait3A_959, %dma_wait3A_961, %dma_wait3A_962] : memref<2x100x256xf32, #tpu.memory_space<vmem>> -> memref<1x100x256xf32, #tpu.memory_space<vmem>>
    %dma_wait3A_964 = tpu.memref_squeeze %dma_wait3A_963 : memref<1x100x256xf32, #tpu.memory_space<vmem>> -> memref<100x256xf32, #tpu.memory_space<vmem>>
    %dma_wait3A_965 = arith.constant 0 : i32
    %dma_wait3A_966 = tpu.memref_slice %arg7[%dma_wait3A_960, %dma_wait3A_965] : memref<6x100xi32, #tpu.memory_space<vmem>> -> memref<1x100xi32, #tpu.memory_space<vmem>>
    %dma_wait3A_967 = tpu.memref_squeeze %dma_wait3A_966 : memref<1x100xi32, #tpu.memory_space<vmem>> -> memref<100xi32, #tpu.memory_space<vmem>>
    %dma_wait3A_968 = arith.constant 0 : i32
    %dma_wait3A_969 = arith.constant 0 : i32
    %dma_wait3A_970 = tpu.memref_slice %arg6[%dma_wait3A_968, %dma_wait3A_969] : memref<57600x256xf32, #tpu.memory_space<hbm>> -> memref<57600x256xf32, #tpu.memory_space<hbm>>
    tpu.wait_indirect_dma semaphore(%arg12 : memref<!tpu.dma_semaphore, #tpu.memory_space<semaphore_mem>>) src(%dma_wait3A_964 : memref<100x256xf32, #tpu.memory_space<vmem>>) dst(%dma_wait3A_970 : memref<57600x256xf32, #tpu.memory_space<hbm>>)
    %dma_wait3A_971 = arith.constant 1 : i32
    %dma_wait3A_972 = arith.constant 3 : i32
    %dma_wait3A_973 = arith.constant 0 : i32
    %dma_wait3A_974 = arith.constant 0 : i32
    %dma_wait3A_975 = tpu.memref_slice %arg10[%dma_wait3A_971, %dma_wait3A_973, %dma_wait3A_974] : memref<2x120x256xf32, #tpu.memory_space<vmem>> -> memref<1x120x256xf32, #tpu.memory_space<vmem>>
    %dma_wait3A_976 = tpu.memref_squeeze %dma_wait3A_975 : memref<1x120x256xf32, #tpu.memory_space<vmem>> -> memref<120x256xf32, #tpu.memory_space<vmem>>
    %dma_wait3A_977 = arith.constant 0 : i32
    %dma_wait3A_978 = tpu.memref_slice %arg8[%dma_wait3A_972, %dma_wait3A_977] : memref<5x120xi32, #tpu.memory_space<vmem>> -> memref<1x120xi32, #tpu.memory_space<vmem>>
    %dma_wait3A_979 = tpu.memref_squeeze %dma_wait3A_978 : memref<1x120xi32, #tpu.memory_space<vmem>> -> memref<120xi32, #tpu.memory_space<vmem>>
    %dma_wait3A_980 = arith.constant 0 : i32
    %dma_wait3A_981 = arith.constant 0 : i32
    %dma_wait3A_982 = tpu.memref_slice %arg6[%dma_wait3A_980, %dma_wait3A_981] : memref<57600x256xf32, #tpu.memory_space<hbm>> -> memref<57600x256xf32, #tpu.memory_space<hbm>>
    tpu.wait_indirect_dma semaphore(%arg14 : memref<!tpu.dma_semaphore, #tpu.memory_space<semaphore_mem>>) src(%dma_wait3A_976 : memref<120x256xf32, #tpu.memory_space<vmem>>) dst(%dma_wait3A_982 : memref<57600x256xf32, #tpu.memory_space<hbm>>)
    %dma_wait3A_983 = arith.constant 0 : i32
    %dma_wait3A_984 = arith.constant 4 : i32
    %dma_wait3A_985 = arith.constant 0 : i32
    %dma_wait3A_986 = arith.constant 0 : i32
    %dma_wait3A_987 = tpu.memref_slice %arg10[%dma_wait3A_983, %dma_wait3A_985, %dma_wait3A_986] : memref<2x120x256xf32, #tpu.memory_space<vmem>> -> memref<1x120x256xf32, #tpu.memory_space<vmem>>
    %dma_wait3A_988 = tpu.memref_squeeze %dma_wait3A_987 : memref<1x120x256xf32, #tpu.memory_space<vmem>> -> memref<120x256xf32, #tpu.memory_space<vmem>>
    %dma_wait3A_989 = arith.constant 0 : i32
    %dma_wait3A_990 = tpu.memref_slice %arg8[%dma_wait3A_984, %dma_wait3A_989] : memref<5x120xi32, #tpu.memory_space<vmem>> -> memref<1x120xi32, #tpu.memory_space<vmem>>
    %dma_wait3A_991 = tpu.memref_squeeze %dma_wait3A_990 : memref<1x120xi32, #tpu.memory_space<vmem>> -> memref<120xi32, #tpu.memory_space<vmem>>
    %dma_wait3A_992 = arith.constant 0 : i32
    %dma_wait3A_993 = arith.constant 0 : i32
    %dma_wait3A_994 = tpu.memref_slice %arg6[%dma_wait3A_992, %dma_wait3A_993] : memref<57600x256xf32, #tpu.memory_space<hbm>> -> memref<57600x256xf32, #tpu.memory_space<hbm>>
    tpu.wait_indirect_dma semaphore(%arg14 : memref<!tpu.dma_semaphore, #tpu.memory_space<semaphore_mem>>) src(%dma_wait3A_988 : memref<120x256xf32, #tpu.memory_space<vmem>>) dst(%dma_wait3A_994 : memref<57600x256xf32, #tpu.memory_space<hbm>>)
    return
  }
}

module attributes {stable_mosaic.version = 14 : i64} {
  func.func @_topk_body(%arg0: i32, %arg1: memref<10x8x900xf32, #tpu.memory_space<vmem>>, %arg2: memref<1x300x8xi32, #tpu.memory_space<vmem>>) attributes {dimension_semantics = [#tpu.dimension_semantics<arbitrary>], iteration_bounds = array<i64: 8>, scalar_prefetch = 0 : i64, scratch_operands = 0 : i64, tpu.core_type = #tpu.core_type<tc>, window_params = [{transform_indices = @transform_0, window_bounds = array<i64: 10, 8, 900>}, {transform_indices = @transform_1, window_bounds = array<i64: 1, 300, 8>}]} {
    %iota3A = tpu.iota {dimensions = array<i32: 0>} : vector<900x900xi32>
    %iota3A_0 = tpu.iota {dimensions = array<i32: 1>} : vector<900x900xi32>
    %lt3A = arith.cmpi slt, %iota3A_0, %iota3A : vector<900x900xi32>
    %iota3A_1 = tpu.iota {dimensions = array<i32: 0>} : vector<304x900xi32>
    %iota3A_2 = tpu.iota {dimensions = array<i32: 0>} : vector<900x2xi32>
    %broadcast_in_dim3A = arith.constant 7 : i32
    %broadcast_in_dim3A_3 = vector.broadcast %broadcast_in_dim3A : i32 to vector<900x1xi32>
    %broadcast_in_dim3A_4 = arith.constant 0 : i32
    %broadcast_in_dim3A_5 = vector.broadcast %broadcast_in_dim3A_4 : i32 to vector<900x1xi32>
    %concatenate3A = tpu.concatenate %broadcast_in_dim3A_3, %broadcast_in_dim3A_5 in 1 : vector<900x1xi32>, vector<900x1xi32> -> vector<900x2xi32>
    %shift_right_arithmetic3A = arith.shrsi %iota3A_2, %concatenate3A : vector<900x2xi32>
    %and3A = arith.constant 127 : i32
    %and3A_6 = vector.broadcast %and3A : i32 to vector<900x2xi32>
    %and3A_7 = arith.andi %shift_right_arithmetic3A, %and3A_6 : vector<900x2xi32>
    %convert_element_type3A = arith.sitofp %and3A_7 : vector<900x2xi32> to vector<900x2xbf16>
    %mul3A = arith.constant 8 : i32
    %mul3A_8 = arith.muli %arg0, %mul3A : i32
    %add3A = arith.constant 0 : i32
    %add3A_9 = arith.addi %mul3A_8, %add3A : i32
    %get3A = arith.constant 0 : index
    %get3A_10 = arith.constant 0 : index
    %get3A_11 = arith.constant 0 : index
    %get3A_12 = vector.load %arg1[%get3A, %get3A_10, %get3A_11] : memref<10x8x900xf32, #tpu.memory_space<vmem>>, vector<10x1x900xf32>
    %get3A_13 = vector.shape_cast %get3A_12 : vector<10x1x900xf32> to vector<10x900xf32>
    %reduce_max3A = arith.constant dense<0xFF800000> : vector<900xf32>
    %reduce_max3A_14 = vector.multi_reduction <maximumf>, %get3A_13, %reduce_max3A [0] : vector<10x900xf32> to vector<900xf32>
    %broadcast_in_dim3A_15 = vector.shape_cast %reduce_max3A_14 : vector<900xf32> to vector<1x900xf32>
    %reshape3A = vector.shape_cast %broadcast_in_dim3A_15 : vector<1x900xf32> to vector<900x1xf32>
    %broadcast_in_dim3A_16 = vector.shape_cast %reshape3A : vector<900x1xf32> to vector<900x1xf32>
    %broadcast_in_dim3A_17 = vector.broadcast %broadcast_in_dim3A_16 : vector<900x1xf32> to vector<900x900xf32>
    %broadcast_in_dim3A_18 = vector.shape_cast %broadcast_in_dim3A_15 : vector<1x900xf32> to vector<1x900xf32>
    %broadcast_in_dim3A_19 = vector.broadcast %broadcast_in_dim3A_18 : vector<1x900xf32> to vector<900x900xf32>
    %gt3A = arith.cmpf ogt, %broadcast_in_dim3A_19, %broadcast_in_dim3A_17 : vector<900x900xf32>
    %eq3A = arith.cmpf oeq, %broadcast_in_dim3A_19, %broadcast_in_dim3A_17 : vector<900x900xf32>
    %and3A_20 = arith.andi %eq3A, %lt3A : vector<900x900xi1>
    %or3A = arith.ori %gt3A, %and3A_20 : vector<900x900xi1>
    %convert_element_type3A_21 = arith.extui %or3A : vector<900x900xi1> to vector<900x900xi32>
    %convert_element_type3A_22 = arith.sitofp %convert_element_type3A_21 : vector<900x900xi32> to vector<900x900xf32>
    %reduce_sum3A = arith.constant dense<0.000000e+00> : vector<900xf32>
    %reduce_sum3A_23 = vector.multi_reduction <add>, %convert_element_type3A_22, %reduce_sum3A [0] : vector<900x900xf32> to vector<900xf32>
    %broadcast_in_dim3A_24 = vector.shape_cast %reduce_sum3A_23 : vector<900xf32> to vector<1x900xf32>
    %convert_element_type3A_25 = arith.fptosi %broadcast_in_dim3A_24 : vector<1x900xf32> to vector<1x900xi32>
    %sub3A = arith.constant 899 : i32
    %sub3A_26 = vector.broadcast %sub3A : i32 to vector<1x900xi32>
    %sub3A_27 = arith.subi %sub3A_26, %convert_element_type3A_25 : vector<1x900xi32>
    %broadcast_in_dim3A_28 = vector.shape_cast %sub3A_27 : vector<1x900xi32> to vector<1x900xi32>
    %broadcast_in_dim3A_29 = vector.broadcast %broadcast_in_dim3A_28 : vector<1x900xi32> to vector<304x900xi32>
    %eq3A_30 = arith.cmpi eq, %broadcast_in_dim3A_29, %iota3A_1 : vector<304x900xi32>
    %convert_element_type3A_31 = arith.extui %eq3A_30 : vector<304x900xi1> to vector<304x900xi32>
    %convert_element_type3A_32 = arith.sitofp %convert_element_type3A_31 : vector<304x900xi32> to vector<304x900xf32>
    %convert_element_type3A_33 = arith.truncf %convert_element_type3A_32 : vector<304x900xf32> to vector<304x900xbf16>
    %dot_general3A = arith.constant dense<0.000000e+00> : vector<304x2xf32>
    %dot_general3A_34 = tpu.matmul %convert_element_type3A_33, %convert_element_type3A, %dot_general3A {dimension_numbers = #tpu.dot_dimension_numbers<[1], [0], [0], [1], [0, 0, 1, 1], [], []>, transpose_lhs_hint = false} : vector<304x900xbf16>, vector<900x2xbf16>, vector<304x2xf32> -> vector<304x2xf32>
    %slice3A = vector.extract_strided_slice %dot_general3A_34 {offsets = [0, 0], sizes = [300, 1], strides = [1, 1]} : vector<304x2xf32> to vector<300x1xf32>
    %mul3A_35 = arith.constant 1.280000e+02 : f32
    %mul3A_36 = vector.broadcast %mul3A_35 : f32 to vector<300x1xf32>
    %mul3A_37 = arith.mulf %slice3A, %mul3A_36 : vector<300x1xf32>
    %slice3A_38 = vector.extract_strided_slice %dot_general3A_34 {offsets = [0, 1], sizes = [300, 1], strides = [1, 1]} : vector<304x2xf32> to vector<300x1xf32>
    %add3A_39 = arith.addf %mul3A_37, %slice3A_38 : vector<300x1xf32>
    %convert_element_type3A_40 = arith.fptosi %add3A_39 : vector<300x1xf32> to vector<300x1xi32>
    %mul3A_41 = arith.constant 64 : i32
    %mul3A_42 = vector.broadcast %mul3A_41 : i32 to vector<300x1xi32>
    %mul3A_43 = arith.muli %convert_element_type3A_40, %mul3A_42 : vector<300x1xi32>
    %add3A_44 = vector.broadcast %add3A_9 : i32 to vector<300x1xi32>
    %add3A_45 = arith.addi %mul3A_43, %add3A_44 : vector<300x1xi32>
    %swap3A = arith.constant 0 : index
    %swap3A_46 = arith.constant 0 : index
    %swap3A_47 = arith.constant 0 : index
    %swap3A_48 = vector.load %arg2[%swap3A, %swap3A_46, %swap3A_47] : memref<1x300x8xi32, #tpu.memory_space<vmem>>, vector<1x300x1xi32>
    %swap3A_49 = vector.shape_cast %swap3A_48 : vector<1x300x1xi32> to vector<300x1xi32>
    %swap3A_50 = vector.shape_cast %add3A_45 : vector<300x1xi32> to vector<1x300x1xi32>
    tpu.vector_store %arg2[%swap3A, %swap3A_46, %swap3A_47], %swap3A_50 {strides = array<i32>} : memref<1x300x8xi32, #tpu.memory_space<vmem>>, vector<1x300x1xi32>,
    %mul3A_51 = arith.constant 8 : i32
    %mul3A_52 = arith.muli %arg0, %mul3A_51 : i32
    %add3A_53 = arith.constant 1 : i32
    %add3A_54 = arith.addi %mul3A_52, %add3A_53 : i32
    %get3A_55 = arith.constant 0 : index
    %get3A_56 = arith.constant 1 : index
    %get3A_57 = arith.constant 0 : index
    %get3A_58 = vector.load %arg1[%get3A_55, %get3A_56, %get3A_57] : memref<10x8x900xf32, #tpu.memory_space<vmem>>, vector<10x1x900xf32>
    %get3A_59 = vector.shape_cast %get3A_58 : vector<10x1x900xf32> to vector<10x900xf32>
    %reduce_max3A_60 = arith.constant dense<0xFF800000> : vector<900xf32>
    %reduce_max3A_61 = vector.multi_reduction <maximumf>, %get3A_59, %reduce_max3A_60 [0] : vector<10x900xf32> to vector<900xf32>
    %broadcast_in_dim3A_62 = vector.shape_cast %reduce_max3A_61 : vector<900xf32> to vector<1x900xf32>
    %reshape3A_63 = vector.shape_cast %broadcast_in_dim3A_62 : vector<1x900xf32> to vector<900x1xf32>
    %broadcast_in_dim3A_64 = vector.shape_cast %reshape3A_63 : vector<900x1xf32> to vector<900x1xf32>
    %broadcast_in_dim3A_65 = vector.broadcast %broadcast_in_dim3A_64 : vector<900x1xf32> to vector<900x900xf32>
    %broadcast_in_dim3A_66 = vector.shape_cast %broadcast_in_dim3A_62 : vector<1x900xf32> to vector<1x900xf32>
    %broadcast_in_dim3A_67 = vector.broadcast %broadcast_in_dim3A_66 : vector<1x900xf32> to vector<900x900xf32>
    %gt3A_68 = arith.cmpf ogt, %broadcast_in_dim3A_67, %broadcast_in_dim3A_65 : vector<900x900xf32>
    %eq3A_69 = arith.cmpf oeq, %broadcast_in_dim3A_67, %broadcast_in_dim3A_65 : vector<900x900xf32>
    %and3A_70 = arith.andi %eq3A_69, %lt3A : vector<900x900xi1>
    %or3A_71 = arith.ori %gt3A_68, %and3A_70 : vector<900x900xi1>
    %convert_element_type3A_72 = arith.extui %or3A_71 : vector<900x900xi1> to vector<900x900xi32>
    %convert_element_type3A_73 = arith.sitofp %convert_element_type3A_72 : vector<900x900xi32> to vector<900x900xf32>
    %reduce_sum3A_74 = arith.constant dense<0.000000e+00> : vector<900xf32>
    %reduce_sum3A_75 = vector.multi_reduction <add>, %convert_element_type3A_73, %reduce_sum3A_74 [0] : vector<900x900xf32> to vector<900xf32>
    %broadcast_in_dim3A_76 = vector.shape_cast %reduce_sum3A_75 : vector<900xf32> to vector<1x900xf32>
    %convert_element_type3A_77 = arith.fptosi %broadcast_in_dim3A_76 : vector<1x900xf32> to vector<1x900xi32>
    %sub3A_78 = arith.constant 899 : i32
    %sub3A_79 = vector.broadcast %sub3A_78 : i32 to vector<1x900xi32>
    %sub3A_80 = arith.subi %sub3A_79, %convert_element_type3A_77 : vector<1x900xi32>
    %broadcast_in_dim3A_81 = vector.shape_cast %sub3A_80 : vector<1x900xi32> to vector<1x900xi32>
    %broadcast_in_dim3A_82 = vector.broadcast %broadcast_in_dim3A_81 : vector<1x900xi32> to vector<304x900xi32>
    %eq3A_83 = arith.cmpi eq, %broadcast_in_dim3A_82, %iota3A_1 : vector<304x900xi32>
    %convert_element_type3A_84 = arith.extui %eq3A_83 : vector<304x900xi1> to vector<304x900xi32>
    %convert_element_type3A_85 = arith.sitofp %convert_element_type3A_84 : vector<304x900xi32> to vector<304x900xf32>
    %convert_element_type3A_86 = arith.truncf %convert_element_type3A_85 : vector<304x900xf32> to vector<304x900xbf16>
    %dot_general3A_87 = arith.constant dense<0.000000e+00> : vector<304x2xf32>
    %dot_general3A_88 = tpu.matmul %convert_element_type3A_86, %convert_element_type3A, %dot_general3A_87 {dimension_numbers = #tpu.dot_dimension_numbers<[1], [0], [0], [1], [0, 0, 1, 1], [], []>, transpose_lhs_hint = false} : vector<304x900xbf16>, vector<900x2xbf16>, vector<304x2xf32> -> vector<304x2xf32>
    %slice3A_89 = vector.extract_strided_slice %dot_general3A_88 {offsets = [0, 0], sizes = [300, 1], strides = [1, 1]} : vector<304x2xf32> to vector<300x1xf32>
    %mul3A_90 = arith.constant 1.280000e+02 : f32
    %mul3A_91 = vector.broadcast %mul3A_90 : f32 to vector<300x1xf32>
    %mul3A_92 = arith.mulf %slice3A_89, %mul3A_91 : vector<300x1xf32>
    %slice3A_93 = vector.extract_strided_slice %dot_general3A_88 {offsets = [0, 1], sizes = [300, 1], strides = [1, 1]} : vector<304x2xf32> to vector<300x1xf32>
    %add3A_94 = arith.addf %mul3A_92, %slice3A_93 : vector<300x1xf32>
    %convert_element_type3A_95 = arith.fptosi %add3A_94 : vector<300x1xf32> to vector<300x1xi32>
    %mul3A_96 = arith.constant 64 : i32
    %mul3A_97 = vector.broadcast %mul3A_96 : i32 to vector<300x1xi32>
    %mul3A_98 = arith.muli %convert_element_type3A_95, %mul3A_97 : vector<300x1xi32>
    %add3A_99 = vector.broadcast %add3A_54 : i32 to vector<300x1xi32>
    %add3A_100 = arith.addi %mul3A_98, %add3A_99 : vector<300x1xi32>
    %swap3A_101 = arith.constant 0 : index
    %swap3A_102 = arith.constant 0 : index
    %swap3A_103 = arith.constant 1 : index
    %swap3A_104 = vector.load %arg2[%swap3A_101, %swap3A_102, %swap3A_103] : memref<1x300x8xi32, #tpu.memory_space<vmem>>, vector<1x300x1xi32>
    %swap3A_105 = vector.shape_cast %swap3A_104 : vector<1x300x1xi32> to vector<300x1xi32>
    %swap3A_106 = vector.shape_cast %add3A_100 : vector<300x1xi32> to vector<1x300x1xi32>
    tpu.vector_store %arg2[%swap3A_101, %swap3A_102, %swap3A_103], %swap3A_106 {strides = array<i32>} : memref<1x300x8xi32, #tpu.memory_space<vmem>>, vector<1x300x1xi32>,
    %mul3A_107 = arith.constant 8 : i32
    %mul3A_108 = arith.muli %arg0, %mul3A_107 : i32
    %add3A_109 = arith.constant 2 : i32
    %add3A_110 = arith.addi %mul3A_108, %add3A_109 : i32
    %get3A_111 = arith.constant 0 : index
    %get3A_112 = arith.constant 2 : index
    %get3A_113 = arith.constant 0 : index
    %get3A_114 = vector.load %arg1[%get3A_111, %get3A_112, %get3A_113] : memref<10x8x900xf32, #tpu.memory_space<vmem>>, vector<10x1x900xf32>
    %get3A_115 = vector.shape_cast %get3A_114 : vector<10x1x900xf32> to vector<10x900xf32>
    %reduce_max3A_116 = arith.constant dense<0xFF800000> : vector<900xf32>
    %reduce_max3A_117 = vector.multi_reduction <maximumf>, %get3A_115, %reduce_max3A_116 [0] : vector<10x900xf32> to vector<900xf32>
    %broadcast_in_dim3A_118 = vector.shape_cast %reduce_max3A_117 : vector<900xf32> to vector<1x900xf32>
    %reshape3A_119 = vector.shape_cast %broadcast_in_dim3A_118 : vector<1x900xf32> to vector<900x1xf32>
    %broadcast_in_dim3A_120 = vector.shape_cast %reshape3A_119 : vector<900x1xf32> to vector<900x1xf32>
    %broadcast_in_dim3A_121 = vector.broadcast %broadcast_in_dim3A_120 : vector<900x1xf32> to vector<900x900xf32>
    %broadcast_in_dim3A_122 = vector.shape_cast %broadcast_in_dim3A_118 : vector<1x900xf32> to vector<1x900xf32>
    %broadcast_in_dim3A_123 = vector.broadcast %broadcast_in_dim3A_122 : vector<1x900xf32> to vector<900x900xf32>
    %gt3A_124 = arith.cmpf ogt, %broadcast_in_dim3A_123, %broadcast_in_dim3A_121 : vector<900x900xf32>
    %eq3A_125 = arith.cmpf oeq, %broadcast_in_dim3A_123, %broadcast_in_dim3A_121 : vector<900x900xf32>
    %and3A_126 = arith.andi %eq3A_125, %lt3A : vector<900x900xi1>
    %or3A_127 = arith.ori %gt3A_124, %and3A_126 : vector<900x900xi1>
    %convert_element_type3A_128 = arith.extui %or3A_127 : vector<900x900xi1> to vector<900x900xi32>
    %convert_element_type3A_129 = arith.sitofp %convert_element_type3A_128 : vector<900x900xi32> to vector<900x900xf32>
    %reduce_sum3A_130 = arith.constant dense<0.000000e+00> : vector<900xf32>
    %reduce_sum3A_131 = vector.multi_reduction <add>, %convert_element_type3A_129, %reduce_sum3A_130 [0] : vector<900x900xf32> to vector<900xf32>
    %broadcast_in_dim3A_132 = vector.shape_cast %reduce_sum3A_131 : vector<900xf32> to vector<1x900xf32>
    %convert_element_type3A_133 = arith.fptosi %broadcast_in_dim3A_132 : vector<1x900xf32> to vector<1x900xi32>
    %sub3A_134 = arith.constant 899 : i32
    %sub3A_135 = vector.broadcast %sub3A_134 : i32 to vector<1x900xi32>
    %sub3A_136 = arith.subi %sub3A_135, %convert_element_type3A_133 : vector<1x900xi32>
    %broadcast_in_dim3A_137 = vector.shape_cast %sub3A_136 : vector<1x900xi32> to vector<1x900xi32>
    %broadcast_in_dim3A_138 = vector.broadcast %broadcast_in_dim3A_137 : vector<1x900xi32> to vector<304x900xi32>
    %eq3A_139 = arith.cmpi eq, %broadcast_in_dim3A_138, %iota3A_1 : vector<304x900xi32>
    %convert_element_type3A_140 = arith.extui %eq3A_139 : vector<304x900xi1> to vector<304x900xi32>
    %convert_element_type3A_141 = arith.sitofp %convert_element_type3A_140 : vector<304x900xi32> to vector<304x900xf32>
    %convert_element_type3A_142 = arith.truncf %convert_element_type3A_141 : vector<304x900xf32> to vector<304x900xbf16>
    %dot_general3A_143 = arith.constant dense<0.000000e+00> : vector<304x2xf32>
    %dot_general3A_144 = tpu.matmul %convert_element_type3A_142, %convert_element_type3A, %dot_general3A_143 {dimension_numbers = #tpu.dot_dimension_numbers<[1], [0], [0], [1], [0, 0, 1, 1], [], []>, transpose_lhs_hint = false} : vector<304x900xbf16>, vector<900x2xbf16>, vector<304x2xf32> -> vector<304x2xf32>
    %slice3A_145 = vector.extract_strided_slice %dot_general3A_144 {offsets = [0, 0], sizes = [300, 1], strides = [1, 1]} : vector<304x2xf32> to vector<300x1xf32>
    %mul3A_146 = arith.constant 1.280000e+02 : f32
    %mul3A_147 = vector.broadcast %mul3A_146 : f32 to vector<300x1xf32>
    %mul3A_148 = arith.mulf %slice3A_145, %mul3A_147 : vector<300x1xf32>
    %slice3A_149 = vector.extract_strided_slice %dot_general3A_144 {offsets = [0, 1], sizes = [300, 1], strides = [1, 1]} : vector<304x2xf32> to vector<300x1xf32>
    %add3A_150 = arith.addf %mul3A_148, %slice3A_149 : vector<300x1xf32>
    %convert_element_type3A_151 = arith.fptosi %add3A_150 : vector<300x1xf32> to vector<300x1xi32>
    %mul3A_152 = arith.constant 64 : i32
    %mul3A_153 = vector.broadcast %mul3A_152 : i32 to vector<300x1xi32>
    %mul3A_154 = arith.muli %convert_element_type3A_151, %mul3A_153 : vector<300x1xi32>
    %add3A_155 = vector.broadcast %add3A_110 : i32 to vector<300x1xi32>
    %add3A_156 = arith.addi %mul3A_154, %add3A_155 : vector<300x1xi32>
    %swap3A_157 = arith.constant 0 : index
    %swap3A_158 = arith.constant 0 : index
    %swap3A_159 = arith.constant 2 : index
    %swap3A_160 = vector.load %arg2[%swap3A_157, %swap3A_158, %swap3A_159] : memref<1x300x8xi32, #tpu.memory_space<vmem>>, vector<1x300x1xi32>
    %swap3A_161 = vector.shape_cast %swap3A_160 : vector<1x300x1xi32> to vector<300x1xi32>
    %swap3A_162 = vector.shape_cast %add3A_156 : vector<300x1xi32> to vector<1x300x1xi32>
    tpu.vector_store %arg2[%swap3A_157, %swap3A_158, %swap3A_159], %swap3A_162 {strides = array<i32>} : memref<1x300x8xi32, #tpu.memory_space<vmem>>, vector<1x300x1xi32>,
    %mul3A_163 = arith.constant 8 : i32
    %mul3A_164 = arith.muli %arg0, %mul3A_163 : i32
    %add3A_165 = arith.constant 3 : i32
    %add3A_166 = arith.addi %mul3A_164, %add3A_165 : i32
    %get3A_167 = arith.constant 0 : index
    %get3A_168 = arith.constant 3 : index
    %get3A_169 = arith.constant 0 : index
    %get3A_170 = vector.load %arg1[%get3A_167, %get3A_168, %get3A_169] : memref<10x8x900xf32, #tpu.memory_space<vmem>>, vector<10x1x900xf32>
    %get3A_171 = vector.shape_cast %get3A_170 : vector<10x1x900xf32> to vector<10x900xf32>
    %reduce_max3A_172 = arith.constant dense<0xFF800000> : vector<900xf32>
    %reduce_max3A_173 = vector.multi_reduction <maximumf>, %get3A_171, %reduce_max3A_172 [0] : vector<10x900xf32> to vector<900xf32>
    %broadcast_in_dim3A_174 = vector.shape_cast %reduce_max3A_173 : vector<900xf32> to vector<1x900xf32>
    %reshape3A_175 = vector.shape_cast %broadcast_in_dim3A_174 : vector<1x900xf32> to vector<900x1xf32>
    %broadcast_in_dim3A_176 = vector.shape_cast %reshape3A_175 : vector<900x1xf32> to vector<900x1xf32>
    %broadcast_in_dim3A_177 = vector.broadcast %broadcast_in_dim3A_176 : vector<900x1xf32> to vector<900x900xf32>
    %broadcast_in_dim3A_178 = vector.shape_cast %broadcast_in_dim3A_174 : vector<1x900xf32> to vector<1x900xf32>
    %broadcast_in_dim3A_179 = vector.broadcast %broadcast_in_dim3A_178 : vector<1x900xf32> to vector<900x900xf32>
    %gt3A_180 = arith.cmpf ogt, %broadcast_in_dim3A_179, %broadcast_in_dim3A_177 : vector<900x900xf32>
    %eq3A_181 = arith.cmpf oeq, %broadcast_in_dim3A_179, %broadcast_in_dim3A_177 : vector<900x900xf32>
    %and3A_182 = arith.andi %eq3A_181, %lt3A : vector<900x900xi1>
    %or3A_183 = arith.ori %gt3A_180, %and3A_182 : vector<900x900xi1>
    %convert_element_type3A_184 = arith.extui %or3A_183 : vector<900x900xi1> to vector<900x900xi32>
    %convert_element_type3A_185 = arith.sitofp %convert_element_type3A_184 : vector<900x900xi32> to vector<900x900xf32>
    %reduce_sum3A_186 = arith.constant dense<0.000000e+00> : vector<900xf32>
    %reduce_sum3A_187 = vector.multi_reduction <add>, %convert_element_type3A_185, %reduce_sum3A_186 [0] : vector<900x900xf32> to vector<900xf32>
    %broadcast_in_dim3A_188 = vector.shape_cast %reduce_sum3A_187 : vector<900xf32> to vector<1x900xf32>
    %convert_element_type3A_189 = arith.fptosi %broadcast_in_dim3A_188 : vector<1x900xf32> to vector<1x900xi32>
    %sub3A_190 = arith.constant 899 : i32
    %sub3A_191 = vector.broadcast %sub3A_190 : i32 to vector<1x900xi32>
    %sub3A_192 = arith.subi %sub3A_191, %convert_element_type3A_189 : vector<1x900xi32>
    %broadcast_in_dim3A_193 = vector.shape_cast %sub3A_192 : vector<1x900xi32> to vector<1x900xi32>
    %broadcast_in_dim3A_194 = vector.broadcast %broadcast_in_dim3A_193 : vector<1x900xi32> to vector<304x900xi32>
    %eq3A_195 = arith.cmpi eq, %broadcast_in_dim3A_194, %iota3A_1 : vector<304x900xi32>
    %convert_element_type3A_196 = arith.extui %eq3A_195 : vector<304x900xi1> to vector<304x900xi32>
    %convert_element_type3A_197 = arith.sitofp %convert_element_type3A_196 : vector<304x900xi32> to vector<304x900xf32>
    %convert_element_type3A_198 = arith.truncf %convert_element_type3A_197 : vector<304x900xf32> to vector<304x900xbf16>
    %dot_general3A_199 = arith.constant dense<0.000000e+00> : vector<304x2xf32>
    %dot_general3A_200 = tpu.matmul %convert_element_type3A_198, %convert_element_type3A, %dot_general3A_199 {dimension_numbers = #tpu.dot_dimension_numbers<[1], [0], [0], [1], [0, 0, 1, 1], [], []>, transpose_lhs_hint = false} : vector<304x900xbf16>, vector<900x2xbf16>, vector<304x2xf32> -> vector<304x2xf32>
    %slice3A_201 = vector.extract_strided_slice %dot_general3A_200 {offsets = [0, 0], sizes = [300, 1], strides = [1, 1]} : vector<304x2xf32> to vector<300x1xf32>
    %mul3A_202 = arith.constant 1.280000e+02 : f32
    %mul3A_203 = vector.broadcast %mul3A_202 : f32 to vector<300x1xf32>
    %mul3A_204 = arith.mulf %slice3A_201, %mul3A_203 : vector<300x1xf32>
    %slice3A_205 = vector.extract_strided_slice %dot_general3A_200 {offsets = [0, 1], sizes = [300, 1], strides = [1, 1]} : vector<304x2xf32> to vector<300x1xf32>
    %add3A_206 = arith.addf %mul3A_204, %slice3A_205 : vector<300x1xf32>
    %convert_element_type3A_207 = arith.fptosi %add3A_206 : vector<300x1xf32> to vector<300x1xi32>
    %mul3A_208 = arith.constant 64 : i32
    %mul3A_209 = vector.broadcast %mul3A_208 : i32 to vector<300x1xi32>
    %mul3A_210 = arith.muli %convert_element_type3A_207, %mul3A_209 : vector<300x1xi32>
    %add3A_211 = vector.broadcast %add3A_166 : i32 to vector<300x1xi32>
    %add3A_212 = arith.addi %mul3A_210, %add3A_211 : vector<300x1xi32>
    %swap3A_213 = arith.constant 0 : index
    %swap3A_214 = arith.constant 0 : index
    %swap3A_215 = arith.constant 3 : index
    %swap3A_216 = vector.load %arg2[%swap3A_213, %swap3A_214, %swap3A_215] : memref<1x300x8xi32, #tpu.memory_space<vmem>>, vector<1x300x1xi32>
    %swap3A_217 = vector.shape_cast %swap3A_216 : vector<1x300x1xi32> to vector<300x1xi32>
    %swap3A_218 = vector.shape_cast %add3A_212 : vector<300x1xi32> to vector<1x300x1xi32>
    tpu.vector_store %arg2[%swap3A_213, %swap3A_214, %swap3A_215], %swap3A_218 {strides = array<i32>} : memref<1x300x8xi32, #tpu.memory_space<vmem>>, vector<1x300x1xi32>,
    %mul3A_219 = arith.constant 8 : i32
    %mul3A_220 = arith.muli %arg0, %mul3A_219 : i32
    %add3A_221 = arith.constant 4 : i32
    %add3A_222 = arith.addi %mul3A_220, %add3A_221 : i32
    %get3A_223 = arith.constant 0 : index
    %get3A_224 = arith.constant 4 : index
    %get3A_225 = arith.constant 0 : index
    %get3A_226 = vector.load %arg1[%get3A_223, %get3A_224, %get3A_225] : memref<10x8x900xf32, #tpu.memory_space<vmem>>, vector<10x1x900xf32>
    %get3A_227 = vector.shape_cast %get3A_226 : vector<10x1x900xf32> to vector<10x900xf32>
    %reduce_max3A_228 = arith.constant dense<0xFF800000> : vector<900xf32>
    %reduce_max3A_229 = vector.multi_reduction <maximumf>, %get3A_227, %reduce_max3A_228 [0] : vector<10x900xf32> to vector<900xf32>
    %broadcast_in_dim3A_230 = vector.shape_cast %reduce_max3A_229 : vector<900xf32> to vector<1x900xf32>
    %reshape3A_231 = vector.shape_cast %broadcast_in_dim3A_230 : vector<1x900xf32> to vector<900x1xf32>
    %broadcast_in_dim3A_232 = vector.shape_cast %reshape3A_231 : vector<900x1xf32> to vector<900x1xf32>
    %broadcast_in_dim3A_233 = vector.broadcast %broadcast_in_dim3A_232 : vector<900x1xf32> to vector<900x900xf32>
    %broadcast_in_dim3A_234 = vector.shape_cast %broadcast_in_dim3A_230 : vector<1x900xf32> to vector<1x900xf32>
    %broadcast_in_dim3A_235 = vector.broadcast %broadcast_in_dim3A_234 : vector<1x900xf32> to vector<900x900xf32>
    %gt3A_236 = arith.cmpf ogt, %broadcast_in_dim3A_235, %broadcast_in_dim3A_233 : vector<900x900xf32>
    %eq3A_237 = arith.cmpf oeq, %broadcast_in_dim3A_235, %broadcast_in_dim3A_233 : vector<900x900xf32>
    %and3A_238 = arith.andi %eq3A_237, %lt3A : vector<900x900xi1>
    %or3A_239 = arith.ori %gt3A_236, %and3A_238 : vector<900x900xi1>
    %convert_element_type3A_240 = arith.extui %or3A_239 : vector<900x900xi1> to vector<900x900xi32>
    %convert_element_type3A_241 = arith.sitofp %convert_element_type3A_240 : vector<900x900xi32> to vector<900x900xf32>
    %reduce_sum3A_242 = arith.constant dense<0.000000e+00> : vector<900xf32>
    %reduce_sum3A_243 = vector.multi_reduction <add>, %convert_element_type3A_241, %reduce_sum3A_242 [0] : vector<900x900xf32> to vector<900xf32>
    %broadcast_in_dim3A_244 = vector.shape_cast %reduce_sum3A_243 : vector<900xf32> to vector<1x900xf32>
    %convert_element_type3A_245 = arith.fptosi %broadcast_in_dim3A_244 : vector<1x900xf32> to vector<1x900xi32>
    %sub3A_246 = arith.constant 899 : i32
    %sub3A_247 = vector.broadcast %sub3A_246 : i32 to vector<1x900xi32>
    %sub3A_248 = arith.subi %sub3A_247, %convert_element_type3A_245 : vector<1x900xi32>
    %broadcast_in_dim3A_249 = vector.shape_cast %sub3A_248 : vector<1x900xi32> to vector<1x900xi32>
    %broadcast_in_dim3A_250 = vector.broadcast %broadcast_in_dim3A_249 : vector<1x900xi32> to vector<304x900xi32>
    %eq3A_251 = arith.cmpi eq, %broadcast_in_dim3A_250, %iota3A_1 : vector<304x900xi32>
    %convert_element_type3A_252 = arith.extui %eq3A_251 : vector<304x900xi1> to vector<304x900xi32>
    %convert_element_type3A_253 = arith.sitofp %convert_element_type3A_252 : vector<304x900xi32> to vector<304x900xf32>
    %convert_element_type3A_254 = arith.truncf %convert_element_type3A_253 : vector<304x900xf32> to vector<304x900xbf16>
    %dot_general3A_255 = arith.constant dense<0.000000e+00> : vector<304x2xf32>
    %dot_general3A_256 = tpu.matmul %convert_element_type3A_254, %convert_element_type3A, %dot_general3A_255 {dimension_numbers = #tpu.dot_dimension_numbers<[1], [0], [0], [1], [0, 0, 1, 1], [], []>, transpose_lhs_hint = false} : vector<304x900xbf16>, vector<900x2xbf16>, vector<304x2xf32> -> vector<304x2xf32>
    %slice3A_257 = vector.extract_strided_slice %dot_general3A_256 {offsets = [0, 0], sizes = [300, 1], strides = [1, 1]} : vector<304x2xf32> to vector<300x1xf32>
    %mul3A_258 = arith.constant 1.280000e+02 : f32
    %mul3A_259 = vector.broadcast %mul3A_258 : f32 to vector<300x1xf32>
    %mul3A_260 = arith.mulf %slice3A_257, %mul3A_259 : vector<300x1xf32>
    %slice3A_261 = vector.extract_strided_slice %dot_general3A_256 {offsets = [0, 1], sizes = [300, 1], strides = [1, 1]} : vector<304x2xf32> to vector<300x1xf32>
    %add3A_262 = arith.addf %mul3A_260, %slice3A_261 : vector<300x1xf32>
    %convert_element_type3A_263 = arith.fptosi %add3A_262 : vector<300x1xf32> to vector<300x1xi32>
    %mul3A_264 = arith.constant 64 : i32
    %mul3A_265 = vector.broadcast %mul3A_264 : i32 to vector<300x1xi32>
    %mul3A_266 = arith.muli %convert_element_type3A_263, %mul3A_265 : vector<300x1xi32>
    %add3A_267 = vector.broadcast %add3A_222 : i32 to vector<300x1xi32>
    %add3A_268 = arith.addi %mul3A_266, %add3A_267 : vector<300x1xi32>
    %swap3A_269 = arith.constant 0 : index
    %swap3A_270 = arith.constant 0 : index
    %swap3A_271 = arith.constant 4 : index
    %swap3A_272 = vector.load %arg2[%swap3A_269, %swap3A_270, %swap3A_271] : memref<1x300x8xi32, #tpu.memory_space<vmem>>, vector<1x300x1xi32>
    %swap3A_273 = vector.shape_cast %swap3A_272 : vector<1x300x1xi32> to vector<300x1xi32>
    %swap3A_274 = vector.shape_cast %add3A_268 : vector<300x1xi32> to vector<1x300x1xi32>
    tpu.vector_store %arg2[%swap3A_269, %swap3A_270, %swap3A_271], %swap3A_274 {strides = array<i32>} : memref<1x300x8xi32, #tpu.memory_space<vmem>>, vector<1x300x1xi32>,
    %mul3A_275 = arith.constant 8 : i32
    %mul3A_276 = arith.muli %arg0, %mul3A_275 : i32
    %add3A_277 = arith.constant 5 : i32
    %add3A_278 = arith.addi %mul3A_276, %add3A_277 : i32
    %get3A_279 = arith.constant 0 : index
    %get3A_280 = arith.constant 5 : index
    %get3A_281 = arith.constant 0 : index
    %get3A_282 = vector.load %arg1[%get3A_279, %get3A_280, %get3A_281] : memref<10x8x900xf32, #tpu.memory_space<vmem>>, vector<10x1x900xf32>
    %get3A_283 = vector.shape_cast %get3A_282 : vector<10x1x900xf32> to vector<10x900xf32>
    %reduce_max3A_284 = arith.constant dense<0xFF800000> : vector<900xf32>
    %reduce_max3A_285 = vector.multi_reduction <maximumf>, %get3A_283, %reduce_max3A_284 [0] : vector<10x900xf32> to vector<900xf32>
    %broadcast_in_dim3A_286 = vector.shape_cast %reduce_max3A_285 : vector<900xf32> to vector<1x900xf32>
    %reshape3A_287 = vector.shape_cast %broadcast_in_dim3A_286 : vector<1x900xf32> to vector<900x1xf32>
    %broadcast_in_dim3A_288 = vector.shape_cast %reshape3A_287 : vector<900x1xf32> to vector<900x1xf32>
    %broadcast_in_dim3A_289 = vector.broadcast %broadcast_in_dim3A_288 : vector<900x1xf32> to vector<900x900xf32>
    %broadcast_in_dim3A_290 = vector.shape_cast %broadcast_in_dim3A_286 : vector<1x900xf32> to vector<1x900xf32>
    %broadcast_in_dim3A_291 = vector.broadcast %broadcast_in_dim3A_290 : vector<1x900xf32> to vector<900x900xf32>
    %gt3A_292 = arith.cmpf ogt, %broadcast_in_dim3A_291, %broadcast_in_dim3A_289 : vector<900x900xf32>
    %eq3A_293 = arith.cmpf oeq, %broadcast_in_dim3A_291, %broadcast_in_dim3A_289 : vector<900x900xf32>
    %and3A_294 = arith.andi %eq3A_293, %lt3A : vector<900x900xi1>
    %or3A_295 = arith.ori %gt3A_292, %and3A_294 : vector<900x900xi1>
    %convert_element_type3A_296 = arith.extui %or3A_295 : vector<900x900xi1> to vector<900x900xi32>
    %convert_element_type3A_297 = arith.sitofp %convert_element_type3A_296 : vector<900x900xi32> to vector<900x900xf32>
    %reduce_sum3A_298 = arith.constant dense<0.000000e+00> : vector<900xf32>
    %reduce_sum3A_299 = vector.multi_reduction <add>, %convert_element_type3A_297, %reduce_sum3A_298 [0] : vector<900x900xf32> to vector<900xf32>
    %broadcast_in_dim3A_300 = vector.shape_cast %reduce_sum3A_299 : vector<900xf32> to vector<1x900xf32>
    %convert_element_type3A_301 = arith.fptosi %broadcast_in_dim3A_300 : vector<1x900xf32> to vector<1x900xi32>
    %sub3A_302 = arith.constant 899 : i32
    %sub3A_303 = vector.broadcast %sub3A_302 : i32 to vector<1x900xi32>
    %sub3A_304 = arith.subi %sub3A_303, %convert_element_type3A_301 : vector<1x900xi32>
    %broadcast_in_dim3A_305 = vector.shape_cast %sub3A_304 : vector<1x900xi32> to vector<1x900xi32>
    %broadcast_in_dim3A_306 = vector.broadcast %broadcast_in_dim3A_305 : vector<1x900xi32> to vector<304x900xi32>
    %eq3A_307 = arith.cmpi eq, %broadcast_in_dim3A_306, %iota3A_1 : vector<304x900xi32>
    %convert_element_type3A_308 = arith.extui %eq3A_307 : vector<304x900xi1> to vector<304x900xi32>
    %convert_element_type3A_309 = arith.sitofp %convert_element_type3A_308 : vector<304x900xi32> to vector<304x900xf32>
    %convert_element_type3A_310 = arith.truncf %convert_element_type3A_309 : vector<304x900xf32> to vector<304x900xbf16>
    %dot_general3A_311 = arith.constant dense<0.000000e+00> : vector<304x2xf32>
    %dot_general3A_312 = tpu.matmul %convert_element_type3A_310, %convert_element_type3A, %dot_general3A_311 {dimension_numbers = #tpu.dot_dimension_numbers<[1], [0], [0], [1], [0, 0, 1, 1], [], []>, transpose_lhs_hint = false} : vector<304x900xbf16>, vector<900x2xbf16>, vector<304x2xf32> -> vector<304x2xf32>
    %slice3A_313 = vector.extract_strided_slice %dot_general3A_312 {offsets = [0, 0], sizes = [300, 1], strides = [1, 1]} : vector<304x2xf32> to vector<300x1xf32>
    %mul3A_314 = arith.constant 1.280000e+02 : f32
    %mul3A_315 = vector.broadcast %mul3A_314 : f32 to vector<300x1xf32>
    %mul3A_316 = arith.mulf %slice3A_313, %mul3A_315 : vector<300x1xf32>
    %slice3A_317 = vector.extract_strided_slice %dot_general3A_312 {offsets = [0, 1], sizes = [300, 1], strides = [1, 1]} : vector<304x2xf32> to vector<300x1xf32>
    %add3A_318 = arith.addf %mul3A_316, %slice3A_317 : vector<300x1xf32>
    %convert_element_type3A_319 = arith.fptosi %add3A_318 : vector<300x1xf32> to vector<300x1xi32>
    %mul3A_320 = arith.constant 64 : i32
    %mul3A_321 = vector.broadcast %mul3A_320 : i32 to vector<300x1xi32>
    %mul3A_322 = arith.muli %convert_element_type3A_319, %mul3A_321 : vector<300x1xi32>
    %add3A_323 = vector.broadcast %add3A_278 : i32 to vector<300x1xi32>
    %add3A_324 = arith.addi %mul3A_322, %add3A_323 : vector<300x1xi32>
    %swap3A_325 = arith.constant 0 : index
    %swap3A_326 = arith.constant 0 : index
    %swap3A_327 = arith.constant 5 : index
    %swap3A_328 = vector.load %arg2[%swap3A_325, %swap3A_326, %swap3A_327] : memref<1x300x8xi32, #tpu.memory_space<vmem>>, vector<1x300x1xi32>
    %swap3A_329 = vector.shape_cast %swap3A_328 : vector<1x300x1xi32> to vector<300x1xi32>
    %swap3A_330 = vector.shape_cast %add3A_324 : vector<300x1xi32> to vector<1x300x1xi32>
    tpu.vector_store %arg2[%swap3A_325, %swap3A_326, %swap3A_327], %swap3A_330 {strides = array<i32>} : memref<1x300x8xi32, #tpu.memory_space<vmem>>, vector<1x300x1xi32>,
    %mul3A_331 = arith.constant 8 : i32
    %mul3A_332 = arith.muli %arg0, %mul3A_331 : i32
    %add3A_333 = arith.constant 6 : i32
    %add3A_334 = arith.addi %mul3A_332, %add3A_333 : i32
    %get3A_335 = arith.constant 0 : index
    %get3A_336 = arith.constant 6 : index
    %get3A_337 = arith.constant 0 : index
    %get3A_338 = vector.load %arg1[%get3A_335, %get3A_336, %get3A_337] : memref<10x8x900xf32, #tpu.memory_space<vmem>>, vector<10x1x900xf32>
    %get3A_339 = vector.shape_cast %get3A_338 : vector<10x1x900xf32> to vector<10x900xf32>
    %reduce_max3A_340 = arith.constant dense<0xFF800000> : vector<900xf32>
    %reduce_max3A_341 = vector.multi_reduction <maximumf>, %get3A_339, %reduce_max3A_340 [0] : vector<10x900xf32> to vector<900xf32>
    %broadcast_in_dim3A_342 = vector.shape_cast %reduce_max3A_341 : vector<900xf32> to vector<1x900xf32>
    %reshape3A_343 = vector.shape_cast %broadcast_in_dim3A_342 : vector<1x900xf32> to vector<900x1xf32>
    %broadcast_in_dim3A_344 = vector.shape_cast %reshape3A_343 : vector<900x1xf32> to vector<900x1xf32>
    %broadcast_in_dim3A_345 = vector.broadcast %broadcast_in_dim3A_344 : vector<900x1xf32> to vector<900x900xf32>
    %broadcast_in_dim3A_346 = vector.shape_cast %broadcast_in_dim3A_342 : vector<1x900xf32> to vector<1x900xf32>
    %broadcast_in_dim3A_347 = vector.broadcast %broadcast_in_dim3A_346 : vector<1x900xf32> to vector<900x900xf32>
    %gt3A_348 = arith.cmpf ogt, %broadcast_in_dim3A_347, %broadcast_in_dim3A_345 : vector<900x900xf32>
    %eq3A_349 = arith.cmpf oeq, %broadcast_in_dim3A_347, %broadcast_in_dim3A_345 : vector<900x900xf32>
    %and3A_350 = arith.andi %eq3A_349, %lt3A : vector<900x900xi1>
    %or3A_351 = arith.ori %gt3A_348, %and3A_350 : vector<900x900xi1>
    %convert_element_type3A_352 = arith.extui %or3A_351 : vector<900x900xi1> to vector<900x900xi32>
    %convert_element_type3A_353 = arith.sitofp %convert_element_type3A_352 : vector<900x900xi32> to vector<900x900xf32>
    %reduce_sum3A_354 = arith.constant dense<0.000000e+00> : vector<900xf32>
    %reduce_sum3A_355 = vector.multi_reduction <add>, %convert_element_type3A_353, %reduce_sum3A_354 [0] : vector<900x900xf32> to vector<900xf32>
    %broadcast_in_dim3A_356 = vector.shape_cast %reduce_sum3A_355 : vector<900xf32> to vector<1x900xf32>
    %convert_element_type3A_357 = arith.fptosi %broadcast_in_dim3A_356 : vector<1x900xf32> to vector<1x900xi32>
    %sub3A_358 = arith.constant 899 : i32
    %sub3A_359 = vector.broadcast %sub3A_358 : i32 to vector<1x900xi32>
    %sub3A_360 = arith.subi %sub3A_359, %convert_element_type3A_357 : vector<1x900xi32>
    %broadcast_in_dim3A_361 = vector.shape_cast %sub3A_360 : vector<1x900xi32> to vector<1x900xi32>
    %broadcast_in_dim3A_362 = vector.broadcast %broadcast_in_dim3A_361 : vector<1x900xi32> to vector<304x900xi32>
    %eq3A_363 = arith.cmpi eq, %broadcast_in_dim3A_362, %iota3A_1 : vector<304x900xi32>
    %convert_element_type3A_364 = arith.extui %eq3A_363 : vector<304x900xi1> to vector<304x900xi32>
    %convert_element_type3A_365 = arith.sitofp %convert_element_type3A_364 : vector<304x900xi32> to vector<304x900xf32>
    %convert_element_type3A_366 = arith.truncf %convert_element_type3A_365 : vector<304x900xf32> to vector<304x900xbf16>
    %dot_general3A_367 = arith.constant dense<0.000000e+00> : vector<304x2xf32>
    %dot_general3A_368 = tpu.matmul %convert_element_type3A_366, %convert_element_type3A, %dot_general3A_367 {dimension_numbers = #tpu.dot_dimension_numbers<[1], [0], [0], [1], [0, 0, 1, 1], [], []>, transpose_lhs_hint = false} : vector<304x900xbf16>, vector<900x2xbf16>, vector<304x2xf32> -> vector<304x2xf32>
    %slice3A_369 = vector.extract_strided_slice %dot_general3A_368 {offsets = [0, 0], sizes = [300, 1], strides = [1, 1]} : vector<304x2xf32> to vector<300x1xf32>
    %mul3A_370 = arith.constant 1.280000e+02 : f32
    %mul3A_371 = vector.broadcast %mul3A_370 : f32 to vector<300x1xf32>
    %mul3A_372 = arith.mulf %slice3A_369, %mul3A_371 : vector<300x1xf32>
    %slice3A_373 = vector.extract_strided_slice %dot_general3A_368 {offsets = [0, 1], sizes = [300, 1], strides = [1, 1]} : vector<304x2xf32> to vector<300x1xf32>
    %add3A_374 = arith.addf %mul3A_372, %slice3A_373 : vector<300x1xf32>
    %convert_element_type3A_375 = arith.fptosi %add3A_374 : vector<300x1xf32> to vector<300x1xi32>
    %mul3A_376 = arith.constant 64 : i32
    %mul3A_377 = vector.broadcast %mul3A_376 : i32 to vector<300x1xi32>
    %mul3A_378 = arith.muli %convert_element_type3A_375, %mul3A_377 : vector<300x1xi32>
    %add3A_379 = vector.broadcast %add3A_334 : i32 to vector<300x1xi32>
    %add3A_380 = arith.addi %mul3A_378, %add3A_379 : vector<300x1xi32>
    %swap3A_381 = arith.constant 0 : index
    %swap3A_382 = arith.constant 0 : index
    %swap3A_383 = arith.constant 6 : index
    %swap3A_384 = vector.load %arg2[%swap3A_381, %swap3A_382, %swap3A_383] : memref<1x300x8xi32, #tpu.memory_space<vmem>>, vector<1x300x1xi32>
    %swap3A_385 = vector.shape_cast %swap3A_384 : vector<1x300x1xi32> to vector<300x1xi32>
    %swap3A_386 = vector.shape_cast %add3A_380 : vector<300x1xi32> to vector<1x300x1xi32>
    tpu.vector_store %arg2[%swap3A_381, %swap3A_382, %swap3A_383], %swap3A_386 {strides = array<i32>} : memref<1x300x8xi32, #tpu.memory_space<vmem>>, vector<1x300x1xi32>,
    %mul3A_387 = arith.constant 8 : i32
    %mul3A_388 = arith.muli %arg0, %mul3A_387 : i32
    %add3A_389 = arith.constant 7 : i32
    %add3A_390 = arith.addi %mul3A_388, %add3A_389 : i32
    %get3A_391 = arith.constant 0 : index
    %get3A_392 = arith.constant 7 : index
    %get3A_393 = arith.constant 0 : index
    %get3A_394 = vector.load %arg1[%get3A_391, %get3A_392, %get3A_393] : memref<10x8x900xf32, #tpu.memory_space<vmem>>, vector<10x1x900xf32>
    %get3A_395 = vector.shape_cast %get3A_394 : vector<10x1x900xf32> to vector<10x900xf32>
    %reduce_max3A_396 = arith.constant dense<0xFF800000> : vector<900xf32>
    %reduce_max3A_397 = vector.multi_reduction <maximumf>, %get3A_395, %reduce_max3A_396 [0] : vector<10x900xf32> to vector<900xf32>
    %broadcast_in_dim3A_398 = vector.shape_cast %reduce_max3A_397 : vector<900xf32> to vector<1x900xf32>
    %reshape3A_399 = vector.shape_cast %broadcast_in_dim3A_398 : vector<1x900xf32> to vector<900x1xf32>
    %broadcast_in_dim3A_400 = vector.shape_cast %reshape3A_399 : vector<900x1xf32> to vector<900x1xf32>
    %broadcast_in_dim3A_401 = vector.broadcast %broadcast_in_dim3A_400 : vector<900x1xf32> to vector<900x900xf32>
    %broadcast_in_dim3A_402 = vector.shape_cast %broadcast_in_dim3A_398 : vector<1x900xf32> to vector<1x900xf32>
    %broadcast_in_dim3A_403 = vector.broadcast %broadcast_in_dim3A_402 : vector<1x900xf32> to vector<900x900xf32>
    %gt3A_404 = arith.cmpf ogt, %broadcast_in_dim3A_403, %broadcast_in_dim3A_401 : vector<900x900xf32>
    %eq3A_405 = arith.cmpf oeq, %broadcast_in_dim3A_403, %broadcast_in_dim3A_401 : vector<900x900xf32>
    %and3A_406 = arith.andi %eq3A_405, %lt3A : vector<900x900xi1>
    %or3A_407 = arith.ori %gt3A_404, %and3A_406 : vector<900x900xi1>
    %convert_element_type3A_408 = arith.extui %or3A_407 : vector<900x900xi1> to vector<900x900xi32>
    %convert_element_type3A_409 = arith.sitofp %convert_element_type3A_408 : vector<900x900xi32> to vector<900x900xf32>
    %reduce_sum3A_410 = arith.constant dense<0.000000e+00> : vector<900xf32>
    %reduce_sum3A_411 = vector.multi_reduction <add>, %convert_element_type3A_409, %reduce_sum3A_410 [0] : vector<900x900xf32> to vector<900xf32>
    %broadcast_in_dim3A_412 = vector.shape_cast %reduce_sum3A_411 : vector<900xf32> to vector<1x900xf32>
    %convert_element_type3A_413 = arith.fptosi %broadcast_in_dim3A_412 : vector<1x900xf32> to vector<1x900xi32>
    %sub3A_414 = arith.constant 899 : i32
    %sub3A_415 = vector.broadcast %sub3A_414 : i32 to vector<1x900xi32>
    %sub3A_416 = arith.subi %sub3A_415, %convert_element_type3A_413 : vector<1x900xi32>
    %broadcast_in_dim3A_417 = vector.shape_cast %sub3A_416 : vector<1x900xi32> to vector<1x900xi32>
    %broadcast_in_dim3A_418 = vector.broadcast %broadcast_in_dim3A_417 : vector<1x900xi32> to vector<304x900xi32>
    %eq3A_419 = arith.cmpi eq, %broadcast_in_dim3A_418, %iota3A_1 : vector<304x900xi32>
    %convert_element_type3A_420 = arith.extui %eq3A_419 : vector<304x900xi1> to vector<304x900xi32>
    %convert_element_type3A_421 = arith.sitofp %convert_element_type3A_420 : vector<304x900xi32> to vector<304x900xf32>
    %convert_element_type3A_422 = arith.truncf %convert_element_type3A_421 : vector<304x900xf32> to vector<304x900xbf16>
    %dot_general3A_423 = arith.constant dense<0.000000e+00> : vector<304x2xf32>
    %dot_general3A_424 = tpu.matmul %convert_element_type3A_422, %convert_element_type3A, %dot_general3A_423 {dimension_numbers = #tpu.dot_dimension_numbers<[1], [0], [0], [1], [0, 0, 1, 1], [], []>, transpose_lhs_hint = false} : vector<304x900xbf16>, vector<900x2xbf16>, vector<304x2xf32> -> vector<304x2xf32>
    %slice3A_425 = vector.extract_strided_slice %dot_general3A_424 {offsets = [0, 0], sizes = [300, 1], strides = [1, 1]} : vector<304x2xf32> to vector<300x1xf32>
    %mul3A_426 = arith.constant 1.280000e+02 : f32
    %mul3A_427 = vector.broadcast %mul3A_426 : f32 to vector<300x1xf32>
    %mul3A_428 = arith.mulf %slice3A_425, %mul3A_427 : vector<300x1xf32>
    %slice3A_429 = vector.extract_strided_slice %dot_general3A_424 {offsets = [0, 1], sizes = [300, 1], strides = [1, 1]} : vector<304x2xf32> to vector<300x1xf32>
    %add3A_430 = arith.addf %mul3A_428, %slice3A_429 : vector<300x1xf32>
    %convert_element_type3A_431 = arith.fptosi %add3A_430 : vector<300x1xf32> to vector<300x1xi32>
    %mul3A_432 = arith.constant 64 : i32
    %mul3A_433 = vector.broadcast %mul3A_432 : i32 to vector<300x1xi32>
    %mul3A_434 = arith.muli %convert_element_type3A_431, %mul3A_433 : vector<300x1xi32>
    %add3A_435 = vector.broadcast %add3A_390 : i32 to vector<300x1xi32>
    %add3A_436 = arith.addi %mul3A_434, %add3A_435 : vector<300x1xi32>
    %swap3A_437 = arith.constant 0 : index
    %swap3A_438 = arith.constant 0 : index
    %swap3A_439 = arith.constant 7 : index
    %swap3A_440 = vector.load %arg2[%swap3A_437, %swap3A_438, %swap3A_439] : memref<1x300x8xi32, #tpu.memory_space<vmem>>, vector<1x300x1xi32>
    %swap3A_441 = vector.shape_cast %swap3A_440 : vector<1x300x1xi32> to vector<300x1xi32>
    %swap3A_442 = vector.shape_cast %add3A_436 : vector<300x1xi32> to vector<1x300x1xi32>
    tpu.vector_store %arg2[%swap3A_437, %swap3A_438, %swap3A_439], %swap3A_442 {strides = array<i32>} : memref<1x300x8xi32, #tpu.memory_space<vmem>>, vector<1x300x1xi32>,
    return
  }
  func.func @transform_0(%arg0: i32) -> (i32, i32, i32) {
    %c0_i32 = arith.constant 0 : i32
    %c0_i32_0 = arith.constant 0 : i32
    %c0_i32_1 = arith.constant 0 : i32
    return %c0_i32, %arg0, %c0_i32_0 : i32, i32, i32
  }
  func.func @transform_1(%arg0: i32) -> (i32, i32, i32) {
    %c0_i32 = arith.constant 0 : i32
    %c0_i32_0 = arith.constant 0 : i32
    %c0_i32_1 = arith.constant 0 : i32
    return %arg0, %c0_i32, %c0_i32_0 : i32, i32, i32
  }
}

module attributes {stable_mosaic.version = 14 : i64} {
  func.func @_anchor_body(%arg0: i32, %arg1: memref<8x300xi32, #tpu.memory_space<vmem>>, %arg2: memref<11x8x900xf32, #tpu.memory_space<vmem>>, %arg3: memref<11x8x600xf32, #tpu.memory_space<vmem>>, %arg4: memref<11x8x900xf32, #tpu.memory_space<vmem>>) attributes {dimension_semantics = [#tpu.dimension_semantics<arbitrary>], iteration_bounds = array<i64: 8>, scalar_prefetch = 0 : i64, scratch_operands = 0 : i64, tpu.core_type = #tpu.core_type<tc>, window_params = [{transform_indices = @transform_0, window_bounds = array<i64: 8, 300>}, {transform_indices = @transform_1, window_bounds = array<i64: 11, 8, 900>}, {transform_indices = @transform_2, window_bounds = array<i64: 11, 8, 600>}, {transform_indices = @transform_3, window_bounds = array<i64: 11, 8, 900>}]} {
    %iota3A = tpu.iota {dimensions = array<i32: 0>} : vector<900x300xi32>
    %get3A = arith.constant 0 : index
    %get3A_0 = arith.constant 0 : index
    %get3A_1 = vector.load %arg1[%get3A, %get3A_0] : memref<8x300xi32, #tpu.memory_space<vmem>>, vector<1x300xi32>
    %shift_right_arithmetic3A = arith.constant 6 : i32
    %shift_right_arithmetic3A_2 = vector.broadcast %shift_right_arithmetic3A : i32 to vector<1x300xi32>
    %shift_right_arithmetic3A_3 = arith.shrsi %get3A_1, %shift_right_arithmetic3A_2 : vector<1x300xi32>
    %broadcast_in_dim3A = vector.shape_cast %shift_right_arithmetic3A_3 : vector<1x300xi32> to vector<1x300xi32>
    %broadcast_in_dim3A_4 = vector.broadcast %broadcast_in_dim3A : vector<1x300xi32> to vector<900x300xi32>
    %eq3A = arith.cmpi eq, %iota3A, %broadcast_in_dim3A_4 : vector<900x300xi32>
    %convert_element_type3A = arith.extui %eq3A : vector<900x300xi1> to vector<900x300xi32>
    %convert_element_type3A_5 = arith.sitofp %convert_element_type3A : vector<900x300xi32> to vector<900x300xf32>
    %convert_element_type3A_6 = arith.truncf %convert_element_type3A_5 : vector<900x300xf32> to vector<900x300xbf16>
    %get3A_7 = arith.constant 0 : index
    %get3A_8 = arith.constant 0 : index
    %get3A_9 = arith.constant 0 : index
    %get3A_10 = vector.load %arg2[%get3A_7, %get3A_8, %get3A_9] : memref<11x8x900xf32, #tpu.memory_space<vmem>>, vector<11x1x900xf32>
    %get3A_11 = vector.shape_cast %get3A_10 : vector<11x1x900xf32> to vector<11x900xf32>
    %convert_element_type3A_12 = arith.truncf %get3A_11 : vector<11x900xf32> to vector<11x900xbf16>
    %dot_general3A = arith.constant dense<0.000000e+00> : vector<11x300xf32>
    %dot_general3A_13 = tpu.matmul %convert_element_type3A_12, %convert_element_type3A_6, %dot_general3A {dimension_numbers = #tpu.dot_dimension_numbers<[1], [0], [0], [1], [0, 0, 1, 1], [], []>, transpose_lhs_hint = false} : vector<11x900xbf16>, vector<900x300xbf16>, vector<11x300xf32> -> vector<11x300xf32>
    %get3A_14 = arith.constant 0 : index
    %get3A_15 = arith.constant 0 : index
    %get3A_16 = arith.constant 0 : index
    %get3A_17 = vector.load %arg3[%get3A_14, %get3A_15, %get3A_16] : memref<11x8x600xf32, #tpu.memory_space<vmem>>, vector<11x1x600xf32>
    %get3A_18 = vector.shape_cast %get3A_17 : vector<11x1x600xf32> to vector<11x600xf32>
    %concatenate3A = tpu.concatenate %get3A_18, %dot_general3A_13 in 1 : vector<11x600xf32>, vector<11x300xf32> -> vector<11x900xf32>
    %swap3A = arith.constant 0 : index
    %swap3A_19 = arith.constant 0 : index
    %swap3A_20 = arith.constant 0 : index
    %swap3A_21 = vector.load %arg4[%swap3A, %swap3A_19, %swap3A_20] : memref<11x8x900xf32, #tpu.memory_space<vmem>>, vector<11x1x900xf32>
    %swap3A_22 = vector.shape_cast %swap3A_21 : vector<11x1x900xf32> to vector<11x900xf32>
    %swap3A_23 = vector.shape_cast %concatenate3A : vector<11x900xf32> to vector<11x1x900xf32>
    tpu.vector_store %arg4[%swap3A, %swap3A_19, %swap3A_20], %swap3A_23 {strides = array<i32>} : memref<11x8x900xf32, #tpu.memory_space<vmem>>, vector<11x1x900xf32>,
    %get3A_24 = arith.constant 1 : index
    %get3A_25 = arith.constant 0 : index
    %get3A_26 = vector.load %arg1[%get3A_24, %get3A_25] : memref<8x300xi32, #tpu.memory_space<vmem>>, vector<1x300xi32>
    %shift_right_arithmetic3A_27 = arith.constant 6 : i32
    %shift_right_arithmetic3A_28 = vector.broadcast %shift_right_arithmetic3A_27 : i32 to vector<1x300xi32>
    %shift_right_arithmetic3A_29 = arith.shrsi %get3A_26, %shift_right_arithmetic3A_28 : vector<1x300xi32>
    %broadcast_in_dim3A_30 = vector.shape_cast %shift_right_arithmetic3A_29 : vector<1x300xi32> to vector<1x300xi32>
    %broadcast_in_dim3A_31 = vector.broadcast %broadcast_in_dim3A_30 : vector<1x300xi32> to vector<900x300xi32>
    %eq3A_32 = arith.cmpi eq, %iota3A, %broadcast_in_dim3A_31 : vector<900x300xi32>
    %convert_element_type3A_33 = arith.extui %eq3A_32 : vector<900x300xi1> to vector<900x300xi32>
    %convert_element_type3A_34 = arith.sitofp %convert_element_type3A_33 : vector<900x300xi32> to vector<900x300xf32>
    %convert_element_type3A_35 = arith.truncf %convert_element_type3A_34 : vector<900x300xf32> to vector<900x300xbf16>
    %get3A_36 = arith.constant 0 : index
    %get3A_37 = arith.constant 1 : index
    %get3A_38 = arith.constant 0 : index
    %get3A_39 = vector.load %arg2[%get3A_36, %get3A_37, %get3A_38] : memref<11x8x900xf32, #tpu.memory_space<vmem>>, vector<11x1x900xf32>
    %get3A_40 = vector.shape_cast %get3A_39 : vector<11x1x900xf32> to vector<11x900xf32>
    %convert_element_type3A_41 = arith.truncf %get3A_40 : vector<11x900xf32> to vector<11x900xbf16>
    %dot_general3A_42 = arith.constant dense<0.000000e+00> : vector<11x300xf32>
    %dot_general3A_43 = tpu.matmul %convert_element_type3A_41, %convert_element_type3A_35, %dot_general3A_42 {dimension_numbers = #tpu.dot_dimension_numbers<[1], [0], [0], [1], [0, 0, 1, 1], [], []>, transpose_lhs_hint = false} : vector<11x900xbf16>, vector<900x300xbf16>, vector<11x300xf32> -> vector<11x300xf32>
    %get3A_44 = arith.constant 0 : index
    %get3A_45 = arith.constant 1 : index
    %get3A_46 = arith.constant 0 : index
    %get3A_47 = vector.load %arg3[%get3A_44, %get3A_45, %get3A_46] : memref<11x8x600xf32, #tpu.memory_space<vmem>>, vector<11x1x600xf32>
    %get3A_48 = vector.shape_cast %get3A_47 : vector<11x1x600xf32> to vector<11x600xf32>
    %concatenate3A_49 = tpu.concatenate %get3A_48, %dot_general3A_43 in 1 : vector<11x600xf32>, vector<11x300xf32> -> vector<11x900xf32>
    %swap3A_50 = arith.constant 0 : index
    %swap3A_51 = arith.constant 1 : index
    %swap3A_52 = arith.constant 0 : index
    %swap3A_53 = vector.load %arg4[%swap3A_50, %swap3A_51, %swap3A_52] : memref<11x8x900xf32, #tpu.memory_space<vmem>>, vector<11x1x900xf32>
    %swap3A_54 = vector.shape_cast %swap3A_53 : vector<11x1x900xf32> to vector<11x900xf32>
    %swap3A_55 = vector.shape_cast %concatenate3A_49 : vector<11x900xf32> to vector<11x1x900xf32>
    tpu.vector_store %arg4[%swap3A_50, %swap3A_51, %swap3A_52], %swap3A_55 {strides = array<i32>} : memref<11x8x900xf32, #tpu.memory_space<vmem>>, vector<11x1x900xf32>,
    %get3A_56 = arith.constant 2 : index
    %get3A_57 = arith.constant 0 : index
    %get3A_58 = vector.load %arg1[%get3A_56, %get3A_57] : memref<8x300xi32, #tpu.memory_space<vmem>>, vector<1x300xi32>
    %shift_right_arithmetic3A_59 = arith.constant 6 : i32
    %shift_right_arithmetic3A_60 = vector.broadcast %shift_right_arithmetic3A_59 : i32 to vector<1x300xi32>
    %shift_right_arithmetic3A_61 = arith.shrsi %get3A_58, %shift_right_arithmetic3A_60 : vector<1x300xi32>
    %broadcast_in_dim3A_62 = vector.shape_cast %shift_right_arithmetic3A_61 : vector<1x300xi32> to vector<1x300xi32>
    %broadcast_in_dim3A_63 = vector.broadcast %broadcast_in_dim3A_62 : vector<1x300xi32> to vector<900x300xi32>
    %eq3A_64 = arith.cmpi eq, %iota3A, %broadcast_in_dim3A_63 : vector<900x300xi32>
    %convert_element_type3A_65 = arith.extui %eq3A_64 : vector<900x300xi1> to vector<900x300xi32>
    %convert_element_type3A_66 = arith.sitofp %convert_element_type3A_65 : vector<900x300xi32> to vector<900x300xf32>
    %convert_element_type3A_67 = arith.truncf %convert_element_type3A_66 : vector<900x300xf32> to vector<900x300xbf16>
    %get3A_68 = arith.constant 0 : index
    %get3A_69 = arith.constant 2 : index
    %get3A_70 = arith.constant 0 : index
    %get3A_71 = vector.load %arg2[%get3A_68, %get3A_69, %get3A_70] : memref<11x8x900xf32, #tpu.memory_space<vmem>>, vector<11x1x900xf32>
    %get3A_72 = vector.shape_cast %get3A_71 : vector<11x1x900xf32> to vector<11x900xf32>
    %convert_element_type3A_73 = arith.truncf %get3A_72 : vector<11x900xf32> to vector<11x900xbf16>
    %dot_general3A_74 = arith.constant dense<0.000000e+00> : vector<11x300xf32>
    %dot_general3A_75 = tpu.matmul %convert_element_type3A_73, %convert_element_type3A_67, %dot_general3A_74 {dimension_numbers = #tpu.dot_dimension_numbers<[1], [0], [0], [1], [0, 0, 1, 1], [], []>, transpose_lhs_hint = false} : vector<11x900xbf16>, vector<900x300xbf16>, vector<11x300xf32> -> vector<11x300xf32>
    %get3A_76 = arith.constant 0 : index
    %get3A_77 = arith.constant 2 : index
    %get3A_78 = arith.constant 0 : index
    %get3A_79 = vector.load %arg3[%get3A_76, %get3A_77, %get3A_78] : memref<11x8x600xf32, #tpu.memory_space<vmem>>, vector<11x1x600xf32>
    %get3A_80 = vector.shape_cast %get3A_79 : vector<11x1x600xf32> to vector<11x600xf32>
    %concatenate3A_81 = tpu.concatenate %get3A_80, %dot_general3A_75 in 1 : vector<11x600xf32>, vector<11x300xf32> -> vector<11x900xf32>
    %swap3A_82 = arith.constant 0 : index
    %swap3A_83 = arith.constant 2 : index
    %swap3A_84 = arith.constant 0 : index
    %swap3A_85 = vector.load %arg4[%swap3A_82, %swap3A_83, %swap3A_84] : memref<11x8x900xf32, #tpu.memory_space<vmem>>, vector<11x1x900xf32>
    %swap3A_86 = vector.shape_cast %swap3A_85 : vector<11x1x900xf32> to vector<11x900xf32>
    %swap3A_87 = vector.shape_cast %concatenate3A_81 : vector<11x900xf32> to vector<11x1x900xf32>
    tpu.vector_store %arg4[%swap3A_82, %swap3A_83, %swap3A_84], %swap3A_87 {strides = array<i32>} : memref<11x8x900xf32, #tpu.memory_space<vmem>>, vector<11x1x900xf32>,
    %get3A_88 = arith.constant 3 : index
    %get3A_89 = arith.constant 0 : index
    %get3A_90 = vector.load %arg1[%get3A_88, %get3A_89] : memref<8x300xi32, #tpu.memory_space<vmem>>, vector<1x300xi32>
    %shift_right_arithmetic3A_91 = arith.constant 6 : i32
    %shift_right_arithmetic3A_92 = vector.broadcast %shift_right_arithmetic3A_91 : i32 to vector<1x300xi32>
    %shift_right_arithmetic3A_93 = arith.shrsi %get3A_90, %shift_right_arithmetic3A_92 : vector<1x300xi32>
    %broadcast_in_dim3A_94 = vector.shape_cast %shift_right_arithmetic3A_93 : vector<1x300xi32> to vector<1x300xi32>
    %broadcast_in_dim3A_95 = vector.broadcast %broadcast_in_dim3A_94 : vector<1x300xi32> to vector<900x300xi32>
    %eq3A_96 = arith.cmpi eq, %iota3A, %broadcast_in_dim3A_95 : vector<900x300xi32>
    %convert_element_type3A_97 = arith.extui %eq3A_96 : vector<900x300xi1> to vector<900x300xi32>
    %convert_element_type3A_98 = arith.sitofp %convert_element_type3A_97 : vector<900x300xi32> to vector<900x300xf32>
    %convert_element_type3A_99 = arith.truncf %convert_element_type3A_98 : vector<900x300xf32> to vector<900x300xbf16>
    %get3A_100 = arith.constant 0 : index
    %get3A_101 = arith.constant 3 : index
    %get3A_102 = arith.constant 0 : index
    %get3A_103 = vector.load %arg2[%get3A_100, %get3A_101, %get3A_102] : memref<11x8x900xf32, #tpu.memory_space<vmem>>, vector<11x1x900xf32>
    %get3A_104 = vector.shape_cast %get3A_103 : vector<11x1x900xf32> to vector<11x900xf32>
    %convert_element_type3A_105 = arith.truncf %get3A_104 : vector<11x900xf32> to vector<11x900xbf16>
    %dot_general3A_106 = arith.constant dense<0.000000e+00> : vector<11x300xf32>
    %dot_general3A_107 = tpu.matmul %convert_element_type3A_105, %convert_element_type3A_99, %dot_general3A_106 {dimension_numbers = #tpu.dot_dimension_numbers<[1], [0], [0], [1], [0, 0, 1, 1], [], []>, transpose_lhs_hint = false} : vector<11x900xbf16>, vector<900x300xbf16>, vector<11x300xf32> -> vector<11x300xf32>
    %get3A_108 = arith.constant 0 : index
    %get3A_109 = arith.constant 3 : index
    %get3A_110 = arith.constant 0 : index
    %get3A_111 = vector.load %arg3[%get3A_108, %get3A_109, %get3A_110] : memref<11x8x600xf32, #tpu.memory_space<vmem>>, vector<11x1x600xf32>
    %get3A_112 = vector.shape_cast %get3A_111 : vector<11x1x600xf32> to vector<11x600xf32>
    %concatenate3A_113 = tpu.concatenate %get3A_112, %dot_general3A_107 in 1 : vector<11x600xf32>, vector<11x300xf32> -> vector<11x900xf32>
    %swap3A_114 = arith.constant 0 : index
    %swap3A_115 = arith.constant 3 : index
    %swap3A_116 = arith.constant 0 : index
    %swap3A_117 = vector.load %arg4[%swap3A_114, %swap3A_115, %swap3A_116] : memref<11x8x900xf32, #tpu.memory_space<vmem>>, vector<11x1x900xf32>
    %swap3A_118 = vector.shape_cast %swap3A_117 : vector<11x1x900xf32> to vector<11x900xf32>
    %swap3A_119 = vector.shape_cast %concatenate3A_113 : vector<11x900xf32> to vector<11x1x900xf32>
    tpu.vector_store %arg4[%swap3A_114, %swap3A_115, %swap3A_116], %swap3A_119 {strides = array<i32>} : memref<11x8x900xf32, #tpu.memory_space<vmem>>, vector<11x1x900xf32>,
    %get3A_120 = arith.constant 4 : index
    %get3A_121 = arith.constant 0 : index
    %get3A_122 = vector.load %arg1[%get3A_120, %get3A_121] : memref<8x300xi32, #tpu.memory_space<vmem>>, vector<1x300xi32>
    %shift_right_arithmetic3A_123 = arith.constant 6 : i32
    %shift_right_arithmetic3A_124 = vector.broadcast %shift_right_arithmetic3A_123 : i32 to vector<1x300xi32>
    %shift_right_arithmetic3A_125 = arith.shrsi %get3A_122, %shift_right_arithmetic3A_124 : vector<1x300xi32>
    %broadcast_in_dim3A_126 = vector.shape_cast %shift_right_arithmetic3A_125 : vector<1x300xi32> to vector<1x300xi32>
    %broadcast_in_dim3A_127 = vector.broadcast %broadcast_in_dim3A_126 : vector<1x300xi32> to vector<900x300xi32>
    %eq3A_128 = arith.cmpi eq, %iota3A, %broadcast_in_dim3A_127 : vector<900x300xi32>
    %convert_element_type3A_129 = arith.extui %eq3A_128 : vector<900x300xi1> to vector<900x300xi32>
    %convert_element_type3A_130 = arith.sitofp %convert_element_type3A_129 : vector<900x300xi32> to vector<900x300xf32>
    %convert_element_type3A_131 = arith.truncf %convert_element_type3A_130 : vector<900x300xf32> to vector<900x300xbf16>
    %get3A_132 = arith.constant 0 : index
    %get3A_133 = arith.constant 4 : index
    %get3A_134 = arith.constant 0 : index
    %get3A_135 = vector.load %arg2[%get3A_132, %get3A_133, %get3A_134] : memref<11x8x900xf32, #tpu.memory_space<vmem>>, vector<11x1x900xf32>
    %get3A_136 = vector.shape_cast %get3A_135 : vector<11x1x900xf32> to vector<11x900xf32>
    %convert_element_type3A_137 = arith.truncf %get3A_136 : vector<11x900xf32> to vector<11x900xbf16>
    %dot_general3A_138 = arith.constant dense<0.000000e+00> : vector<11x300xf32>
    %dot_general3A_139 = tpu.matmul %convert_element_type3A_137, %convert_element_type3A_131, %dot_general3A_138 {dimension_numbers = #tpu.dot_dimension_numbers<[1], [0], [0], [1], [0, 0, 1, 1], [], []>, transpose_lhs_hint = false} : vector<11x900xbf16>, vector<900x300xbf16>, vector<11x300xf32> -> vector<11x300xf32>
    %get3A_140 = arith.constant 0 : index
    %get3A_141 = arith.constant 4 : index
    %get3A_142 = arith.constant 0 : index
    %get3A_143 = vector.load %arg3[%get3A_140, %get3A_141, %get3A_142] : memref<11x8x600xf32, #tpu.memory_space<vmem>>, vector<11x1x600xf32>
    %get3A_144 = vector.shape_cast %get3A_143 : vector<11x1x600xf32> to vector<11x600xf32>
    %concatenate3A_145 = tpu.concatenate %get3A_144, %dot_general3A_139 in 1 : vector<11x600xf32>, vector<11x300xf32> -> vector<11x900xf32>
    %swap3A_146 = arith.constant 0 : index
    %swap3A_147 = arith.constant 4 : index
    %swap3A_148 = arith.constant 0 : index
    %swap3A_149 = vector.load %arg4[%swap3A_146, %swap3A_147, %swap3A_148] : memref<11x8x900xf32, #tpu.memory_space<vmem>>, vector<11x1x900xf32>
    %swap3A_150 = vector.shape_cast %swap3A_149 : vector<11x1x900xf32> to vector<11x900xf32>
    %swap3A_151 = vector.shape_cast %concatenate3A_145 : vector<11x900xf32> to vector<11x1x900xf32>
    tpu.vector_store %arg4[%swap3A_146, %swap3A_147, %swap3A_148], %swap3A_151 {strides = array<i32>} : memref<11x8x900xf32, #tpu.memory_space<vmem>>, vector<11x1x900xf32>,
    %get3A_152 = arith.constant 5 : index
    %get3A_153 = arith.constant 0 : index
    %get3A_154 = vector.load %arg1[%get3A_152, %get3A_153] : memref<8x300xi32, #tpu.memory_space<vmem>>, vector<1x300xi32>
    %shift_right_arithmetic3A_155 = arith.constant 6 : i32
    %shift_right_arithmetic3A_156 = vector.broadcast %shift_right_arithmetic3A_155 : i32 to vector<1x300xi32>
    %shift_right_arithmetic3A_157 = arith.shrsi %get3A_154, %shift_right_arithmetic3A_156 : vector<1x300xi32>
    %broadcast_in_dim3A_158 = vector.shape_cast %shift_right_arithmetic3A_157 : vector<1x300xi32> to vector<1x300xi32>
    %broadcast_in_dim3A_159 = vector.broadcast %broadcast_in_dim3A_158 : vector<1x300xi32> to vector<900x300xi32>
    %eq3A_160 = arith.cmpi eq, %iota3A, %broadcast_in_dim3A_159 : vector<900x300xi32>
    %convert_element_type3A_161 = arith.extui %eq3A_160 : vector<900x300xi1> to vector<900x300xi32>
    %convert_element_type3A_162 = arith.sitofp %convert_element_type3A_161 : vector<900x300xi32> to vector<900x300xf32>
    %convert_element_type3A_163 = arith.truncf %convert_element_type3A_162 : vector<900x300xf32> to vector<900x300xbf16>
    %get3A_164 = arith.constant 0 : index
    %get3A_165 = arith.constant 5 : index
    %get3A_166 = arith.constant 0 : index
    %get3A_167 = vector.load %arg2[%get3A_164, %get3A_165, %get3A_166] : memref<11x8x900xf32, #tpu.memory_space<vmem>>, vector<11x1x900xf32>
    %get3A_168 = vector.shape_cast %get3A_167 : vector<11x1x900xf32> to vector<11x900xf32>
    %convert_element_type3A_169 = arith.truncf %get3A_168 : vector<11x900xf32> to vector<11x900xbf16>
    %dot_general3A_170 = arith.constant dense<0.000000e+00> : vector<11x300xf32>
    %dot_general3A_171 = tpu.matmul %convert_element_type3A_169, %convert_element_type3A_163, %dot_general3A_170 {dimension_numbers = #tpu.dot_dimension_numbers<[1], [0], [0], [1], [0, 0, 1, 1], [], []>, transpose_lhs_hint = false} : vector<11x900xbf16>, vector<900x300xbf16>, vector<11x300xf32> -> vector<11x300xf32>
    %get3A_172 = arith.constant 0 : index
    %get3A_173 = arith.constant 5 : index
    %get3A_174 = arith.constant 0 : index
    %get3A_175 = vector.load %arg3[%get3A_172, %get3A_173, %get3A_174] : memref<11x8x600xf32, #tpu.memory_space<vmem>>, vector<11x1x600xf32>
    %get3A_176 = vector.shape_cast %get3A_175 : vector<11x1x600xf32> to vector<11x600xf32>
    %concatenate3A_177 = tpu.concatenate %get3A_176, %dot_general3A_171 in 1 : vector<11x600xf32>, vector<11x300xf32> -> vector<11x900xf32>
    %swap3A_178 = arith.constant 0 : index
    %swap3A_179 = arith.constant 5 : index
    %swap3A_180 = arith.constant 0 : index
    %swap3A_181 = vector.load %arg4[%swap3A_178, %swap3A_179, %swap3A_180] : memref<11x8x900xf32, #tpu.memory_space<vmem>>, vector<11x1x900xf32>
    %swap3A_182 = vector.shape_cast %swap3A_181 : vector<11x1x900xf32> to vector<11x900xf32>
    %swap3A_183 = vector.shape_cast %concatenate3A_177 : vector<11x900xf32> to vector<11x1x900xf32>
    tpu.vector_store %arg4[%swap3A_178, %swap3A_179, %swap3A_180], %swap3A_183 {strides = array<i32>} : memref<11x8x900xf32, #tpu.memory_space<vmem>>, vector<11x1x900xf32>,
    %get3A_184 = arith.constant 6 : index
    %get3A_185 = arith.constant 0 : index
    %get3A_186 = vector.load %arg1[%get3A_184, %get3A_185] : memref<8x300xi32, #tpu.memory_space<vmem>>, vector<1x300xi32>
    %shift_right_arithmetic3A_187 = arith.constant 6 : i32
    %shift_right_arithmetic3A_188 = vector.broadcast %shift_right_arithmetic3A_187 : i32 to vector<1x300xi32>
    %shift_right_arithmetic3A_189 = arith.shrsi %get3A_186, %shift_right_arithmetic3A_188 : vector<1x300xi32>
    %broadcast_in_dim3A_190 = vector.shape_cast %shift_right_arithmetic3A_189 : vector<1x300xi32> to vector<1x300xi32>
    %broadcast_in_dim3A_191 = vector.broadcast %broadcast_in_dim3A_190 : vector<1x300xi32> to vector<900x300xi32>
    %eq3A_192 = arith.cmpi eq, %iota3A, %broadcast_in_dim3A_191 : vector<900x300xi32>
    %convert_element_type3A_193 = arith.extui %eq3A_192 : vector<900x300xi1> to vector<900x300xi32>
    %convert_element_type3A_194 = arith.sitofp %convert_element_type3A_193 : vector<900x300xi32> to vector<900x300xf32>
    %convert_element_type3A_195 = arith.truncf %convert_element_type3A_194 : vector<900x300xf32> to vector<900x300xbf16>
    %get3A_196 = arith.constant 0 : index
    %get3A_197 = arith.constant 6 : index
    %get3A_198 = arith.constant 0 : index
    %get3A_199 = vector.load %arg2[%get3A_196, %get3A_197, %get3A_198] : memref<11x8x900xf32, #tpu.memory_space<vmem>>, vector<11x1x900xf32>
    %get3A_200 = vector.shape_cast %get3A_199 : vector<11x1x900xf32> to vector<11x900xf32>
    %convert_element_type3A_201 = arith.truncf %get3A_200 : vector<11x900xf32> to vector<11x900xbf16>
    %dot_general3A_202 = arith.constant dense<0.000000e+00> : vector<11x300xf32>
    %dot_general3A_203 = tpu.matmul %convert_element_type3A_201, %convert_element_type3A_195, %dot_general3A_202 {dimension_numbers = #tpu.dot_dimension_numbers<[1], [0], [0], [1], [0, 0, 1, 1], [], []>, transpose_lhs_hint = false} : vector<11x900xbf16>, vector<900x300xbf16>, vector<11x300xf32> -> vector<11x300xf32>
    %get3A_204 = arith.constant 0 : index
    %get3A_205 = arith.constant 6 : index
    %get3A_206 = arith.constant 0 : index
    %get3A_207 = vector.load %arg3[%get3A_204, %get3A_205, %get3A_206] : memref<11x8x600xf32, #tpu.memory_space<vmem>>, vector<11x1x600xf32>
    %get3A_208 = vector.shape_cast %get3A_207 : vector<11x1x600xf32> to vector<11x600xf32>
    %concatenate3A_209 = tpu.concatenate %get3A_208, %dot_general3A_203 in 1 : vector<11x600xf32>, vector<11x300xf32> -> vector<11x900xf32>
    %swap3A_210 = arith.constant 0 : index
    %swap3A_211 = arith.constant 6 : index
    %swap3A_212 = arith.constant 0 : index
    %swap3A_213 = vector.load %arg4[%swap3A_210, %swap3A_211, %swap3A_212] : memref<11x8x900xf32, #tpu.memory_space<vmem>>, vector<11x1x900xf32>
    %swap3A_214 = vector.shape_cast %swap3A_213 : vector<11x1x900xf32> to vector<11x900xf32>
    %swap3A_215 = vector.shape_cast %concatenate3A_209 : vector<11x900xf32> to vector<11x1x900xf32>
    tpu.vector_store %arg4[%swap3A_210, %swap3A_211, %swap3A_212], %swap3A_215 {strides = array<i32>} : memref<11x8x900xf32, #tpu.memory_space<vmem>>, vector<11x1x900xf32>,
    %get3A_216 = arith.constant 7 : index
    %get3A_217 = arith.constant 0 : index
    %get3A_218 = vector.load %arg1[%get3A_216, %get3A_217] : memref<8x300xi32, #tpu.memory_space<vmem>>, vector<1x300xi32>
    %shift_right_arithmetic3A_219 = arith.constant 6 : i32
    %shift_right_arithmetic3A_220 = vector.broadcast %shift_right_arithmetic3A_219 : i32 to vector<1x300xi32>
    %shift_right_arithmetic3A_221 = arith.shrsi %get3A_218, %shift_right_arithmetic3A_220 : vector<1x300xi32>
    %broadcast_in_dim3A_222 = vector.shape_cast %shift_right_arithmetic3A_221 : vector<1x300xi32> to vector<1x300xi32>
    %broadcast_in_dim3A_223 = vector.broadcast %broadcast_in_dim3A_222 : vector<1x300xi32> to vector<900x300xi32>
    %eq3A_224 = arith.cmpi eq, %iota3A, %broadcast_in_dim3A_223 : vector<900x300xi32>
    %convert_element_type3A_225 = arith.extui %eq3A_224 : vector<900x300xi1> to vector<900x300xi32>
    %convert_element_type3A_226 = arith.sitofp %convert_element_type3A_225 : vector<900x300xi32> to vector<900x300xf32>
    %convert_element_type3A_227 = arith.truncf %convert_element_type3A_226 : vector<900x300xf32> to vector<900x300xbf16>
    %get3A_228 = arith.constant 0 : index
    %get3A_229 = arith.constant 7 : index
    %get3A_230 = arith.constant 0 : index
    %get3A_231 = vector.load %arg2[%get3A_228, %get3A_229, %get3A_230] : memref<11x8x900xf32, #tpu.memory_space<vmem>>, vector<11x1x900xf32>
    %get3A_232 = vector.shape_cast %get3A_231 : vector<11x1x900xf32> to vector<11x900xf32>
    %convert_element_type3A_233 = arith.truncf %get3A_232 : vector<11x900xf32> to vector<11x900xbf16>
    %dot_general3A_234 = arith.constant dense<0.000000e+00> : vector<11x300xf32>
    %dot_general3A_235 = tpu.matmul %convert_element_type3A_233, %convert_element_type3A_227, %dot_general3A_234 {dimension_numbers = #tpu.dot_dimension_numbers<[1], [0], [0], [1], [0, 0, 1, 1], [], []>, transpose_lhs_hint = false} : vector<11x900xbf16>, vector<900x300xbf16>, vector<11x300xf32> -> vector<11x300xf32>
    %get3A_236 = arith.constant 0 : index
    %get3A_237 = arith.constant 7 : index
    %get3A_238 = arith.constant 0 : index
    %get3A_239 = vector.load %arg3[%get3A_236, %get3A_237, %get3A_238] : memref<11x8x600xf32, #tpu.memory_space<vmem>>, vector<11x1x600xf32>
    %get3A_240 = vector.shape_cast %get3A_239 : vector<11x1x600xf32> to vector<11x600xf32>
    %concatenate3A_241 = tpu.concatenate %get3A_240, %dot_general3A_235 in 1 : vector<11x600xf32>, vector<11x300xf32> -> vector<11x900xf32>
    %swap3A_242 = arith.constant 0 : index
    %swap3A_243 = arith.constant 7 : index
    %swap3A_244 = arith.constant 0 : index
    %swap3A_245 = vector.load %arg4[%swap3A_242, %swap3A_243, %swap3A_244] : memref<11x8x900xf32, #tpu.memory_space<vmem>>, vector<11x1x900xf32>
    %swap3A_246 = vector.shape_cast %swap3A_245 : vector<11x1x900xf32> to vector<11x900xf32>
    %swap3A_247 = vector.shape_cast %concatenate3A_241 : vector<11x900xf32> to vector<11x1x900xf32>
    tpu.vector_store %arg4[%swap3A_242, %swap3A_243, %swap3A_244], %swap3A_247 {strides = array<i32>} : memref<11x8x900xf32, #tpu.memory_space<vmem>>, vector<11x1x900xf32>,
    return
  }
  func.func @transform_0(%arg0: i32) -> (i32, i32) {
    %c0_i32 = arith.constant 0 : i32
    %c0_i32_0 = arith.constant 0 : i32
    return %arg0, %c0_i32 : i32, i32
  }
  func.func @transform_1(%arg0: i32) -> (i32, i32, i32) {
    %c0_i32 = arith.constant 0 : i32
    %c0_i32_0 = arith.constant 0 : i32
    %c0_i32_1 = arith.constant 0 : i32
    return %c0_i32, %arg0, %c0_i32_0 : i32, i32, i32
  }
  func.func @transform_2(%arg0: i32) -> (i32, i32, i32) {
    %c0_i32 = arith.constant 0 : i32
    %c0_i32_0 = arith.constant 0 : i32
    %c0_i32_1 = arith.constant 0 : i32
    return %c0_i32, %arg0, %c0_i32_0 : i32, i32, i32
  }
  func.func @transform_3(%arg0: i32) -> (i32, i32, i32) {
    %c0_i32 = arith.constant 0 : i32
    %c0_i32_0 = arith.constant 0 : i32
    %c0_i32_1 = arith.constant 0 : i32
    return %c0_i32, %arg0, %c0_i32_0 : i32, i32, i32
  }
}

</mosaic_0001>

<sc_bundles>
// kernel: kernel.5.cloned.1.call-start
scs
__scs_entry_jumppad:
0x0: {  	(pc) =	sbr.rel $0x88, $3  }
0x1: {  	(tag) =	ssettag $0x0;
	lr =	simm.s32 $0x1  }
0x2: {  	[smem:$0x3F9C] =	sst lr;
	_ =	strace $0xD0000000  }
0x3: {  	_ = 	snop  }
0x4: {  	_ = 	snop  }
0x5: {  	_ = 	snop  }
0x6: {  	_ = 	snop  }
0x7: {  	_ = 	snop  }
__scs_overlays_trampoline_lowered:
0x8: {  	[smem:$0x3FAB] =	sst s0  }
0x9: {  	[smem:$0x3FAC] =	sst s1  }
0xa: {  	[smem:$0x3FAD] =	sst s2  }
0xb: {  	[smem:$0x3FAE] =	sst s3  }
0xc: {  	[smem:$0x3FAF] =	sst s4  }
0xd: {  	[smem:$0x3FB0] =	sst s5  }
0xe: {  	[smem:$0x3FB1] =	sst s6  }
0xf: {  	[smem:$0x3FB2] =	sst s7  }
0x10: {  	[smem:$0x3FB3] =	sst s8  }
0x11: {  	[smem:$0x3FB4] =	sst s9;
	s0 =	simm.s32 @!p0 $0x0  }
0x12: {  	s1 =	sld [smem:$0x3F9A];
	s0 =	simm.s32 @p0 $0x1  }
0x13: {  	[smem:$0x3FB5] =	sst s0;
	s0 =	simm.s32 @!p1 $0x0  }
0x14: {  	s2 =	sld [smem:$0x3F99];
	s0 =	simm.s32 @p1 $0x1  }
0x15: {  	[smem:$0x3FB6] =	sst s0;
	s0 =	simm.s32 @!p2 $0x0  }
0x16: {  	s3 =	sld [smem:$0x3FDB];
	s0 =	simm.s32 @p2 $0x1  }
0x17: {  	s4 =	simm.s32 $0x1BF5;
	[smem:$0x3FB8] =	sst s0  }
0x18: {  	s0 =	sld [smem:$0x3F9B];
	_ =	swait.ge [sflag:s4], $0x0  }
0x19: {  	s7 =	sld [smem:$0x3F9C]  }
0x1a: {  	s8 =	sadd.s32 $0xFFFFE003, lr  }
0x1b: {  	s9 =	sadd.s32 $0xFFFFFEF7, lr;
	s5 =	simm.s32 $0xFFFFFFFF;
	p2 =	slt.u32 s8, $0xFFFFF086  }
0x1c: {  	p1 =	slt.u32 s9, $0xF7A;
	s5 =	simm.s32 @!p2 $0x0  }
0x1d: {  	s5 =	simm.s32 @p1 $0x1;
	p0 =	seq.s32 s7, s2  }
0x1e: {  	s7 =	smul.u32 @!p0 $0xF7A, s2;
	p2 =	seq.s32 @!p0 s5, $0x0  }
0x1f: {  	s9 =	smul.u32 $0xF7A, s1;
	s8 =	simm.s32 @!p0 $0x1BF5;
	p2 =	por !p2, p0  }
0x20: {  	[sflag:s8] =	ssyncset.s32 @!p0 $0xFFFFF086;
	s6 =	sadd.s32 @!p0 s3, s7;
	s7 =	simm.s32 @!p0 $0x108  }
0x21: {  	s3 =	sadd.s32 s3, s9;
	s6 =	sadd.s32 @!p0 $0x88, s6;
	s7 =	simm.s32 @p2 $0x1082  }
0x22: {  	[simem:s7], [sflag:s8] =	dma.local @!p0 [hbm:s6], $0xF7A  }
0x23: {  	s9 =	sor.u32 $0xD0000000, s2;
	s6 =	simm.s32 $0x108;
	_ =	swait.ge @!p0 [sflag:s8], $0x0  }
0x24: {  	s3 =	sadd.s32 $0x88, s3;
	s6 =	simm.s32 @!p1 $0x1082;
	[sflag:s4] =	ssyncset.s32 $0xFFFFF086  }
0x25: {  	[simem:s6], [sflag:s4] =	dma.local [hbm:s3], $0xF7A  }
0x26: {  	[smem:$0x3F9C] =	sst s1;
	(tag) =	ssettag s2;
	_ =	strace s9  }
0x27: {  	s1 =	sld [smem:$0x3FAC]  }
0x28: {  	s2 =	sld [smem:$0x3FAD]  }
0x29: {  	s4 =	sld [smem:$0x3FAF]  }
0x2a: {  	p0 =	seq.s32 s5, $0x0;
	s5 =	sld [smem:$0x3FB0]  }
0x2b: {  	s6 =	sld [smem:$0x3FB1]  }
0x2c: {  	s7 =	sld [smem:$0x3FB2]  }
0x2d: {  	s3 =	simm.s32 $0x108;
	s8 =	sld [smem:$0x3FB3]  }
0x2e: {  	s3 =	simm.s32 @!p0 $0x1082;
	s9 =	sld [smem:$0x3FB4]  }
0x2f: {  	lr =	sadd.s32 s0, s3;
	s0 =	sld [smem:$0x3FAB]  }
0x30: {  	s3 =	sld [smem:$0x3FAE]  }
0x31: {  	[smem:$0x3FB7] =	sst s10  }
0x32: {  	s10 =	sld [smem:$0x3FB5];
	_ =	sdelay $0x3  }
0x33: {  	p0 =	seq.s32 s10, $0x1;
	s10 =	sld [smem:$0x3FB7];
	_ =	sdelay $0x3  }
0x34: {  	[smem:$0x3FB7] =	sst s10  }
0x35: {  	s10 =	sld [smem:$0x3FB6];
	_ =	sdelay $0x3  }
0x36: {  	p1 =	seq.s32 s10, $0x1;
	s10 =	sld [smem:$0x3FB7];
	_ =	sdelay $0x3  }
0x37: {  	[smem:$0x3FB7] =	sst s10  }
0x38: {  	s10 =	sld [smem:$0x3FB8]  }
0x39: {  	_ = 	snop;
	(pc) =	sbr.ind lr, $3  }
0x3a: {  	_ = 	snop  }
0x3b: {  	_ = 	snop  }
0x3c: {  	p2 =	seq.s32 s10, $0x1;
	s10 =	sld [smem:$0x3FB7]  }
0x3d: {  	_ =	shalt  }
0x3e: {  	_ =	shalt  }
0x3f: {  	_ =	shalt  }
0x40: {  	_ =	shalt  }
0x41: {  	_ =	shalt  }
0x42: {  	_ =	shalt  }
0x43: {  	_ =	shalt  }
0x44: {  	_ =	shalt  }
0x45: {  	_ =	shalt  }
0x46: {  	_ =	shalt  }
0x47: {  	_ =	shalt  }
0x48: {  	_ =	shalt  }
0x49: {  	_ =	shalt  }
0x4a: {  	_ =	shalt  }
0x4b: {  	_ =	shalt  }
0x4c: {  	_ =	shalt  }
0x4d: {  	_ =	shalt  }
0x4e: {  	_ =	shalt  }
0x4f: {  	_ =	shalt  }
0x50: {  	_ =	shalt  }
0x51: {  	_ =	shalt  }
0x52: {  	_ =	shalt  }
0x53: {  	_ =	shalt  }
0x54: {  	_ =	shalt  }
0x55: {  	_ =	shalt  }
0x56: {  	_ =	shalt  }
0x57: {  	_ =	shalt  }
0x58: {  	_ =	shalt  }
0x59: {  	_ =	shalt  }
0x5a: {  	_ =	shalt  }
0x5b: {  	_ =	shalt  }
0x5c: {  	_ =	shalt  }
0x5d: {  	_ =	shalt  }
0x5e: {  	_ =	shalt  }
0x5f: {  	_ =	shalt  }
0x60: {  	_ =	shalt  }
0x61: {  	_ =	shalt  }
0x62: {  	_ =	shalt  }
0x63: {  	_ =	shalt  }
0x64: {  	_ =	shalt  }
0x65: {  	_ =	shalt  }
0x66: {  	_ =	shalt  }
0x67: {  	_ =	shalt  }
0x68: {  	_ =	shalt  }
0x69: {  	_ =	shalt  }
0x6a: {  	_ =	shalt  }
0x6b: {  	_ =	shalt  }
0x6c: {  	_ =	shalt  }
0x6d: {  	_ =	shalt  }
0x6e: {  	_ =	shalt  }
0x6f: {  	_ =	shalt  }
0x70: {  	_ =	shalt  }
0x71: {  	_ =	shalt  }
0x72: {  	_ =	shalt  }
0x73: {  	_ =	shalt  }
0x74: {  	_ =	shalt  }
0x75: {  	_ =	shalt  }
0x76: {  	_ =	shalt  }
0x77: {  	_ =	shalt  }
0x78: {  	_ =	shalt  }
0x79: {  	_ =	shalt  }
0x7a: {  	_ =	shalt  }
0x7b: {  	_ =	shalt  }
0x7c: {  	_ =	shalt  }
0x7d: {  	_ =	shalt  }
0x7e: {  	_ =	shalt  }
0x7f: {  	_ =	shalt  }
0x80: {  	_ =	shalt  }
0x81: {  	_ =	shalt  }
0x82: {  	_ =	shalt  }
0x83: {  	_ =	shalt  }
0x84: {  	_ =	shalt  }
0x85: {  	_ =	shalt  }
0x86: {  	_ =	shalt  }
0x87: {  	_ =	shalt  }
.Lfunc_end0:
.L_simem_size_0:
called_computation_lowered:
.L_overlay_start_0:
0x88: {  	s2 =	sld [smem:$0x3FD9]  }
0x89: {  	s3 =	sld [smem:$0x3FFE];
	_ =	sdelay $0x1  }
0x8a: {  	s1 =	srdreg.scid  }
0x8b: {  	s0 =	sand.u32 $0x1, s1  }
0x8c: {  	s14 =	sshll.u32 s0, $0xA;
	s2 =	sadd.s32 s3, s2  }
0x8d: {  	s2 =	sadd.s32 s2, s14  }
0x8e: {  	[smem:$0x3FC3] =	sst s2  }
0x8f: {  	_ = 	snop  }
0x90: {  	s2 =	sld [smem:$0x3FD0];
	_ =	sdelay $0x1  }
0x91: {  	s15 =	sld [smem:$0x3FC9]  }
0x92: {  	s5 =	simm.s32 $0xA;
	s6 =	simm.s32 $0x10;
	s4 =	sld [smem:$0x3FC6]  }
0x93: {  	[smem:s6], [sflag:s5] =	dma.local [hbm:s2], $0x1  }
0x94: {  	_ =	swait.eq [sflag:s5], $0x1  }
0x95: {  	[sflag:s5] =	ssyncset.done $0x0  }
0x96: {  	[sflag:s5] =	ssyncadd.s32 $0xFFFFFFFF  }
0x97: {  	s16 =	sld [smem:$0x10];
	(tm) =	ssettm $0x1  }
0x98: {  	s17 =	sld [smem:$0x3FFB];
	_ =	sdelay $0x3  }
0x99: {  	_ =	strace s17  }
0x9a: {  	s5 =	sld [smem:$0x3FFC];
	_ =	sdelay $0x3  }
0x9b: {  	_ =	strace s5  }
0x9c: {  	s5 =	sld [smem:$0x3FFD];
	_ =	sdelay $0x3  }
0x9d: {  	_ =	strace s5  }
0x9e: {  	_ =	strace $0x8FFFFFFF  }
0x9f: {  	s18 =	sld [smem:$0x3FDB];
	_ =	sdelay $0x1  }
0xa0: {  	s19 =	simm.s32 $_scs_section_size  }
0xa1: {  	s7 =	simm.s32 $_size__tile_overlayer_lowered;
	s8 =	simm.s32 $_tile_overlayer_lowered  }
0xa2: {  	s22 =	simm.s32 $0x1BFF;
	s21 =	sshll.u32 s8, $0x1;
	s5 =	sadd.s32 s19, s18  }
0xa3: {  	s9 =	simm.s32 $0x0;
	s20 =	sshll.u32 s7, $0x1;
	s7 =	sadd.s32 s21, s5  }
0xa4: {  	[timem:s9], [sflag:s22] =	dma.local [hbm:s7], s20  }
0xa5: {  	_ =	swait.ge [sflag:s22], s20  }
0xa6: {  	s6 =	ssub.s32 $0x0, s20;
	[sflag:s22] =	ssyncset.done $0x0  }
0xa7: {  	[sflag:s22] =	ssyncadd.s32 s6;
	_ =	sdelay $0x1  }
0xa8: {  	s23 =	simm.s32 $0x1B8B  }
0xa9: {  	_ =	swait.ge [sflag:s23], $0x1  }
0xaa: {  	[sflag:s23] =	ssyncset.done $0x0  }
0xab: {  	s25 =	simm.s32 $0x1B8E;
	s24 =	sld [smem:$0x3FFE];
	[sflag:s23] =	ssyncadd.s32 $0xFFFFFFFF  }
0xac: {  	s26 =	simm.s32 $execute0_lowered;
	[smem:$0x3FD2] =	sst s25  }
0xad: {  	s7 =	sshll.u32 s26, $0x1;
	_ =	strace $0x80000046;
	[dreg:$0x1] =	wrdreg $0xFFFFFFFF  }
0xae: {  	s28 =	simm.s32 $_size_execute0_lowered;
	s5 =	sadd.s32 s5, s7;
	[dreg:$0x0] =	wrdreg $0x0  }
0xaf: {  	s7 =	sshll.u32 s28, $0x1;
	[dreg:$0x2] =	wrdreg s5  }
0xb0: {  	[dreg:$0x3] =	wrdreg s7  }
0xb1: {  	[dreg:$0x4] =	wrdreg $0xC0  }
0xb2: {  	_ =	task [dreg:s9], $0x5FFFF  }
0xb3: {  	[dreg:$0x1] =	wrdreg $0xFFFFFFFF  }
0xb4: {  	[dreg:$0x0] =	wrdreg $0x60  }
0xb5: {  	[dreg:$0x2] =	wrdreg s15  }
0xb6: {  	[dreg:$0x3] =	wrdreg s24  }
0xb7: {  	[dreg:$0x4] =	wrdreg s4  }
0xb8: {  	[dreg:$0x5] =	wrdreg s16  }
0xb9: {  	[dreg:$0x6] =	wrdreg $0x9  }
0xba: {  	_ =	task.clear_ibuf [dreg:s9], $0x7FFFF;
	_ =	strace $0x90000046  }
0xbb: {  	s29 =	simm.s32 $0x9;
	_ =	strace $0x80000048  }
0xbc: {  	_ =	swait.ge [sflag:s29], $0x1  }
0xbd: {  	[sflag:s29] =	ssyncadd.s32 $0xFFFFFFFF  }
0xbe: {  	_ =	strace $0x90000048  }
0xbf: {  	_ =	sfence  }
0xc0: {  	s30 =	sld [smem:$0x0];
	_ =	sdelay $0x2  }
0xc1: {  	s31 =	sshll.u32 s1, $0xD;
	s1 =	sshrl.u32 s1, $0x2  }
0xc2: {  	s3 =	sand.u32 $0x4000, s31;
	s1 =	sadd.s32 s1, s30  }
0xc3: {  	s0 =	sor.u32 s3, s0;
	s1 =	sshll.u32 s1, $0x11  }
0xc4: {  	s0 =	sor.u32 s1, s0  }
0xc5: {  	s0 =	sadd.s32 $0x8F2B, s0  }
0xc6: {  	[sflag:s0] =	ssyncadd.remote.s32 $0x1  }
0xc7: {  	_ =	sfence.sel $0xFFFF  }
0xc8: {  	[dreg:$0x0] =	wrdreg $0xFFFFFFFF;
	(pc) =	sbr.abs _section_cstart, $3  }
0xc9: {  	[dreg:$0x1] =	wrdreg $0xFFFFFFFF  }
0xca: {  	_ =	task.clear_ibuf [dreg:s9], $0x2FFFF;
	_ =	strace $0x9FFFFFFF  }
0xcb: {  	(tm) =	ssettm $0x7FFFFFFF  }
tec
execute0_lowered:
.L_overlay_start_1:
0x0: {  	(tag) =	ssettag $0x1  }
0x1: {  	s1 =	rddreg [dreg:$0x0]  }
0x2: {  	s0 =	rddreg [dreg:$0x1]  }
0x3: {  	s2 =	rddreg [dreg:$0x2]  }
0x4: {  	s3 =	rddreg [dreg:$0x3];
	s4 =	srdreg.scid  }
0x5: {  	s6 =	stileid.u32;
	s23 =	simm.s32 $0x4;
	s5 =	sand.u32 $0x1, s4  }
0x6: {  	s4 =	simm.s32 $0x0;
	s6 =	sshll.u32 s6, $0x2;
	s7 =	sshll.u32 s5, $0x1  }
0x7: {  	s25 =	sadd.s32 $0x2A00, s0;
	[smem:$0x7FF] =	sst s4;
	s6 =	sor.u32 s7, s6  }
0x8: {  	s0 =	sadd.s32 $0xA00, s0;
	_ =	strace $0x80000047;
	s8 =	sshll.u32 s6, $0x7  }
0x9: {  	s26 =	sor.u32 $0x1, s6;
	s6 =	smul.u32 $0x4B00, s6;
	s9 =	sadd.s32 s25, s8  }
0xa: {  	s8 =	sadd.s32 s0, s8;
	s11 =	sshll.u32 s26, $0x7;
	[dreg:$0x5] =	wrdreg s9  }
0xb: {  	s5 =	ssub.s32 $0x2, s5;
	[dreg:$0x6] =	wrdreg s8;
	s7 =	sadd.s32 s25, s11  }
0xc: {  	s28 =	smul.u32 $0x4B00, s26;
	s30 =	sadd.s32 s2, s6;
	[dreg:$0x7] =	wrdreg s7  }
0xd: {  	v2 =	vlaneseq.u32;
	vm1 =	vcmask $0x2F20;
	vm2 =	vcmask $0xF00;
	s10 =	sshrl.u32 s5, $0x1;
	s0 =	sadd.s32 s0, s11;
	[dreg:$0x9] =	wrdreg s30  }
0xe: {  	vm0 =	vmmov $0xffff;
	v0 =	vand.u32 $0x7, v2;
	v1 =	vshrl.u32 v2, $0x3;
	s29 =	ssub.s32 s5, s10;
	[dreg:$0x8] =	wrdreg s0;
	s31 =	sadd.s32 s2, s28  }
0xf: {  	v2 =	vor.u32 $0x8, v2;
	vm1 =	vmor vm2, vm1;
	v1 =	vmul.u32 $0x8, v1;
	s26 =	simm.s32 $0x3;
	s0 =	smax.u32 s29, $0x1;
	[dreg:$0xa] =	wrdreg s31  }
.LBB2_1:
0x10: {  	[dreg:$0xb] =	wrdreg s0  }
0x11: {  	s30 =	rddreg [dreg:$0x5];
	s25 =	simm.s32 $0x5  }
0x12: {  	[tilespmem:s4], [sflag:$0x5] =	stream.linear.gather [hbm4b:s30+s4], $0x300, $0x38;
	[tilespmem:$0x1C800] =	vst v63  }
0x13: {  	_ =	swait.ge [sflag:s25], $0x300  }
0x14: {  	[sflag:s25] =	ssyncset.done $0x0  }
0x15: {  	s8 =	simm.s32 $0x400;
	s7 =	rddreg [dreg:$0x6];
	[sflag:s25] =	ssyncadd.s32 $0xFFFFFD00  }
0x16: {  	[tilespmem:s8], [sflag:$0x5] =	stream.linear.gather [hbm4b:s7+s4], $0x280, $0x38;
	[tilespmem:$0x1C800] =	vst v63  }
0x17: {  	_ =	swait.ge [sflag:s25], $0x280  }
0x18: {  	[sflag:s25] =	ssyncset.done $0x0  }
0x19: {  	[sflag:s25] =	ssyncadd.s32 $0xFFFFFD80  }
0x1a: {  	v3 =	vld [tilespmem:$0x0];
	_ =	sdelay $0x4  }
0x1b: {  	v4 =	vshll.u32 v3, $0x1  }
0x1c: {  	v3 =	vand.u32 $0x7, v3;
	v4 =	vand.u32 $0xFFFFFFF0, v4  }
0x1d: {  	v3 =	vor.u32 v3, v4  }
0x1e: {  	v4 =	vperm.xlane v3, v0;
	_ =	sdelay $0x1  }
0x1f: {  	v3 =	vperm.xlane v3, v2;
	v4 =	vadd.s32 v1, v4;
	_ =	sdelay $0x1  }
0x20: {  	v3 =	vadd.s32 v1, v3;
	_ =	sdelay $0x1  }
0x21: {  	s9 =	simm.s32 $0x800  }
0x22: {  	[tilespmem:s9], [sflag:$0x1] =	stream.indirect_vreg.gather [hbm4b:s1+s4], $0x80, v4, vm0, $0xb8;
	[tilespmem:$0x1C800] =	vst v63  }
0x23: {  	s10 =	simm.s32 $0x1000  }
0x24: {  	[tilespmem:s10], [sflag:$0x1] =	stream.indirect_vreg.gather [hbm4b:s1+s4], $0x80, v3, vm0, $0xb8;
	[tilespmem:$0x1C800] =	vst v63  }
0x25: {  	v3 =	vld [tilespmem:$0x10];
	_ =	sdelay $0x4  }
0x26: {  	v13 =	vshll.u32 v3, $0x1  }
0x27: {  	v3 =	vand.u32 $0x7, v3;
	v4 =	vand.u32 $0xFFFFFFF0, v13  }
0x28: {  	v3 =	vor.u32 v3, v4  }
0x29: {  	v4 =	vperm.xlane v3, v0;
	_ =	sdelay $0x1  }
0x2a: {  	v3 =	vperm.xlane v3, v2;
	v4 =	vadd.s32 v1, v4;
	_ =	sdelay $0x1  }
0x2b: {  	v3 =	vadd.s32 v1, v3;
	_ =	sdelay $0x1  }
0x2c: {  	s11 =	simm.s32 $0x1800  }
0x2d: {  	[tilespmem:s11], [sflag:$0x1] =	stream.indirect_vreg.gather [hbm4b:s1+s4], $0x80, v4, vm0, $0xb8;
	[tilespmem:$0x1C800] =	vst v63  }
0x2e: {  	s12 =	simm.s32 $0x2000  }
0x2f: {  	[tilespmem:s12], [sflag:$0x1] =	stream.indirect_vreg.gather [hbm4b:s1+s4], $0x80, v3, vm0, $0xb8;
	[tilespmem:$0x1C800] =	vst v63  }
0x30: {  	v3 =	vld [tilespmem:$0x20];
	_ =	sdelay $0x4  }
0x31: {  	v14 =	vshll.u32 v3, $0x1  }
0x32: {  	v3 =	vand.u32 $0x7, v3;
	v4 =	vand.u32 $0xFFFFFFF0, v14  }
0x33: {  	v3 =	vor.u32 v3, v4  }
0x34: {  	v4 =	vperm.xlane v3, v0;
	_ =	sdelay $0x1  }
0x35: {  	v3 =	vperm.xlane v3, v2;
	v4 =	vadd.s32 v1, v4;
	_ =	sdelay $0x1  }
0x36: {  	v3 =	vadd.s32 v1, v3;
	_ =	sdelay $0x1  }
0x37: {  	s13 =	simm.s32 $0x2800  }
0x38: {  	[tilespmem:s13], [sflag:$0x1] =	stream.indirect_vreg.gather [hbm4b:s1+s4], $0x80, v4, vm0, $0xb8;
	[tilespmem:$0x1C800] =	vst v63  }
0x39: {  	s14 =	simm.s32 $0x3000  }
0x3a: {  	[tilespmem:s14], [sflag:$0x1] =	stream.indirect_vreg.gather [hbm4b:s1+s4], $0x80, v3, vm0, $0xb8;
	[tilespmem:$0x1C800] =	vst v63  }
0x3b: {  	v3 =	vld [tilespmem:$0x30];
	_ =	sdelay $0x4  }
0x3c: {  	v15 =	vshll.u32 v3, $0x1  }
0x3d: {  	v3 =	vand.u32 $0x7, v3;
	v4 =	vand.u32 $0xFFFFFFF0, v15  }
0x3e: {  	v3 =	vor.u32 v3, v4  }
0x3f: {  	v4 =	vperm.xlane v3, v0;
	_ =	sdelay $0x1  }
0x40: {  	v3 =	vperm.xlane v3, v2;
	v4 =	vadd.s32 v1, v4;
	_ =	sdelay $0x1  }
0x41: {  	v3 =	vadd.s32 v1, v3;
	_ =	sdelay $0x1  }
0x42: {  	s15 =	simm.s32 $0x3800  }
0x43: {  	[tilespmem:s15], [sflag:$0x1] =	stream.indirect_vreg.gather [hbm4b:s1+s4], $0x80, v4, vm0, $0xb8;
	[tilespmem:$0x1C800] =	vst v63  }
0x44: {  	s16 =	simm.s32 $0x4000  }
0x45: {  	[tilespmem:s16], [sflag:$0x1] =	stream.indirect_vreg.gather [hbm4b:s1+s4], $0x80, v3, vm0, $0xb8;
	[tilespmem:$0x1C800] =	vst v63  }
0x46: {  	v3 =	vld [tilespmem:$0x40];
	_ =	sdelay $0x4  }
0x47: {  	v16 =	vshll.u32 v3, $0x1  }
0x48: {  	v3 =	vand.u32 $0x7, v3;
	v4 =	vand.u32 $0xFFFFFFF0, v16  }
0x49: {  	v3 =	vor.u32 v3, v4  }
0x4a: {  	v4 =	vperm.xlane v3, v0;
	_ =	sdelay $0x1  }
0x4b: {  	v3 =	vperm.xlane v3, v2;
	v4 =	vadd.s32 v1, v4;
	_ =	sdelay $0x1  }
0x4c: {  	v3 =	vadd.s32 v1, v3;
	_ =	sdelay $0x1  }
0x4d: {  	s17 =	simm.s32 $0x4800  }
0x4e: {  	[tilespmem:s17], [sflag:$0x1] =	stream.indirect_vreg.gather [hbm4b:s1+s4], $0x80, v4, vm0, $0xb8;
	[tilespmem:$0x1C800] =	vst v63  }
0x4f: {  	s18 =	simm.s32 $0x5000  }
0x50: {  	[tilespmem:s18], [sflag:$0x1] =	stream.indirect_vreg.gather [hbm4b:s1+s4], $0x80, v3, vm0, $0xb8;
	[tilespmem:$0x1C800] =	vst v63  }
0x51: {  	v3 =	vld [tilespmem:$0x50];
	_ =	sdelay $0x4  }
0x52: {  	v17 =	vshll.u32 v3, $0x1  }
0x53: {  	v3 =	vand.u32 $0x7, v3;
	v4 =	vand.u32 $0xFFFFFFF0, v17  }
0x54: {  	v3 =	vor.u32 v3, v4  }
0x55: {  	v4 =	vperm.xlane v3, v0;
	_ =	sdelay $0x1  }
0x56: {  	v3 =	vperm.xlane v3, v2;
	v4 =	vadd.s32 v1, v4;
	_ =	sdelay $0x1  }
0x57: {  	v3 =	vadd.s32 v1, v3;
	_ =	sdelay $0x1  }
0x58: {  	s19 =	simm.s32 $0x5800  }
0x59: {  	[tilespmem:s19], [sflag:$0x1] =	stream.indirect_vreg.gather [hbm4b:s1+s4], $0x80, v4, vm0, $0xb8;
	[tilespmem:$0x1C800] =	vst v63  }
0x5a: {  	s20 =	simm.s32 $0x6000  }
0x5b: {  	[tilespmem:s20], [sflag:$0x1] =	stream.indirect_vreg.gather [hbm4b:s1+s4], $0x80, v3, vm0, $0xb8;
	[tilespmem:$0x1C800] =	vst v63  }
0x5c: {  	v3 =	vld.msk [tilespmem:$0x60], $0xf;
	_ =	sdelay $0x4  }
0x5d: {  	v18 =	vshll.u32 v3, $0x1  }
0x5e: {  	v3 =	vand.u32 $0x7, v3;
	v4 =	vand.u32 $0xFFFFFFF0, v18  }
0x5f: {  	v3 =	vor.u32 v3, v4  }
0x60: {  	v3 =	vperm.xlane v3, v0;
	_ =	sdelay $0x1  }
0x61: {  	v3 =	vadd.s32 v1, v3;
	_ =	sdelay $0x3  }
0x62: {  	s21 =	simm.s32 $0x6800  }
0x63: {  	[tilespmem:s21], [sflag:$0x1] =	stream.indirect_vreg.gather [hbm4b:s1+s4], $0x80, v3, vm1, $0xb8;
	[tilespmem:$0x1C800] =	vst v63  }
0x64: {  	v3 =	vld [tilespmem:$0x80];
	_ =	sdelay $0x4  }
0x65: {  	v19 =	vshll.u32 v3, $0x1  }
0x66: {  	v3 =	vand.u32 $0x7, v3;
	v4 =	vand.u32 $0xFFFFFFF0, v19  }
0x67: {  	v3 =	vor.u32 v3, v4  }
0x68: {  	v4 =	vperm.xlane v3, v0;
	_ =	sdelay $0x1  }
0x69: {  	v3 =	vperm.xlane v3, v2;
	v4 =	vadd.s32 v1, v4;
	_ =	sdelay $0x1  }
0x6a: {  	v3 =	vadd.s32 v1, v3;
	_ =	sdelay $0x1  }
0x6b: {  	s22 =	simm.s32 $0x7000  }
0x6c: {  	[tilespmem:s22], [sflag:$0x1] =	stream.indirect_vreg.gather [hbm4b:s1+s4], $0x80, v4, vm0, $0xb8;
	[tilespmem:$0x1C800] =	vst v63  }
0x6d: {  	s24 =	simm.s32 $0x7800  }
0x6e: {  	[tilespmem:s24], [sflag:$0x1] =	stream.indirect_vreg.gather [hbm4b:s1+s4], $0x80, v3, vm0, $0xb8;
	[tilespmem:$0x1C800] =	vst v63  }
0x6f: {  	v3 =	vld [tilespmem:$0x90];
	_ =	sdelay $0x4  }
0x70: {  	v20 =	vshll.u32 v3, $0x1  }
0x71: {  	v3 =	vand.u32 $0x7, v3;
	v4 =	vand.u32 $0xFFFFFFF0, v20  }
0x72: {  	v3 =	vor.u32 v3, v4  }
0x73: {  	v4 =	vperm.xlane v3, v0;
	_ =	sdelay $0x1  }
0x74: {  	v3 =	vperm.xlane v3, v2;
	v4 =	vadd.s32 v1, v4;
	_ =	sdelay $0x1  }
0x75: {  	v3 =	vadd.s32 v1, v3;
	_ =	sdelay $0x1  }
0x76: {  	s28 =	simm.s32 $0x8000  }
0x77: {  	[tilespmem:s28], [sflag:$0x1] =	stream.indirect_vreg.gather [hbm4b:s1+s4], $0x80, v4, vm0, $0xb8;
	[tilespmem:$0x1C800] =	vst v63  }
0x78: {  	s29 =	simm.s32 $0x8800  }
0x79: {  	[tilespmem:s29], [sflag:$0x1] =	stream.indirect_vreg.gather [hbm4b:s1+s4], $0x80, v3, vm0, $0xb8;
	[tilespmem:$0x1C800] =	vst v63  }
0x7a: {  	v3 =	vld [tilespmem:$0xA0];
	_ =	sdelay $0x4  }
0x7b: {  	v21 =	vshll.u32 v3, $0x1  }
0x7c: {  	v3 =	vand.u32 $0x7, v3;
	v4 =	vand.u32 $0xFFFFFFF0, v21  }
0x7d: {  	v3 =	vor.u32 v3, v4  }
0x7e: {  	v4 =	vperm.xlane v3, v0;
	_ =	sdelay $0x1  }
0x7f: {  	v3 =	vperm.xlane v3, v2;
	v4 =	vadd.s32 v1, v4;
	_ =	sdelay $0x1  }
0x80: {  	v3 =	vadd.s32 v1, v3;
	_ =	sdelay $0x1  }
0x81: {  	s30 =	simm.s32 $0x9000  }
0x82: {  	[tilespmem:s30], [sflag:$0x1] =	stream.indirect_vreg.gather [hbm4b:s1+s4], $0x80, v4, vm0, $0xb8;
	[tilespmem:$0x1C800] =	vst v63  }
0x83: {  	s31 =	simm.s32 $0x9800  }
0x84: {  	[tilespmem:s31], [sflag:$0x1] =	stream.indirect_vreg.gather [hbm4b:s1+s4], $0x80, v3, vm0, $0xb8;
	[tilespmem:$0x1C800] =	vst v63  }
0x85: {  	v3 =	vld [tilespmem:$0xB0];
	_ =	sdelay $0x4  }
0x86: {  	v22 =	vshll.u32 v3, $0x1  }
0x87: {  	v3 =	vand.u32 $0x7, v3;
	v4 =	vand.u32 $0xFFFFFFF0, v22  }
0x88: {  	v3 =	vor.u32 v3, v4  }
0x89: {  	v4 =	vperm.xlane v3, v0;
	_ =	sdelay $0x1  }
0x8a: {  	v3 =	vperm.xlane v3, v2;
	v4 =	vadd.s32 v1, v4;
	_ =	sdelay $0x1  }
0x8b: {  	v3 =	vadd.s32 v1, v3;
	_ =	sdelay $0x1  }
0x8c: {  	s2 =	simm.s32 $0xA000  }
0x8d: {  	[tilespmem:s2], [sflag:$0x1] =	stream.indirect_vreg.gather [hbm4b:s1+s4], $0x80, v4, vm0, $0xb8;
	[tilespmem:$0x1C800] =	vst v63  }
0x8e: {  	s5 =	simm.s32 $0xA800  }
0x8f: {  	[tilespmem:s5], [sflag:$0x1] =	stream.indirect_vreg.gather [hbm4b:s1+s4], $0x80, v3, vm0, $0xb8;
	[tilespmem:$0x1C800] =	vst v63  }
0x90: {  	v3 =	vld [tilespmem:$0xC0];
	_ =	sdelay $0x4  }
0x91: {  	v23 =	vshll.u32 v3, $0x1  }
0x92: {  	v3 =	vand.u32 $0x7, v3;
	v4 =	vand.u32 $0xFFFFFFF0, v23  }
0x93: {  	v3 =	vor.u32 v3, v4  }
0x94: {  	v4 =	vperm.xlane v3, v0;
	_ =	sdelay $0x1  }
0x95: {  	v3 =	vperm.xlane v3, v2;
	v4 =	vadd.s32 v1, v4;
	_ =	sdelay $0x1  }
0x96: {  	v3 =	vadd.s32 v1, v3;
	_ =	sdelay $0x1  }
0x97: {  	s6 =	simm.s32 $0xB000  }
0x98: {  	[tilespmem:s6], [sflag:$0x1] =	stream.indirect_vreg.gather [hbm4b:s1+s4], $0x80, v4, vm0, $0xb8;
	[tilespmem:$0x1C800] =	vst v63  }
0x99: {  	s7 =	simm.s32 $0xB800  }
0x9a: {  	[tilespmem:s7], [sflag:$0x1] =	stream.indirect_vreg.gather [hbm4b:s1+s4], $0x80, v3, vm0, $0xb8;
	[tilespmem:$0x1C800] =	vst v63  }
0x9b: {  	v3 =	vld [tilespmem:$0xD0];
	_ =	sdelay $0x4  }
0x9c: {  	v24 =	vshll.u32 v3, $0x1  }
0x9d: {  	v3 =	vand.u32 $0x7, v3;
	v4 =	vand.u32 $0xFFFFFFF0, v24  }
0x9e: {  	v3 =	vor.u32 v3, v4  }
0x9f: {  	v4 =	vperm.xlane v3, v0;
	_ =	sdelay $0x1  }
0xa0: {  	v3 =	vperm.xlane v3, v2;
	v4 =	vadd.s32 v1, v4;
	_ =	sdelay $0x1  }
0xa1: {  	v3 =	vadd.s32 v1, v3;
	_ =	sdelay $0x1  }
0xa2: {  	s8 =	simm.s32 $0xC000  }
0xa3: {  	[tilespmem:s8], [sflag:$0x1] =	stream.indirect_vreg.gather [hbm4b:s1+s4], $0x80, v4, vm0, $0xb8;
	[tilespmem:$0x1C800] =	vst v63  }
0xa4: {  	s9 =	simm.s32 $0xC800  }
0xa5: {  	[tilespmem:s9], [sflag:$0x1] =	stream.indirect_vreg.gather [hbm4b:s1+s4], $0x80, v3, vm0, $0xb8;
	[tilespmem:$0x1C800] =	vst v63  }
0xa6: {  	v3 =	vld.msk [tilespmem:$0xE0], $0xf;
	_ =	sdelay $0x4  }
0xa7: {  	v25 =	vshll.u32 v3, $0x1  }
0xa8: {  	v3 =	vand.u32 $0x7, v3;
	v4 =	vand.u32 $0xFFFFFFF0, v25  }
0xa9: {  	v3 =	vor.u32 v3, v4  }
0xaa: {  	v3 =	vperm.xlane v3, v0;
	_ =	sdelay $0x1  }
0xab: {  	v3 =	vadd.s32 v1, v3;
	_ =	sdelay $0x3  }
0xac: {  	s10 =	simm.s32 $0xD000  }
0xad: {  	[tilespmem:s10], [sflag:$0x1] =	stream.indirect_vreg.gather [hbm4b:s1+s4], $0x80, v3, vm1, $0xb8;
	[tilespmem:$0x1C800] =	vst v63  }
0xae: {  	s11 =	simm.s32 $0xD800;
	s6 =	rddreg [dreg:$0x9]  }
0xaf: {  	[tilespmem:s11], [sflag:$0x3] =	stream.linear.gather [hbm4b:s6+s4], $0x7800, $0x38;
	[tilespmem:$0x1C800] =	vst v63  }
0xb0: {  	_ =	swait.ge [sflag:s26], $0x7800  }
0xb1: {  	[sflag:s26] =	ssyncset.done $0x0  }
0xb2: {  	s13 =	simm.s32 $0x15000;
	s12 =	sadd.s32 $0xF00, s6;
	[sflag:s26] =	ssyncadd.s32 $0xFFFF8800  }
0xb3: {  	[tilespmem:s13], [sflag:$0x3] =	stream.linear.gather [hbm4b:s12+s4], $0x7800, $0x38;
	[tilespmem:$0x1C800] =	vst v63  }
0xb4: {  	v3 =	vld [tilespmem:$0x400];
	_ =	sdelay $0x4  }
0xb5: {  	v26 =	vshll.u32 v3, $0x1  }
0xb6: {  	v3 =	vand.u32 $0x7, v3;
	v4 =	vand.u32 $0xFFFFFFF0, v26  }
0xb7: {  	v3 =	vor.u32 v3, v4  }
0xb8: {  	v4 =	vperm.xlane v3, v0;
	_ =	sdelay $0x1  }
0xb9: {  	v3 =	vperm.xlane v3, v2;
	v4 =	vadd.s32 v1, v4;
	_ =	sdelay $0x1  }
0xba: {  	v3 =	vadd.s32 v1, v3;
	_ =	sdelay $0x1  }
0xbb: {  	s31 =	simm.s32 $0xD800  }
0xbc: {  	[hbm4b:s3+s4] =	stream.indirect_vreg.scatter [tilespmem:s31], [sflag:$0x4], $0x80, v4, vm0, $0xb8;
	[tilespmem:$0x1C800] =	vst v63  }
0xbd: {  	s14 =	simm.s32 $0xE000  }
0xbe: {  	[hbm4b:s3+s4] =	stream.indirect_vreg.scatter [tilespmem:s14], [sflag:$0x4], $0x80, v3, vm0, $0xb8;
	[tilespmem:$0x1C800] =	vst v63  }
0xbf: {  	v3 =	vld [tilespmem:$0x410];
	_ =	sdelay $0x4  }
0xc0: {  	v27 =	vshll.u32 v3, $0x1  }
0xc1: {  	v3 =	vand.u32 $0x7, v3;
	v4 =	vand.u32 $0xFFFFFFF0, v27  }
0xc2: {  	v3 =	vor.u32 v3, v4  }
0xc3: {  	v4 =	vperm.xlane v3, v0;
	_ =	sdelay $0x1  }
0xc4: {  	v3 =	vperm.xlane v3, v2;
	v4 =	vadd.s32 v1, v4;
	_ =	sdelay $0x1  }
0xc5: {  	v3 =	vadd.s32 v1, v3;
	_ =	sdelay $0x1  }
0xc6: {  	s15 =	simm.s32 $0xE800  }
0xc7: {  	[hbm4b:s3+s4] =	stream.indirect_vreg.scatter [tilespmem:s15], [sflag:$0x4], $0x80, v4, vm0, $0xb8;
	[tilespmem:$0x1C800] =	vst v63  }
0xc8: {  	s16 =	simm.s32 $0xF000  }
0xc9: {  	[hbm4b:s3+s4] =	stream.indirect_vreg.scatter [tilespmem:s16], [sflag:$0x4], $0x80, v3, vm0, $0xb8;
	[tilespmem:$0x1C800] =	vst v63  }
0xca: {  	v3 =	vld [tilespmem:$0x420];
	_ =	sdelay $0x4  }
0xcb: {  	v28 =	vshll.u32 v3, $0x1  }
0xcc: {  	v3 =	vand.u32 $0x7, v3;
	v4 =	vand.u32 $0xFFFFFFF0, v28  }
0xcd: {  	v3 =	vor.u32 v3, v4  }
0xce: {  	v4 =	vperm.xlane v3, v0;
	_ =	sdelay $0x1  }
0xcf: {  	v3 =	vperm.xlane v3, v2;
	v4 =	vadd.s32 v1, v4;
	_ =	sdelay $0x1  }
0xd0: {  	v3 =	vadd.s32 v1, v3;
	_ =	sdelay $0x1  }
0xd1: {  	s17 =	simm.s32 $0xF800  }
0xd2: {  	[hbm4b:s3+s4] =	stream.indirect_vreg.scatter [tilespmem:s17], [sflag:$0x4], $0x80, v4, vm0, $0xb8;
	[tilespmem:$0x1C800] =	vst v63  }
0xd3: {  	s18 =	simm.s32 $0x10000  }
0xd4: {  	[hbm4b:s3+s4] =	stream.indirect_vreg.scatter [tilespmem:s18], [sflag:$0x4], $0x80, v3, vm0, $0xb8;
	[tilespmem:$0x1C800] =	vst v63  }
0xd5: {  	v3 =	vld [tilespmem:$0x430];
	_ =	sdelay $0x4  }
0xd6: {  	v29 =	vshll.u32 v3, $0x1  }
0xd7: {  	v3 =	vand.u32 $0x7, v3;
	v4 =	vand.u32 $0xFFFFFFF0, v29  }
0xd8: {  	v3 =	vor.u32 v3, v4  }
0xd9: {  	v4 =	vperm.xlane v3, v0;
	_ =	sdelay $0x1  }
0xda: {  	v3 =	vperm.xlane v3, v2;
	v4 =	vadd.s32 v1, v4;
	_ =	sdelay $0x1  }
0xdb: {  	v3 =	vadd.s32 v1, v3;
	_ =	sdelay $0x1  }
0xdc: {  	s19 =	simm.s32 $0x10800  }
0xdd: {  	[hbm4b:s3+s4] =	stream.indirect_vreg.scatter [tilespmem:s19], [sflag:$0x4], $0x80, v4, vm0, $0xb8;
	[tilespmem:$0x1C800] =	vst v63  }
0xde: {  	s20 =	simm.s32 $0x11000  }
0xdf: {  	[hbm4b:s3+s4] =	stream.indirect_vreg.scatter [tilespmem:s20], [sflag:$0x4], $0x80, v3, vm0, $0xb8;
	[tilespmem:$0x1C800] =	vst v63  }
0xe0: {  	v3 =	vld [tilespmem:$0x440];
	_ =	sdelay $0x4  }
0xe1: {  	v30 =	vshll.u32 v3, $0x1  }
0xe2: {  	v3 =	vand.u32 $0x7, v3;
	v4 =	vand.u32 $0xFFFFFFF0, v30  }
0xe3: {  	v3 =	vor.u32 v3, v4  }
0xe4: {  	v4 =	vperm.xlane v3, v0;
	_ =	sdelay $0x1  }
0xe5: {  	v3 =	vperm.xlane v3, v2;
	v4 =	vadd.s32 v1, v4;
	_ =	sdelay $0x1  }
0xe6: {  	v3 =	vadd.s32 v1, v3;
	_ =	sdelay $0x1  }
0xe7: {  	s21 =	simm.s32 $0x11800  }
0xe8: {  	[hbm4b:s3+s4] =	stream.indirect_vreg.scatter [tilespmem:s21], [sflag:$0x4], $0x80, v4, vm0, $0xb8;
	[tilespmem:$0x1C800] =	vst v63  }
0xe9: {  	s22 =	simm.s32 $0x12000  }
0xea: {  	[hbm4b:s3+s4] =	stream.indirect_vreg.scatter [tilespmem:s22], [sflag:$0x4], $0x80, v3, vm0, $0xb8;
	[tilespmem:$0x1C800] =	vst v63  }
0xeb: {  	v3 =	vld [tilespmem:$0x450];
	_ =	sdelay $0x4  }
0xec: {  	v31 =	vshll.u32 v3, $0x1  }
0xed: {  	v3 =	vand.u32 $0x7, v3;
	v4 =	vand.u32 $0xFFFFFFF0, v31  }
0xee: {  	v3 =	vor.u32 v3, v4  }
0xef: {  	v4 =	vperm.xlane v3, v0;
	_ =	sdelay $0x1  }
0xf0: {  	v3 =	vperm.xlane v3, v2;
	v4 =	vadd.s32 v1, v4;
	_ =	sdelay $0x1  }
0xf1: {  	v3 =	vadd.s32 v1, v3;
	_ =	sdelay $0x1  }
0xf2: {  	s24 =	simm.s32 $0x12800  }
0xf3: {  	[hbm4b:s3+s4] =	stream.indirect_vreg.scatter [tilespmem:s24], [sflag:$0x4], $0x80, v4, vm0, $0xb8;
	[tilespmem:$0x1C800] =	vst v63  }
0xf4: {  	s28 =	simm.s32 $0x13000  }
0xf5: {  	[hbm4b:s3+s4] =	stream.indirect_vreg.scatter [tilespmem:s28], [sflag:$0x4], $0x80, v3, vm0, $0xb8;
	[tilespmem:$0x1C800] =	vst v63  }
0xf6: {  	v3 =	vld [tilespmem:$0x460];
	_ =	sdelay $0x4  }
0xf7: {  	v32 =	vshll.u32 v3, $0x1  }
0xf8: {  	v3 =	vand.u32 $0x7, v3;
	v4 =	vand.u32 $0xFFFFFFF0, v32  }
0xf9: {  	v3 =	vor.u32 v3, v4  }
0xfa: {  	v4 =	vperm.xlane v3, v0;
	_ =	sdelay $0x1  }
0xfb: {  	v3 =	vperm.xlane v3, v2;
	v4 =	vadd.s32 v1, v4;
	_ =	sdelay $0x1  }
0xfc: {  	v3 =	vadd.s32 v1, v3;
	_ =	sdelay $0x1  }
0xfd: {  	s29 =	simm.s32 $0x13800  }
0xfe: {  	[hbm4b:s3+s4] =	stream.indirect_vreg.scatter [tilespmem:s29], [sflag:$0x4], $0x80, v4, vm0, $0xb8;
	[tilespmem:$0x1C800] =	vst v63  }
0xff: {  	s30 =	simm.s32 $0x14000  }
0x100: {  	[hbm4b:s3+s4] =	stream.indirect_vreg.scatter [tilespmem:s30], [sflag:$0x4], $0x80, v3, vm0, $0xb8;
	[tilespmem:$0x1C800] =	vst v63  }
0x101: {  	v3 =	vld.msk [tilespmem:$0x470], $0xff;
	_ =	sdelay $0x4  }
0x102: {  	v33 =	vshll.u32 v3, $0x1  }
0x103: {  	v3 =	vand.u32 $0x7, v3;
	v4 =	vand.u32 $0xFFFFFFF0, v33  }
0x104: {  	v3 =	vor.u32 v3, v4  }
0x105: {  	v3 =	vperm.xlane v3, v0;
	_ =	sdelay $0x1  }
0x106: {  	v3 =	vadd.s32 v1, v3;
	_ =	sdelay $0x3  }
0x107: {  	s5 =	simm.s32 $0x14800  }
0x108: {  	[hbm4b:s3+s4] =	stream.indirect_vreg.scatter [tilespmem:s5], [sflag:$0x4], $0x80, v3, vm0, $0xb8;
	[tilespmem:$0x1C800] =	vst v63  }
0x109: {  	_ =	swait.ge [sflag:s26], $0x7800  }
0x10a: {  	[sflag:s26] =	ssyncset.done $0x0  }
0x10b: {  	[sflag:s26] =	ssyncadd.s32 $0xFFFF8800  }
0x10c: {  	_ =	swait.ge [sflag:s23], $0x7800  }
0x10d: {  	[sflag:s23] =	ssyncset.done $0x0  }
0x10e: {  	s7 =	sadd.s32 $0x1E00, s6;
	[sflag:s23] =	ssyncadd.s32 $0xFFFF8800  }
0x10f: {  	[tilespmem:s31], [sflag:$0x3] =	stream.linear.gather [hbm4b:s7+s4], $0x7800, $0x38;
	[tilespmem:$0x1C800] =	vst v63  }
0x110: {  	v3 =	vld [tilespmem:$0x480];
	_ =	sdelay $0x4  }
0x111: {  	v34 =	vshll.u32 v3, $0x1  }
0x112: {  	v3 =	vand.u32 $0x7, v3;
	v4 =	vand.u32 $0xFFFFFFF0, v34  }
0x113: {  	v3 =	vor.u32 v3, v4  }
0x114: {  	v4 =	vperm.xlane v3, v0;
	_ =	sdelay $0x1  }
0x115: {  	v3 =	vperm.xlane v3, v2;
	v4 =	vadd.s32 v1, v4;
	_ =	sdelay $0x1  }
0x116: {  	v3 =	vadd.s32 v1, v3;
	_ =	sdelay $0x1  }
0x117: {  	s2 =	simm.s32 $0x15000  }
0x118: {  	[hbm4b:s3+s4] =	stream.indirect_vreg.scatter [tilespmem:s2], [sflag:$0x4], $0x80, v4, vm0, $0xb8;
	[tilespmem:$0x1C800] =	vst v63  }
0x119: {  	s8 =	simm.s32 $0x15800  }
0x11a: {  	[hbm4b:s3+s4] =	stream.indirect_vreg.scatter [tilespmem:s8], [sflag:$0x4], $0x80, v3, vm0, $0xb8;
	[tilespmem:$0x1C800] =	vst v63  }
0x11b: {  	v3 =	vld [tilespmem:$0x490];
	_ =	sdelay $0x4  }
0x11c: {  	v35 =	vshll.u32 v3, $0x1  }
0x11d: {  	v3 =	vand.u32 $0x7, v3;
	v4 =	vand.u32 $0xFFFFFFF0, v35  }
0x11e: {  	v3 =	vor.u32 v3, v4  }
0x11f: {  	v4 =	vperm.xlane v3, v0;
	_ =	sdelay $0x1  }
0x120: {  	v3 =	vperm.xlane v3, v2;
	v4 =	vadd.s32 v1, v4;
	_ =	sdelay $0x1  }
0x121: {  	v3 =	vadd.s32 v1, v3;
	_ =	sdelay $0x1  }
0x122: {  	s9 =	simm.s32 $0x16000  }
0x123: {  	[hbm4b:s3+s4] =	stream.indirect_vreg.scatter [tilespmem:s9], [sflag:$0x4], $0x80, v4, vm0, $0xb8;
	[tilespmem:$0x1C800] =	vst v63  }
0x124: {  	s10 =	simm.s32 $0x16800  }
0x125: {  	[hbm4b:s3+s4] =	stream.indirect_vreg.scatter [tilespmem:s10], [sflag:$0x4], $0x80, v3, vm0, $0xb8;
	[tilespmem:$0x1C800] =	vst v63  }
0x126: {  	v3 =	vld [tilespmem:$0x4A0];
	_ =	sdelay $0x4  }
0x127: {  	v36 =	vshll.u32 v3, $0x1  }
0x128: {  	v3 =	vand.u32 $0x7, v3;
	v4 =	vand.u32 $0xFFFFFFF0, v36  }
0x129: {  	v3 =	vor.u32 v3, v4  }
0x12a: {  	v4 =	vperm.xlane v3, v0;
	_ =	sdelay $0x1  }
0x12b: {  	v3 =	vperm.xlane v3, v2;
	v4 =	vadd.s32 v1, v4;
	_ =	sdelay $0x1  }
0x12c: {  	v3 =	vadd.s32 v1, v3;
	_ =	sdelay $0x1  }
0x12d: {  	s18 =	simm.s32 $0x17000  }
0x12e: {  	[hbm4b:s3+s4] =	stream.indirect_vreg.scatter [tilespmem:s18], [sflag:$0x4], $0x80, v4, vm0, $0xb8;
	[tilespmem:$0x1C800] =	vst v63  }
0x12f: {  	s24 =	simm.s32 $0x17800  }
0x130: {  	[hbm4b:s3+s4] =	stream.indirect_vreg.scatter [tilespmem:s24], [sflag:$0x4], $0x80, v3, vm0, $0xb8;
	[tilespmem:$0x1C800] =	vst v63  }
0x131: {  	v3 =	vld [tilespmem:$0x4B0];
	_ =	sdelay $0x4  }
0x132: {  	v37 =	vshll.u32 v3, $0x1  }
0x133: {  	v3 =	vand.u32 $0x7, v3;
	v4 =	vand.u32 $0xFFFFFFF0, v37  }
0x134: {  	v3 =	vor.u32 v3, v4  }
0x135: {  	v4 =	vperm.xlane v3, v0;
	_ =	sdelay $0x1  }
0x136: {  	v3 =	vperm.xlane v3, v2;
	v4 =	vadd.s32 v1, v4;
	_ =	sdelay $0x1  }
0x137: {  	v3 =	vadd.s32 v1, v3;
	_ =	sdelay $0x1  }
0x138: {  	s28 =	simm.s32 $0x18000  }
0x139: {  	[hbm4b:s3+s4] =	stream.indirect_vreg.scatter [tilespmem:s28], [sflag:$0x4], $0x80, v4, vm0, $0xb8;
	[tilespmem:$0x1C800] =	vst v63  }
0x13a: {  	s30 =	simm.s32 $0x18800  }
0x13b: {  	[hbm4b:s3+s4] =	stream.indirect_vreg.scatter [tilespmem:s30], [sflag:$0x4], $0x80, v3, vm0, $0xb8;
	[tilespmem:$0x1C800] =	vst v63  }
0x13c: {  	v3 =	vld [tilespmem:$0x4C0];
	_ =	sdelay $0x4  }
0x13d: {  	v38 =	vshll.u32 v3, $0x1  }
0x13e: {  	v3 =	vand.u32 $0x7, v3;
	v4 =	vand.u32 $0xFFFFFFF0, v38  }
0x13f: {  	v3 =	vor.u32 v3, v4  }
0x140: {  	v4 =	vperm.xlane v3, v0;
	_ =	sdelay $0x1  }
0x141: {  	v3 =	vperm.xlane v3, v2;
	v4 =	vadd.s32 v1, v4;
	_ =	sdelay $0x1  }
0x142: {  	v3 =	vadd.s32 v1, v3;
	_ =	sdelay $0x1  }
0x143: {  	s2 =	simm.s32 $0x19000  }
0x144: {  	[hbm4b:s3+s4] =	stream.indirect_vreg.scatter [tilespmem:s2], [sflag:$0x4], $0x80, v4, vm0, $0xb8;
	[tilespmem:$0x1C800] =	vst v63  }
0x145: {  	s5 =	simm.s32 $0x19800  }
0x146: {  	[hbm4b:s3+s4] =	stream.indirect_vreg.scatter [tilespmem:s5], [sflag:$0x4], $0x80, v3, vm0, $0xb8;
	[tilespmem:$0x1C800] =	vst v63  }
0x147: {  	v3 =	vld [tilespmem:$0x4D0];
	_ =	sdelay $0x4  }
0x148: {  	v39 =	vshll.u32 v3, $0x1  }
0x149: {  	v3 =	vand.u32 $0x7, v3;
	v4 =	vand.u32 $0xFFFFFFF0, v39  }
0x14a: {  	v3 =	vor.u32 v3, v4  }
0x14b: {  	v4 =	vperm.xlane v3, v0;
	_ =	sdelay $0x1  }
0x14c: {  	v3 =	vperm.xlane v3, v2;
	v4 =	vadd.s32 v1, v4;
	_ =	sdelay $0x1  }
0x14d: {  	v3 =	vadd.s32 v1, v3;
	_ =	sdelay $0x1  }
0x14e: {  	s7 =	simm.s32 $0x1A000  }
0x14f: {  	[hbm4b:s3+s4] =	stream.indirect_vreg.scatter [tilespmem:s7], [sflag:$0x4], $0x80, v4, vm0, $0xb8;
	[tilespmem:$0x1C800] =	vst v63  }
0x150: {  	s8 =	simm.s32 $0x1A800  }
0x151: {  	[hbm4b:s3+s4] =	stream.indirect_vreg.scatter [tilespmem:s8], [sflag:$0x4], $0x80, v3, vm0, $0xb8;
	[tilespmem:$0x1C800] =	vst v63  }
0x152: {  	v3 =	vld [tilespmem:$0x4E0];
	_ =	sdelay $0x4  }
0x153: {  	v40 =	vshll.u32 v3, $0x1  }
0x154: {  	v3 =	vand.u32 $0x7, v3;
	v4 =	vand.u32 $0xFFFFFFF0, v40  }
0x155: {  	v3 =	vor.u32 v3, v4  }
0x156: {  	v4 =	vperm.xlane v3, v0;
	_ =	sdelay $0x1  }
0x157: {  	v3 =	vperm.xlane v3, v2;
	v4 =	vadd.s32 v1, v4;
	_ =	sdelay $0x1  }
0x158: {  	v3 =	vadd.s32 v1, v3;
	_ =	sdelay $0x1  }
0x159: {  	s9 =	simm.s32 $0x1B000  }
0x15a: {  	[hbm4b:s3+s4] =	stream.indirect_vreg.scatter [tilespmem:s9], [sflag:$0x4], $0x80, v4, vm0, $0xb8;
	[tilespmem:$0x1C800] =	vst v63  }
0x15b: {  	s10 =	simm.s32 $0x1B800  }
0x15c: {  	[hbm4b:s3+s4] =	stream.indirect_vreg.scatter [tilespmem:s10], [sflag:$0x4], $0x80, v3, vm0, $0xb8;
	[tilespmem:$0x1C800] =	vst v63  }
0x15d: {  	v3 =	vld.msk [tilespmem:$0x4F0], $0xff;
	_ =	sdelay $0x4  }
0x15e: {  	v41 =	vshll.u32 v3, $0x1  }
0x15f: {  	v3 =	vand.u32 $0x7, v3;
	v4 =	vand.u32 $0xFFFFFFF0, v41  }
0x160: {  	v3 =	vor.u32 v3, v4  }
0x161: {  	v3 =	vperm.xlane v3, v0;
	_ =	sdelay $0x1  }
0x162: {  	v3 =	vadd.s32 v1, v3;
	_ =	sdelay $0x3  }
0x163: {  	s30 =	simm.s32 $0x1C000  }
0x164: {  	[hbm4b:s3+s4] =	stream.indirect_vreg.scatter [tilespmem:s30], [sflag:$0x4], $0x80, v3, vm0, $0xb8;
	[tilespmem:$0x1C800] =	vst v63  }
0x165: {  	_ =	swait.ge [sflag:s26], $0x7800  }
0x166: {  	[sflag:s26] =	ssyncset.done $0x0  }
0x167: {  	[sflag:s26] =	ssyncadd.s32 $0xFFFF8800  }
0x168: {  	_ =	swait.ge [sflag:s23], $0x7800  }
0x169: {  	[sflag:s23] =	ssyncset.done $0x0  }
0x16a: {  	s19 =	simm.s32 $0x15000;
	s2 =	sadd.s32 $0x2D00, s6;
	[sflag:s23] =	ssyncadd.s32 $0xFFFF8800  }
0x16b: {  	[tilespmem:s19], [sflag:$0x3] =	stream.linear.gather [hbm4b:s2+s4], $0x7800, $0x38;
	[tilespmem:$0x1C800] =	vst v63  }
0x16c: {  	v3 =	vld [tilespmem:$0x500];
	_ =	sdelay $0x4  }
0x16d: {  	v42 =	vshll.u32 v3, $0x1  }
0x16e: {  	v3 =	vand.u32 $0x7, v3;
	v4 =	vand.u32 $0xFFFFFFF0, v42  }
0x16f: {  	v3 =	vor.u32 v3, v4  }
0x170: {  	v4 =	vperm.xlane v3, v0;
	_ =	sdelay $0x1  }
0x171: {  	v3 =	vperm.xlane v3, v2;
	v4 =	vadd.s32 v1, v4;
	_ =	sdelay $0x1  }
0x172: {  	v3 =	vadd.s32 v1, v3;
	_ =	sdelay $0x2  }
0x173: {  	[hbm4b:s3+s4] =	stream.indirect_vreg.scatter [tilespmem:s31], [sflag:$0x4], $0x80, v4, vm0, $0xb8;
	[tilespmem:$0x1C800] =	vst v63  }
0x174: {  	s11 =	simm.s32 $0xE000  }
0x175: {  	[hbm4b:s3+s4] =	stream.indirect_vreg.scatter [tilespmem:s11], [sflag:$0x4], $0x80, v3, vm0, $0xb8;
	[tilespmem:$0x1C800] =	vst v63  }
0x176: {  	v3 =	vld [tilespmem:$0x510];
	_ =	sdelay $0x4  }
0x177: {  	v43 =	vshll.u32 v3, $0x1  }
0x178: {  	v3 =	vand.u32 $0x7, v3;
	v4 =	vand.u32 $0xFFFFFFF0, v43  }
0x179: {  	v3 =	vor.u32 v3, v4  }
0x17a: {  	v4 =	vperm.xlane v3, v0;
	_ =	sdelay $0x1  }
0x17b: {  	v3 =	vperm.xlane v3, v2;
	v4 =	vadd.s32 v1, v4;
	_ =	sdelay $0x1  }
0x17c: {  	v3 =	vadd.s32 v1, v3;
	_ =	sdelay $0x1  }
0x17d: {  	s0 =	simm.s32 $0xE800  }
0x17e: {  	[hbm4b:s3+s4] =	stream.indirect_vreg.scatter [tilespmem:s0], [sflag:$0x4], $0x80, v4, vm0, $0xb8;
	[tilespmem:$0x1C800] =	vst v63  }
0x17f: {  	s12 =	simm.s32 $0xF000  }
0x180: {  	[hbm4b:s3+s4] =	stream.indirect_vreg.scatter [tilespmem:s12], [sflag:$0x4], $0x80, v3, vm0, $0xb8;
	[tilespmem:$0x1C800] =	vst v63  }
0x181: {  	v3 =	vld [tilespmem:$0x520];
	_ =	sdelay $0x4  }
0x182: {  	v44 =	vshll.u32 v3, $0x1  }
0x183: {  	v3 =	vand.u32 $0x7, v3;
	v4 =	vand.u32 $0xFFFFFFF0, v44  }
0x184: {  	v3 =	vor.u32 v3, v4  }
0x185: {  	v4 =	vperm.xlane v3, v0;
	_ =	sdelay $0x1  }
0x186: {  	v3 =	vperm.xlane v3, v2;
	v4 =	vadd.s32 v1, v4;
	_ =	sdelay $0x1  }
0x187: {  	v3 =	vadd.s32 v1, v3;
	_ =	sdelay $0x1  }
0x188: {  	s13 =	simm.s32 $0xF800  }
0x189: {  	[hbm4b:s3+s4] =	stream.indirect_vreg.scatter [tilespmem:s13], [sflag:$0x4], $0x80, v4, vm0, $0xb8;
	[tilespmem:$0x1C800] =	vst v63  }
0x18a: {  	s14 =	simm.s32 $0x10000  }
0x18b: {  	[hbm4b:s3+s4] =	stream.indirect_vreg.scatter [tilespmem:s14], [sflag:$0x4], $0x80, v3, vm0, $0xb8;
	[tilespmem:$0x1C800] =	vst v63  }
0x18c: {  	v3 =	vld [tilespmem:$0x530];
	_ =	sdelay $0x4  }
0x18d: {  	v45 =	vshll.u32 v3, $0x1  }
0x18e: {  	v3 =	vand.u32 $0x7, v3;
	v4 =	vand.u32 $0xFFFFFFF0, v45  }
0x18f: {  	v3 =	vor.u32 v3, v4  }
0x190: {  	v4 =	vperm.xlane v3, v0;
	_ =	sdelay $0x1  }
0x191: {  	v3 =	vperm.xlane v3, v2;
	v4 =	vadd.s32 v1, v4;
	_ =	sdelay $0x1  }
0x192: {  	v3 =	vadd.s32 v1, v3;
	_ =	sdelay $0x1  }
0x193: {  	s5 =	simm.s32 $0x10800  }
0x194: {  	[hbm4b:s3+s4] =	stream.indirect_vreg.scatter [tilespmem:s5], [sflag:$0x4], $0x80, v4, vm0, $0xb8;
	[tilespmem:$0x1C800] =	vst v63  }
0x195: {  	s15 =	simm.s32 $0x11000  }
0x196: {  	[hbm4b:s3+s4] =	stream.indirect_vreg.scatter [tilespmem:s15], [sflag:$0x4], $0x80, v3, vm0, $0xb8;
	[tilespmem:$0x1C800] =	vst v63  }
0x197: {  	v3 =	vld [tilespmem:$0x540];
	_ =	sdelay $0x4  }
0x198: {  	v46 =	vshll.u32 v3, $0x1  }
0x199: {  	v3 =	vand.u32 $0x7, v3;
	v4 =	vand.u32 $0xFFFFFFF0, v46  }
0x19a: {  	v3 =	vor.u32 v3, v4  }
0x19b: {  	v4 =	vperm.xlane v3, v0;
	_ =	sdelay $0x1  }
0x19c: {  	v3 =	vperm.xlane v3, v2;
	v4 =	vadd.s32 v1, v4;
	_ =	sdelay $0x1  }
0x19d: {  	v3 =	vadd.s32 v1, v3;
	_ =	sdelay $0x1  }
0x19e: {  	s7 =	simm.s32 $0x11800  }
0x19f: {  	[hbm4b:s3+s4] =	stream.indirect_vreg.scatter [tilespmem:s7], [sflag:$0x4], $0x80, v4, vm0, $0xb8;
	[tilespmem:$0x1C800] =	vst v63  }
0x1a0: {  	s16 =	simm.s32 $0x12000  }
0x1a1: {  	[hbm4b:s3+s4] =	stream.indirect_vreg.scatter [tilespmem:s16], [sflag:$0x4], $0x80, v3, vm0, $0xb8;
	[tilespmem:$0x1C800] =	vst v63  }
0x1a2: {  	v3 =	vld [tilespmem:$0x550];
	_ =	sdelay $0x4  }
0x1a3: {  	v47 =	vshll.u32 v3, $0x1  }
0x1a4: {  	v3 =	vand.u32 $0x7, v3;
	v4 =	vand.u32 $0xFFFFFFF0, v47  }
0x1a5: {  	v3 =	vor.u32 v3, v4  }
0x1a6: {  	v4 =	vperm.xlane v3, v0;
	_ =	sdelay $0x1  }
0x1a7: {  	v3 =	vperm.xlane v3, v2;
	v4 =	vadd.s32 v1, v4;
	_ =	sdelay $0x1  }
0x1a8: {  	v3 =	vadd.s32 v1, v3;
	_ =	sdelay $0x1  }
0x1a9: {  	s8 =	simm.s32 $0x12800  }
0x1aa: {  	[hbm4b:s3+s4] =	stream.indirect_vreg.scatter [tilespmem:s8], [sflag:$0x4], $0x80, v4, vm0, $0xb8;
	[tilespmem:$0x1C800] =	vst v63  }
0x1ab: {  	s17 =	simm.s32 $0x13000  }
0x1ac: {  	[hbm4b:s3+s4] =	stream.indirect_vreg.scatter [tilespmem:s17], [sflag:$0x4], $0x80, v3, vm0, $0xb8;
	[tilespmem:$0x1C800] =	vst v63  }
0x1ad: {  	v3 =	vld [tilespmem:$0x560];
	_ =	sdelay $0x4  }
0x1ae: {  	v48 =	vshll.u32 v3, $0x1  }
0x1af: {  	v3 =	vand.u32 $0x7, v3;
	v4 =	vand.u32 $0xFFFFFFF0, v48  }
0x1b0: {  	v3 =	vor.u32 v3, v4  }
0x1b1: {  	v4 =	vperm.xlane v3, v0;
	_ =	sdelay $0x1  }
0x1b2: {  	v3 =	vperm.xlane v3, v2;
	v4 =	vadd.s32 v1, v4;
	_ =	sdelay $0x1  }
0x1b3: {  	v3 =	vadd.s32 v1, v3;
	_ =	sdelay $0x1  }
0x1b4: {  	s30 =	simm.s32 $0x13800  }
0x1b5: {  	[hbm4b:s3+s4] =	stream.indirect_vreg.scatter [tilespmem:s30], [sflag:$0x4], $0x80, v4, vm0, $0xb8;
	[tilespmem:$0x1C800] =	vst v63  }
0x1b6: {  	s21 =	simm.s32 $0x14000  }
0x1b7: {  	[hbm4b:s3+s4] =	stream.indirect_vreg.scatter [tilespmem:s21], [sflag:$0x4], $0x80, v3, vm0, $0xb8;
	[tilespmem:$0x1C800] =	vst v63  }
0x1b8: {  	v3 =	vld.msk [tilespmem:$0x570], $0xff;
	_ =	sdelay $0x4  }
0x1b9: {  	v49 =	vshll.u32 v3, $0x1  }
0x1ba: {  	v3 =	vand.u32 $0x7, v3;
	v4 =	vand.u32 $0xFFFFFFF0, v49  }
0x1bb: {  	v3 =	vor.u32 v3, v4  }
0x1bc: {  	v3 =	vperm.xlane v3, v0;
	_ =	sdelay $0x1  }
0x1bd: {  	v3 =	vadd.s32 v1, v3;
	_ =	sdelay $0x3  }
0x1be: {  	s22 =	simm.s32 $0x14800  }
0x1bf: {  	[hbm4b:s3+s4] =	stream.indirect_vreg.scatter [tilespmem:s22], [sflag:$0x4], $0x80, v3, vm0, $0xb8;
	[tilespmem:$0x1C800] =	vst v63  }
0x1c0: {  	_ =	swait.ge [sflag:s26], $0x7800  }
0x1c1: {  	[sflag:s26] =	ssyncset.done $0x0  }
0x1c2: {  	[sflag:s26] =	ssyncadd.s32 $0xFFFF8800  }
0x1c3: {  	_ =	swait.ge [sflag:s23], $0x7800  }
0x1c4: {  	[sflag:s23] =	ssyncset.done $0x0  }
0x1c5: {  	s6 =	sadd.s32 $0x3C00, s6;
	[sflag:s23] =	ssyncadd.s32 $0xFFFF8800  }
0x1c6: {  	[tilespmem:s31], [sflag:$0x3] =	stream.linear.gather [hbm4b:s6+s4], $0x7800, $0x38;
	[tilespmem:$0x1C800] =	vst v63  }
0x1c7: {  	v3 =	vld [tilespmem:$0x580];
	_ =	sdelay $0x4  }
0x1c8: {  	v50 =	vshll.u32 v3, $0x1  }
0x1c9: {  	v3 =	vand.u32 $0x7, v3;
	v4 =	vand.u32 $0xFFFFFFF0, v50  }
0x1ca: {  	v3 =	vor.u32 v3, v4  }
0x1cb: {  	v4 =	vperm.xlane v3, v0;
	_ =	sdelay $0x1  }
0x1cc: {  	v3 =	vperm.xlane v3, v2;
	v4 =	vadd.s32 v1, v4;
	_ =	sdelay $0x1  }
0x1cd: {  	v3 =	vadd.s32 v1, v3;
	_ =	sdelay $0x2  }
0x1ce: {  	[hbm4b:s3+s4] =	stream.indirect_vreg.scatter [tilespmem:s19], [sflag:$0x4], $0x80, v4, vm0, $0xb8;
	[tilespmem:$0x1C800] =	vst v63  }
0x1cf: {  	s20 =	simm.s32 $0x15800  }
0x1d0: {  	[hbm4b:s3+s4] =	stream.indirect_vreg.scatter [tilespmem:s20], [sflag:$0x4], $0x80, v3, vm0, $0xb8;
	[tilespmem:$0x1C800] =	vst v63  }
0x1d1: {  	v3 =	vld [tilespmem:$0x590];
	_ =	sdelay $0x4  }
0x1d2: {  	v51 =	vshll.u32 v3, $0x1  }
0x1d3: {  	v3 =	vand.u32 $0x7, v3;
	v4 =	vand.u32 $0xFFFFFFF0, v51  }
0x1d4: {  	v3 =	vor.u32 v3, v4  }
0x1d5: {  	v4 =	vperm.xlane v3, v0;
	_ =	sdelay $0x1  }
0x1d6: {  	v3 =	vperm.xlane v3, v2;
	v4 =	vadd.s32 v1, v4;
	_ =	sdelay $0x1  }
0x1d7: {  	v3 =	vadd.s32 v1, v3;
	_ =	sdelay $0x1  }
0x1d8: {  	s30 =	simm.s32 $0x16000  }
0x1d9: {  	[hbm4b:s3+s4] =	stream.indirect_vreg.scatter [tilespmem:s30], [sflag:$0x4], $0x80, v4, vm0, $0xb8;
	[tilespmem:$0x1C800] =	vst v63  }
0x1da: {  	s29 =	simm.s32 $0x16800  }
0x1db: {  	[hbm4b:s3+s4] =	stream.indirect_vreg.scatter [tilespmem:s29], [sflag:$0x4], $0x80, v3, vm0, $0xb8;
	[tilespmem:$0x1C800] =	vst v63  }
0x1dc: {  	v3 =	vld [tilespmem:$0x5A0];
	_ =	sdelay $0x4  }
0x1dd: {  	v52 =	vshll.u32 v3, $0x1  }
0x1de: {  	v3 =	vand.u32 $0x7, v3;
	v4 =	vand.u32 $0xFFFFFFF0, v52  }
0x1df: {  	v3 =	vor.u32 v3, v4  }
0x1e0: {  	v4 =	vperm.xlane v3, v0;
	_ =	sdelay $0x1  }
0x1e1: {  	v3 =	vperm.xlane v3, v2;
	v4 =	vadd.s32 v1, v4;
	_ =	sdelay $0x1  }
0x1e2: {  	v3 =	vadd.s32 v1, v3;
	_ =	sdelay $0x1  }
0x1e3: {  	s19 =	simm.s32 $0x17000  }
0x1e4: {  	[hbm4b:s3+s4] =	stream.indirect_vreg.scatter [tilespmem:s19], [sflag:$0x4], $0x80, v4, vm0, $0xb8;
	[tilespmem:$0x1C800] =	vst v63  }
0x1e5: {  	s18 =	simm.s32 $0x17800  }
0x1e6: {  	[hbm4b:s3+s4] =	stream.indirect_vreg.scatter [tilespmem:s18], [sflag:$0x4], $0x80, v3, vm0, $0xb8;
	[tilespmem:$0x1C800] =	vst v63  }
0x1e7: {  	v3 =	vld [tilespmem:$0x5B0];
	_ =	sdelay $0x4  }
0x1e8: {  	v53 =	vshll.u32 v3, $0x1  }
0x1e9: {  	v3 =	vand.u32 $0x7, v3;
	v4 =	vand.u32 $0xFFFFFFF0, v53  }
0x1ea: {  	v3 =	vor.u32 v3, v4  }
0x1eb: {  	v4 =	vperm.xlane v3, v0;
	_ =	sdelay $0x1  }
0x1ec: {  	v3 =	vperm.xlane v3, v2;
	v4 =	vadd.s32 v1, v4;
	_ =	sdelay $0x1  }
0x1ed: {  	v3 =	vadd.s32 v1, v3;
	_ =	sdelay $0x1  }
0x1ee: {  	s20 =	simm.s32 $0x18000  }
0x1ef: {  	[hbm4b:s3+s4] =	stream.indirect_vreg.scatter [tilespmem:s20], [sflag:$0x4], $0x80, v4, vm0, $0xb8;
	[tilespmem:$0x1C800] =	vst v63  }
0x1f0: {  	s24 =	simm.s32 $0x18800  }
0x1f1: {  	[hbm4b:s3+s4] =	stream.indirect_vreg.scatter [tilespmem:s24], [sflag:$0x4], $0x80, v3, vm0, $0xb8;
	[tilespmem:$0x1C800] =	vst v63  }
0x1f2: {  	v3 =	vld [tilespmem:$0x5C0];
	_ =	sdelay $0x4  }
0x1f3: {  	v54 =	vshll.u32 v3, $0x1  }
0x1f4: {  	v3 =	vand.u32 $0x7, v3;
	v4 =	vand.u32 $0xFFFFFFF0, v54  }
0x1f5: {  	v3 =	vor.u32 v3, v4  }
0x1f6: {  	v4 =	vperm.xlane v3, v0;
	_ =	sdelay $0x1  }
0x1f7: {  	v3 =	vperm.xlane v3, v2;
	v4 =	vadd.s32 v1, v4;
	_ =	sdelay $0x1  }
0x1f8: {  	v3 =	vadd.s32 v1, v3;
	_ =	sdelay $0x1  }
0x1f9: {  	s24 =	simm.s32 $0x19000  }
0x1fa: {  	[hbm4b:s3+s4] =	stream.indirect_vreg.scatter [tilespmem:s24], [sflag:$0x4], $0x80, v4, vm0, $0xb8;
	[tilespmem:$0x1C800] =	vst v63  }
0x1fb: {  	s28 =	simm.s32 $0x19800  }
0x1fc: {  	[hbm4b:s3+s4] =	stream.indirect_vreg.scatter [tilespmem:s28], [sflag:$0x4], $0x80, v3, vm0, $0xb8;
	[tilespmem:$0x1C800] =	vst v63  }
0x1fd: {  	v3 =	vld [tilespmem:$0x5D0];
	_ =	sdelay $0x4  }
0x1fe: {  	v55 =	vshll.u32 v3, $0x1  }
0x1ff: {  	v3 =	vand.u32 $0x7, v3;
	v4 =	vand.u32 $0xFFFFFFF0, v55  }
0x200: {  	v3 =	vor.u32 v3, v4  }
0x201: {  	v4 =	vperm.xlane v3, v0;
	_ =	sdelay $0x1  }
0x202: {  	v3 =	vperm.xlane v3, v2;
	v4 =	vadd.s32 v1, v4;
	_ =	sdelay $0x1  }
0x203: {  	v3 =	vadd.s32 v1, v3;
	_ =	sdelay $0x1  }
0x204: {  	s28 =	simm.s32 $0x1A000  }
0x205: {  	[hbm4b:s3+s4] =	stream.indirect_vreg.scatter [tilespmem:s28], [sflag:$0x4], $0x80, v4, vm0, $0xb8;
	[tilespmem:$0x1C800] =	vst v63  }
0x206: {  	s29 =	simm.s32 $0x1A800  }
0x207: {  	[hbm4b:s3+s4] =	stream.indirect_vreg.scatter [tilespmem:s29], [sflag:$0x4], $0x80, v3, vm0, $0xb8;
	[tilespmem:$0x1C800] =	vst v63  }
0x208: {  	v3 =	vld [tilespmem:$0x5E0];
	_ =	sdelay $0x4  }
0x209: {  	v56 =	vshll.u32 v3, $0x1  }
0x20a: {  	v3 =	vand.u32 $0x7, v3;
	v4 =	vand.u32 $0xFFFFFFF0, v56  }
0x20b: {  	v3 =	vor.u32 v3, v4  }
0x20c: {  	v4 =	vperm.xlane v3, v0;
	_ =	sdelay $0x1  }
0x20d: {  	v3 =	vperm.xlane v3, v2;
	v4 =	vadd.s32 v1, v4;
	_ =	sdelay $0x1  }
0x20e: {  	v3 =	vadd.s32 v1, v3;
	_ =	sdelay $0x1  }
0x20f: {  	s30 =	simm.s32 $0x1B000  }
0x210: {  	[hbm4b:s3+s4] =	stream.indirect_vreg.scatter [tilespmem:s30], [sflag:$0x4], $0x80, v4, vm0, $0xb8;
	[tilespmem:$0x1C800] =	vst v63  }
0x211: {  	s9 =	simm.s32 $0x1B800  }
0x212: {  	[hbm4b:s3+s4] =	stream.indirect_vreg.scatter [tilespmem:s9], [sflag:$0x4], $0x80, v3, vm0, $0xb8;
	[tilespmem:$0x1C800] =	vst v63  }
0x213: {  	v3 =	vld.msk [tilespmem:$0x5F0], $0xff;
	_ =	sdelay $0x4  }
0x214: {  	v57 =	vshll.u32 v3, $0x1  }
0x215: {  	v3 =	vand.u32 $0x7, v3;
	v4 =	vand.u32 $0xFFFFFFF0, v57  }
0x216: {  	v3 =	vor.u32 v3, v4  }
0x217: {  	v3 =	vperm.xlane v3, v0;
	_ =	sdelay $0x1  }
0x218: {  	v3 =	vadd.s32 v1, v3;
	_ =	sdelay $0x3  }
0x219: {  	s10 =	simm.s32 $0x1C000  }
0x21a: {  	[hbm4b:s3+s4] =	stream.indirect_vreg.scatter [tilespmem:s10], [sflag:$0x4], $0x80, v3, vm0, $0xb8;
	[tilespmem:$0x1C800] =	vst v63  }
0x21b: {  	_ =	swait.ge [sflag:s26], $0x7800  }
0x21c: {  	[sflag:s26] =	ssyncset.done $0x0  }
0x21d: {  	[sflag:s26] =	ssyncadd.s32 $0xFFFF8800  }
0x21e: {  	v3 =	vld [tilespmem:$0x600];
	_ =	sdelay $0x4  }
0x21f: {  	v58 =	vshll.u32 v3, $0x1  }
0x220: {  	v3 =	vand.u32 $0x7, v3;
	v4 =	vand.u32 $0xFFFFFFF0, v58  }
0x221: {  	v3 =	vor.u32 v3, v4  }
0x222: {  	v4 =	vperm.xlane v3, v0;
	_ =	sdelay $0x1  }
0x223: {  	v3 =	vperm.xlane v3, v2;
	v4 =	vadd.s32 v1, v4;
	_ =	sdelay $0x1  }
0x224: {  	v3 =	vadd.s32 v1, v3;
	_ =	sdelay $0x2  }
0x225: {  	[hbm4b:s3+s4] =	stream.indirect_vreg.scatter [tilespmem:s31], [sflag:$0x4], $0x80, v4, vm0, $0xb8;
	[tilespmem:$0x1C800] =	vst v63  }
0x226: {  	s11 =	simm.s32 $0xE000  }
0x227: {  	[hbm4b:s3+s4] =	stream.indirect_vreg.scatter [tilespmem:s11], [sflag:$0x4], $0x80, v3, vm0, $0xb8;
	[tilespmem:$0x1C800] =	vst v63  }
0x228: {  	v3 =	vld [tilespmem:$0x610];
	_ =	sdelay $0x4  }
0x229: {  	v59 =	vshll.u32 v3, $0x1  }
0x22a: {  	v3 =	vand.u32 $0x7, v3;
	v4 =	vand.u32 $0xFFFFFFF0, v59  }
0x22b: {  	v3 =	vor.u32 v3, v4  }
0x22c: {  	v4 =	vperm.xlane v3, v0;
	_ =	sdelay $0x1  }
0x22d: {  	v3 =	vperm.xlane v3, v2;
	v4 =	vadd.s32 v1, v4;
	_ =	sdelay $0x1  }
0x22e: {  	v3 =	vadd.s32 v1, v3;
	_ =	sdelay $0x2  }
0x22f: {  	[hbm4b:s3+s4] =	stream.indirect_vreg.scatter [tilespmem:s0], [sflag:$0x4], $0x80, v4, vm0, $0xb8;
	[tilespmem:$0x1C800] =	vst v63  }
0x230: {  	s12 =	simm.s32 $0xF000  }
0x231: {  	[hbm4b:s3+s4] =	stream.indirect_vreg.scatter [tilespmem:s12], [sflag:$0x4], $0x80, v3, vm0, $0xb8;
	[tilespmem:$0x1C800] =	vst v63  }
0x232: {  	v3 =	vld [tilespmem:$0x620];
	_ =	sdelay $0x4  }
0x233: {  	v60 =	vshll.u32 v3, $0x1  }
0x234: {  	v3 =	vand.u32 $0x7, v3;
	v4 =	vand.u32 $0xFFFFFFF0, v60  }
0x235: {  	v3 =	vor.u32 v3, v4  }
0x236: {  	v4 =	vperm.xlane v3, v0;
	_ =	sdelay $0x1  }
0x237: {  	v3 =	vperm.xlane v3, v2;
	v4 =	vadd.s32 v1, v4;
	_ =	sdelay $0x1  }
0x238: {  	v3 =	vadd.s32 v1, v3;
	_ =	sdelay $0x1  }
0x239: {  	s13 =	simm.s32 $0xF800  }
0x23a: {  	[hbm4b:s3+s4] =	stream.indirect_vreg.scatter [tilespmem:s13], [sflag:$0x4], $0x80, v4, vm0, $0xb8;
	[tilespmem:$0x1C800] =	vst v63  }
0x23b: {  	s2 =	simm.s32 $0x10000  }
0x23c: {  	[hbm4b:s3+s4] =	stream.indirect_vreg.scatter [tilespmem:s2], [sflag:$0x4], $0x80, v3, vm0, $0xb8;
	[tilespmem:$0x1C800] =	vst v63  }
0x23d: {  	v3 =	vld [tilespmem:$0x630];
	_ =	sdelay $0x4  }
0x23e: {  	v61 =	vshll.u32 v3, $0x1  }
0x23f: {  	v3 =	vand.u32 $0x7, v3;
	v4 =	vand.u32 $0xFFFFFFF0, v61  }
0x240: {  	v3 =	vor.u32 v3, v4  }
0x241: {  	v4 =	vperm.xlane v3, v0;
	_ =	sdelay $0x1  }
0x242: {  	v3 =	vperm.xlane v3, v2;
	v4 =	vadd.s32 v1, v4;
	_ =	sdelay $0x1  }
0x243: {  	v3 =	vadd.s32 v1, v3;
	_ =	sdelay $0x1  }
0x244: {  	s14 =	simm.s32 $0x10800  }
0x245: {  	[hbm4b:s3+s4] =	stream.indirect_vreg.scatter [tilespmem:s14], [sflag:$0x4], $0x80, v4, vm0, $0xb8;
	[tilespmem:$0x1C800] =	vst v63  }
0x246: {  	s5 =	simm.s32 $0x11000  }
0x247: {  	[hbm4b:s3+s4] =	stream.indirect_vreg.scatter [tilespmem:s5], [sflag:$0x4], $0x80, v3, vm0, $0xb8;
	[tilespmem:$0x1C800] =	vst v63  }
0x248: {  	v3 =	vld [tilespmem:$0x640];
	_ =	sdelay $0x4  }
0x249: {  	v62 =	vshll.u32 v3, $0x1  }
0x24a: {  	v3 =	vand.u32 $0x7, v3;
	v4 =	vand.u32 $0xFFFFFFF0, v62  }
0x24b: {  	v3 =	vor.u32 v3, v4  }
0x24c: {  	v4 =	vperm.xlane v3, v0;
	_ =	sdelay $0x1  }
0x24d: {  	v3 =	vperm.xlane v3, v2;
	v4 =	vadd.s32 v1, v4;
	_ =	sdelay $0x1  }
0x24e: {  	v3 =	vadd.s32 v1, v3;
	_ =	sdelay $0x1  }
0x24f: {  	s15 =	simm.s32 $0x11800  }
0x250: {  	[hbm4b:s3+s4] =	stream.indirect_vreg.scatter [tilespmem:s15], [sflag:$0x4], $0x80, v4, vm0, $0xb8;
	[tilespmem:$0x1C800] =	vst v63  }
0x251: {  	s7 =	simm.s32 $0x12000  }
0x252: {  	[hbm4b:s3+s4] =	stream.indirect_vreg.scatter [tilespmem:s7], [sflag:$0x4], $0x80, v3, vm0, $0xb8;
	[tilespmem:$0x1C800] =	vst v63  }
0x253: {  	v3 =	vld [tilespmem:$0x650];
	_ =	sdelay $0x4  }
0x254: {  	v63 =	vshll.u32 v3, $0x1  }
0x255: {  	v3 =	vand.u32 $0x7, v3;
	v4 =	vand.u32 $0xFFFFFFF0, v63  }
0x256: {  	v3 =	vor.u32 v3, v4  }
0x257: {  	v4 =	vperm.xlane v3, v0;
	_ =	sdelay $0x1  }
0x258: {  	v3 =	vperm.xlane v3, v2;
	v4 =	vadd.s32 v1, v4;
	_ =	sdelay $0x1  }
0x259: {  	v3 =	vadd.s32 v1, v3;
	_ =	sdelay $0x1  }
0x25a: {  	s16 =	simm.s32 $0x12800  }
0x25b: {  	[hbm4b:s3+s4] =	stream.indirect_vreg.scatter [tilespmem:s16], [sflag:$0x4], $0x80, v4, vm0, $0xb8;
	[tilespmem:$0x1C800] =	vst v63  }
0x25c: {  	s8 =	simm.s32 $0x13000  }
0x25d: {  	[hbm4b:s3+s4] =	stream.indirect_vreg.scatter [tilespmem:s8], [sflag:$0x4], $0x80, v3, vm0, $0xb8;
	[tilespmem:$0x1C800] =	vst v63  }
0x25e: {  	v3 =	vld [tilespmem:$0x660];
	_ =	sdelay $0x4  }
0x25f: {  	v8 =	vshll.u32 v3, $0x1  }
0x260: {  	v3 =	vand.u32 $0x7, v3;
	v4 =	vand.u32 $0xFFFFFFF0, v8  }
0x261: {  	v3 =	vor.u32 v3, v4  }
0x262: {  	v4 =	vperm.xlane v3, v0;
	_ =	sdelay $0x1  }
0x263: {  	v3 =	vperm.xlane v3, v2;
	v4 =	vadd.s32 v1, v4;
	_ =	sdelay $0x1  }
0x264: {  	v3 =	vadd.s32 v1, v3;
	_ =	sdelay $0x1  }
0x265: {  	s17 =	simm.s32 $0x13800  }
0x266: {  	[hbm4b:s3+s4] =	stream.indirect_vreg.scatter [tilespmem:s17], [sflag:$0x4], $0x80, v4, vm0, $0xb8;
	[tilespmem:$0x1C800] =	vst v63  }
0x267: {  	s21 =	simm.s32 $0x14000  }
0x268: {  	[hbm4b:s3+s4] =	stream.indirect_vreg.scatter [tilespmem:s21], [sflag:$0x4], $0x80, v3, vm0, $0xb8;
	[tilespmem:$0x1C800] =	vst v63  }
0x269: {  	v3 =	vld.msk [tilespmem:$0x670], $0xff;
	_ =	sdelay $0x4  }
0x26a: {  	v9 =	vshll.u32 v3, $0x1  }
0x26b: {  	v3 =	vand.u32 $0x7, v3;
	v4 =	vand.u32 $0xFFFFFFF0, v9  }
0x26c: {  	v3 =	vor.u32 v3, v4  }
0x26d: {  	v3 =	vperm.xlane v3, v0;
	_ =	sdelay $0x1  }
0x26e: {  	v3 =	vadd.s32 v1, v3;
	_ =	sdelay $0x3  }
0x26f: {  	s22 =	simm.s32 $0x14800;
	s29 =	simm.s32 $0x1  }
0x270: {  	[hbm4b:s3+s4] =	stream.indirect_vreg.scatter [tilespmem:s22], [sflag:$0x4], $0x80, v3, vm0, $0xb8;
	[tilespmem:$0x1C800] =	vst v63  }
0x271: {  	_ =	swait.ge [sflag:s29], $0x6400  }
0x272: {  	[sflag:s29] =	ssyncset.done $0x0  }
0x273: {  	[sflag:s29] =	ssyncadd.s32 $0xFFFF9C00  }
0x274: {  	v3 =	vld [tilespmem:$0x180];
	_ =	sdelay $0x4  }
0x275: {  	v10 =	vshll.u32 v3, $0x1  }
0x276: {  	v3 =	vand.u32 $0x7, v3;
	v4 =	vand.u32 $0xFFFFFFF0, v10  }
0x277: {  	v3 =	vor.u32 v3, v4  }
0x278: {  	v4 =	vperm.xlane v3, v0;
	_ =	sdelay $0x1  }
0x279: {  	v3 =	vperm.xlane v3, v2;
	v4 =	vadd.s32 v1, v4;
	_ =	sdelay $0x1  }
0x27a: {  	v3 =	vadd.s32 v1, v3;
	_ =	sdelay $0x1  }
0x27b: {  	s15 =	simm.s32 $0x800  }
0x27c: {  	[hbm4b:s3+s4] =	stream.indirect_vreg.scatter [tilespmem:s15], [sflag:$0x2], $0x80, v4, vm0, $0xb8;
	[tilespmem:$0x1C800] =	vst v63  }
0x27d: {  	s22 =	simm.s32 $0x1000  }
0x27e: {  	[hbm4b:s3+s4] =	stream.indirect_vreg.scatter [tilespmem:s22], [sflag:$0x2], $0x80, v3, vm0, $0xb8;
	[tilespmem:$0x1C800] =	vst v63  }
0x27f: {  	v3 =	vld [tilespmem:$0x190];
	_ =	sdelay $0x4  }
0x280: {  	v11 =	vshll.u32 v3, $0x1  }
0x281: {  	v3 =	vand.u32 $0x7, v3;
	v4 =	vand.u32 $0xFFFFFFF0, v11  }
0x282: {  	v3 =	vor.u32 v3, v4  }
0x283: {  	v4 =	vperm.xlane v3, v0;
	_ =	sdelay $0x1  }
0x284: {  	v3 =	vperm.xlane v3, v2;
	v4 =	vadd.s32 v1, v4;
	_ =	sdelay $0x1  }
0x285: {  	v3 =	vadd.s32 v1, v3;
	_ =	sdelay $0x1  }
0x286: {  	s16 =	simm.s32 $0x1800  }
0x287: {  	[hbm4b:s3+s4] =	stream.indirect_vreg.scatter [tilespmem:s16], [sflag:$0x2], $0x80, v4, vm0, $0xb8;
	[tilespmem:$0x1C800] =	vst v63  }
0x288: {  	s17 =	simm.s32 $0x2000  }
0x289: {  	[hbm4b:s3+s4] =	stream.indirect_vreg.scatter [tilespmem:s17], [sflag:$0x2], $0x80, v3, vm0, $0xb8;
	[tilespmem:$0x1C800] =	vst v63  }
0x28a: {  	v3 =	vld [tilespmem:$0x1A0];
	_ =	sdelay $0x4  }
0x28b: {  	v12 =	vshll.u32 v3, $0x1  }
0x28c: {  	v3 =	vand.u32 $0x7, v3;
	v4 =	vand.u32 $0xFFFFFFF0, v12  }
0x28d: {  	v3 =	vor.u32 v3, v4  }
0x28e: {  	v4 =	vperm.xlane v3, v0;
	_ =	sdelay $0x1  }
0x28f: {  	v3 =	vperm.xlane v3, v2;
	v4 =	vadd.s32 v1, v4;
	_ =	sdelay $0x1  }
0x290: {  	v3 =	vadd.s32 v1, v3;
	_ =	sdelay $0x1  }
0x291: {  	s0 =	simm.s32 $0x2800  }
0x292: {  	[hbm4b:s3+s4] =	stream.indirect_vreg.scatter [tilespmem:s0], [sflag:$0x2], $0x80, v4, vm0, $0xb8;
	[tilespmem:$0x1C800] =	vst v63  }
0x293: {  	s8 =	simm.s32 $0x3000  }
0x294: {  	[hbm4b:s3+s4] =	stream.indirect_vreg.scatter [tilespmem:s8], [sflag:$0x2], $0x80, v3, vm0, $0xb8;
	[tilespmem:$0x1C800] =	vst v63  }
0x295: {  	v3 =	vld [tilespmem:$0x1B0];
	_ =	sdelay $0x4  }
0x296: {  	v13 =	vshll.u32 v3, $0x1  }
0x297: {  	v3 =	vand.u32 $0x7, v3;
	v4 =	vand.u32 $0xFFFFFFF0, v13  }
0x298: {  	v3 =	vor.u32 v3, v4  }
0x299: {  	v4 =	vperm.xlane v3, v0;
	_ =	sdelay $0x1  }
0x29a: {  	v3 =	vperm.xlane v3, v2;
	v4 =	vadd.s32 v1, v4;
	_ =	sdelay $0x1  }
0x29b: {  	v3 =	vadd.s32 v1, v3;
	_ =	sdelay $0x1  }
0x29c: {  	s19 =	simm.s32 $0x3800  }
0x29d: {  	[hbm4b:s3+s4] =	stream.indirect_vreg.scatter [tilespmem:s19], [sflag:$0x2], $0x80, v4, vm0, $0xb8;
	[tilespmem:$0x1C800] =	vst v63  }
0x29e: {  	s20 =	simm.s32 $0x4000  }
0x29f: {  	[hbm4b:s3+s4] =	stream.indirect_vreg.scatter [tilespmem:s20], [sflag:$0x2], $0x80, v3, vm0, $0xb8;
	[tilespmem:$0x1C800] =	vst v63  }
0x2a0: {  	v3 =	vld [tilespmem:$0x1C0];
	_ =	sdelay $0x4  }
0x2a1: {  	v14 =	vshll.u32 v3, $0x1  }
0x2a2: {  	v3 =	vand.u32 $0x7, v3;
	v4 =	vand.u32 $0xFFFFFFF0, v14  }
0x2a3: {  	v3 =	vor.u32 v3, v4  }
0x2a4: {  	v4 =	vperm.xlane v3, v0;
	_ =	sdelay $0x1  }
0x2a5: {  	v3 =	vperm.xlane v3, v2;
	v4 =	vadd.s32 v1, v4;
	_ =	sdelay $0x1  }
0x2a6: {  	v3 =	vadd.s32 v1, v3;
	_ =	sdelay $0x1  }
0x2a7: {  	s21 =	simm.s32 $0x4800  }
0x2a8: {  	[hbm4b:s3+s4] =	stream.indirect_vreg.scatter [tilespmem:s21], [sflag:$0x2], $0x80, v4, vm0, $0xb8;
	[tilespmem:$0x1C800] =	vst v63  }
0x2a9: {  	s5 =	simm.s32 $0x5000  }
0x2aa: {  	[hbm4b:s3+s4] =	stream.indirect_vreg.scatter [tilespmem:s5], [sflag:$0x2], $0x80, v3, vm0, $0xb8;
	[tilespmem:$0x1C800] =	vst v63  }
0x2ab: {  	v3 =	vld [tilespmem:$0x1D0];
	_ =	sdelay $0x4  }
0x2ac: {  	v15 =	vshll.u32 v3, $0x1  }
0x2ad: {  	v3 =	vand.u32 $0x7, v3;
	v4 =	vand.u32 $0xFFFFFFF0, v15  }
0x2ae: {  	v3 =	vor.u32 v3, v4  }
0x2af: {  	v4 =	vperm.xlane v3, v0;
	_ =	sdelay $0x1  }
0x2b0: {  	v3 =	vperm.xlane v3, v2;
	v4 =	vadd.s32 v1, v4;
	_ =	sdelay $0x1  }
0x2b1: {  	v3 =	vadd.s32 v1, v3;
	_ =	sdelay $0x1  }
0x2b2: {  	s6 =	simm.s32 $0x5800  }
0x2b3: {  	[hbm4b:s3+s4] =	stream.indirect_vreg.scatter [tilespmem:s6], [sflag:$0x2], $0x80, v4, vm0, $0xb8;
	[tilespmem:$0x1C800] =	vst v63  }
0x2b4: {  	s12 =	simm.s32 $0x6000  }
0x2b5: {  	[hbm4b:s3+s4] =	stream.indirect_vreg.scatter [tilespmem:s12], [sflag:$0x2], $0x80, v3, vm0, $0xb8;
	[tilespmem:$0x1C800] =	vst v63  }
0x2b6: {  	v3 =	vld.msk [tilespmem:$0x1E0], $0xf;
	_ =	sdelay $0x4  }
0x2b7: {  	v16 =	vshll.u32 v3, $0x1  }
0x2b8: {  	v3 =	vand.u32 $0x7, v3;
	v4 =	vand.u32 $0xFFFFFFF0, v16  }
0x2b9: {  	v3 =	vor.u32 v3, v4  }
0x2ba: {  	v3 =	vperm.xlane v3, v0;
	_ =	sdelay $0x1  }
0x2bb: {  	v3 =	vadd.s32 v1, v3;
	_ =	sdelay $0x3  }
0x2bc: {  	s13 =	simm.s32 $0x6800  }
0x2bd: {  	[hbm4b:s3+s4] =	stream.indirect_vreg.scatter [tilespmem:s13], [sflag:$0x2], $0x80, v3, vm1, $0xb8;
	[tilespmem:$0x1C800] =	vst v63  }
0x2be: {  	_ =	swait.ge [sflag:s29], $0x6400  }
0x2bf: {  	[sflag:s29] =	ssyncset.done $0x0  }
0x2c0: {  	[sflag:s29] =	ssyncadd.s32 $0xFFFF9C00  }
0x2c1: {  	v3 =	vld [tilespmem:$0x200];
	_ =	sdelay $0x4  }
0x2c2: {  	v17 =	vshll.u32 v3, $0x1  }
0x2c3: {  	v3 =	vand.u32 $0x7, v3;
	v4 =	vand.u32 $0xFFFFFFF0, v17  }
0x2c4: {  	v3 =	vor.u32 v3, v4  }
0x2c5: {  	v4 =	vperm.xlane v3, v0;
	_ =	sdelay $0x1  }
0x2c6: {  	v3 =	vperm.xlane v3, v2;
	v4 =	vadd.s32 v1, v4;
	_ =	sdelay $0x1  }
0x2c7: {  	v3 =	vadd.s32 v1, v3;
	_ =	sdelay $0x1  }
0x2c8: {  	s14 =	simm.s32 $0x7000  }
0x2c9: {  	[hbm4b:s3+s4] =	stream.indirect_vreg.scatter [tilespmem:s14], [sflag:$0x2], $0x80, v4, vm0, $0xb8;
	[tilespmem:$0x1C800] =	vst v63  }
0x2ca: {  	s18 =	simm.s32 $0x7800  }
0x2cb: {  	[hbm4b:s3+s4] =	stream.indirect_vreg.scatter [tilespmem:s18], [sflag:$0x2], $0x80, v3, vm0, $0xb8;
	[tilespmem:$0x1C800] =	vst v63  }
0x2cc: {  	v3 =	vld [tilespmem:$0x210];
	_ =	sdelay $0x4  }
0x2cd: {  	v18 =	vshll.u32 v3, $0x1  }
0x2ce: {  	v3 =	vand.u32 $0x7, v3;
	v4 =	vand.u32 $0xFFFFFFF0, v18  }
0x2cf: {  	v3 =	vor.u32 v3, v4  }
0x2d0: {  	v4 =	vperm.xlane v3, v0;
	_ =	sdelay $0x1  }
0x2d1: {  	v3 =	vperm.xlane v3, v2;
	v4 =	vadd.s32 v1, v4;
	_ =	sdelay $0x1  }
0x2d2: {  	v3 =	vadd.s32 v1, v3;
	_ =	sdelay $0x1  }
0x2d3: {  	s24 =	simm.s32 $0x8000  }
0x2d4: {  	[hbm4b:s3+s4] =	stream.indirect_vreg.scatter [tilespmem:s24], [sflag:$0x2], $0x80, v4, vm0, $0xb8;
	[tilespmem:$0x1C800] =	vst v63  }
0x2d5: {  	s10 =	simm.s32 $0x8800  }
0x2d6: {  	[hbm4b:s3+s4] =	stream.indirect_vreg.scatter [tilespmem:s10], [sflag:$0x2], $0x80, v3, vm0, $0xb8;
	[tilespmem:$0x1C800] =	vst v63  }
0x2d7: {  	v3 =	vld [tilespmem:$0x220];
	_ =	sdelay $0x4  }
0x2d8: {  	v19 =	vshll.u32 v3, $0x1  }
0x2d9: {  	v3 =	vand.u32 $0x7, v3;
	v4 =	vand.u32 $0xFFFFFFF0, v19  }
0x2da: {  	v3 =	vor.u32 v3, v4  }
0x2db: {  	v4 =	vperm.xlane v3, v0;
	_ =	sdelay $0x1  }
0x2dc: {  	v3 =	vperm.xlane v3, v2;
	v4 =	vadd.s32 v1, v4;
	_ =	sdelay $0x1  }
0x2dd: {  	v3 =	vadd.s32 v1, v3;
	_ =	sdelay $0x1  }
0x2de: {  	s30 =	simm.s32 $0x9000  }
0x2df: {  	[hbm4b:s3+s4] =	stream.indirect_vreg.scatter [tilespmem:s30], [sflag:$0x2], $0x80, v4, vm0, $0xb8;
	[tilespmem:$0x1C800] =	vst v63  }
0x2e0: {  	s11 =	simm.s32 $0x9800  }
0x2e1: {  	[hbm4b:s3+s4] =	stream.indirect_vreg.scatter [tilespmem:s11], [sflag:$0x2], $0x80, v3, vm0, $0xb8;
	[tilespmem:$0x1C800] =	vst v63  }
0x2e2: {  	v3 =	vld [tilespmem:$0x230];
	_ =	sdelay $0x4  }
0x2e3: {  	v20 =	vshll.u32 v3, $0x1  }
0x2e4: {  	v3 =	vand.u32 $0x7, v3;
	v4 =	vand.u32 $0xFFFFFFF0, v20  }
0x2e5: {  	v3 =	vor.u32 v3, v4  }
0x2e6: {  	v4 =	vperm.xlane v3, v0;
	_ =	sdelay $0x1  }
0x2e7: {  	v3 =	vperm.xlane v3, v2;
	v4 =	vadd.s32 v1, v4;
	_ =	sdelay $0x1  }
0x2e8: {  	v3 =	vadd.s32 v1, v3;
	_ =	sdelay $0x1  }
0x2e9: {  	s24 =	simm.s32 $0xA000  }
0x2ea: {  	[hbm4b:s3+s4] =	stream.indirect_vreg.scatter [tilespmem:s24], [sflag:$0x2], $0x80, v4, vm0, $0xb8;
	[tilespmem:$0x1C800] =	vst v63  }
0x2eb: {  	s14 =	simm.s32 $0xA800  }
0x2ec: {  	[hbm4b:s3+s4] =	stream.indirect_vreg.scatter [tilespmem:s14], [sflag:$0x2], $0x80, v3, vm0, $0xb8;
	[tilespmem:$0x1C800] =	vst v63  }
0x2ed: {  	v3 =	vld [tilespmem:$0x240];
	_ =	sdelay $0x4  }
0x2ee: {  	v21 =	vshll.u32 v3, $0x1  }
0x2ef: {  	v3 =	vand.u32 $0x7, v3;
	v4 =	vand.u32 $0xFFFFFFF0, v21  }
0x2f0: {  	v3 =	vor.u32 v3, v4  }
0x2f1: {  	v4 =	vperm.xlane v3, v0;
	_ =	sdelay $0x1  }
0x2f2: {  	v3 =	vperm.xlane v3, v2;
	v4 =	vadd.s32 v1, v4;
	_ =	sdelay $0x1  }
0x2f3: {  	v3 =	vadd.s32 v1, v3;
	_ =	sdelay $0x1  }
0x2f4: {  	s12 =	simm.s32 $0xB000  }
0x2f5: {  	[hbm4b:s3+s4] =	stream.indirect_vreg.scatter [tilespmem:s12], [sflag:$0x2], $0x80, v4, vm0, $0xb8;
	[tilespmem:$0x1C800] =	vst v63  }
0x2f6: {  	s31 =	simm.s32 $0xB800  }
0x2f7: {  	[hbm4b:s3+s4] =	stream.indirect_vreg.scatter [tilespmem:s31], [sflag:$0x2], $0x80, v3, vm0, $0xb8;
	[tilespmem:$0x1C800] =	vst v63  }
0x2f8: {  	v3 =	vld [tilespmem:$0x250];
	_ =	sdelay $0x4  }
0x2f9: {  	v22 =	vshll.u32 v3, $0x1  }
0x2fa: {  	v3 =	vand.u32 $0x7, v3;
	v4 =	vand.u32 $0xFFFFFFF0, v22  }
0x2fb: {  	v3 =	vor.u32 v3, v4  }
0x2fc: {  	v4 =	vperm.xlane v3, v0;
	_ =	sdelay $0x1  }
0x2fd: {  	v3 =	vperm.xlane v3, v2;
	v4 =	vadd.s32 v1, v4;
	_ =	sdelay $0x1  }
0x2fe: {  	v3 =	vadd.s32 v1, v3;
	_ =	sdelay $0x1  }
0x2ff: {  	s13 =	simm.s32 $0xC000  }
0x300: {  	[hbm4b:s3+s4] =	stream.indirect_vreg.scatter [tilespmem:s13], [sflag:$0x2], $0x80, v4, vm0, $0xb8;
	[tilespmem:$0x1C800] =	vst v63  }
0x301: {  	s9 =	simm.s32 $0xC800  }
0x302: {  	[hbm4b:s3+s4] =	stream.indirect_vreg.scatter [tilespmem:s9], [sflag:$0x2], $0x80, v3, vm0, $0xb8;
	[tilespmem:$0x1C800] =	vst v63  }
0x303: {  	v3 =	vld.msk [tilespmem:$0x260], $0xf;
	_ =	sdelay $0x4  }
0x304: {  	v23 =	vshll.u32 v3, $0x1  }
0x305: {  	v3 =	vand.u32 $0x7, v3;
	v4 =	vand.u32 $0xFFFFFFF0, v23  }
0x306: {  	v3 =	vor.u32 v3, v4  }
0x307: {  	v3 =	vperm.xlane v3, v0;
	_ =	sdelay $0x1  }
0x308: {  	v3 =	vadd.s32 v1, v3;
	_ =	sdelay $0x3  }
0x309: {  	s7 =	simm.s32 $0x2;
	s18 =	simm.s32 $0xD000  }
0x30a: {  	[hbm4b:s3+s4] =	stream.indirect_vreg.scatter [tilespmem:s18], [sflag:$0x2], $0x80, v3, vm1, $0xb8;
	[tilespmem:$0x1C800] =	vst v63  }
0x30b: {  	_ =	swait.ge [sflag:s7], $0x6400  }
0x30c: {  	[sflag:s7] =	ssyncset.done $0x0  }
0x30d: {  	[sflag:s7] =	ssyncadd.s32 $0xFFFF9C00  }
0x30e: {  	v3 =	vld [tilespmem:$0x100];
	_ =	sdelay $0x4  }
0x30f: {  	v24 =	vshll.u32 v3, $0x1  }
0x310: {  	v3 =	vand.u32 $0x7, v3;
	v4 =	vand.u32 $0xFFFFFFF0, v24  }
0x311: {  	v3 =	vor.u32 v3, v4  }
0x312: {  	v4 =	vperm.xlane v3, v0;
	_ =	sdelay $0x1  }
0x313: {  	v3 =	vperm.xlane v3, v2;
	v4 =	vadd.s32 v1, v4;
	_ =	sdelay $0x1  }
0x314: {  	v3 =	vadd.s32 v1, v3;
	_ =	sdelay $0x2  }
0x315: {  	[tilespmem:s15], [sflag:$0x1] =	stream.indirect_vreg.gather [hbm4b:s1+s4], $0x80, v4, vm0, $0xb8;
	[tilespmem:$0x1C800] =	vst v63  }
0x316: {  	_ = 	snop  }
0x317: {  	[tilespmem:s22], [sflag:$0x1] =	stream.indirect_vreg.gather [hbm4b:s1+s4], $0x80, v3, vm0, $0xb8;
	[tilespmem:$0x1C800] =	vst v63  }
0x318: {  	v3 =	vld [tilespmem:$0x110];
	_ =	sdelay $0x4  }
0x319: {  	v25 =	vshll.u32 v3, $0x1  }
0x31a: {  	v3 =	vand.u32 $0x7, v3;
	v4 =	vand.u32 $0xFFFFFFF0, v25  }
0x31b: {  	v3 =	vor.u32 v3, v4  }
0x31c: {  	v4 =	vperm.xlane v3, v0;
	_ =	sdelay $0x1  }
0x31d: {  	v3 =	vperm.xlane v3, v2;
	v4 =	vadd.s32 v1, v4;
	_ =	sdelay $0x1  }
0x31e: {  	v3 =	vadd.s32 v1, v3;
	_ =	sdelay $0x2  }
0x31f: {  	[tilespmem:s16], [sflag:$0x1] =	stream.indirect_vreg.gather [hbm4b:s1+s4], $0x80, v4, vm0, $0xb8;
	[tilespmem:$0x1C800] =	vst v63  }
0x320: {  	_ = 	snop  }
0x321: {  	[tilespmem:s17], [sflag:$0x1] =	stream.indirect_vreg.gather [hbm4b:s1+s4], $0x80, v3, vm0, $0xb8;
	[tilespmem:$0x1C800] =	vst v63  }
0x322: {  	v3 =	vld [tilespmem:$0x120];
	_ =	sdelay $0x4  }
0x323: {  	v26 =	vshll.u32 v3, $0x1  }
0x324: {  	v3 =	vand.u32 $0x7, v3;
	v4 =	vand.u32 $0xFFFFFFF0, v26  }
0x325: {  	v3 =	vor.u32 v3, v4  }
0x326: {  	v4 =	vperm.xlane v3, v0;
	_ =	sdelay $0x1  }
0x327: {  	v3 =	vperm.xlane v3, v2;
	v4 =	vadd.s32 v1, v4;
	_ =	sdelay $0x1  }
0x328: {  	v3 =	vadd.s32 v1, v3;
	_ =	sdelay $0x2  }
0x329: {  	[tilespmem:s0], [sflag:$0x1] =	stream.indirect_vreg.gather [hbm4b:s1+s4], $0x80, v4, vm0, $0xb8;
	[tilespmem:$0x1C800] =	vst v63  }
0x32a: {  	_ = 	snop  }
0x32b: {  	[tilespmem:s8], [sflag:$0x1] =	stream.indirect_vreg.gather [hbm4b:s1+s4], $0x80, v3, vm0, $0xb8;
	[tilespmem:$0x1C800] =	vst v63  }
0x32c: {  	v3 =	vld [tilespmem:$0x130];
	_ =	sdelay $0x4  }
0x32d: {  	v27 =	vshll.u32 v3, $0x1  }
0x32e: {  	v3 =	vand.u32 $0x7, v3;
	v4 =	vand.u32 $0xFFFFFFF0, v27  }
0x32f: {  	v3 =	vor.u32 v3, v4  }
0x330: {  	v4 =	vperm.xlane v3, v0;
	_ =	sdelay $0x1  }
0x331: {  	v3 =	vperm.xlane v3, v2;
	v4 =	vadd.s32 v1, v4;
	_ =	sdelay $0x1  }
0x332: {  	v3 =	vadd.s32 v1, v3;
	_ =	sdelay $0x2  }
0x333: {  	[tilespmem:s19], [sflag:$0x1] =	stream.indirect_vreg.gather [hbm4b:s1+s4], $0x80, v4, vm0, $0xb8;
	[tilespmem:$0x1C800] =	vst v63  }
0x334: {  	s2 =	simm.s32 $0x4000  }
0x335: {  	[tilespmem:s2], [sflag:$0x1] =	stream.indirect_vreg.gather [hbm4b:s1+s4], $0x80, v3, vm0, $0xb8;
	[tilespmem:$0x1C800] =	vst v63  }
0x336: {  	v3 =	vld [tilespmem:$0x140];
	_ =	sdelay $0x4  }
0x337: {  	v28 =	vshll.u32 v3, $0x1  }
0x338: {  	v3 =	vand.u32 $0x7, v3;
	v4 =	vand.u32 $0xFFFFFFF0, v28  }
0x339: {  	v3 =	vor.u32 v3, v4  }
0x33a: {  	v4 =	vperm.xlane v3, v0;
	_ =	sdelay $0x1  }
0x33b: {  	v3 =	vperm.xlane v3, v2;
	v4 =	vadd.s32 v1, v4;
	_ =	sdelay $0x1  }
0x33c: {  	v3 =	vadd.s32 v1, v3;
	_ =	sdelay $0x2  }
0x33d: {  	[tilespmem:s21], [sflag:$0x1] =	stream.indirect_vreg.gather [hbm4b:s1+s4], $0x80, v4, vm0, $0xb8;
	[tilespmem:$0x1C800] =	vst v63  }
0x33e: {  	s5 =	simm.s32 $0x5000  }
0x33f: {  	[tilespmem:s5], [sflag:$0x1] =	stream.indirect_vreg.gather [hbm4b:s1+s4], $0x80, v3, vm0, $0xb8;
	[tilespmem:$0x1C800] =	vst v63  }
0x340: {  	v3 =	vld [tilespmem:$0x150];
	_ =	sdelay $0x4  }
0x341: {  	v29 =	vshll.u32 v3, $0x1  }
0x342: {  	v3 =	vand.u32 $0x7, v3;
	v4 =	vand.u32 $0xFFFFFFF0, v29  }
0x343: {  	v3 =	vor.u32 v3, v4  }
0x344: {  	v4 =	vperm.xlane v3, v0;
	_ =	sdelay $0x1  }
0x345: {  	v3 =	vperm.xlane v3, v2;
	v4 =	vadd.s32 v1, v4;
	_ =	sdelay $0x1  }
0x346: {  	v3 =	vadd.s32 v1, v3;
	_ =	sdelay $0x2  }
0x347: {  	[tilespmem:s6], [sflag:$0x1] =	stream.indirect_vreg.gather [hbm4b:s1+s4], $0x80, v4, vm0, $0xb8;
	[tilespmem:$0x1C800] =	vst v63  }
0x348: {  	s6 =	simm.s32 $0x6000  }
0x349: {  	[tilespmem:s6], [sflag:$0x1] =	stream.indirect_vreg.gather [hbm4b:s1+s4], $0x80, v3, vm0, $0xb8;
	[tilespmem:$0x1C800] =	vst v63  }
0x34a: {  	v3 =	vld.msk [tilespmem:$0x160], $0xf;
	_ =	sdelay $0x4  }
0x34b: {  	v30 =	vshll.u32 v3, $0x1  }
0x34c: {  	v3 =	vand.u32 $0x7, v3;
	v4 =	vand.u32 $0xFFFFFFF0, v30  }
0x34d: {  	v3 =	vor.u32 v3, v4  }
0x34e: {  	v3 =	vperm.xlane v3, v0;
	_ =	sdelay $0x1  }
0x34f: {  	v3 =	vadd.s32 v1, v3;
	_ =	sdelay $0x3  }
0x350: {  	s30 =	simm.s32 $0x6800  }
0x351: {  	[tilespmem:s30], [sflag:$0x1] =	stream.indirect_vreg.gather [hbm4b:s1+s4], $0x80, v3, vm1, $0xb8;
	[tilespmem:$0x1C800] =	vst v63  }
0x352: {  	_ =	swait.ge [sflag:s29], $0x6400  }
0x353: {  	[sflag:s29] =	ssyncset.done $0x0  }
0x354: {  	[sflag:s29] =	ssyncadd.s32 $0xFFFF9C00  }
0x355: {  	v3 =	vld [tilespmem:$0x280];
	_ =	sdelay $0x4  }
0x356: {  	v31 =	vshll.u32 v3, $0x1  }
0x357: {  	v3 =	vand.u32 $0x7, v3;
	v4 =	vand.u32 $0xFFFFFFF0, v31  }
0x358: {  	v3 =	vor.u32 v3, v4  }
0x359: {  	v4 =	vperm.xlane v3, v0;
	_ =	sdelay $0x1  }
0x35a: {  	v3 =	vperm.xlane v3, v2;
	v4 =	vadd.s32 v1, v4;
	_ =	sdelay $0x1  }
0x35b: {  	v3 =	vadd.s32 v1, v3;
	_ =	sdelay $0x1  }
0x35c: {  	s15 =	simm.s32 $0x800  }
0x35d: {  	[hbm4b:s3+s4] =	stream.indirect_vreg.scatter [tilespmem:s15], [sflag:$0x2], $0x80, v4, vm0, $0xb8;
	[tilespmem:$0x1C800] =	vst v63  }
0x35e: {  	s22 =	simm.s32 $0x1000  }
0x35f: {  	[hbm4b:s3+s4] =	stream.indirect_vreg.scatter [tilespmem:s22], [sflag:$0x2], $0x80, v3, vm0, $0xb8;
	[tilespmem:$0x1C800] =	vst v63  }
0x360: {  	v3 =	vld [tilespmem:$0x290];
	_ =	sdelay $0x4  }
0x361: {  	v32 =	vshll.u32 v3, $0x1  }
0x362: {  	v3 =	vand.u32 $0x7, v3;
	v4 =	vand.u32 $0xFFFFFFF0, v32  }
0x363: {  	v3 =	vor.u32 v3, v4  }
0x364: {  	v4 =	vperm.xlane v3, v0;
	_ =	sdelay $0x1  }
0x365: {  	v3 =	vperm.xlane v3, v2;
	v4 =	vadd.s32 v1, v4;
	_ =	sdelay $0x1  }
0x366: {  	v3 =	vadd.s32 v1, v3;
	_ =	sdelay $0x1  }
0x367: {  	s16 =	simm.s32 $0x1800  }
0x368: {  	[hbm4b:s3+s4] =	stream.indirect_vreg.scatter [tilespmem:s16], [sflag:$0x2], $0x80, v4, vm0, $0xb8;
	[tilespmem:$0x1C800] =	vst v63  }
0x369: {  	s28 =	simm.s32 $0x2000  }
0x36a: {  	[hbm4b:s3+s4] =	stream.indirect_vreg.scatter [tilespmem:s28], [sflag:$0x2], $0x80, v3, vm0, $0xb8;
	[tilespmem:$0x1C800] =	vst v63  }
0x36b: {  	v3 =	vld [tilespmem:$0x2A0];
	_ =	sdelay $0x4  }
0x36c: {  	v33 =	vshll.u32 v3, $0x1  }
0x36d: {  	v3 =	vand.u32 $0x7, v3;
	v4 =	vand.u32 $0xFFFFFFF0, v33  }
0x36e: {  	v3 =	vor.u32 v3, v4  }
0x36f: {  	v4 =	vperm.xlane v3, v0;
	_ =	sdelay $0x1  }
0x370: {  	v3 =	vperm.xlane v3, v2;
	v4 =	vadd.s32 v1, v4;
	_ =	sdelay $0x1  }
0x371: {  	v3 =	vadd.s32 v1, v3;
	_ =	sdelay $0x1  }
0x372: {  	s17 =	simm.s32 $0x2800  }
0x373: {  	[hbm4b:s3+s4] =	stream.indirect_vreg.scatter [tilespmem:s17], [sflag:$0x2], $0x80, v4, vm0, $0xb8;
	[tilespmem:$0x1C800] =	vst v63  }
0x374: {  	s8 =	simm.s32 $0x3000  }
0x375: {  	[hbm4b:s3+s4] =	stream.indirect_vreg.scatter [tilespmem:s8], [sflag:$0x2], $0x80, v3, vm0, $0xb8;
	[tilespmem:$0x1C800] =	vst v63  }
0x376: {  	v3 =	vld [tilespmem:$0x2B0];
	_ =	sdelay $0x4  }
0x377: {  	v34 =	vshll.u32 v3, $0x1  }
0x378: {  	v3 =	vand.u32 $0x7, v3;
	v4 =	vand.u32 $0xFFFFFFF0, v34  }
0x379: {  	v3 =	vor.u32 v3, v4  }
0x37a: {  	v4 =	vperm.xlane v3, v0;
	_ =	sdelay $0x1  }
0x37b: {  	v3 =	vperm.xlane v3, v2;
	v4 =	vadd.s32 v1, v4;
	_ =	sdelay $0x1  }
0x37c: {  	v3 =	vadd.s32 v1, v3;
	_ =	sdelay $0x1  }
0x37d: {  	s19 =	simm.s32 $0x3800  }
0x37e: {  	[hbm4b:s3+s4] =	stream.indirect_vreg.scatter [tilespmem:s19], [sflag:$0x2], $0x80, v4, vm0, $0xb8;
	[tilespmem:$0x1C800] =	vst v63  }
0x37f: {  	_ = 	snop  }
0x380: {  	[hbm4b:s3+s4] =	stream.indirect_vreg.scatter [tilespmem:s2], [sflag:$0x2], $0x80, v3, vm0, $0xb8;
	[tilespmem:$0x1C800] =	vst v63  }
0x381: {  	v3 =	vld [tilespmem:$0x2C0];
	_ =	sdelay $0x4  }
0x382: {  	v35 =	vshll.u32 v3, $0x1  }
0x383: {  	v3 =	vand.u32 $0x7, v3;
	v4 =	vand.u32 $0xFFFFFFF0, v35  }
0x384: {  	v3 =	vor.u32 v3, v4  }
0x385: {  	v4 =	vperm.xlane v3, v0;
	_ =	sdelay $0x1  }
0x386: {  	v3 =	vperm.xlane v3, v2;
	v4 =	vadd.s32 v1, v4;
	_ =	sdelay $0x1  }
0x387: {  	v3 =	vadd.s32 v1, v3;
	_ =	sdelay $0x1  }
0x388: {  	s20 =	simm.s32 $0x4800  }
0x389: {  	[hbm4b:s3+s4] =	stream.indirect_vreg.scatter [tilespmem:s20], [sflag:$0x2], $0x80, v4, vm0, $0xb8;
	[tilespmem:$0x1C800] =	vst v63  }
0x38a: {  	_ = 	snop  }
0x38b: {  	[hbm4b:s3+s4] =	stream.indirect_vreg.scatter [tilespmem:s5], [sflag:$0x2], $0x80, v3, vm0, $0xb8;
	[tilespmem:$0x1C800] =	vst v63  }
0x38c: {  	v3 =	vld [tilespmem:$0x2D0];
	_ =	sdelay $0x4  }
0x38d: {  	v36 =	vshll.u32 v3, $0x1  }
0x38e: {  	v3 =	vand.u32 $0x7, v3;
	v4 =	vand.u32 $0xFFFFFFF0, v36  }
0x38f: {  	v3 =	vor.u32 v3, v4  }
0x390: {  	v4 =	vperm.xlane v3, v0;
	_ =	sdelay $0x1  }
0x391: {  	v3 =	vperm.xlane v3, v2;
	v4 =	vadd.s32 v1, v4;
	_ =	sdelay $0x1  }
0x392: {  	v3 =	vadd.s32 v1, v3;
	_ =	sdelay $0x1  }
0x393: {  	s21 =	simm.s32 $0x5800  }
0x394: {  	[hbm4b:s3+s4] =	stream.indirect_vreg.scatter [tilespmem:s21], [sflag:$0x2], $0x80, v4, vm0, $0xb8;
	[tilespmem:$0x1C800] =	vst v63  }
0x395: {  	_ = 	snop  }
0x396: {  	[hbm4b:s3+s4] =	stream.indirect_vreg.scatter [tilespmem:s6], [sflag:$0x2], $0x80, v3, vm0, $0xb8;
	[tilespmem:$0x1C800] =	vst v63  }
0x397: {  	v3 =	vld.msk [tilespmem:$0x2E0], $0xf;
	_ =	sdelay $0x4  }
0x398: {  	v37 =	vshll.u32 v3, $0x1  }
0x399: {  	v3 =	vand.u32 $0x7, v3;
	v4 =	vand.u32 $0xFFFFFFF0, v37  }
0x39a: {  	v3 =	vor.u32 v3, v4  }
0x39b: {  	v3 =	vperm.xlane v3, v0;
	_ =	sdelay $0x1  }
0x39c: {  	v3 =	vadd.s32 v1, v3;
	_ =	sdelay $0x4  }
0x39d: {  	[hbm4b:s3+s4] =	stream.indirect_vreg.scatter [tilespmem:s30], [sflag:$0x2], $0x80, v3, vm1, $0xb8;
	[tilespmem:$0x1C800] =	vst v63  }
0x39e: {  	_ =	swait.ge [sflag:s7], $0x6400  }
0x39f: {  	[sflag:s7] =	ssyncset.done $0x0  }
0x3a0: {  	[sflag:s7] =	ssyncadd.s32 $0xFFFF9C00  }
0x3a1: {  	_ =	swait.ge [sflag:s7], $0x6400  }
0x3a2: {  	[sflag:s7] =	ssyncset.done $0x0  }
0x3a3: {  	[sflag:s7] =	ssyncadd.s32 $0xFFFF9C00  }
0x3a4: {  	_ =	swait.ge [sflag:s23], $0x7800  }
0x3a5: {  	[sflag:s23] =	ssyncset.done $0x0  }
0x3a6: {  	[sflag:s23] =	ssyncadd.s32 $0xFFFF8800  }
0x3a7: {  	_ =	swait.ge [sflag:s23], $0x7800  }
0x3a8: {  	[sflag:s23] =	ssyncset.done $0x0  }
0x3a9: {  	s31 =	rddreg [dreg:$0x7];
	[sflag:s23] =	ssyncadd.s32 $0xFFFF8800  }
0x3aa: {  	[tilespmem:s4], [sflag:$0x5] =	stream.linear.gather [hbm4b:s31+s4], $0x300, $0x38;
	[tilespmem:$0x1C800] =	vst v63  }
0x3ab: {  	_ =	swait.ge [sflag:s25], $0x300  }
0x3ac: {  	[sflag:s25] =	ssyncset.done $0x0  }
0x3ad: {  	s31 =	simm.s32 $0x400;
	s30 =	rddreg [dreg:$0x8];
	[sflag:s25] =	ssyncadd.s32 $0xFFFFFD00  }
0x3ae: {  	[tilespmem:s31], [sflag:$0x5] =	stream.linear.gather [hbm4b:s30+s4], $0x280, $0x38;
	[tilespmem:$0x1C800] =	vst v63  }
0x3af: {  	_ =	swait.ge [sflag:s25], $0x280  }
0x3b0: {  	[sflag:s25] =	ssyncset.done $0x0  }
0x3b1: {  	[sflag:s25] =	ssyncadd.s32 $0xFFFFFD80  }
0x3b2: {  	v3 =	vld [tilespmem:$0x0];
	_ =	sdelay $0x4  }
0x3b3: {  	v38 =	vshll.u32 v3, $0x1  }
0x3b4: {  	v3 =	vand.u32 $0x7, v3;
	v4 =	vand.u32 $0xFFFFFFF0, v38  }
0x3b5: {  	v3 =	vor.u32 v3, v4  }
0x3b6: {  	v4 =	vperm.xlane v3, v0;
	_ =	sdelay $0x1  }
0x3b7: {  	v3 =	vperm.xlane v3, v2;
	v4 =	vadd.s32 v1, v4;
	_ =	sdelay $0x1  }
0x3b8: {  	v3 =	vadd.s32 v1, v3;
	_ =	sdelay $0x2  }
0x3b9: {  	[tilespmem:s15], [sflag:$0x1] =	stream.indirect_vreg.gather [hbm4b:s1+s4], $0x80, v4, vm0, $0xb8;
	[tilespmem:$0x1C800] =	vst v63  }
0x3ba: {  	_ = 	snop  }
0x3bb: {  	[tilespmem:s22], [sflag:$0x1] =	stream.indirect_vreg.gather [hbm4b:s1+s4], $0x80, v3, vm0, $0xb8;
	[tilespmem:$0x1C800] =	vst v63  }
0x3bc: {  	v3 =	vld [tilespmem:$0x10];
	_ =	sdelay $0x4  }
0x3bd: {  	v39 =	vshll.u32 v3, $0x1  }
0x3be: {  	v3 =	vand.u32 $0x7, v3;
	v4 =	vand.u32 $0xFFFFFFF0, v39  }
0x3bf: {  	v3 =	vor.u32 v3, v4  }
0x3c0: {  	v4 =	vperm.xlane v3, v0;
	_ =	sdelay $0x1  }
0x3c1: {  	v3 =	vperm.xlane v3, v2;
	v4 =	vadd.s32 v1, v4;
	_ =	sdelay $0x1  }
0x3c2: {  	v3 =	vadd.s32 v1, v3;
	_ =	sdelay $0x2  }
0x3c3: {  	[tilespmem:s16], [sflag:$0x1] =	stream.indirect_vreg.gather [hbm4b:s1+s4], $0x80, v4, vm0, $0xb8;
	[tilespmem:$0x1C800] =	vst v63  }
0x3c4: {  	_ = 	snop  }
0x3c5: {  	[tilespmem:s28], [sflag:$0x1] =	stream.indirect_vreg.gather [hbm4b:s1+s4], $0x80, v3, vm0, $0xb8;
	[tilespmem:$0x1C800] =	vst v63  }
0x3c6: {  	v3 =	vld [tilespmem:$0x20];
	_ =	sdelay $0x4  }
0x3c7: {  	v40 =	vshll.u32 v3, $0x1  }
0x3c8: {  	v3 =	vand.u32 $0x7, v3;
	v4 =	vand.u32 $0xFFFFFFF0, v40  }
0x3c9: {  	v3 =	vor.u32 v3, v4  }
0x3ca: {  	v4 =	vperm.xlane v3, v0;
	_ =	sdelay $0x1  }
0x3cb: {  	v3 =	vperm.xlane v3, v2;
	v4 =	vadd.s32 v1, v4;
	_ =	sdelay $0x1  }
0x3cc: {  	v3 =	vadd.s32 v1, v3;
	_ =	sdelay $0x2  }
0x3cd: {  	[tilespmem:s17], [sflag:$0x1] =	stream.indirect_vreg.gather [hbm4b:s1+s4], $0x80, v4, vm0, $0xb8;
	[tilespmem:$0x1C800] =	vst v63  }
0x3ce: {  	_ = 	snop  }
0x3cf: {  	[tilespmem:s8], [sflag:$0x1] =	stream.indirect_vreg.gather [hbm4b:s1+s4], $0x80, v3, vm0, $0xb8;
	[tilespmem:$0x1C800] =	vst v63  }
0x3d0: {  	v3 =	vld [tilespmem:$0x30];
	_ =	sdelay $0x4  }
0x3d1: {  	v41 =	vshll.u32 v3, $0x1  }
0x3d2: {  	v3 =	vand.u32 $0x7, v3;
	v4 =	vand.u32 $0xFFFFFFF0, v41  }
0x3d3: {  	v3 =	vor.u32 v3, v4  }
0x3d4: {  	v4 =	vperm.xlane v3, v0;
	_ =	sdelay $0x1  }
0x3d5: {  	v3 =	vperm.xlane v3, v2;
	v4 =	vadd.s32 v1, v4;
	_ =	sdelay $0x1  }
0x3d6: {  	v3 =	vadd.s32 v1, v3;
	_ =	sdelay $0x2  }
0x3d7: {  	[tilespmem:s19], [sflag:$0x1] =	stream.indirect_vreg.gather [hbm4b:s1+s4], $0x80, v4, vm0, $0xb8;
	[tilespmem:$0x1C800] =	vst v63  }
0x3d8: {  	s0 =	simm.s32 $0x4000  }
0x3d9: {  	[tilespmem:s0], [sflag:$0x1] =	stream.indirect_vreg.gather [hbm4b:s1+s4], $0x80, v3, vm0, $0xb8;
	[tilespmem:$0x1C800] =	vst v63  }
0x3da: {  	v3 =	vld [tilespmem:$0x40];
	_ =	sdelay $0x4  }
0x3db: {  	v42 =	vshll.u32 v3, $0x1  }
0x3dc: {  	v3 =	vand.u32 $0x7, v3;
	v4 =	vand.u32 $0xFFFFFFF0, v42  }
0x3dd: {  	v3 =	vor.u32 v3, v4  }
0x3de: {  	v4 =	vperm.xlane v3, v0;
	_ =	sdelay $0x1  }
0x3df: {  	v3 =	vperm.xlane v3, v2;
	v4 =	vadd.s32 v1, v4;
	_ =	sdelay $0x1  }
0x3e0: {  	v3 =	vadd.s32 v1, v3;
	_ =	sdelay $0x2  }
0x3e1: {  	[tilespmem:s20], [sflag:$0x1] =	stream.indirect_vreg.gather [hbm4b:s1+s4], $0x80, v4, vm0, $0xb8;
	[tilespmem:$0x1C800] =	vst v63  }
0x3e2: {  	s2 =	simm.s32 $0x5000  }
0x3e3: {  	[tilespmem:s2], [sflag:$0x1] =	stream.indirect_vreg.gather [hbm4b:s1+s4], $0x80, v3, vm0, $0xb8;
	[tilespmem:$0x1C800] =	vst v63  }
0x3e4: {  	v3 =	vld [tilespmem:$0x50];
	_ =	sdelay $0x4  }
0x3e5: {  	v43 =	vshll.u32 v3, $0x1  }
0x3e6: {  	v3 =	vand.u32 $0x7, v3;
	v4 =	vand.u32 $0xFFFFFFF0, v43  }
0x3e7: {  	v3 =	vor.u32 v3, v4  }
0x3e8: {  	v4 =	vperm.xlane v3, v0;
	_ =	sdelay $0x1  }
0x3e9: {  	v3 =	vperm.xlane v3, v2;
	v4 =	vadd.s32 v1, v4;
	_ =	sdelay $0x1  }
0x3ea: {  	v3 =	vadd.s32 v1, v3;
	_ =	sdelay $0x2  }
0x3eb: {  	[tilespmem:s21], [sflag:$0x1] =	stream.indirect_vreg.gather [hbm4b:s1+s4], $0x80, v4, vm0, $0xb8;
	[tilespmem:$0x1C800] =	vst v63  }
0x3ec: {  	s5 =	simm.s32 $0x6000  }
0x3ed: {  	[tilespmem:s5], [sflag:$0x1] =	stream.indirect_vreg.gather [hbm4b:s1+s4], $0x80, v3, vm0, $0xb8;
	[tilespmem:$0x1C800] =	vst v63  }
0x3ee: {  	v3 =	vld.msk [tilespmem:$0x60], $0xf;
	_ =	sdelay $0x4  }
0x3ef: {  	v44 =	vshll.u32 v3, $0x1  }
0x3f0: {  	v3 =	vand.u32 $0x7, v3;
	v4 =	vand.u32 $0xFFFFFFF0, v44  }
0x3f1: {  	v3 =	vor.u32 v3, v4  }
0x3f2: {  	v3 =	vperm.xlane v3, v0;
	_ =	sdelay $0x1  }
0x3f3: {  	v3 =	vadd.s32 v1, v3;
	_ =	sdelay $0x3  }
0x3f4: {  	s6 =	simm.s32 $0x6800  }
0x3f5: {  	[tilespmem:s6], [sflag:$0x1] =	stream.indirect_vreg.gather [hbm4b:s1+s4], $0x80, v3, vm1, $0xb8;
	[tilespmem:$0x1C800] =	vst v63  }
0x3f6: {  	v3 =	vld [tilespmem:$0x80];
	_ =	sdelay $0x4  }
0x3f7: {  	v45 =	vshll.u32 v3, $0x1  }
0x3f8: {  	v3 =	vand.u32 $0x7, v3;
	v4 =	vand.u32 $0xFFFFFFF0, v45  }
0x3f9: {  	v3 =	vor.u32 v3, v4  }
0x3fa: {  	v4 =	vperm.xlane v3, v0;
	_ =	sdelay $0x1  }
0x3fb: {  	v3 =	vperm.xlane v3, v2;
	v4 =	vadd.s32 v1, v4;
	_ =	sdelay $0x1  }
0x3fc: {  	v3 =	vadd.s32 v1, v3;
	_ =	sdelay $0x1  }
0x3fd: {  	s16 =	simm.s32 $0x7000  }
0x3fe: {  	[tilespmem:s16], [sflag:$0x1] =	stream.indirect_vreg.gather [hbm4b:s1+s4], $0x80, v4, vm0, $0xb8;
	[tilespmem:$0x1C800] =	vst v63  }
0x3ff: {  	s17 =	simm.s32 $0x7800  }
0x400: {  	[tilespmem:s17], [sflag:$0x1] =	stream.indirect_vreg.gather [hbm4b:s1+s4], $0x80, v3, vm0, $0xb8;
	[tilespmem:$0x1C800] =	vst v63  }
0x401: {  	v3 =	vld [tilespmem:$0x90];
	_ =	sdelay $0x4  }
0x402: {  	v46 =	vshll.u32 v3, $0x1  }
0x403: {  	v3 =	vand.u32 $0x7, v3;
	v4 =	vand.u32 $0xFFFFFFF0, v46  }
0x404: {  	v3 =	vor.u32 v3, v4  }
0x405: {  	v4 =	vperm.xlane v3, v0;
	_ =	sdelay $0x1  }
0x406: {  	v3 =	vperm.xlane v3, v2;
	v4 =	vadd.s32 v1, v4;
	_ =	sdelay $0x1  }
0x407: {  	v3 =	vadd.s32 v1, v3;
	_ =	sdelay $0x1  }
0x408: {  	s19 =	simm.s32 $0x8000  }
0x409: {  	[tilespmem:s19], [sflag:$0x1] =	stream.indirect_vreg.gather [hbm4b:s1+s4], $0x80, v4, vm0, $0xb8;
	[tilespmem:$0x1C800] =	vst v63  }
0x40a: {  	_ = 	snop  }
0x40b: {  	[tilespmem:s10], [sflag:$0x1] =	stream.indirect_vreg.gather [hbm4b:s1+s4], $0x80, v3, vm0, $0xb8;
	[tilespmem:$0x1C800] =	vst v63  }
0x40c: {  	v3 =	vld [tilespmem:$0xA0];
	_ =	sdelay $0x4  }
0x40d: {  	v47 =	vshll.u32 v3, $0x1  }
0x40e: {  	v3 =	vand.u32 $0x7, v3;
	v4 =	vand.u32 $0xFFFFFFF0, v47  }
0x40f: {  	v3 =	vor.u32 v3, v4  }
0x410: {  	v4 =	vperm.xlane v3, v0;
	_ =	sdelay $0x1  }
0x411: {  	v3 =	vperm.xlane v3, v2;
	v4 =	vadd.s32 v1, v4;
	_ =	sdelay $0x1  }
0x412: {  	v3 =	vadd.s32 v1, v3;
	_ =	sdelay $0x1  }
0x413: {  	s20 =	simm.s32 $0x9000  }
0x414: {  	[tilespmem:s20], [sflag:$0x1] =	stream.indirect_vreg.gather [hbm4b:s1+s4], $0x80, v4, vm0, $0xb8;
	[tilespmem:$0x1C800] =	vst v63  }
0x415: {  	_ = 	snop  }
0x416: {  	[tilespmem:s11], [sflag:$0x1] =	stream.indirect_vreg.gather [hbm4b:s1+s4], $0x80, v3, vm0, $0xb8;
	[tilespmem:$0x1C800] =	vst v63  }
0x417: {  	v3 =	vld [tilespmem:$0xB0];
	_ =	sdelay $0x4  }
0x418: {  	v48 =	vshll.u32 v3, $0x1  }
0x419: {  	v3 =	vand.u32 $0x7, v3;
	v4 =	vand.u32 $0xFFFFFFF0, v48  }
0x41a: {  	v3 =	vor.u32 v3, v4  }
0x41b: {  	v4 =	vperm.xlane v3, v0;
	_ =	sdelay $0x1  }
0x41c: {  	v3 =	vperm.xlane v3, v2;
	v4 =	vadd.s32 v1, v4;
	_ =	sdelay $0x1  }
0x41d: {  	v3 =	vadd.s32 v1, v3;
	_ =	sdelay $0x2  }
0x41e: {  	[tilespmem:s24], [sflag:$0x1] =	stream.indirect_vreg.gather [hbm4b:s1+s4], $0x80, v4, vm0, $0xb8;
	[tilespmem:$0x1C800] =	vst v63  }
0x41f: {  	_ = 	snop  }
0x420: {  	[tilespmem:s14], [sflag:$0x1] =	stream.indirect_vreg.gather [hbm4b:s1+s4], $0x80, v3, vm0, $0xb8;
	[tilespmem:$0x1C800] =	vst v63  }
0x421: {  	v3 =	vld [tilespmem:$0xC0];
	_ =	sdelay $0x4  }
0x422: {  	v49 =	vshll.u32 v3, $0x1  }
0x423: {  	v3 =	vand.u32 $0x7, v3;
	v4 =	vand.u32 $0xFFFFFFF0, v49  }
0x424: {  	v3 =	vor.u32 v3, v4  }
0x425: {  	v4 =	vperm.xlane v3, v0;
	_ =	sdelay $0x1  }
0x426: {  	v3 =	vperm.xlane v3, v2;
	v4 =	vadd.s32 v1, v4;
	_ =	sdelay $0x1  }
0x427: {  	v3 =	vadd.s32 v1, v3;
	_ =	sdelay $0x2  }
0x428: {  	[tilespmem:s12], [sflag:$0x1] =	stream.indirect_vreg.gather [hbm4b:s1+s4], $0x80, v4, vm0, $0xb8;
	[tilespmem:$0x1C800] =	vst v63  }
0x429: {  	s21 =	simm.s32 $0xB800  }
0x42a: {  	[tilespmem:s21], [sflag:$0x1] =	stream.indirect_vreg.gather [hbm4b:s1+s4], $0x80, v3, vm0, $0xb8;
	[tilespmem:$0x1C800] =	vst v63  }
0x42b: {  	v3 =	vld [tilespmem:$0xD0];
	_ =	sdelay $0x4  }
0x42c: {  	v50 =	vshll.u32 v3, $0x1  }
0x42d: {  	v3 =	vand.u32 $0x7, v3;
	v4 =	vand.u32 $0xFFFFFFF0, v50  }
0x42e: {  	v3 =	vor.u32 v3, v4  }
0x42f: {  	v4 =	vperm.xlane v3, v0;
	_ =	sdelay $0x1  }
0x430: {  	v3 =	vperm.xlane v3, v2;
	v4 =	vadd.s32 v1, v4;
	_ =	sdelay $0x1  }
0x431: {  	v3 =	vadd.s32 v1, v3;
	_ =	sdelay $0x2  }
0x432: {  	[tilespmem:s13], [sflag:$0x1] =	stream.indirect_vreg.gather [hbm4b:s1+s4], $0x80, v4, vm0, $0xb8;
	[tilespmem:$0x1C800] =	vst v63  }
0x433: {  	_ = 	snop  }
0x434: {  	[tilespmem:s9], [sflag:$0x1] =	stream.indirect_vreg.gather [hbm4b:s1+s4], $0x80, v3, vm0, $0xb8;
	[tilespmem:$0x1C800] =	vst v63  }
0x435: {  	v3 =	vld.msk [tilespmem:$0xE0], $0xf;
	_ =	sdelay $0x4  }
0x436: {  	v51 =	vshll.u32 v3, $0x1  }
0x437: {  	v3 =	vand.u32 $0x7, v3;
	v4 =	vand.u32 $0xFFFFFFF0, v51  }
0x438: {  	v3 =	vor.u32 v3, v4  }
0x439: {  	v3 =	vperm.xlane v3, v0;
	_ =	sdelay $0x1  }
0x43a: {  	v3 =	vadd.s32 v1, v3;
	_ =	sdelay $0x4  }
0x43b: {  	[tilespmem:s18], [sflag:$0x1] =	stream.indirect_vreg.gather [hbm4b:s1+s4], $0x80, v3, vm1, $0xb8;
	[tilespmem:$0x1C800] =	vst v63  }
0x43c: {  	s22 =	simm.s32 $0xD800;
	s6 =	rddreg [dreg:$0xa]  }
0x43d: {  	[tilespmem:s22], [sflag:$0x3] =	stream.linear.gather [hbm4b:s6+s4], $0x7800, $0x38;
	[tilespmem:$0x1C800] =	vst v63  }
0x43e: {  	_ =	swait.ge [sflag:s26], $0x7800  }
0x43f: {  	[sflag:s26] =	ssyncset.done $0x0  }
0x440: {  	s25 =	simm.s32 $0x15000;
	s24 =	sadd.s32 $0xF00, s6;
	[sflag:s26] =	ssyncadd.s32 $0xFFFF8800  }
0x441: {  	[tilespmem:s25], [sflag:$0x3] =	stream.linear.gather [hbm4b:s24+s4], $0x7800, $0x38;
	[tilespmem:$0x1C800] =	vst v63  }
0x442: {  	v3 =	vld [tilespmem:$0x400];
	_ =	sdelay $0x4  }
0x443: {  	v52 =	vshll.u32 v3, $0x1  }
0x444: {  	v3 =	vand.u32 $0x7, v3;
	v4 =	vand.u32 $0xFFFFFFF0, v52  }
0x445: {  	v3 =	vor.u32 v3, v4  }
0x446: {  	v4 =	vperm.xlane v3, v0;
	_ =	sdelay $0x1  }
0x447: {  	v3 =	vperm.xlane v3, v2;
	v4 =	vadd.s32 v1, v4;
	_ =	sdelay $0x1  }
0x448: {  	v3 =	vadd.s32 v1, v3;
	_ =	sdelay $0x2  }
0x449: {  	[hbm4b:s3+s4] =	stream.indirect_vreg.scatter [tilespmem:s22], [sflag:$0x4], $0x80, v4, vm0, $0xb8;
	[tilespmem:$0x1C800] =	vst v63  }
0x44a: {  	s2 =	simm.s32 $0xE000  }
0x44b: {  	[hbm4b:s3+s4] =	stream.indirect_vreg.scatter [tilespmem:s2], [sflag:$0x4], $0x80, v3, vm0, $0xb8;
	[tilespmem:$0x1C800] =	vst v63  }
0x44c: {  	v3 =	vld [tilespmem:$0x410];
	_ =	sdelay $0x4  }
0x44d: {  	v53 =	vshll.u32 v3, $0x1  }
0x44e: {  	v3 =	vand.u32 $0x7, v3;
	v4 =	vand.u32 $0xFFFFFFF0, v53  }
0x44f: {  	v3 =	vor.u32 v3, v4  }
0x450: {  	v4 =	vperm.xlane v3, v0;
	_ =	sdelay $0x1  }
0x451: {  	v3 =	vperm.xlane v3, v2;
	v4 =	vadd.s32 v1, v4;
	_ =	sdelay $0x1  }
0x452: {  	v3 =	vadd.s32 v1, v3;
	_ =	sdelay $0x1  }
0x453: {  	s31 =	simm.s32 $0xE800  }
0x454: {  	[hbm4b:s3+s4] =	stream.indirect_vreg.scatter [tilespmem:s31], [sflag:$0x4], $0x80, v4, vm0, $0xb8;
	[tilespmem:$0x1C800] =	vst v63  }
0x455: {  	s5 =	simm.s32 $0xF000  }
0x456: {  	[hbm4b:s3+s4] =	stream.indirect_vreg.scatter [tilespmem:s5], [sflag:$0x4], $0x80, v3, vm0, $0xb8;
	[tilespmem:$0x1C800] =	vst v63  }
0x457: {  	v3 =	vld [tilespmem:$0x420];
	_ =	sdelay $0x4  }
0x458: {  	v54 =	vshll.u32 v3, $0x1  }
0x459: {  	v3 =	vand.u32 $0x7, v3;
	v4 =	vand.u32 $0xFFFFFFF0, v54  }
0x45a: {  	v3 =	vor.u32 v3, v4  }
0x45b: {  	v4 =	vperm.xlane v3, v0;
	_ =	sdelay $0x1  }
0x45c: {  	v3 =	vperm.xlane v3, v2;
	v4 =	vadd.s32 v1, v4;
	_ =	sdelay $0x1  }
0x45d: {  	v3 =	vadd.s32 v1, v3;
	_ =	sdelay $0x1  }
0x45e: {  	s16 =	simm.s32 $0xF800  }
0x45f: {  	[hbm4b:s3+s4] =	stream.indirect_vreg.scatter [tilespmem:s16], [sflag:$0x4], $0x80, v4, vm0, $0xb8;
	[tilespmem:$0x1C800] =	vst v63  }
0x460: {  	s9 =	simm.s32 $0x10000  }
0x461: {  	[hbm4b:s3+s4] =	stream.indirect_vreg.scatter [tilespmem:s9], [sflag:$0x4], $0x80, v3, vm0, $0xb8;
	[tilespmem:$0x1C800] =	vst v63  }
0x462: {  	v3 =	vld [tilespmem:$0x430];
	_ =	sdelay $0x4  }
0x463: {  	v55 =	vshll.u32 v3, $0x1  }
0x464: {  	v3 =	vand.u32 $0x7, v3;
	v4 =	vand.u32 $0xFFFFFFF0, v55  }
0x465: {  	v3 =	vor.u32 v3, v4  }
0x466: {  	v4 =	vperm.xlane v3, v0;
	_ =	sdelay $0x1  }
0x467: {  	v3 =	vperm.xlane v3, v2;
	v4 =	vadd.s32 v1, v4;
	_ =	sdelay $0x1  }
0x468: {  	v3 =	vadd.s32 v1, v3;
	_ =	sdelay $0x1  }
0x469: {  	s10 =	simm.s32 $0x10800  }
0x46a: {  	[hbm4b:s3+s4] =	stream.indirect_vreg.scatter [tilespmem:s10], [sflag:$0x4], $0x80, v4, vm0, $0xb8;
	[tilespmem:$0x1C800] =	vst v63  }
0x46b: {  	s11 =	simm.s32 $0x11000  }
0x46c: {  	[hbm4b:s3+s4] =	stream.indirect_vreg.scatter [tilespmem:s11], [sflag:$0x4], $0x80, v3, vm0, $0xb8;
	[tilespmem:$0x1C800] =	vst v63  }
0x46d: {  	v3 =	vld [tilespmem:$0x440];
	_ =	sdelay $0x4  }
0x46e: {  	v56 =	vshll.u32 v3, $0x1  }
0x46f: {  	v3 =	vand.u32 $0x7, v3;
	v4 =	vand.u32 $0xFFFFFFF0, v56  }
0x470: {  	v3 =	vor.u32 v3, v4  }
0x471: {  	v4 =	vperm.xlane v3, v0;
	_ =	sdelay $0x1  }
0x472: {  	v3 =	vperm.xlane v3, v2;
	v4 =	vadd.s32 v1, v4;
	_ =	sdelay $0x1  }
0x473: {  	v3 =	vadd.s32 v1, v3;
	_ =	sdelay $0x1  }
0x474: {  	s12 =	simm.s32 $0x11800  }
0x475: {  	[hbm4b:s3+s4] =	stream.indirect_vreg.scatter [tilespmem:s12], [sflag:$0x4], $0x80, v4, vm0, $0xb8;
	[tilespmem:$0x1C800] =	vst v63  }
0x476: {  	s13 =	simm.s32 $0x12000  }
0x477: {  	[hbm4b:s3+s4] =	stream.indirect_vreg.scatter [tilespmem:s13], [sflag:$0x4], $0x80, v3, vm0, $0xb8;
	[tilespmem:$0x1C800] =	vst v63  }
0x478: {  	v3 =	vld [tilespmem:$0x450];
	_ =	sdelay $0x4  }
0x479: {  	v57 =	vshll.u32 v3, $0x1  }
0x47a: {  	v3 =	vand.u32 $0x7, v3;
	v4 =	vand.u32 $0xFFFFFFF0, v57  }
0x47b: {  	v3 =	vor.u32 v3, v4  }
0x47c: {  	v4 =	vperm.xlane v3, v0;
	_ =	sdelay $0x1  }
0x47d: {  	v3 =	vperm.xlane v3, v2;
	v4 =	vadd.s32 v1, v4;
	_ =	sdelay $0x1  }
0x47e: {  	v3 =	vadd.s32 v1, v3;
	_ =	sdelay $0x1  }
0x47f: {  	s14 =	simm.s32 $0x12800  }
0x480: {  	[hbm4b:s3+s4] =	stream.indirect_vreg.scatter [tilespmem:s14], [sflag:$0x4], $0x80, v4, vm0, $0xb8;
	[tilespmem:$0x1C800] =	vst v63  }
0x481: {  	s15 =	simm.s32 $0x13000  }
0x482: {  	[hbm4b:s3+s4] =	stream.indirect_vreg.scatter [tilespmem:s15], [sflag:$0x4], $0x80, v3, vm0, $0xb8;
	[tilespmem:$0x1C800] =	vst v63  }
0x483: {  	v3 =	vld [tilespmem:$0x460];
	_ =	sdelay $0x4  }
0x484: {  	v58 =	vshll.u32 v3, $0x1  }
0x485: {  	v3 =	vand.u32 $0x7, v3;
	v4 =	vand.u32 $0xFFFFFFF0, v58  }
0x486: {  	v3 =	vor.u32 v3, v4  }
0x487: {  	v4 =	vperm.xlane v3, v0;
	_ =	sdelay $0x1  }
0x488: {  	v3 =	vperm.xlane v3, v2;
	v4 =	vadd.s32 v1, v4;
	_ =	sdelay $0x1  }
0x489: {  	v3 =	vadd.s32 v1, v3;
	_ =	sdelay $0x1  }
0x48a: {  	s16 =	simm.s32 $0x13800  }
0x48b: {  	[hbm4b:s3+s4] =	stream.indirect_vreg.scatter [tilespmem:s16], [sflag:$0x4], $0x80, v4, vm0, $0xb8;
	[tilespmem:$0x1C800] =	vst v63  }
0x48c: {  	s18 =	simm.s32 $0x14000  }
0x48d: {  	[hbm4b:s3+s4] =	stream.indirect_vreg.scatter [tilespmem:s18], [sflag:$0x4], $0x80, v3, vm0, $0xb8;
	[tilespmem:$0x1C800] =	vst v63  }
0x48e: {  	v3 =	vld.msk [tilespmem:$0x470], $0xff;
	_ =	sdelay $0x4  }
0x48f: {  	v59 =	vshll.u32 v3, $0x1  }
0x490: {  	v3 =	vand.u32 $0x7, v3;
	v4 =	vand.u32 $0xFFFFFFF0, v59  }
0x491: {  	v3 =	vor.u32 v3, v4  }
0x492: {  	v3 =	vperm.xlane v3, v0;
	_ =	sdelay $0x1  }
0x493: {  	v3 =	vadd.s32 v1, v3;
	_ =	sdelay $0x3  }
0x494: {  	s24 =	simm.s32 $0x14800  }
0x495: {  	[hbm4b:s3+s4] =	stream.indirect_vreg.scatter [tilespmem:s24], [sflag:$0x4], $0x80, v3, vm0, $0xb8;
	[tilespmem:$0x1C800] =	vst v63  }
0x496: {  	_ =	swait.ge [sflag:s26], $0x7800  }
0x497: {  	[sflag:s26] =	ssyncset.done $0x0  }
0x498: {  	[sflag:s26] =	ssyncadd.s32 $0xFFFF8800  }
0x499: {  	_ =	swait.ge [sflag:s23], $0x7800  }
0x49a: {  	[sflag:s23] =	ssyncset.done $0x0  }
0x49b: {  	s28 =	simm.s32 $0xD800;
	s17 =	sadd.s32 $0x1E00, s6;
	[sflag:s23] =	ssyncadd.s32 $0xFFFF8800  }
0x49c: {  	[tilespmem:s28], [sflag:$0x3] =	stream.linear.gather [hbm4b:s17+s4], $0x7800, $0x38;
	[tilespmem:$0x1C800] =	vst v63  }
0x49d: {  	v3 =	vld [tilespmem:$0x480];
	_ =	sdelay $0x4  }
0x49e: {  	v60 =	vshll.u32 v3, $0x1  }
0x49f: {  	v3 =	vand.u32 $0x7, v3;
	v4 =	vand.u32 $0xFFFFFFF0, v60  }
0x4a0: {  	v3 =	vor.u32 v3, v4  }
0x4a1: {  	v4 =	vperm.xlane v3, v0;
	_ =	sdelay $0x1  }
0x4a2: {  	v3 =	vperm.xlane v3, v2;
	v4 =	vadd.s32 v1, v4;
	_ =	sdelay $0x1  }
0x4a3: {  	v3 =	vadd.s32 v1, v3;
	_ =	sdelay $0x2  }
0x4a4: {  	[hbm4b:s3+s4] =	stream.indirect_vreg.scatter [tilespmem:s25], [sflag:$0x4], $0x80, v4, vm0, $0xb8;
	[tilespmem:$0x1C800] =	vst v63  }
0x4a5: {  	s20 =	simm.s32 $0x15800  }
0x4a6: {  	[hbm4b:s3+s4] =	stream.indirect_vreg.scatter [tilespmem:s20], [sflag:$0x4], $0x80, v3, vm0, $0xb8;
	[tilespmem:$0x1C800] =	vst v63  }
0x4a7: {  	v3 =	vld [tilespmem:$0x490];
	_ =	sdelay $0x4  }
0x4a8: {  	v61 =	vshll.u32 v3, $0x1  }
0x4a9: {  	v3 =	vand.u32 $0x7, v3;
	v4 =	vand.u32 $0xFFFFFFF0, v61  }
0x4aa: {  	v3 =	vor.u32 v3, v4  }
0x4ab: {  	v4 =	vperm.xlane v3, v0;
	_ =	sdelay $0x1  }
0x4ac: {  	v3 =	vperm.xlane v3, v2;
	v4 =	vadd.s32 v1, v4;
	_ =	sdelay $0x1  }
0x4ad: {  	v3 =	vadd.s32 v1, v3;
	_ =	sdelay $0x1  }
0x4ae: {  	s19 =	simm.s32 $0x16000  }
0x4af: {  	[hbm4b:s3+s4] =	stream.indirect_vreg.scatter [tilespmem:s19], [sflag:$0x4], $0x80, v4, vm0, $0xb8;
	[tilespmem:$0x1C800] =	vst v63  }
0x4b0: {  	s21 =	simm.s32 $0x16800  }
0x4b1: {  	[hbm4b:s3+s4] =	stream.indirect_vreg.scatter [tilespmem:s21], [sflag:$0x4], $0x80, v3, vm0, $0xb8;
	[tilespmem:$0x1C800] =	vst v63  }
0x4b2: {  	v3 =	vld [tilespmem:$0x4A0];
	_ =	sdelay $0x4  }
0x4b3: {  	v62 =	vshll.u32 v3, $0x1  }
0x4b4: {  	v3 =	vand.u32 $0x7, v3;
	v4 =	vand.u32 $0xFFFFFFF0, v62  }
0x4b5: {  	v3 =	vor.u32 v3, v4  }
0x4b6: {  	v4 =	vperm.xlane v3, v0;
	_ =	sdelay $0x1  }
0x4b7: {  	v3 =	vperm.xlane v3, v2;
	v4 =	vadd.s32 v1, v4;
	_ =	sdelay $0x1  }
0x4b8: {  	v3 =	vadd.s32 v1, v3;
	_ =	sdelay $0x1  }
0x4b9: {  	s22 =	simm.s32 $0x17000  }
0x4ba: {  	[hbm4b:s3+s4] =	stream.indirect_vreg.scatter [tilespmem:s22], [sflag:$0x4], $0x80, v4, vm0, $0xb8;
	[tilespmem:$0x1C800] =	vst v63  }
0x4bb: {  	s19 =	simm.s32 $0x17800  }
0x4bc: {  	[hbm4b:s3+s4] =	stream.indirect_vreg.scatter [tilespmem:s19], [sflag:$0x4], $0x80, v3, vm0, $0xb8;
	[tilespmem:$0x1C800] =	vst v63  }
0x4bd: {  	v3 =	vld [tilespmem:$0x4B0];
	_ =	sdelay $0x4  }
0x4be: {  	v63 =	vshll.u32 v3, $0x1  }
0x4bf: {  	v3 =	vand.u32 $0x7, v3;
	v4 =	vand.u32 $0xFFFFFFF0, v63  }
0x4c0: {  	v3 =	vor.u32 v3, v4  }
0x4c1: {  	v4 =	vperm.xlane v3, v0;
	_ =	sdelay $0x1  }
0x4c2: {  	v3 =	vperm.xlane v3, v2;
	v4 =	vadd.s32 v1, v4;
	_ =	sdelay $0x1  }
0x4c3: {  	v3 =	vadd.s32 v1, v3;
	_ =	sdelay $0x1  }
0x4c4: {  	s25 =	simm.s32 $0x18000  }
0x4c5: {  	[hbm4b:s3+s4] =	stream.indirect_vreg.scatter [tilespmem:s25], [sflag:$0x4], $0x80, v4, vm0, $0xb8;
	[tilespmem:$0x1C800] =	vst v63  }
0x4c6: {  	s21 =	simm.s32 $0x18800  }
0x4c7: {  	[hbm4b:s3+s4] =	stream.indirect_vreg.scatter [tilespmem:s21], [sflag:$0x4], $0x80, v3, vm0, $0xb8;
	[tilespmem:$0x1C800] =	vst v63  }
0x4c8: {  	v3 =	vld [tilespmem:$0x4C0];
	_ =	sdelay $0x4  }
0x4c9: {  	v8 =	vshll.u32 v3, $0x1  }
0x4ca: {  	v3 =	vand.u32 $0x7, v3;
	v4 =	vand.u32 $0xFFFFFFF0, v8  }
0x4cb: {  	v3 =	vor.u32 v3, v4  }
0x4cc: {  	v4 =	vperm.xlane v3, v0;
	_ =	sdelay $0x1  }
0x4cd: {  	v3 =	vperm.xlane v3, v2;
	v4 =	vadd.s32 v1, v4;
	_ =	sdelay $0x1  }
0x4ce: {  	v3 =	vadd.s32 v1, v3;
	_ =	sdelay $0x1  }
0x4cf: {  	s28 =	simm.s32 $0x19000  }
0x4d0: {  	[hbm4b:s3+s4] =	stream.indirect_vreg.scatter [tilespmem:s28], [sflag:$0x4], $0x80, v4, vm0, $0xb8;
	[tilespmem:$0x1C800] =	vst v63  }
0x4d1: {  	s22 =	simm.s32 $0x19800  }
0x4d2: {  	[hbm4b:s3+s4] =	stream.indirect_vreg.scatter [tilespmem:s22], [sflag:$0x4], $0x80, v3, vm0, $0xb8;
	[tilespmem:$0x1C800] =	vst v63  }
0x4d3: {  	v3 =	vld [tilespmem:$0x4D0];
	_ =	sdelay $0x4  }
0x4d4: {  	v9 =	vshll.u32 v3, $0x1  }
0x4d5: {  	v3 =	vand.u32 $0x7, v3;
	v4 =	vand.u32 $0xFFFFFFF0, v9  }
0x4d6: {  	v3 =	vor.u32 v3, v4  }
0x4d7: {  	v4 =	vperm.xlane v3, v0;
	_ =	sdelay $0x1  }
0x4d8: {  	v3 =	vperm.xlane v3, v2;
	v4 =	vadd.s32 v1, v4;
	_ =	sdelay $0x1  }
0x4d9: {  	v3 =	vadd.s32 v1, v3;
	_ =	sdelay $0x1  }
0x4da: {  	s30 =	simm.s32 $0x1A000  }
0x4db: {  	[hbm4b:s3+s4] =	stream.indirect_vreg.scatter [tilespmem:s30], [sflag:$0x4], $0x80, v4, vm0, $0xb8;
	[tilespmem:$0x1C800] =	vst v63  }
0x4dc: {  	s25 =	simm.s32 $0x1A800  }
0x4dd: {  	[hbm4b:s3+s4] =	stream.indirect_vreg.scatter [tilespmem:s25], [sflag:$0x4], $0x80, v3, vm0, $0xb8;
	[tilespmem:$0x1C800] =	vst v63  }
0x4de: {  	v3 =	vld [tilespmem:$0x4E0];
	_ =	sdelay $0x4  }
0x4df: {  	v10 =	vshll.u32 v3, $0x1  }
0x4e0: {  	v3 =	vand.u32 $0x7, v3;
	v4 =	vand.u32 $0xFFFFFFF0, v10  }
0x4e1: {  	v3 =	vor.u32 v3, v4  }
0x4e2: {  	v4 =	vperm.xlane v3, v0;
	_ =	sdelay $0x1  }
0x4e3: {  	v3 =	vperm.xlane v3, v2;
	v4 =	vadd.s32 v1, v4;
	_ =	sdelay $0x1  }
0x4e4: {  	v3 =	vadd.s32 v1, v3;
	_ =	sdelay $0x1  }
0x4e5: {  	s8 =	simm.s32 $0x1B000  }
0x4e6: {  	[hbm4b:s3+s4] =	stream.indirect_vreg.scatter [tilespmem:s8], [sflag:$0x4], $0x80, v4, vm0, $0xb8;
	[tilespmem:$0x1C800] =	vst v63  }
0x4e7: {  	s28 =	simm.s32 $0x1B800  }
0x4e8: {  	[hbm4b:s3+s4] =	stream.indirect_vreg.scatter [tilespmem:s28], [sflag:$0x4], $0x80, v3, vm0, $0xb8;
	[tilespmem:$0x1C800] =	vst v63  }
0x4e9: {  	v3 =	vld.msk [tilespmem:$0x4F0], $0xff;
	_ =	sdelay $0x4  }
0x4ea: {  	v11 =	vshll.u32 v3, $0x1  }
0x4eb: {  	v3 =	vand.u32 $0x7, v3;
	v4 =	vand.u32 $0xFFFFFFF0, v11  }
0x4ec: {  	v3 =	vor.u32 v3, v4  }
0x4ed: {  	v3 =	vperm.xlane v3, v0;
	_ =	sdelay $0x1  }
0x4ee: {  	v3 =	vadd.s32 v1, v3;
	_ =	sdelay $0x3  }
0x4ef: {  	s0 =	simm.s32 $0x1C000  }
0x4f0: {  	[hbm4b:s3+s4] =	stream.indirect_vreg.scatter [tilespmem:s0], [sflag:$0x4], $0x80, v3, vm0, $0xb8;
	[tilespmem:$0x1C800] =	vst v63  }
0x4f1: {  	_ =	swait.ge [sflag:s26], $0x7800  }
0x4f2: {  	[sflag:s26] =	ssyncset.done $0x0  }
0x4f3: {  	[sflag:s26] =	ssyncadd.s32 $0xFFFF8800  }
0x4f4: {  	_ =	swait.ge [sflag:s23], $0x7800  }
0x4f5: {  	[sflag:s23] =	ssyncset.done $0x0  }
0x4f6: {  	s17 =	simm.s32 $0x15000;
	s0 =	sadd.s32 $0x2D00, s6;
	[sflag:s23] =	ssyncadd.s32 $0xFFFF8800  }
0x4f7: {  	[tilespmem:s17], [sflag:$0x3] =	stream.linear.gather [hbm4b:s0+s4], $0x7800, $0x38;
	[tilespmem:$0x1C800] =	vst v63  }
0x4f8: {  	v3 =	vld [tilespmem:$0x500];
	_ =	sdelay $0x4  }
0x4f9: {  	v12 =	vshll.u32 v3, $0x1  }
0x4fa: {  	v3 =	vand.u32 $0x7, v3;
	v4 =	vand.u32 $0xFFFFFFF0, v12  }
0x4fb: {  	v3 =	vor.u32 v3, v4  }
0x4fc: {  	v4 =	vperm.xlane v3, v0;
	_ =	sdelay $0x1  }
0x4fd: {  	v3 =	vperm.xlane v3, v2;
	v4 =	vadd.s32 v1, v4;
	_ =	sdelay $0x1  }
0x4fe: {  	v3 =	vadd.s32 v1, v3;
	_ =	sdelay $0x1  }
0x4ff: {  	s0 =	simm.s32 $0xD800  }
0x500: {  	[hbm4b:s3+s4] =	stream.indirect_vreg.scatter [tilespmem:s0], [sflag:$0x4], $0x80, v4, vm0, $0xb8;
	[tilespmem:$0x1C800] =	vst v63  }
0x501: {  	_ = 	snop  }
0x502: {  	[hbm4b:s3+s4] =	stream.indirect_vreg.scatter [tilespmem:s2], [sflag:$0x4], $0x80, v3, vm0, $0xb8;
	[tilespmem:$0x1C800] =	vst v63  }
0x503: {  	v3 =	vld [tilespmem:$0x510];
	_ =	sdelay $0x4  }
0x504: {  	v13 =	vshll.u32 v3, $0x1  }
0x505: {  	v3 =	vand.u32 $0x7, v3;
	v4 =	vand.u32 $0xFFFFFFF0, v13  }
0x506: {  	v3 =	vor.u32 v3, v4  }
0x507: {  	v4 =	vperm.xlane v3, v0;
	_ =	sdelay $0x1  }
0x508: {  	v3 =	vperm.xlane v3, v2;
	v4 =	vadd.s32 v1, v4;
	_ =	sdelay $0x1  }
0x509: {  	v3 =	vadd.s32 v1, v3;
	_ =	sdelay $0x2  }
0x50a: {  	[hbm4b:s3+s4] =	stream.indirect_vreg.scatter [tilespmem:s31], [sflag:$0x4], $0x80, v4, vm0, $0xb8;
	[tilespmem:$0x1C800] =	vst v63  }
0x50b: {  	_ = 	snop  }
0x50c: {  	[hbm4b:s3+s4] =	stream.indirect_vreg.scatter [tilespmem:s5], [sflag:$0x4], $0x80, v3, vm0, $0xb8;
	[tilespmem:$0x1C800] =	vst v63  }
0x50d: {  	v3 =	vld [tilespmem:$0x520];
	_ =	sdelay $0x4  }
0x50e: {  	v14 =	vshll.u32 v3, $0x1  }
0x50f: {  	v3 =	vand.u32 $0x7, v3;
	v4 =	vand.u32 $0xFFFFFFF0, v14  }
0x510: {  	v3 =	vor.u32 v3, v4  }
0x511: {  	v4 =	vperm.xlane v3, v0;
	_ =	sdelay $0x1  }
0x512: {  	v3 =	vperm.xlane v3, v2;
	v4 =	vadd.s32 v1, v4;
	_ =	sdelay $0x1  }
0x513: {  	v3 =	vadd.s32 v1, v3;
	_ =	sdelay $0x1  }
0x514: {  	s30 =	simm.s32 $0xF800  }
0x515: {  	[hbm4b:s3+s4] =	stream.indirect_vreg.scatter [tilespmem:s30], [sflag:$0x4], $0x80, v4, vm0, $0xb8;
	[tilespmem:$0x1C800] =	vst v63  }
0x516: {  	_ = 	snop  }
0x517: {  	[hbm4b:s3+s4] =	stream.indirect_vreg.scatter [tilespmem:s9], [sflag:$0x4], $0x80, v3, vm0, $0xb8;
	[tilespmem:$0x1C800] =	vst v63  }
0x518: {  	v3 =	vld [tilespmem:$0x530];
	_ =	sdelay $0x4  }
0x519: {  	v15 =	vshll.u32 v3, $0x1  }
0x51a: {  	v3 =	vand.u32 $0x7, v3;
	v4 =	vand.u32 $0xFFFFFFF0, v15  }
0x51b: {  	v3 =	vor.u32 v3, v4  }
0x51c: {  	v4 =	vperm.xlane v3, v0;
	_ =	sdelay $0x1  }
0x51d: {  	v3 =	vperm.xlane v3, v2;
	v4 =	vadd.s32 v1, v4;
	_ =	sdelay $0x1  }
0x51e: {  	v3 =	vadd.s32 v1, v3;
	_ =	sdelay $0x2  }
0x51f: {  	[hbm4b:s3+s4] =	stream.indirect_vreg.scatter [tilespmem:s10], [sflag:$0x4], $0x80, v4, vm0, $0xb8;
	[tilespmem:$0x1C800] =	vst v63  }
0x520: {  	_ = 	snop  }
0x521: {  	[hbm4b:s3+s4] =	stream.indirect_vreg.scatter [tilespmem:s11], [sflag:$0x4], $0x80, v3, vm0, $0xb8;
	[tilespmem:$0x1C800] =	vst v63  }
0x522: {  	v3 =	vld [tilespmem:$0x540];
	_ =	sdelay $0x4  }
0x523: {  	v16 =	vshll.u32 v3, $0x1  }
0x524: {  	v3 =	vand.u32 $0x7, v3;
	v4 =	vand.u32 $0xFFFFFFF0, v16  }
0x525: {  	v3 =	vor.u32 v3, v4  }
0x526: {  	v4 =	vperm.xlane v3, v0;
	_ =	sdelay $0x1  }
0x527: {  	v3 =	vperm.xlane v3, v2;
	v4 =	vadd.s32 v1, v4;
	_ =	sdelay $0x1  }
0x528: {  	v3 =	vadd.s32 v1, v3;
	_ =	sdelay $0x2  }
0x529: {  	[hbm4b:s3+s4] =	stream.indirect_vreg.scatter [tilespmem:s12], [sflag:$0x4], $0x80, v4, vm0, $0xb8;
	[tilespmem:$0x1C800] =	vst v63  }
0x52a: {  	_ = 	snop  }
0x52b: {  	[hbm4b:s3+s4] =	stream.indirect_vreg.scatter [tilespmem:s13], [sflag:$0x4], $0x80, v3, vm0, $0xb8;
	[tilespmem:$0x1C800] =	vst v63  }
0x52c: {  	v3 =	vld [tilespmem:$0x550];
	_ =	sdelay $0x4  }
0x52d: {  	v17 =	vshll.u32 v3, $0x1  }
0x52e: {  	v3 =	vand.u32 $0x7, v3;
	v4 =	vand.u32 $0xFFFFFFF0, v17  }
0x52f: {  	v3 =	vor.u32 v3, v4  }
0x530: {  	v4 =	vperm.xlane v3, v0;
	_ =	sdelay $0x1  }
0x531: {  	v3 =	vperm.xlane v3, v2;
	v4 =	vadd.s32 v1, v4;
	_ =	sdelay $0x1  }
0x532: {  	v3 =	vadd.s32 v1, v3;
	_ =	sdelay $0x2  }
0x533: {  	[hbm4b:s3+s4] =	stream.indirect_vreg.scatter [tilespmem:s14], [sflag:$0x4], $0x80, v4, vm0, $0xb8;
	[tilespmem:$0x1C800] =	vst v63  }
0x534: {  	_ = 	snop  }
0x535: {  	[hbm4b:s3+s4] =	stream.indirect_vreg.scatter [tilespmem:s15], [sflag:$0x4], $0x80, v3, vm0, $0xb8;
	[tilespmem:$0x1C800] =	vst v63  }
0x536: {  	v3 =	vld [tilespmem:$0x560];
	_ =	sdelay $0x4  }
0x537: {  	v18 =	vshll.u32 v3, $0x1  }
0x538: {  	v3 =	vand.u32 $0x7, v3;
	v4 =	vand.u32 $0xFFFFFFF0, v18  }
0x539: {  	v3 =	vor.u32 v3, v4  }
0x53a: {  	v4 =	vperm.xlane v3, v0;
	_ =	sdelay $0x1  }
0x53b: {  	v3 =	vperm.xlane v3, v2;
	v4 =	vadd.s32 v1, v4;
	_ =	sdelay $0x1  }
0x53c: {  	v3 =	vadd.s32 v1, v3;
	_ =	sdelay $0x2  }
0x53d: {  	[hbm4b:s3+s4] =	stream.indirect_vreg.scatter [tilespmem:s16], [sflag:$0x4], $0x80, v4, vm0, $0xb8;
	[tilespmem:$0x1C800] =	vst v63  }
0x53e: {  	_ = 	snop  }
0x53f: {  	[hbm4b:s3+s4] =	stream.indirect_vreg.scatter [tilespmem:s18], [sflag:$0x4], $0x80, v3, vm0, $0xb8;
	[tilespmem:$0x1C800] =	vst v63  }
0x540: {  	v3 =	vld.msk [tilespmem:$0x570], $0xff;
	_ =	sdelay $0x4  }
0x541: {  	v19 =	vshll.u32 v3, $0x1  }
0x542: {  	v3 =	vand.u32 $0x7, v3;
	v4 =	vand.u32 $0xFFFFFFF0, v19  }
0x543: {  	v3 =	vor.u32 v3, v4  }
0x544: {  	v3 =	vperm.xlane v3, v0;
	_ =	sdelay $0x1  }
0x545: {  	v3 =	vadd.s32 v1, v3;
	_ =	sdelay $0x4  }
0x546: {  	[hbm4b:s3+s4] =	stream.indirect_vreg.scatter [tilespmem:s24], [sflag:$0x4], $0x80, v3, vm0, $0xb8;
	[tilespmem:$0x1C800] =	vst v63  }
0x547: {  	_ =	swait.ge [sflag:s26], $0x7800  }
0x548: {  	[sflag:s26] =	ssyncset.done $0x0  }
0x549: {  	[sflag:s26] =	ssyncadd.s32 $0xFFFF8800  }
0x54a: {  	_ =	swait.ge [sflag:s23], $0x7800  }
0x54b: {  	[sflag:s23] =	ssyncset.done $0x0  }
0x54c: {  	s6 =	sadd.s32 $0x3C00, s6;
	[sflag:s23] =	ssyncadd.s32 $0xFFFF8800  }
0x54d: {  	[tilespmem:s0], [sflag:$0x3] =	stream.linear.gather [hbm4b:s6+s4], $0x7800, $0x38;
	[tilespmem:$0x1C800] =	vst v63  }
0x54e: {  	v3 =	vld [tilespmem:$0x580];
	_ =	sdelay $0x4  }
0x54f: {  	v20 =	vshll.u32 v3, $0x1  }
0x550: {  	v3 =	vand.u32 $0x7, v3;
	v4 =	vand.u32 $0xFFFFFFF0, v20  }
0x551: {  	v3 =	vor.u32 v3, v4  }
0x552: {  	v4 =	vperm.xlane v3, v0;
	_ =	sdelay $0x1  }
0x553: {  	v3 =	vperm.xlane v3, v2;
	v4 =	vadd.s32 v1, v4;
	_ =	sdelay $0x1  }
0x554: {  	v3 =	vadd.s32 v1, v3;
	_ =	sdelay $0x2  }
0x555: {  	[hbm4b:s3+s4] =	stream.indirect_vreg.scatter [tilespmem:s17], [sflag:$0x4], $0x80, v4, vm0, $0xb8;
	[tilespmem:$0x1C800] =	vst v63  }
0x556: {  	_ = 	snop  }
0x557: {  	[hbm4b:s3+s4] =	stream.indirect_vreg.scatter [tilespmem:s20], [sflag:$0x4], $0x80, v3, vm0, $0xb8;
	[tilespmem:$0x1C800] =	vst v63  }
0x558: {  	v3 =	vld [tilespmem:$0x590];
	_ =	sdelay $0x4  }
0x559: {  	v21 =	vshll.u32 v3, $0x1  }
0x55a: {  	v3 =	vand.u32 $0x7, v3;
	v4 =	vand.u32 $0xFFFFFFF0, v21  }
0x55b: {  	v3 =	vor.u32 v3, v4  }
0x55c: {  	v4 =	vperm.xlane v3, v0;
	_ =	sdelay $0x1  }
0x55d: {  	v3 =	vperm.xlane v3, v2;
	v4 =	vadd.s32 v1, v4;
	_ =	sdelay $0x1  }
0x55e: {  	v3 =	vadd.s32 v1, v3;
	_ =	sdelay $0x1  }
0x55f: {  	s17 =	simm.s32 $0x16000  }
0x560: {  	[hbm4b:s3+s4] =	stream.indirect_vreg.scatter [tilespmem:s17], [sflag:$0x4], $0x80, v4, vm0, $0xb8;
	[tilespmem:$0x1C800] =	vst v63  }
0x561: {  	s20 =	simm.s32 $0x16800  }
0x562: {  	[hbm4b:s3+s4] =	stream.indirect_vreg.scatter [tilespmem:s20], [sflag:$0x4], $0x80, v3, vm0, $0xb8;
	[tilespmem:$0x1C800] =	vst v63  }
0x563: {  	v3 =	vld [tilespmem:$0x5A0];
	_ =	sdelay $0x4  }
0x564: {  	v22 =	vshll.u32 v3, $0x1  }
0x565: {  	v3 =	vand.u32 $0x7, v3;
	v4 =	vand.u32 $0xFFFFFFF0, v22  }
0x566: {  	v3 =	vor.u32 v3, v4  }
0x567: {  	v4 =	vperm.xlane v3, v0;
	_ =	sdelay $0x1  }
0x568: {  	v3 =	vperm.xlane v3, v2;
	v4 =	vadd.s32 v1, v4;
	_ =	sdelay $0x1  }
0x569: {  	v3 =	vadd.s32 v1, v3;
	_ =	sdelay $0x1  }
0x56a: {  	s0 =	simm.s32 $0x17000  }
0x56b: {  	[hbm4b:s3+s4] =	stream.indirect_vreg.scatter [tilespmem:s0], [sflag:$0x4], $0x80, v4, vm0, $0xb8;
	[tilespmem:$0x1C800] =	vst v63  }
0x56c: {  	_ = 	snop  }
0x56d: {  	[hbm4b:s3+s4] =	stream.indirect_vreg.scatter [tilespmem:s19], [sflag:$0x4], $0x80, v3, vm0, $0xb8;
	[tilespmem:$0x1C800] =	vst v63  }
0x56e: {  	v3 =	vld [tilespmem:$0x5B0];
	_ =	sdelay $0x4  }
0x56f: {  	v23 =	vshll.u32 v3, $0x1  }
0x570: {  	v3 =	vand.u32 $0x7, v3;
	v4 =	vand.u32 $0xFFFFFFF0, v23  }
0x571: {  	v3 =	vor.u32 v3, v4  }
0x572: {  	v4 =	vperm.xlane v3, v0;
	_ =	sdelay $0x1  }
0x573: {  	v3 =	vperm.xlane v3, v2;
	v4 =	vadd.s32 v1, v4;
	_ =	sdelay $0x1  }
0x574: {  	v3 =	vadd.s32 v1, v3;
	_ =	sdelay $0x1  }
0x575: {  	s17 =	simm.s32 $0x18000  }
0x576: {  	[hbm4b:s3+s4] =	stream.indirect_vreg.scatter [tilespmem:s17], [sflag:$0x4], $0x80, v4, vm0, $0xb8;
	[tilespmem:$0x1C800] =	vst v63  }
0x577: {  	_ = 	snop  }
0x578: {  	[hbm4b:s3+s4] =	stream.indirect_vreg.scatter [tilespmem:s21], [sflag:$0x4], $0x80, v3, vm0, $0xb8;
	[tilespmem:$0x1C800] =	vst v63  }
0x579: {  	v3 =	vld [tilespmem:$0x5C0];
	_ =	sdelay $0x4  }
0x57a: {  	v24 =	vshll.u32 v3, $0x1  }
0x57b: {  	v3 =	vand.u32 $0x7, v3;
	v4 =	vand.u32 $0xFFFFFFF0, v24  }
0x57c: {  	v3 =	vor.u32 v3, v4  }
0x57d: {  	v4 =	vperm.xlane v3, v0;
	_ =	sdelay $0x1  }
0x57e: {  	v3 =	vperm.xlane v3, v2;
	v4 =	vadd.s32 v1, v4;
	_ =	sdelay $0x1  }
0x57f: {  	v3 =	vadd.s32 v1, v3;
	_ =	sdelay $0x1  }
0x580: {  	s19 =	simm.s32 $0x19000  }
0x581: {  	[hbm4b:s3+s4] =	stream.indirect_vreg.scatter [tilespmem:s19], [sflag:$0x4], $0x80, v4, vm0, $0xb8;
	[tilespmem:$0x1C800] =	vst v63  }
0x582: {  	_ = 	snop  }
0x583: {  	[hbm4b:s3+s4] =	stream.indirect_vreg.scatter [tilespmem:s22], [sflag:$0x4], $0x80, v3, vm0, $0xb8;
	[tilespmem:$0x1C800] =	vst v63  }
0x584: {  	v3 =	vld [tilespmem:$0x5D0];
	_ =	sdelay $0x4  }
0x585: {  	v25 =	vshll.u32 v3, $0x1  }
0x586: {  	v3 =	vand.u32 $0x7, v3;
	v4 =	vand.u32 $0xFFFFFFF0, v25  }
0x587: {  	v3 =	vor.u32 v3, v4  }
0x588: {  	v4 =	vperm.xlane v3, v0;
	_ =	sdelay $0x1  }
0x589: {  	v3 =	vperm.xlane v3, v2;
	v4 =	vadd.s32 v1, v4;
	_ =	sdelay $0x1  }
0x58a: {  	v3 =	vadd.s32 v1, v3;
	_ =	sdelay $0x1  }
0x58b: {  	s20 =	simm.s32 $0x1A000  }
0x58c: {  	[hbm4b:s3+s4] =	stream.indirect_vreg.scatter [tilespmem:s20], [sflag:$0x4], $0x80, v4, vm0, $0xb8;
	[tilespmem:$0x1C800] =	vst v63  }
0x58d: {  	_ = 	snop  }
0x58e: {  	[hbm4b:s3+s4] =	stream.indirect_vreg.scatter [tilespmem:s25], [sflag:$0x4], $0x80, v3, vm0, $0xb8;
	[tilespmem:$0x1C800] =	vst v63  }
0x58f: {  	v3 =	vld [tilespmem:$0x5E0];
	_ =	sdelay $0x4  }
0x590: {  	v26 =	vshll.u32 v3, $0x1  }
0x591: {  	v3 =	vand.u32 $0x7, v3;
	v4 =	vand.u32 $0xFFFFFFF0, v26  }
0x592: {  	v3 =	vor.u32 v3, v4  }
0x593: {  	v4 =	vperm.xlane v3, v0;
	_ =	sdelay $0x1  }
0x594: {  	v3 =	vperm.xlane v3, v2;
	v4 =	vadd.s32 v1, v4;
	_ =	sdelay $0x1  }
0x595: {  	v3 =	vadd.s32 v1, v3;
	_ =	sdelay $0x2  }
0x596: {  	[hbm4b:s3+s4] =	stream.indirect_vreg.scatter [tilespmem:s8], [sflag:$0x4], $0x80, v4, vm0, $0xb8;
	[tilespmem:$0x1C800] =	vst v63  }
0x597: {  	_ = 	snop  }
0x598: {  	[hbm4b:s3+s4] =	stream.indirect_vreg.scatter [tilespmem:s28], [sflag:$0x4], $0x80, v3, vm0, $0xb8;
	[tilespmem:$0x1C800] =	vst v63  }
0x599: {  	v3 =	vld.msk [tilespmem:$0x5F0], $0xff;
	_ =	sdelay $0x4  }
0x59a: {  	v27 =	vshll.u32 v3, $0x1  }
0x59b: {  	v3 =	vand.u32 $0x7, v3;
	v4 =	vand.u32 $0xFFFFFFF0, v27  }
0x59c: {  	v3 =	vor.u32 v3, v4  }
0x59d: {  	v3 =	vperm.xlane v3, v0;
	_ =	sdelay $0x1  }
0x59e: {  	v3 =	vadd.s32 v1, v3;
	_ =	sdelay $0x3  }
0x59f: {  	s21 =	simm.s32 $0x1C000  }
0x5a0: {  	[hbm4b:s3+s4] =	stream.indirect_vreg.scatter [tilespmem:s21], [sflag:$0x4], $0x80, v3, vm0, $0xb8;
	[tilespmem:$0x1C800] =	vst v63  }
0x5a1: {  	_ =	swait.ge [sflag:s26], $0x7800  }
0x5a2: {  	[sflag:s26] =	ssyncset.done $0x0  }
0x5a3: {  	[sflag:s26] =	ssyncadd.s32 $0xFFFF8800  }
0x5a4: {  	v3 =	vld [tilespmem:$0x600];
	_ =	sdelay $0x4  }
0x5a5: {  	v28 =	vshll.u32 v3, $0x1  }
0x5a6: {  	v3 =	vand.u32 $0x7, v3;
	v4 =	vand.u32 $0xFFFFFFF0, v28  }
0x5a7: {  	v3 =	vor.u32 v3, v4  }
0x5a8: {  	v4 =	vperm.xlane v3, v0;
	_ =	sdelay $0x1  }
0x5a9: {  	v3 =	vperm.xlane v3, v2;
	v4 =	vadd.s32 v1, v4;
	_ =	sdelay $0x1  }
0x5aa: {  	v3 =	vadd.s32 v1, v3;
	_ =	sdelay $0x1  }
0x5ab: {  	s30 =	simm.s32 $0xD800  }
0x5ac: {  	[hbm4b:s3+s4] =	stream.indirect_vreg.scatter [tilespmem:s30], [sflag:$0x4], $0x80, v4, vm0, $0xb8;
	[tilespmem:$0x1C800] =	vst v63  }
0x5ad: {  	s2 =	simm.s32 $0xE000  }
0x5ae: {  	[hbm4b:s3+s4] =	stream.indirect_vreg.scatter [tilespmem:s2], [sflag:$0x4], $0x80, v3, vm0, $0xb8;
	[tilespmem:$0x1C800] =	vst v63  }
0x5af: {  	v3 =	vld [tilespmem:$0x610];
	_ =	sdelay $0x4  }
0x5b0: {  	v29 =	vshll.u32 v3, $0x1  }
0x5b1: {  	v3 =	vand.u32 $0x7, v3;
	v4 =	vand.u32 $0xFFFFFFF0, v29  }
0x5b2: {  	v3 =	vor.u32 v3, v4  }
0x5b3: {  	v4 =	vperm.xlane v3, v0;
	_ =	sdelay $0x1  }
0x5b4: {  	v3 =	vperm.xlane v3, v2;
	v4 =	vadd.s32 v1, v4;
	_ =	sdelay $0x1  }
0x5b5: {  	v3 =	vadd.s32 v1, v3;
	_ =	sdelay $0x1  }
0x5b6: {  	s31 =	simm.s32 $0xE800  }
0x5b7: {  	[hbm4b:s3+s4] =	stream.indirect_vreg.scatter [tilespmem:s31], [sflag:$0x4], $0x80, v4, vm0, $0xb8;
	[tilespmem:$0x1C800] =	vst v63  }
0x5b8: {  	s5 =	simm.s32 $0xF000  }
0x5b9: {  	[hbm4b:s3+s4] =	stream.indirect_vreg.scatter [tilespmem:s5], [sflag:$0x4], $0x80, v3, vm0, $0xb8;
	[tilespmem:$0x1C800] =	vst v63  }
0x5ba: {  	v3 =	vld [tilespmem:$0x620];
	_ =	sdelay $0x4  }
0x5bb: {  	v30 =	vshll.u32 v3, $0x1  }
0x5bc: {  	v3 =	vand.u32 $0x7, v3;
	v4 =	vand.u32 $0xFFFFFFF0, v30  }
0x5bd: {  	v3 =	vor.u32 v3, v4  }
0x5be: {  	v4 =	vperm.xlane v3, v0;
	_ =	sdelay $0x1  }
0x5bf: {  	v3 =	vperm.xlane v3, v2;
	v4 =	vadd.s32 v1, v4;
	_ =	sdelay $0x1  }
0x5c0: {  	v3 =	vadd.s32 v1, v3;
	_ =	sdelay $0x1  }
0x5c1: {  	s22 =	simm.s32 $0xF800  }
0x5c2: {  	[hbm4b:s3+s4] =	stream.indirect_vreg.scatter [tilespmem:s22], [sflag:$0x4], $0x80, v4, vm0, $0xb8;
	[tilespmem:$0x1C800] =	vst v63  }
0x5c3: {  	s9 =	simm.s32 $0x10000  }
0x5c4: {  	[hbm4b:s3+s4] =	stream.indirect_vreg.scatter [tilespmem:s9], [sflag:$0x4], $0x80, v3, vm0, $0xb8;
	[tilespmem:$0x1C800] =	vst v63  }
0x5c5: {  	v3 =	vld [tilespmem:$0x630];
	_ =	sdelay $0x4  }
0x5c6: {  	v31 =	vshll.u32 v3, $0x1  }
0x5c7: {  	v3 =	vand.u32 $0x7, v3;
	v4 =	vand.u32 $0xFFFFFFF0, v31  }
0x5c8: {  	v3 =	vor.u32 v3, v4  }
0x5c9: {  	v4 =	vperm.xlane v3, v0;
	_ =	sdelay $0x1  }
0x5ca: {  	v3 =	vperm.xlane v3, v2;
	v4 =	vadd.s32 v1, v4;
	_ =	sdelay $0x1  }
0x5cb: {  	v3 =	vadd.s32 v1, v3;
	_ =	sdelay $0x1  }
0x5cc: {  	s10 =	simm.s32 $0x10800  }
0x5cd: {  	[hbm4b:s3+s4] =	stream.indirect_vreg.scatter [tilespmem:s10], [sflag:$0x4], $0x80, v4, vm0, $0xb8;
	[tilespmem:$0x1C800] =	vst v63  }
0x5ce: {  	s11 =	simm.s32 $0x11000  }
0x5cf: {  	[hbm4b:s3+s4] =	stream.indirect_vreg.scatter [tilespmem:s11], [sflag:$0x4], $0x80, v3, vm0, $0xb8;
	[tilespmem:$0x1C800] =	vst v63  }
0x5d0: {  	v3 =	vld [tilespmem:$0x640];
	_ =	sdelay $0x4  }
0x5d1: {  	v32 =	vshll.u32 v3, $0x1  }
0x5d2: {  	v3 =	vand.u32 $0x7, v3;
	v4 =	vand.u32 $0xFFFFFFF0, v32  }
0x5d3: {  	v3 =	vor.u32 v3, v4  }
0x5d4: {  	v4 =	vperm.xlane v3, v0;
	_ =	sdelay $0x1  }
0x5d5: {  	v3 =	vperm.xlane v3, v2;
	v4 =	vadd.s32 v1, v4;
	_ =	sdelay $0x1  }
0x5d6: {  	v3 =	vadd.s32 v1, v3;
	_ =	sdelay $0x1  }
0x5d7: {  	s12 =	simm.s32 $0x11800  }
0x5d8: {  	[hbm4b:s3+s4] =	stream.indirect_vreg.scatter [tilespmem:s12], [sflag:$0x4], $0x80, v4, vm0, $0xb8;
	[tilespmem:$0x1C800] =	vst v63  }
0x5d9: {  	s13 =	simm.s32 $0x12000  }
0x5da: {  	[hbm4b:s3+s4] =	stream.indirect_vreg.scatter [tilespmem:s13], [sflag:$0x4], $0x80, v3, vm0, $0xb8;
	[tilespmem:$0x1C800] =	vst v63  }
0x5db: {  	v3 =	vld [tilespmem:$0x650];
	_ =	sdelay $0x4  }
0x5dc: {  	v33 =	vshll.u32 v3, $0x1  }
0x5dd: {  	v3 =	vand.u32 $0x7, v3;
	v4 =	vand.u32 $0xFFFFFFF0, v33  }
0x5de: {  	v3 =	vor.u32 v3, v4  }
0x5df: {  	v4 =	vperm.xlane v3, v0;
	_ =	sdelay $0x1  }
0x5e0: {  	v3 =	vperm.xlane v3, v2;
	v4 =	vadd.s32 v1, v4;
	_ =	sdelay $0x1  }
0x5e1: {  	v3 =	vadd.s32 v1, v3;
	_ =	sdelay $0x1  }
0x5e2: {  	s14 =	simm.s32 $0x12800  }
0x5e3: {  	[hbm4b:s3+s4] =	stream.indirect_vreg.scatter [tilespmem:s14], [sflag:$0x4], $0x80, v4, vm0, $0xb8;
	[tilespmem:$0x1C800] =	vst v63  }
0x5e4: {  	s15 =	simm.s32 $0x13000  }
0x5e5: {  	[hbm4b:s3+s4] =	stream.indirect_vreg.scatter [tilespmem:s15], [sflag:$0x4], $0x80, v3, vm0, $0xb8;
	[tilespmem:$0x1C800] =	vst v63  }
0x5e6: {  	v3 =	vld [tilespmem:$0x660];
	_ =	sdelay $0x4  }
0x5e7: {  	v34 =	vshll.u32 v3, $0x1  }
0x5e8: {  	v3 =	vand.u32 $0x7, v3;
	v4 =	vand.u32 $0xFFFFFFF0, v34  }
0x5e9: {  	v3 =	vor.u32 v3, v4  }
0x5ea: {  	v4 =	vperm.xlane v3, v0;
	_ =	sdelay $0x1  }
0x5eb: {  	v3 =	vperm.xlane v3, v2;
	v4 =	vadd.s32 v1, v4;
	_ =	sdelay $0x1  }
0x5ec: {  	v3 =	vadd.s32 v1, v3;
	_ =	sdelay $0x1  }
0x5ed: {  	s16 =	simm.s32 $0x13800  }
0x5ee: {  	[hbm4b:s3+s4] =	stream.indirect_vreg.scatter [tilespmem:s16], [sflag:$0x4], $0x80, v4, vm0, $0xb8;
	[tilespmem:$0x1C800] =	vst v63  }
0x5ef: {  	s18 =	simm.s32 $0x14000  }
0x5f0: {  	[hbm4b:s3+s4] =	stream.indirect_vreg.scatter [tilespmem:s18], [sflag:$0x4], $0x80, v3, vm0, $0xb8;
	[tilespmem:$0x1C800] =	vst v63  }
0x5f1: {  	v3 =	vld.msk [tilespmem:$0x670], $0xff;
	_ =	sdelay $0x4  }
0x5f2: {  	v35 =	vshll.u32 v3, $0x1  }
0x5f3: {  	v3 =	vand.u32 $0x7, v3;
	v4 =	vand.u32 $0xFFFFFFF0, v35  }
0x5f4: {  	v3 =	vor.u32 v3, v4  }
0x5f5: {  	v3 =	vperm.xlane v3, v0;
	_ =	sdelay $0x1  }
0x5f6: {  	v3 =	vadd.s32 v1, v3;
	_ =	sdelay $0x3  }
0x5f7: {  	s24 =	simm.s32 $0x14800  }
0x5f8: {  	[hbm4b:s3+s4] =	stream.indirect_vreg.scatter [tilespmem:s24], [sflag:$0x4], $0x80, v3, vm0, $0xb8;
	[tilespmem:$0x1C800] =	vst v63  }
0x5f9: {  	_ =	swait.ge [sflag:s29], $0x6400  }
0x5fa: {  	[sflag:s29] =	ssyncset.done $0x0  }
0x5fb: {  	[sflag:s29] =	ssyncadd.s32 $0xFFFF9C00  }
0x5fc: {  	v3 =	vld [tilespmem:$0x180];
	_ =	sdelay $0x4  }
0x5fd: {  	v36 =	vshll.u32 v3, $0x1  }
0x5fe: {  	v3 =	vand.u32 $0x7, v3;
	v4 =	vand.u32 $0xFFFFFFF0, v36  }
0x5ff: {  	v3 =	vor.u32 v3, v4  }
0x600: {  	v4 =	vperm.xlane v3, v0;
	_ =	sdelay $0x1  }
0x601: {  	v3 =	vperm.xlane v3, v2;
	v4 =	vadd.s32 v1, v4;
	_ =	sdelay $0x1  }
0x602: {  	v3 =	vadd.s32 v1, v3;
	_ =	sdelay $0x1  }
0x603: {  	s0 =	simm.s32 $0x800  }
0x604: {  	[hbm4b:s3+s4] =	stream.indirect_vreg.scatter [tilespmem:s0], [sflag:$0x2], $0x80, v4, vm0, $0xb8;
	[tilespmem:$0x1C800] =	vst v63  }
0x605: {  	s11 =	simm.s32 $0x1000  }
0x606: {  	[hbm4b:s3+s4] =	stream.indirect_vreg.scatter [tilespmem:s11], [sflag:$0x2], $0x80, v3, vm0, $0xb8;
	[tilespmem:$0x1C800] =	vst v63  }
0x607: {  	v3 =	vld [tilespmem:$0x190];
	_ =	sdelay $0x4  }
0x608: {  	v37 =	vshll.u32 v3, $0x1  }
0x609: {  	v3 =	vand.u32 $0x7, v3;
	v4 =	vand.u32 $0xFFFFFFF0, v37  }
0x60a: {  	v3 =	vor.u32 v3, v4  }
0x60b: {  	v4 =	vperm.xlane v3, v0;
	_ =	sdelay $0x1  }
0x60c: {  	v3 =	vperm.xlane v3, v2;
	v4 =	vadd.s32 v1, v4;
	_ =	sdelay $0x1  }
0x60d: {  	v3 =	vadd.s32 v1, v3;
	_ =	sdelay $0x1  }
0x60e: {  	s2 =	simm.s32 $0x1800  }
0x60f: {  	[hbm4b:s3+s4] =	stream.indirect_vreg.scatter [tilespmem:s2], [sflag:$0x2], $0x80, v4, vm0, $0xb8;
	[tilespmem:$0x1C800] =	vst v63  }
0x610: {  	s12 =	simm.s32 $0x2000  }
0x611: {  	[hbm4b:s3+s4] =	stream.indirect_vreg.scatter [tilespmem:s12], [sflag:$0x2], $0x80, v3, vm0, $0xb8;
	[tilespmem:$0x1C800] =	vst v63  }
0x612: {  	v3 =	vld [tilespmem:$0x1A0];
	_ =	sdelay $0x4  }
0x613: {  	v38 =	vshll.u32 v3, $0x1  }
0x614: {  	v3 =	vand.u32 $0x7, v3;
	v4 =	vand.u32 $0xFFFFFFF0, v38  }
0x615: {  	v3 =	vor.u32 v3, v4  }
0x616: {  	v4 =	vperm.xlane v3, v0;
	_ =	sdelay $0x1  }
0x617: {  	v3 =	vperm.xlane v3, v2;
	v4 =	vadd.s32 v1, v4;
	_ =	sdelay $0x1  }
0x618: {  	v3 =	vadd.s32 v1, v3;
	_ =	sdelay $0x1  }
0x619: {  	s5 =	simm.s32 $0x2800  }
0x61a: {  	[hbm4b:s3+s4] =	stream.indirect_vreg.scatter [tilespmem:s5], [sflag:$0x2], $0x80, v4, vm0, $0xb8;
	[tilespmem:$0x1C800] =	vst v63  }
0x61b: {  	s13 =	simm.s32 $0x3000  }
0x61c: {  	[hbm4b:s3+s4] =	stream.indirect_vreg.scatter [tilespmem:s13], [sflag:$0x2], $0x80, v3, vm0, $0xb8;
	[tilespmem:$0x1C800] =	vst v63  }
0x61d: {  	v3 =	vld [tilespmem:$0x1B0];
	_ =	sdelay $0x4  }
0x61e: {  	v39 =	vshll.u32 v3, $0x1  }
0x61f: {  	v3 =	vand.u32 $0x7, v3;
	v4 =	vand.u32 $0xFFFFFFF0, v39  }
0x620: {  	v3 =	vor.u32 v3, v4  }
0x621: {  	v4 =	vperm.xlane v3, v0;
	_ =	sdelay $0x1  }
0x622: {  	v3 =	vperm.xlane v3, v2;
	v4 =	vadd.s32 v1, v4;
	_ =	sdelay $0x1  }
0x623: {  	v3 =	vadd.s32 v1, v3;
	_ =	sdelay $0x1  }
0x624: {  	s9 =	simm.s32 $0x3800  }
0x625: {  	[hbm4b:s3+s4] =	stream.indirect_vreg.scatter [tilespmem:s9], [sflag:$0x2], $0x80, v4, vm0, $0xb8;
	[tilespmem:$0x1C800] =	vst v63  }
0x626: {  	s14 =	simm.s32 $0x4000  }
0x627: {  	[hbm4b:s3+s4] =	stream.indirect_vreg.scatter [tilespmem:s14], [sflag:$0x2], $0x80, v3, vm0, $0xb8;
	[tilespmem:$0x1C800] =	vst v63  }
0x628: {  	v3 =	vld [tilespmem:$0x1C0];
	_ =	sdelay $0x4  }
0x629: {  	v40 =	vshll.u32 v3, $0x1  }
0x62a: {  	v3 =	vand.u32 $0x7, v3;
	v4 =	vand.u32 $0xFFFFFFF0, v40  }
0x62b: {  	v3 =	vor.u32 v3, v4  }
0x62c: {  	v4 =	vperm.xlane v3, v0;
	_ =	sdelay $0x1  }
0x62d: {  	v3 =	vperm.xlane v3, v2;
	v4 =	vadd.s32 v1, v4;
	_ =	sdelay $0x1  }
0x62e: {  	v3 =	vadd.s32 v1, v3;
	_ =	sdelay $0x1  }
0x62f: {  	s6 =	simm.s32 $0x4800  }
0x630: {  	[hbm4b:s3+s4] =	stream.indirect_vreg.scatter [tilespmem:s6], [sflag:$0x2], $0x80, v4, vm0, $0xb8;
	[tilespmem:$0x1C800] =	vst v63  }
0x631: {  	s15 =	simm.s32 $0x5000  }
0x632: {  	[hbm4b:s3+s4] =	stream.indirect_vreg.scatter [tilespmem:s15], [sflag:$0x2], $0x80, v3, vm0, $0xb8;
	[tilespmem:$0x1C800] =	vst v63  }
0x633: {  	v3 =	vld [tilespmem:$0x1D0];
	_ =	sdelay $0x4  }
0x634: {  	v41 =	vshll.u32 v3, $0x1  }
0x635: {  	v3 =	vand.u32 $0x7, v3;
	v4 =	vand.u32 $0xFFFFFFF0, v41  }
0x636: {  	v3 =	vor.u32 v3, v4  }
0x637: {  	v4 =	vperm.xlane v3, v0;
	_ =	sdelay $0x1  }
0x638: {  	v3 =	vperm.xlane v3, v2;
	v4 =	vadd.s32 v1, v4;
	_ =	sdelay $0x1  }
0x639: {  	v3 =	vadd.s32 v1, v3;
	_ =	sdelay $0x1  }
0x63a: {  	s10 =	simm.s32 $0x5800  }
0x63b: {  	[hbm4b:s3+s4] =	stream.indirect_vreg.scatter [tilespmem:s10], [sflag:$0x2], $0x80, v4, vm0, $0xb8;
	[tilespmem:$0x1C800] =	vst v63  }
0x63c: {  	s16 =	simm.s32 $0x6000  }
0x63d: {  	[hbm4b:s3+s4] =	stream.indirect_vreg.scatter [tilespmem:s16], [sflag:$0x2], $0x80, v3, vm0, $0xb8;
	[tilespmem:$0x1C800] =	vst v63  }
0x63e: {  	v3 =	vld.msk [tilespmem:$0x1E0], $0xf;
	_ =	sdelay $0x4  }
0x63f: {  	v42 =	vshll.u32 v3, $0x1  }
0x640: {  	v3 =	vand.u32 $0x7, v3;
	v4 =	vand.u32 $0xFFFFFFF0, v42  }
0x641: {  	v3 =	vor.u32 v3, v4  }
0x642: {  	v3 =	vperm.xlane v3, v0;
	_ =	sdelay $0x1  }
0x643: {  	v3 =	vadd.s32 v1, v3;
	_ =	sdelay $0x3  }
0x644: {  	s17 =	simm.s32 $0x6800  }
0x645: {  	[hbm4b:s3+s4] =	stream.indirect_vreg.scatter [tilespmem:s17], [sflag:$0x2], $0x80, v3, vm1, $0xb8;
	[tilespmem:$0x1C800] =	vst v63  }
0x646: {  	_ =	swait.ge [sflag:s29], $0x6400  }
0x647: {  	[sflag:s29] =	ssyncset.done $0x0  }
0x648: {  	[sflag:s29] =	ssyncadd.s32 $0xFFFF9C00  }
0x649: {  	v3 =	vld [tilespmem:$0x200];
	_ =	sdelay $0x4  }
0x64a: {  	v43 =	vshll.u32 v3, $0x1  }
0x64b: {  	v3 =	vand.u32 $0x7, v3;
	v4 =	vand.u32 $0xFFFFFFF0, v43  }
0x64c: {  	v3 =	vor.u32 v3, v4  }
0x64d: {  	v4 =	vperm.xlane v3, v0;
	_ =	sdelay $0x1  }
0x64e: {  	v3 =	vperm.xlane v3, v2;
	v4 =	vadd.s32 v1, v4;
	_ =	sdelay $0x1  }
0x64f: {  	v3 =	vadd.s32 v1, v3;
	_ =	sdelay $0x1  }
0x650: {  	s25 =	simm.s32 $0x7000  }
0x651: {  	[hbm4b:s3+s4] =	stream.indirect_vreg.scatter [tilespmem:s25], [sflag:$0x2], $0x80, v4, vm0, $0xb8;
	[tilespmem:$0x1C800] =	vst v63  }
0x652: {  	s28 =	simm.s32 $0x7800  }
0x653: {  	[hbm4b:s3+s4] =	stream.indirect_vreg.scatter [tilespmem:s28], [sflag:$0x2], $0x80, v3, vm0, $0xb8;
	[tilespmem:$0x1C800] =	vst v63  }
0x654: {  	v3 =	vld [tilespmem:$0x210];
	_ =	sdelay $0x4  }
0x655: {  	v44 =	vshll.u32 v3, $0x1  }
0x656: {  	v3 =	vand.u32 $0x7, v3;
	v4 =	vand.u32 $0xFFFFFFF0, v44  }
0x657: {  	v3 =	vor.u32 v3, v4  }
0x658: {  	v4 =	vperm.xlane v3, v0;
	_ =	sdelay $0x1  }
0x659: {  	v3 =	vperm.xlane v3, v2;
	v4 =	vadd.s32 v1, v4;
	_ =	sdelay $0x1  }
0x65a: {  	v3 =	vadd.s32 v1, v3;
	_ =	sdelay $0x1  }
0x65b: {  	s30 =	simm.s32 $0x8000  }
0x65c: {  	[hbm4b:s3+s4] =	stream.indirect_vreg.scatter [tilespmem:s30], [sflag:$0x2], $0x80, v4, vm0, $0xb8;
	[tilespmem:$0x1C800] =	vst v63  }
0x65d: {  	s31 =	simm.s32 $0x8800  }
0x65e: {  	[hbm4b:s3+s4] =	stream.indirect_vreg.scatter [tilespmem:s31], [sflag:$0x2], $0x80, v3, vm0, $0xb8;
	[tilespmem:$0x1C800] =	vst v63  }
0x65f: {  	v3 =	vld [tilespmem:$0x220];
	_ =	sdelay $0x4  }
0x660: {  	v45 =	vshll.u32 v3, $0x1  }
0x661: {  	v3 =	vand.u32 $0x7, v3;
	v4 =	vand.u32 $0xFFFFFFF0, v45  }
0x662: {  	v3 =	vor.u32 v3, v4  }
0x663: {  	v4 =	vperm.xlane v3, v0;
	_ =	sdelay $0x1  }
0x664: {  	v3 =	vperm.xlane v3, v2;
	v4 =	vadd.s32 v1, v4;
	_ =	sdelay $0x1  }
0x665: {  	v3 =	vadd.s32 v1, v3;
	_ =	sdelay $0x1  }
0x666: {  	s18 =	simm.s32 $0x9000  }
0x667: {  	[hbm4b:s3+s4] =	stream.indirect_vreg.scatter [tilespmem:s18], [sflag:$0x2], $0x80, v4, vm0, $0xb8;
	[tilespmem:$0x1C800] =	vst v63  }
0x668: {  	s19 =	simm.s32 $0x9800  }
0x669: {  	[hbm4b:s3+s4] =	stream.indirect_vreg.scatter [tilespmem:s19], [sflag:$0x2], $0x80, v3, vm0, $0xb8;
	[tilespmem:$0x1C800] =	vst v63  }
0x66a: {  	v3 =	vld [tilespmem:$0x230];
	_ =	sdelay $0x4  }
0x66b: {  	v46 =	vshll.u32 v3, $0x1  }
0x66c: {  	v3 =	vand.u32 $0x7, v3;
	v4 =	vand.u32 $0xFFFFFFF0, v46  }
0x66d: {  	v3 =	vor.u32 v3, v4  }
0x66e: {  	v4 =	vperm.xlane v3, v0;
	_ =	sdelay $0x1  }
0x66f: {  	v3 =	vperm.xlane v3, v2;
	v4 =	vadd.s32 v1, v4;
	_ =	sdelay $0x1  }
0x670: {  	v3 =	vadd.s32 v1, v3;
	_ =	sdelay $0x1  }
0x671: {  	s20 =	simm.s32 $0xA000  }
0x672: {  	[hbm4b:s3+s4] =	stream.indirect_vreg.scatter [tilespmem:s20], [sflag:$0x2], $0x80, v4, vm0, $0xb8;
	[tilespmem:$0x1C800] =	vst v63  }
0x673: {  	s21 =	simm.s32 $0xA800  }
0x674: {  	[hbm4b:s3+s4] =	stream.indirect_vreg.scatter [tilespmem:s21], [sflag:$0x2], $0x80, v3, vm0, $0xb8;
	[tilespmem:$0x1C800] =	vst v63  }
0x675: {  	v3 =	vld [tilespmem:$0x240];
	_ =	sdelay $0x4  }
0x676: {  	v47 =	vshll.u32 v3, $0x1  }
0x677: {  	v3 =	vand.u32 $0x7, v3;
	v4 =	vand.u32 $0xFFFFFFF0, v47  }
0x678: {  	v3 =	vor.u32 v3, v4  }
0x679: {  	v4 =	vperm.xlane v3, v0;
	_ =	sdelay $0x1  }
0x67a: {  	v3 =	vperm.xlane v3, v2;
	v4 =	vadd.s32 v1, v4;
	_ =	sdelay $0x1  }
0x67b: {  	v3 =	vadd.s32 v1, v3;
	_ =	sdelay $0x1  }
0x67c: {  	s22 =	simm.s32 $0xB000  }
0x67d: {  	[hbm4b:s3+s4] =	stream.indirect_vreg.scatter [tilespmem:s22], [sflag:$0x2], $0x80, v4, vm0, $0xb8;
	[tilespmem:$0x1C800] =	vst v63  }
0x67e: {  	s24 =	simm.s32 $0xB800  }
0x67f: {  	[hbm4b:s3+s4] =	stream.indirect_vreg.scatter [tilespmem:s24], [sflag:$0x2], $0x80, v3, vm0, $0xb8;
	[tilespmem:$0x1C800] =	vst v63  }
0x680: {  	v3 =	vld [tilespmem:$0x250];
	_ =	sdelay $0x4  }
0x681: {  	v48 =	vshll.u32 v3, $0x1  }
0x682: {  	v3 =	vand.u32 $0x7, v3;
	v4 =	vand.u32 $0xFFFFFFF0, v48  }
0x683: {  	v3 =	vor.u32 v3, v4  }
0x684: {  	v4 =	vperm.xlane v3, v0;
	_ =	sdelay $0x1  }
0x685: {  	v3 =	vperm.xlane v3, v2;
	v4 =	vadd.s32 v1, v4;
	_ =	sdelay $0x1  }
0x686: {  	v3 =	vadd.s32 v1, v3;
	_ =	sdelay $0x1  }
0x687: {  	s25 =	simm.s32 $0xC000  }
0x688: {  	[hbm4b:s3+s4] =	stream.indirect_vreg.scatter [tilespmem:s25], [sflag:$0x2], $0x80, v4, vm0, $0xb8;
	[tilespmem:$0x1C800] =	vst v63  }
0x689: {  	s28 =	simm.s32 $0xC800  }
0x68a: {  	[hbm4b:s3+s4] =	stream.indirect_vreg.scatter [tilespmem:s28], [sflag:$0x2], $0x80, v3, vm0, $0xb8;
	[tilespmem:$0x1C800] =	vst v63  }
0x68b: {  	v3 =	vld.msk [tilespmem:$0x260], $0xf;
	_ =	sdelay $0x4  }
0x68c: {  	v49 =	vshll.u32 v3, $0x1  }
0x68d: {  	v3 =	vand.u32 $0x7, v3;
	v4 =	vand.u32 $0xFFFFFFF0, v49  }
0x68e: {  	v3 =	vor.u32 v3, v4  }
0x68f: {  	v3 =	vperm.xlane v3, v0;
	_ =	sdelay $0x1  }
0x690: {  	v3 =	vadd.s32 v1, v3;
	_ =	sdelay $0x3  }
0x691: {  	s30 =	simm.s32 $0xD000  }
0x692: {  	[hbm4b:s3+s4] =	stream.indirect_vreg.scatter [tilespmem:s30], [sflag:$0x2], $0x80, v3, vm1, $0xb8;
	[tilespmem:$0x1C800] =	vst v63  }
0x693: {  	_ =	swait.ge [sflag:s7], $0x6400  }
0x694: {  	[sflag:s7] =	ssyncset.done $0x0  }
0x695: {  	[sflag:s7] =	ssyncadd.s32 $0xFFFF9C00  }
0x696: {  	v3 =	vld [tilespmem:$0x100];
	_ =	sdelay $0x4  }
0x697: {  	v50 =	vshll.u32 v3, $0x1  }
0x698: {  	v3 =	vand.u32 $0x7, v3;
	v4 =	vand.u32 $0xFFFFFFF0, v50  }
0x699: {  	v3 =	vor.u32 v3, v4  }
0x69a: {  	v4 =	vperm.xlane v3, v0;
	_ =	sdelay $0x1  }
0x69b: {  	v3 =	vperm.xlane v3, v2;
	v4 =	vadd.s32 v1, v4;
	_ =	sdelay $0x1  }
0x69c: {  	v3 =	vadd.s32 v1, v3;
	_ =	sdelay $0x2  }
0x69d: {  	[tilespmem:s0], [sflag:$0x1] =	stream.indirect_vreg.gather [hbm4b:s1+s4], $0x80, v4, vm0, $0xb8;
	[tilespmem:$0x1C800] =	vst v63  }
0x69e: {  	_ = 	snop  }
0x69f: {  	[tilespmem:s11], [sflag:$0x1] =	stream.indirect_vreg.gather [hbm4b:s1+s4], $0x80, v3, vm0, $0xb8;
	[tilespmem:$0x1C800] =	vst v63  }
0x6a0: {  	v3 =	vld [tilespmem:$0x110];
	_ =	sdelay $0x4  }
0x6a1: {  	v51 =	vshll.u32 v3, $0x1  }
0x6a2: {  	v3 =	vand.u32 $0x7, v3;
	v4 =	vand.u32 $0xFFFFFFF0, v51  }
0x6a3: {  	v3 =	vor.u32 v3, v4  }
0x6a4: {  	v4 =	vperm.xlane v3, v0;
	_ =	sdelay $0x1  }
0x6a5: {  	v3 =	vperm.xlane v3, v2;
	v4 =	vadd.s32 v1, v4;
	_ =	sdelay $0x1  }
0x6a6: {  	v3 =	vadd.s32 v1, v3;
	_ =	sdelay $0x2  }
0x6a7: {  	[tilespmem:s2], [sflag:$0x1] =	stream.indirect_vreg.gather [hbm4b:s1+s4], $0x80, v4, vm0, $0xb8;
	[tilespmem:$0x1C800] =	vst v63  }
0x6a8: {  	_ = 	snop  }
0x6a9: {  	[tilespmem:s12], [sflag:$0x1] =	stream.indirect_vreg.gather [hbm4b:s1+s4], $0x80, v3, vm0, $0xb8;
	[tilespmem:$0x1C800] =	vst v63  }
0x6aa: {  	v3 =	vld [tilespmem:$0x120];
	_ =	sdelay $0x4  }
0x6ab: {  	v52 =	vshll.u32 v3, $0x1  }
0x6ac: {  	v3 =	vand.u32 $0x7, v3;
	v4 =	vand.u32 $0xFFFFFFF0, v52  }
0x6ad: {  	v3 =	vor.u32 v3, v4  }
0x6ae: {  	v4 =	vperm.xlane v3, v0;
	_ =	sdelay $0x1  }
0x6af: {  	v3 =	vperm.xlane v3, v2;
	v4 =	vadd.s32 v1, v4;
	_ =	sdelay $0x1  }
0x6b0: {  	v3 =	vadd.s32 v1, v3;
	_ =	sdelay $0x2  }
0x6b1: {  	[tilespmem:s5], [sflag:$0x1] =	stream.indirect_vreg.gather [hbm4b:s1+s4], $0x80, v4, vm0, $0xb8;
	[tilespmem:$0x1C800] =	vst v63  }
0x6b2: {  	_ = 	snop  }
0x6b3: {  	[tilespmem:s13], [sflag:$0x1] =	stream.indirect_vreg.gather [hbm4b:s1+s4], $0x80, v3, vm0, $0xb8;
	[tilespmem:$0x1C800] =	vst v63  }
0x6b4: {  	v3 =	vld [tilespmem:$0x130];
	_ =	sdelay $0x4  }
0x6b5: {  	v53 =	vshll.u32 v3, $0x1  }
0x6b6: {  	v3 =	vand.u32 $0x7, v3;
	v4 =	vand.u32 $0xFFFFFFF0, v53  }
0x6b7: {  	v3 =	vor.u32 v3, v4  }
0x6b8: {  	v4 =	vperm.xlane v3, v0;
	_ =	sdelay $0x1  }
0x6b9: {  	v3 =	vperm.xlane v3, v2;
	v4 =	vadd.s32 v1, v4;
	_ =	sdelay $0x1  }
0x6ba: {  	v3 =	vadd.s32 v1, v3;
	_ =	sdelay $0x2  }
0x6bb: {  	[tilespmem:s9], [sflag:$0x1] =	stream.indirect_vreg.gather [hbm4b:s1+s4], $0x80, v4, vm0, $0xb8;
	[tilespmem:$0x1C800] =	vst v63  }
0x6bc: {  	_ = 	snop  }
0x6bd: {  	[tilespmem:s14], [sflag:$0x1] =	stream.indirect_vreg.gather [hbm4b:s1+s4], $0x80, v3, vm0, $0xb8;
	[tilespmem:$0x1C800] =	vst v63  }
0x6be: {  	v3 =	vld [tilespmem:$0x140];
	_ =	sdelay $0x4  }
0x6bf: {  	v54 =	vshll.u32 v3, $0x1  }
0x6c0: {  	v3 =	vand.u32 $0x7, v3;
	v4 =	vand.u32 $0xFFFFFFF0, v54  }
0x6c1: {  	v3 =	vor.u32 v3, v4  }
0x6c2: {  	v4 =	vperm.xlane v3, v0;
	_ =	sdelay $0x1  }
0x6c3: {  	v3 =	vperm.xlane v3, v2;
	v4 =	vadd.s32 v1, v4;
	_ =	sdelay $0x1  }
0x6c4: {  	v3 =	vadd.s32 v1, v3;
	_ =	sdelay $0x2  }
0x6c5: {  	[tilespmem:s6], [sflag:$0x1] =	stream.indirect_vreg.gather [hbm4b:s1+s4], $0x80, v4, vm0, $0xb8;
	[tilespmem:$0x1C800] =	vst v63  }
0x6c6: {  	_ = 	snop  }
0x6c7: {  	[tilespmem:s15], [sflag:$0x1] =	stream.indirect_vreg.gather [hbm4b:s1+s4], $0x80, v3, vm0, $0xb8;
	[tilespmem:$0x1C800] =	vst v63  }
0x6c8: {  	v3 =	vld [tilespmem:$0x150];
	_ =	sdelay $0x4  }
0x6c9: {  	v55 =	vshll.u32 v3, $0x1  }
0x6ca: {  	v3 =	vand.u32 $0x7, v3;
	v4 =	vand.u32 $0xFFFFFFF0, v55  }
0x6cb: {  	v3 =	vor.u32 v3, v4  }
0x6cc: {  	v4 =	vperm.xlane v3, v0;
	_ =	sdelay $0x1  }
0x6cd: {  	v3 =	vperm.xlane v3, v2;
	v4 =	vadd.s32 v1, v4;
	_ =	sdelay $0x1  }
0x6ce: {  	v3 =	vadd.s32 v1, v3;
	_ =	sdelay $0x2  }
0x6cf: {  	[tilespmem:s10], [sflag:$0x1] =	stream.indirect_vreg.gather [hbm4b:s1+s4], $0x80, v4, vm0, $0xb8;
	[tilespmem:$0x1C800] =	vst v63  }
0x6d0: {  	_ = 	snop  }
0x6d1: {  	[tilespmem:s16], [sflag:$0x1] =	stream.indirect_vreg.gather [hbm4b:s1+s4], $0x80, v3, vm0, $0xb8;
	[tilespmem:$0x1C800] =	vst v63  }
0x6d2: {  	v3 =	vld.msk [tilespmem:$0x160], $0xf;
	_ =	sdelay $0x4  }
0x6d3: {  	v56 =	vshll.u32 v3, $0x1  }
0x6d4: {  	v3 =	vand.u32 $0x7, v3;
	v4 =	vand.u32 $0xFFFFFFF0, v56  }
0x6d5: {  	v3 =	vor.u32 v3, v4  }
0x6d6: {  	v3 =	vperm.xlane v3, v0;
	_ =	sdelay $0x1  }
0x6d7: {  	v3 =	vadd.s32 v1, v3;
	_ =	sdelay $0x4  }
0x6d8: {  	[tilespmem:s17], [sflag:$0x1] =	stream.indirect_vreg.gather [hbm4b:s1+s4], $0x80, v3, vm1, $0xb8;
	[tilespmem:$0x1C800] =	vst v63  }
0x6d9: {  	_ =	swait.ge [sflag:s29], $0x6400  }
0x6da: {  	[sflag:s29] =	ssyncset.done $0x0  }
0x6db: {  	[sflag:s29] =	ssyncadd.s32 $0xFFFF9C00  }
0x6dc: {  	v3 =	vld [tilespmem:$0x280];
	_ =	sdelay $0x4  }
0x6dd: {  	v57 =	vshll.u32 v3, $0x1  }
0x6de: {  	v3 =	vand.u32 $0x7, v3;
	v4 =	vand.u32 $0xFFFFFFF0, v57  }
0x6df: {  	v3 =	vor.u32 v3, v4  }
0x6e0: {  	v4 =	vperm.xlane v3, v0;
	_ =	sdelay $0x1  }
0x6e1: {  	v3 =	vperm.xlane v3, v2;
	v4 =	vadd.s32 v1, v4;
	_ =	sdelay $0x1  }
0x6e2: {  	v3 =	vadd.s32 v1, v3;
	_ =	sdelay $0x1  }
0x6e3: {  	s31 =	simm.s32 $0x800  }
0x6e4: {  	[hbm4b:s3+s4] =	stream.indirect_vreg.scatter [tilespmem:s31], [sflag:$0x2], $0x80, v4, vm0, $0xb8;
	[tilespmem:$0x1C800] =	vst v63  }
0x6e5: {  	s11 =	simm.s32 $0x1000  }
0x6e6: {  	[hbm4b:s3+s4] =	stream.indirect_vreg.scatter [tilespmem:s11], [sflag:$0x2], $0x80, v3, vm0, $0xb8;
	[tilespmem:$0x1C800] =	vst v63  }
0x6e7: {  	v3 =	vld [tilespmem:$0x290];
	_ =	sdelay $0x4  }
0x6e8: {  	v58 =	vshll.u32 v3, $0x1  }
0x6e9: {  	v3 =	vand.u32 $0x7, v3;
	v4 =	vand.u32 $0xFFFFFFF0, v58  }
0x6ea: {  	v3 =	vor.u32 v3, v4  }
0x6eb: {  	v4 =	vperm.xlane v3, v0;
	_ =	sdelay $0x1  }
0x6ec: {  	v3 =	vperm.xlane v3, v2;
	v4 =	vadd.s32 v1, v4;
	_ =	sdelay $0x1  }
0x6ed: {  	v3 =	vadd.s32 v1, v3;
	_ =	sdelay $0x1  }
0x6ee: {  	s2 =	simm.s32 $0x1800  }
0x6ef: {  	[hbm4b:s3+s4] =	stream.indirect_vreg.scatter [tilespmem:s2], [sflag:$0x2], $0x80, v4, vm0, $0xb8;
	[tilespmem:$0x1C800] =	vst v63  }
0x6f0: {  	s8 =	simm.s32 $0x2000  }
0x6f1: {  	[hbm4b:s3+s4] =	stream.indirect_vreg.scatter [tilespmem:s8], [sflag:$0x2], $0x80, v3, vm0, $0xb8;
	[tilespmem:$0x1C800] =	vst v63  }
0x6f2: {  	v3 =	vld [tilespmem:$0x2A0];
	_ =	sdelay $0x4  }
0x6f3: {  	v59 =	vshll.u32 v3, $0x1  }
0x6f4: {  	v3 =	vand.u32 $0x7, v3;
	v4 =	vand.u32 $0xFFFFFFF0, v59  }
0x6f5: {  	v3 =	vor.u32 v3, v4  }
0x6f6: {  	v4 =	vperm.xlane v3, v0;
	_ =	sdelay $0x1  }
0x6f7: {  	v3 =	vperm.xlane v3, v2;
	v4 =	vadd.s32 v1, v4;
	_ =	sdelay $0x1  }
0x6f8: {  	v3 =	vadd.s32 v1, v3;
	_ =	sdelay $0x1  }
0x6f9: {  	s18 =	simm.s32 $0x2800  }
0x6fa: {  	[hbm4b:s3+s4] =	stream.indirect_vreg.scatter [tilespmem:s18], [sflag:$0x2], $0x80, v4, vm0, $0xb8;
	[tilespmem:$0x1C800] =	vst v63  }
0x6fb: {  	s19 =	simm.s32 $0x3000  }
0x6fc: {  	[hbm4b:s3+s4] =	stream.indirect_vreg.scatter [tilespmem:s19], [sflag:$0x2], $0x80, v3, vm0, $0xb8;
	[tilespmem:$0x1C800] =	vst v63  }
0x6fd: {  	v3 =	vld [tilespmem:$0x2B0];
	_ =	sdelay $0x4  }
0x6fe: {  	v60 =	vshll.u32 v3, $0x1  }
0x6ff: {  	v3 =	vand.u32 $0x7, v3;
	v4 =	vand.u32 $0xFFFFFFF0, v60  }
0x700: {  	v3 =	vor.u32 v3, v4  }
0x701: {  	v4 =	vperm.xlane v3, v0;
	_ =	sdelay $0x1  }
0x702: {  	v3 =	vperm.xlane v3, v2;
	v4 =	vadd.s32 v1, v4;
	_ =	sdelay $0x1  }
0x703: {  	v3 =	vadd.s32 v1, v3;
	_ =	sdelay $0x1  }
0x704: {  	s20 =	simm.s32 $0x3800  }
0x705: {  	[hbm4b:s3+s4] =	stream.indirect_vreg.scatter [tilespmem:s20], [sflag:$0x2], $0x80, v4, vm0, $0xb8;
	[tilespmem:$0x1C800] =	vst v63  }
0x706: {  	s21 =	simm.s32 $0x4000  }
0x707: {  	[hbm4b:s3+s4] =	stream.indirect_vreg.scatter [tilespmem:s21], [sflag:$0x2], $0x80, v3, vm0, $0xb8;
	[tilespmem:$0x1C800] =	vst v63  }
0x708: {  	v3 =	vld [tilespmem:$0x2C0];
	_ =	sdelay $0x4  }
0x709: {  	v61 =	vshll.u32 v3, $0x1  }
0x70a: {  	v3 =	vand.u32 $0x7, v3;
	v4 =	vand.u32 $0xFFFFFFF0, v61  }
0x70b: {  	v3 =	vor.u32 v3, v4  }
0x70c: {  	v4 =	vperm.xlane v3, v0;
	_ =	sdelay $0x1  }
0x70d: {  	v3 =	vperm.xlane v3, v2;
	v4 =	vadd.s32 v1, v4;
	_ =	sdelay $0x1  }
0x70e: {  	v3 =	vadd.s32 v1, v3;
	_ =	sdelay $0x1  }
0x70f: {  	s22 =	simm.s32 $0x4800  }
0x710: {  	[hbm4b:s3+s4] =	stream.indirect_vreg.scatter [tilespmem:s22], [sflag:$0x2], $0x80, v4, vm0, $0xb8;
	[tilespmem:$0x1C800] =	vst v63  }
0x711: {  	s24 =	simm.s32 $0x5000  }
0x712: {  	[hbm4b:s3+s4] =	stream.indirect_vreg.scatter [tilespmem:s24], [sflag:$0x2], $0x80, v3, vm0, $0xb8;
	[tilespmem:$0x1C800] =	vst v63  }
0x713: {  	v3 =	vld [tilespmem:$0x2D0];
	_ =	sdelay $0x4  }
0x714: {  	v62 =	vshll.u32 v3, $0x1  }
0x715: {  	v3 =	vand.u32 $0x7, v3;
	v4 =	vand.u32 $0xFFFFFFF0, v62  }
0x716: {  	v3 =	vor.u32 v3, v4  }
0x717: {  	v4 =	vperm.xlane v3, v0;
	_ =	sdelay $0x1  }
0x718: {  	v3 =	vperm.xlane v3, v2;
	v4 =	vadd.s32 v1, v4;
	_ =	sdelay $0x1  }
0x719: {  	v3 =	vadd.s32 v1, v3;
	_ =	sdelay $0x1  }
0x71a: {  	s25 =	simm.s32 $0x5800  }
0x71b: {  	[hbm4b:s3+s4] =	stream.indirect_vreg.scatter [tilespmem:s25], [sflag:$0x2], $0x80, v4, vm0, $0xb8;
	[tilespmem:$0x1C800] =	vst v63  }
0x71c: {  	s28 =	simm.s32 $0x6000  }
0x71d: {  	[hbm4b:s3+s4] =	stream.indirect_vreg.scatter [tilespmem:s28], [sflag:$0x2], $0x80, v3, vm0, $0xb8;
	[tilespmem:$0x1C800] =	vst v63  }
0x71e: {  	v3 =	vld.msk [tilespmem:$0x2E0], $0xf;
	_ =	sdelay $0x4  }
0x71f: {  	v63 =	vshll.u32 v3, $0x1  }
0x720: {  	v3 =	vand.u32 $0x7, v3;
	v4 =	vand.u32 $0xFFFFFFF0, v63  }
0x721: {  	v3 =	vor.u32 v3, v4  }
0x722: {  	v3 =	vperm.xlane v3, v0;
	_ =	sdelay $0x1  }
0x723: {  	v3 =	vadd.s32 v1, v3;
	_ =	sdelay $0x3  }
0x724: {  	s30 =	simm.s32 $0x6800  }
0x725: {  	[hbm4b:s3+s4] =	stream.indirect_vreg.scatter [tilespmem:s30], [sflag:$0x2], $0x80, v3, vm1, $0xb8;
	[tilespmem:$0x1C800] =	vst v63  }
0x726: {  	s31 =	rddreg [dreg:$0xb];
	_ =	swait.ge [sflag:s7], $0x6400  }
0x727: {  	[sflag:s7] =	ssyncset.done $0x0  }
0x728: {  	[sflag:s7] =	ssyncadd.s32 $0xFFFF9C00  }
0x729: {  	_ =	swait.ge [sflag:s7], $0x6400  }
0x72a: {  	[sflag:s7] =	ssyncset.done $0x0  }
0x72b: {  	[sflag:s7] =	ssyncadd.s32 $0xFFFF9C00  }
0x72c: {  	p0 =	sne.s32 s31, $0x1;
	_ =	swait.ge [sflag:s23], $0x7800  }
.Ltmp0:
0x72d: {  	[sflag:s23] =	ssyncset.done $0x0;
	(pc) =	sbr.rel @p0 .LBB2_1-.Ltmp0, $4  }
0x72e: {  	[sflag:s23] =	ssyncadd.s32 $0xFFFF8800  }
0x72f: {  	_ =	swait.ge [sflag:s23], $0x7800  }
0x730: {  	[sflag:s23] =	ssyncset.done $0x0  }
0x731: {  	s0 =	sadd.s32 $0xFFFFFFFF, s31;
	[sflag:s23] =	ssyncadd.s32 $0xFFFF8800  }
0x732: {  	_ =	sfence.sel $0x180000  }
0x733: {  	[bflag:$0x0] =	sbarrier.arrive $0xFFFF  }
0x734: {  	_ =	strace $0x90000047  }
0x735: {  	s0 =	stileid.u32;
	[bflag:$0x2] =	sbarrier.arrive $0xFFFF  }
0x736: {  	p0 =	sne.s32 s0, $0x0;
	s0 =	rddreg [dreg:$0x4]  }
0x737: {  	s0 =	sadd.s32 @!p0 $0x100000, s0  }
0x738: {  	[sflag:s0] =	ssyncadd.tile.s32 @!p0 $0x1;
	_ =	shalt  }
.Lfunc_end2:
_tile_overlayer_lowered:
.L_overlay_start_2:
0x739: {  	(tag) =	ssettag $0x2  }
0x73a: {  	s0 =	rddreg [dreg:$0x0];
	s2 =	stileid.u32  }
0x73b: {  	s1 =	rddreg [dreg:$0x1];
	p0 =	sne.s32 s2, $0x0  }
0x73c: {  	s3 =	rddreg [dreg:$0x2];
	[bflag:$0x3] =	sbarrier.arrive $0xFFFF;
	s2 =	simm.s32 @!p0 $0x1C05  }
0x73d: {  	[timem:s3], [sflag:s2] =	dma.local @!p0 [hbm:s0], s1  }
0x73e: {  	s0 =	simm.s32 @!p0 $0x5  }
0x73f: {  	_ =	swait.ge @!p0 [sflag:s0], s1  }
0x740: {  	s1 =	ssub.s32 @!p0 $0x0, s1;
	[sflag:s0] =	ssyncset.done @!p0 $0x0  }
0x741: {  	[sflag:s0] =	ssyncadd.s32 @!p0 s1  }
0x742: {  	[bflag:$0x3] =	sbarrier.arrive $0xFFFF  }
0x743: {  	_ =	shalt  }

</sc_bundles>
